<compile_context>
chip_gen: v7x
topology: tpu7x:2x2x1
jax: 0.10.2.dev20260603
libtpu: 0.0.44.dev20260713+nightly
codegen_flags: <defaults>
</compile_context>

<pallas_src>
import dataclasses
import functools

import jax
import jax.numpy as jnp
from jax import lax
from jax.experimental import pallas as pl
from jax.experimental.pallas import tpu as pltpu
from jax.experimental.pallas import tpu_sc as plsc

N = 10000
E = 320000
D = 128
NC = 2
NS = 16
NW = NC * NS
EPT = E // NW
C = 128
NCH = 80
PADT = NCH * C
ZROWS = 632
ACC_H = ZROWS * NS


def _deg_body(dst_hbm, out_hbm, dst_v, hist_v, red_v, grid):
    cid = lax.axis_index("c")
    sid = lax.axis_index("s")
    wid = sid * NC + cid

    @pl.loop(0, ACC_H, step=16)
    def _(i):
        hist_v[pl.ds(i, 16)] = jnp.zeros((16,), jnp.float32)

    pltpu.sync_copy(dst_hbm.at[wid], dst_v)
    ones = jnp.ones((16,), jnp.float32)

    @pl.loop(0, NCH)
    def _(j):
        for k in range(C // 16):
            plsc.addupdate_scatter(hist_v, [dst_v[j, pl.ds(k * 16, 16)]],
                                   ones)

    pltpu.sync_copy(hist_v, grid.at[sid])
    plsc.subcore_barrier()

    def reduce_cols(cols, base):
        for t in range(NS):
            pltpu.sync_copy(grid.at[t].at[pl.ds(base, cols)],
                            red_v.at[t].at[pl.ds(0, cols)])

        @pl.loop(0, cols, step=16)
        def _(i):
            acc16 = jnp.zeros((16,), jnp.float32)
            for t in range(NS):
                acc16 = acc16 + red_v[t, pl.ds(i, 16)]
            hist_v[pl.ds(i, 16)] = acc16

        pltpu.sync_copy(hist_v.at[pl.ds(0, cols)],
                        out_hbm.at[cid].at[pl.ds(base, cols)])

    @pl.when(sid < NS - 1)
    def _():
        reduce_cols(640, sid * 640)

    @pl.when(sid == NS - 1)
    def _():
        reduce_cols(512, (NS - 1) * 640)


def _hop_body(g_hbm, src_hbm, dst_hbm, out_hbm, src_v, dst_v, rows_v, acc):
    cid = lax.axis_index("c")
    sid = lax.axis_index("s")
    wid = sid * NC + cid

    @pl.loop(0, C)
    def _(i):
        for k in range(D // 16):
            rows_v[i, pl.ds(k * 16, 16)] = jnp.zeros((16,), jnp.float32)

    zbase = sid * ZROWS
    for k in range(ZROWS // C):
        pltpu.sync_copy(rows_v, acc.at[pl.ds(zbase + k * C, C)])
    rem = ZROWS % C
    pltpu.sync_copy(rows_v.at[pl.ds(0, rem)],
                    acc.at[pl.ds(zbase + (ZROWS // C) * C, rem)])
    plsc.subcore_barrier()

    pltpu.sync_copy(src_hbm.at[wid], src_v)
    pltpu.sync_copy(dst_hbm.at[wid], dst_v)

    @pl.loop(0, NCH, step=4)
    def _(j):
        for d in range(4):
            pltpu.sync_copy(g_hbm.at[src_v.at[j + d]], rows_v)
            pltpu.sync_copy(rows_v, acc.at[dst_v.at[j + d]], add=True)

    plsc.subcore_barrier()
    base = sid * ZROWS
    pltpu.sync_copy(acc.at[pl.ds(base, ZROWS)],
                    out_hbm.at[cid].at[pl.ds(base, ZROWS)])


@functools.cache
def _sc_kernels():
    mesh = plsc.VectorSubcoreMesh(core_axis_name="c", subcore_axis_name="s")
    cp = pltpu.CompilerParams()
    if "needs_layout_passes" in pltpu.CompilerParams.__dataclass_fields__:
        cp = dataclasses.replace(cp, needs_layout_passes=False)
    deg_kernel = pl.kernel(
        _deg_body,
        out_type=jax.ShapeDtypeStruct((NC, ACC_H), jnp.float32),
        mesh=mesh,
        compiler_params=cp,
        scratch_types=[
            pltpu.VMEM((NCH, C), jnp.int32),
            pltpu.VMEM((ACC_H,), jnp.float32),
            pltpu.VMEM((NS, 640), jnp.float32),
            pltpu.VMEM_SHARED((NS, ACC_H), jnp.float32),
        ],
    )
    hop_kernel = pl.kernel(
        _hop_body,
        out_type=jax.ShapeDtypeStruct((NC, ACC_H, D), jnp.float32),
        mesh=mesh,
        scratch_types=[
            pltpu.VMEM((NCH, C), jnp.int32),
            pltpu.VMEM((NCH, C), jnp.int32),
            pltpu.VMEM((C, D), jnp.float32),
            pltpu.VMEM_SHARED((ACC_H, D), jnp.float32),
        ],
    )
    return deg_kernel, hop_kernel


_BLK = 1000
_GRID = N // _BLK


def _deg_of(dr):
    deg = dr[0] + dr[1]
    return jnp.maximum(deg, 1.0)


def _prescale_body(f_ref, dr_ref, g_ref):
    dr = dr_ref[...]
    g_ref[...] = f_ref[...] * lax.rsqrt(_deg_of(dr))


def _mid_body(a_ref, dr_ref, g_ref):
    a = a_ref[...]
    dr = dr_ref[...]
    g_ref[...] = (a[0] + a[1]) / _deg_of(dr)


def _final_body(a_ref, dr_ref, w_ref, o_ref):
    a = a_ref[...]
    dr = dr_ref[...]
    h = (a[0] + a[1]) * lax.rsqrt(_deg_of(dr))
    o_ref[...] = lax.dot_general(
        h, w_ref[...], (((1,), (1,)), ((), ())),
        preferred_element_type=jnp.float32,
        precision=lax.Precision.HIGHEST,
    )


_feat_spec = pl.BlockSpec((_BLK, D), lambda i: (i, 0))
_deg_spec = pl.BlockSpec((NC, _BLK, 1), lambda i: (0, i, 0))
_acc_spec = pl.BlockSpec((NC, _BLK, D), lambda i: (0, i, 0))
_w_spec = pl.BlockSpec((D, D), lambda i: (0, 0))
_out_struct = jax.ShapeDtypeStruct((N, D), jnp.float32)

_prescale = pl.pallas_call(
    _prescale_body, grid=(_GRID,),
    in_specs=[_feat_spec, _deg_spec], out_specs=_feat_spec,
    out_shape=_out_struct)

_mid = pl.pallas_call(
    _mid_body, grid=(_GRID,),
    in_specs=[_acc_spec, _deg_spec], out_specs=_feat_spec,
    out_shape=_out_struct)

_final = pl.pallas_call(
    _final_body, grid=(_GRID,),
    in_specs=[_acc_spec, _deg_spec, _w_spec], out_specs=_feat_spec,
    out_shape=_out_struct)


def kernel(features, edge_index, W):
    src = edge_index[0].astype(jnp.int32).reshape(NW, EPT)
    dst = edge_index[1].astype(jnp.int32).reshape(NW, EPT)
    pad = PADT - EPT
    src3 = jnp.pad(src, ((0, 0), (0, pad))).reshape(NW, NCH, C)
    dst3 = jnp.pad(dst, ((0, 0), (0, pad)),
                   constant_values=N).reshape(NW, NCH, C)

    deg_kernel, hop_kernel = _sc_kernels()
    degrep = deg_kernel(dst3).reshape(NC, ACC_H, 1)
    g0 = _prescale(features, degrep)
    acc1 = hop_kernel(g0, src3, dst3)
    g1 = _mid(acc1, degrep)
    acc2 = hop_kernel(g1, src3, dst3)
    return _final(acc2, degrep, W)

# --- scband reference (transcript-rebuilt; emitter-appended) ---
"""Pipeline reference for scband-sgclayer-20340965114307 (READ-ONLY COPY).

The authoritative reference and input builder live on the scoring server;
editing this copy changes nothing except your own understanding.
"""

import jax, jax.numpy as jnp
import numpy as np

N_NODES = 10000
N_EDGES = 320000
D_IN = 128
D_OUT = 128
K_HOPS = 2


def setup_inputs(seed: int = 0) -> dict:
    key = jax.random.key(seed)
    k1, k2, k3 = jax.random.split(key, 3)
    features = jax.random.normal(k1, (N_NODES, D_IN), dtype=jnp.float32)
    edge_index = jax.random.randint(k2, (2, N_EDGES), 0, N_NODES, dtype=jnp.int64)
    # Xavier-uniform linear weight, shape [out_dim, in_dim] (torch convention), bias=False
    limit = float(np.sqrt(6.0 / (D_IN + D_OUT)))
    W = jax.random.uniform(k3, (D_OUT, D_IN), dtype=jnp.float32, minval=-limit, maxval=limit)
    return {"features": features, "edge_index": edge_index, "W": W}


def reference(features, edge_index, W):
    N = features.shape[0]
    src = edge_index[0]
    dst = edge_index[1]
    # in-degrees of destination nodes, clamped to min 1
    degs = jnp.maximum(jnp.bincount(dst, length=N).astype(jnp.float32), 1.0)
    norm = (degs ** -0.5)[:, None]
    h = features
    for _ in range(K_HOPS):
        # symmetric normalization: pre-norm
        h = h * norm
        # message passing: copy_u -> sum  == scatter-add of gathered src features onto dst
        m = jnp.take(h, src, axis=0)
        h = jax.ops.segment_sum(m, dst, num_segments=N)
        # post-norm
        h = h * norm
    # dropout is identity (p=0); final linear, no bias
    out = h @ W.T
    return out

if __name__ == "__main__":
    import jax
    _d = setup_inputs()
    print(jax.jit(kernel)(*tuple(_d.values())))

</pallas_src>

<mosaic_0001>
#map = affine_map<(d0, d1) -> (0, 0, 0)>
#map1 = affine_map<(d0, d1) -> (0, 0)>
module attributes {stable_mosaic.version = 14 : i64} {
  func.func @_deg_body(%arg0: i32, %arg1: i32, %arg2: memref<32x80x128xi32, #tpu.memory_space<hbm>>, %arg3: memref<2x10112xf32, #tpu.memory_space<hbm>>, %arg4: memref<80x128xi32, #tpu.memory_space<vmem>>, %arg5: memref<10112xf32, #tpu.memory_space<vmem>>, %arg6: memref<16x640xf32, #tpu.memory_space<vmem>>, %arg7: memref<16x10112xf32, #tpu.memory_space<vmem_shared>>) attributes {dimension_semantics = [#tpu.dimension_semantics<core_parallel>, #tpu.dimension_semantics<subcore_parallel>], iteration_bounds = array<i64: 2, 16>, scalar_prefetch = 0 : i64, scratch_operands = 4 : i64, tpu.core_type = #tpu.core_type<sc_vector_subcore>, window_params = [{transform_indices = #map}, {transform_indices = #map1}]} {
    %mul3A = arith.constant 2 : i32
    %mul3A_0 = arith.muli %arg1, %mul3A : i32
    %add3A = arith.addi %mul3A_0, %arg0 : i32
    %scan3A = arith.constant 0 : i32
    %scan3A_1 = arith.constant 632 : i32
    %scan3A_2 = arith.addi %scan3A, %scan3A_1 : i32
    %scan3A_3 = arith.constant 1 : i32
    scf.for %scan3A_17 = %scan3A to %scan3A_2 step %scan3A_3  : i32 {
      %mul3A_18 = arith.constant 16 : i32
      %mul3A_19 = arith.muli %scan3A_17, %mul3A_18 : i32
      %add3A_20 = arith.constant 0 : i32
      %add3A_21 = arith.addi %add3A_20, %mul3A_19 : i32
      %broadcast_in_dim3A_22 = arith.constant 0.000000e+00 : f32
      %broadcast_in_dim3A_23 = vector.broadcast %broadcast_in_dim3A_22 : f32 to vector<16xf32>
      %swap3A = arith.index_cast %add3A_21 : i32 to index
      %swap3A_24 = tpu.vector_load %arg5[%swap3A] {strides = array<i32>} : memref<10112xf32, #tpu.memory_space<vmem>>, vector<16xf32>,
      tpu.vector_store %arg5[%swap3A], %broadcast_in_dim3A_23 {strides = array<i32>} : memref<10112xf32, #tpu.memory_space<vmem>>, vector<16xf32>,
    }
    %scan3A_4 = arith.constant 632 : i32
    "tpu.region"() ({
      %run_scoped3A = tpu.sem_alloc : memref<!tpu.dma_semaphore, #tpu.memory_space<semaphore_mem>>
      %dma_start3A = arith.constant 0 : i32
      %dma_start3A_17 = arith.constant 0 : i32
      %dma_start3A_18 = tpu.memref_slice %arg2[%add3A, %dma_start3A, %dma_start3A_17] : memref<32x80x128xi32, #tpu.memory_space<hbm>> -> memref<1x80x128xi32, #tpu.memory_space<hbm>>
      %dma_start3A_19 = tpu.memref_squeeze %dma_start3A_18 : memref<1x80x128xi32, #tpu.memory_space<hbm>> -> memref<80x128xi32, #tpu.memory_space<hbm>>
      %dma_start3A_20 = arith.constant 0 : i32
      %dma_start3A_21 = arith.constant 0 : i32
      %dma_start3A_22 = tpu.memref_slice %arg2[%add3A, %dma_start3A_20, %dma_start3A_21] : memref<32x80x128xi32, #tpu.memory_space<hbm>> -> memref<1x80x128xi32, #tpu.memory_space<hbm>>
      %dma_start3A_23 = tpu.memref_squeeze %dma_start3A_22 : memref<1x80x128xi32, #tpu.memory_space<hbm>> -> memref<80x128xi32, #tpu.memory_space<hbm>>
      tpu.enqueue_dma source(%dma_start3A_23 : memref<80x128xi32, #tpu.memory_space<hbm>>) target(%arg4 : memref<80x128xi32, #tpu.memory_space<vmem>>) target_semaphore(%run_scoped3A : memref<!tpu.dma_semaphore, #tpu.memory_space<semaphore_mem>>)
      %dma_wait3A = arith.constant 0 : i32
      %dma_wait3A_24 = arith.constant 0 : i32
      %dma_wait3A_25 = tpu.memref_slice %arg2[%add3A, %dma_wait3A, %dma_wait3A_24] : memref<32x80x128xi32, #tpu.memory_space<hbm>> -> memref<1x80x128xi32, #tpu.memory_space<hbm>>
      %dma_wait3A_26 = tpu.memref_squeeze %dma_wait3A_25 : memref<1x80x128xi32, #tpu.memory_space<hbm>> -> memref<80x128xi32, #tpu.memory_space<hbm>>
      %dma_wait3A_27 = arith.constant 0 : i32
      %dma_wait3A_28 = arith.constant 0 : i32
      %dma_wait3A_29 = tpu.memref_slice %arg2[%add3A, %dma_wait3A_27, %dma_wait3A_28] : memref<32x80x128xi32, #tpu.memory_space<hbm>> -> memref<1x80x128xi32, #tpu.memory_space<hbm>>
      %dma_wait3A_30 = tpu.memref_squeeze %dma_wait3A_29 : memref<1x80x128xi32, #tpu.memory_space<hbm>> -> memref<80x128xi32, #tpu.memory_space<hbm>>
      tpu.wait_dma2 semaphore(%run_scoped3A : memref<!tpu.dma_semaphore, #tpu.memory_space<semaphore_mem>>) src(%dma_wait3A_30 : memref<80x128xi32, #tpu.memory_space<hbm>>) dst(%arg4 : memref<80x128xi32, #tpu.memory_space<vmem>>)
      tpu.yield
    }) : () -> ()
    %broadcast_in_dim3A = arith.constant 1.000000e+00 : f32
    %broadcast_in_dim3A_5 = vector.broadcast %broadcast_in_dim3A : f32 to vector<16xf32>
    %scan3A_6 = arith.constant 0 : i32
    %scan3A_7 = arith.constant 80 : i32
    %scan3A_8 = arith.addi %scan3A_6, %scan3A_7 : i32
    %scan3A_9 = arith.constant 1 : i32
    scf.for %scan3A_17 = %scan3A_6 to %scan3A_8 step %scan3A_9  : i32 {
      %mul3A_18 = arith.constant 1 : i32
      %mul3A_19 = arith.muli %scan3A_17, %mul3A_18 : i32
      %add3A_20 = arith.constant 0 : i32
      %add3A_21 = arith.addi %add3A_20, %mul3A_19 : i32
      %get3A = arith.index_cast %add3A_21 : i32 to index
      %get3A_22 = arith.constant 0 : index
      %get3A_23 = tpu.vector_load %arg4[%get3A, %get3A_22] {strides = array<i32>} : memref<80x128xi32, #tpu.memory_space<vmem>>, vector<16xi32>,
      tpu.vector_store_idx %arg5[%get3A_23], %broadcast_in_dim3A_5 {add = true} : memref<10112xf32, #tpu.memory_space<vmem>>[vector<16xi32>], vector<16xf32>,
      %get3A_24 = arith.index_cast %add3A_21 : i32 to index
      %get3A_25 = arith.constant 16 : index
      %get3A_26 = tpu.vector_load %arg4[%get3A_24, %get3A_25] {strides = array<i32>} : memref<80x128xi32, #tpu.memory_space<vmem>>, vector<16xi32>,
      tpu.vector_store_idx %arg5[%get3A_26], %broadcast_in_dim3A_5 {add = true} : memref<10112xf32, #tpu.memory_space<vmem>>[vector<16xi32>], vector<16xf32>,
      %get3A_27 = arith.index_cast %add3A_21 : i32 to index
      %get3A_28 = arith.constant 32 : index
      %get3A_29 = tpu.vector_load %arg4[%get3A_27, %get3A_28] {strides = array<i32>} : memref<80x128xi32, #tpu.memory_space<vmem>>, vector<16xi32>,
      tpu.vector_store_idx %arg5[%get3A_29], %broadcast_in_dim3A_5 {add = true} : memref<10112xf32, #tpu.memory_space<vmem>>[vector<16xi32>], vector<16xf32>,
      %get3A_30 = arith.index_cast %add3A_21 : i32 to index
      %get3A_31 = arith.constant 48 : index
      %get3A_32 = tpu.vector_load %arg4[%get3A_30, %get3A_31] {strides = array<i32>} : memref<80x128xi32, #tpu.memory_space<vmem>>, vector<16xi32>,
      tpu.vector_store_idx %arg5[%get3A_32], %broadcast_in_dim3A_5 {add = true} : memref<10112xf32, #tpu.memory_space<vmem>>[vector<16xi32>], vector<16xf32>,
      %get3A_33 = arith.index_cast %add3A_21 : i32 to index
      %get3A_34 = arith.constant 64 : index
      %get3A_35 = tpu.vector_load %arg4[%get3A_33, %get3A_34] {strides = array<i32>} : memref<80x128xi32, #tpu.memory_space<vmem>>, vector<16xi32>,
      tpu.vector_store_idx %arg5[%get3A_35], %broadcast_in_dim3A_5 {add = true} : memref<10112xf32, #tpu.memory_space<vmem>>[vector<16xi32>], vector<16xf32>,
      %get3A_36 = arith.index_cast %add3A_21 : i32 to index
      %get3A_37 = arith.constant 80 : index
      %get3A_38 = tpu.vector_load %arg4[%get3A_36, %get3A_37] {strides = array<i32>} : memref<80x128xi32, #tpu.memory_space<vmem>>, vector<16xi32>,
      tpu.vector_store_idx %arg5[%get3A_38], %broadcast_in_dim3A_5 {add = true} : memref<10112xf32, #tpu.memory_space<vmem>>[vector<16xi32>], vector<16xf32>,
      %get3A_39 = arith.index_cast %add3A_21 : i32 to index
      %get3A_40 = arith.constant 96 : index
      %get3A_41 = tpu.vector_load %arg4[%get3A_39, %get3A_40] {strides = array<i32>} : memref<80x128xi32, #tpu.memory_space<vmem>>, vector<16xi32>,
      tpu.vector_store_idx %arg5[%get3A_41], %broadcast_in_dim3A_5 {add = true} : memref<10112xf32, #tpu.memory_space<vmem>>[vector<16xi32>], vector<16xf32>,
      %get3A_42 = arith.index_cast %add3A_21 : i32 to index
      %get3A_43 = arith.constant 112 : index
      %get3A_44 = tpu.vector_load %arg4[%get3A_42, %get3A_43] {strides = array<i32>} : memref<80x128xi32, #tpu.memory_space<vmem>>, vector<16xi32>,
      tpu.vector_store_idx %arg5[%get3A_44], %broadcast_in_dim3A_5 {add = true} : memref<10112xf32, #tpu.memory_space<vmem>>[vector<16xi32>], vector<16xf32>,
    }
    %scan3A_10 = arith.constant 80 : i32
    "tpu.region"() ({
      %run_scoped3A = tpu.sem_alloc : memref<!tpu.dma_semaphore, #tpu.memory_space<semaphore_mem>>
      %dma_start3A = arith.constant 0 : i32
      %dma_start3A_17 = tpu.memref_slice %arg7[%arg1, %dma_start3A] : memref<16x10112xf32, #tpu.memory_space<vmem_shared>> -> memref<1x10112xf32, #tpu.memory_space<vmem_shared>>
      %dma_start3A_18 = tpu.memref_squeeze %dma_start3A_17 : memref<1x10112xf32, #tpu.memory_space<vmem_shared>> -> memref<10112xf32, #tpu.memory_space<vmem_shared>>
      %dma_start3A_19 = arith.constant 0 : i32
      %dma_start3A_20 = tpu.memref_slice %arg7[%arg1, %dma_start3A_19] : memref<16x10112xf32, #tpu.memory_space<vmem_shared>> -> memref<1x10112xf32, #tpu.memory_space<vmem_shared>>
      %dma_start3A_21 = tpu.memref_squeeze %dma_start3A_20 : memref<1x10112xf32, #tpu.memory_space<vmem_shared>> -> memref<10112xf32, #tpu.memory_space<vmem_shared>>
      tpu.enqueue_dma source(%arg5 : memref<10112xf32, #tpu.memory_space<vmem>>) target(%dma_start3A_21 : memref<10112xf32, #tpu.memory_space<vmem_shared>>) target_semaphore(%run_scoped3A : memref<!tpu.dma_semaphore, #tpu.memory_space<semaphore_mem>>)
      %dma_wait3A = arith.constant 0 : i32
      %dma_wait3A_22 = tpu.memref_slice %arg7[%arg1, %dma_wait3A] : memref<16x10112xf32, #tpu.memory_space<vmem_shared>> -> memref<1x10112xf32, #tpu.memory_space<vmem_shared>>
      %dma_wait3A_23 = tpu.memref_squeeze %dma_wait3A_22 : memref<1x10112xf32, #tpu.memory_space<vmem_shared>> -> memref<10112xf32, #tpu.memory_space<vmem_shared>>
      %dma_wait3A_24 = arith.constant 0 : i32
      %dma_wait3A_25 = tpu.memref_slice %arg7[%arg1, %dma_wait3A_24] : memref<16x10112xf32, #tpu.memory_space<vmem_shared>> -> memref<1x10112xf32, #tpu.memory_space<vmem_shared>>
      %dma_wait3A_26 = tpu.memref_squeeze %dma_wait3A_25 : memref<1x10112xf32, #tpu.memory_space<vmem_shared>> -> memref<10112xf32, #tpu.memory_space<vmem_shared>>
      tpu.wait_dma2 semaphore(%run_scoped3A : memref<!tpu.dma_semaphore, #tpu.memory_space<semaphore_mem>>) src(%arg5 : memref<10112xf32, #tpu.memory_space<vmem>>) dst(%dma_wait3A_26 : memref<10112xf32, #tpu.memory_space<vmem_shared>>)
      tpu.yield
    }) : () -> ()
    %barrier3A = arith.constant 0 : index
    tpu.barrier barrier_id(%barrier3A)
    %lt3A = arith.constant 15 : i32
    %lt3A_11 = arith.cmpi slt, %arg1, %lt3A : i32
    %convert_element_type3A = arith.extui %lt3A_11 : i1 to i32
    %cond3A = arith.constant 0 : i32
    %cond3A_12 = arith.cmpi ne, %convert_element_type3A, %cond3A : i32
    scf.if %cond3A_12 {
      %mul3A_17 = arith.constant 640 : i32
      %mul3A_18 = arith.muli %arg1, %mul3A_17 : i32
      %run_scoped3A = arith.constant 0 : i32
      %run_scoped3A_19 = arith.constant 0 : i32
      "tpu.region"() ({
        %run_scoped3A_55 = tpu.sem_alloc : memref<!tpu.dma_semaphore, #tpu.memory_space<semaphore_mem>>
        %dma_start3A = arith.constant 0 : i32
        %dma_start3A_56 = tpu.memref_slice %arg6[%run_scoped3A_19, %dma_start3A] : memref<16x640xf32, #tpu.memory_space<vmem>> -> memref<1x640xf32, #tpu.memory_space<vmem>>
        %dma_start3A_57 = tpu.memref_squeeze %dma_start3A_56 : memref<1x640xf32, #tpu.memory_space<vmem>> -> memref<640xf32, #tpu.memory_space<vmem>>
        %dma_start3A_58 = arith.constant 0 : i32
        %dma_start3A_59 = tpu.memref_slice %dma_start3A_57[%dma_start3A_58] : memref<640xf32, #tpu.memory_space<vmem>> -> memref<640xf32, #tpu.memory_space<vmem>>
        %dma_start3A_60 = arith.constant 0 : i32
        %dma_start3A_61 = tpu.memref_slice %arg7[%run_scoped3A, %dma_start3A_60] : memref<16x10112xf32, #tpu.memory_space<vmem_shared>> -> memref<1x10112xf32, #tpu.memory_space<vmem_shared>>
        %dma_start3A_62 = tpu.memref_squeeze %dma_start3A_61 : memref<1x10112xf32, #tpu.memory_space<vmem_shared>> -> memref<10112xf32, #tpu.memory_space<vmem_shared>>
        %dma_start3A_63 = tpu.memref_slice %dma_start3A_62[%mul3A_18] : memref<10112xf32, #tpu.memory_space<vmem_shared>> -> memref<640xf32, #tpu.memory_space<vmem_shared>>
        %dma_start3A_64 = arith.constant 0 : i32
        %dma_start3A_65 = tpu.memref_slice %arg6[%run_scoped3A_19, %dma_start3A_64] : memref<16x640xf32, #tpu.memory_space<vmem>> -> memref<1x640xf32, #tpu.memory_space<vmem>>
        %dma_start3A_66 = tpu.memref_squeeze %dma_start3A_65 : memref<1x640xf32, #tpu.memory_space<vmem>> -> memref<640xf32, #tpu.memory_space<vmem>>
        %dma_start3A_67 = arith.constant 0 : i32
        %dma_start3A_68 = tpu.memref_slice %dma_start3A_66[%dma_start3A_67] : memref<640xf32, #tpu.memory_space<vmem>> -> memref<640xf32, #tpu.memory_space<vmem>>
        %dma_start3A_69 = arith.constant 0 : i32
        %dma_start3A_70 = tpu.memref_slice %arg7[%run_scoped3A, %dma_start3A_69] : memref<16x10112xf32, #tpu.memory_space<vmem_shared>> -> memref<1x10112xf32, #tpu.memory_space<vmem_shared>>
        %dma_start3A_71 = tpu.memref_squeeze %dma_start3A_70 : memref<1x10112xf32, #tpu.memory_space<vmem_shared>> -> memref<10112xf32, #tpu.memory_space<vmem_shared>>
        %dma_start3A_72 = tpu.memref_slice %dma_start3A_71[%mul3A_18] : memref<10112xf32, #tpu.memory_space<vmem_shared>> -> memref<640xf32, #tpu.memory_space<vmem_shared>>
        tpu.enqueue_dma source(%dma_start3A_72 : memref<640xf32, #tpu.memory_space<vmem_shared>>) target(%dma_start3A_68 : memref<640xf32, #tpu.memory_space<vmem>>) target_semaphore(%run_scoped3A_55 : memref<!tpu.dma_semaphore, #tpu.memory_space<semaphore_mem>>)
        %dma_wait3A = arith.constant 0 : i32
        %dma_wait3A_73 = tpu.memref_slice %arg6[%run_scoped3A_19, %dma_wait3A] : memref<16x640xf32, #tpu.memory_space<vmem>> -> memref<1x640xf32, #tpu.memory_space<vmem>>
        %dma_wait3A_74 = tpu.memref_squeeze %dma_wait3A_73 : memref<1x640xf32, #tpu.memory_space<vmem>> -> memref<640xf32, #tpu.memory_space<vmem>>
        %dma_wait3A_75 = arith.constant 0 : i32
        %dma_wait3A_76 = tpu.memref_slice %dma_wait3A_74[%dma_wait3A_75] : memref<640xf32, #tpu.memory_space<vmem>> -> memref<640xf32, #tpu.memory_space<vmem>>
        %dma_wait3A_77 = arith.constant 0 : i32
        %dma_wait3A_78 = tpu.memref_slice %arg7[%run_scoped3A, %dma_wait3A_77] : memref<16x10112xf32, #tpu.memory_space<vmem_shared>> -> memref<1x10112xf32, #tpu.memory_space<vmem_shared>>
        %dma_wait3A_79 = tpu.memref_squeeze %dma_wait3A_78 : memref<1x10112xf32, #tpu.memory_space<vmem_shared>> -> memref<10112xf32, #tpu.memory_space<vmem_shared>>
        %dma_wait3A_80 = tpu.memref_slice %dma_wait3A_79[%mul3A_18] : memref<10112xf32, #tpu.memory_space<vmem_shared>> -> memref<640xf32, #tpu.memory_space<vmem_shared>>
        %dma_wait3A_81 = arith.constant 0 : i32
        %dma_wait3A_82 = tpu.memref_slice %arg6[%run_scoped3A_19, %dma_wait3A_81] : memref<16x640xf32, #tpu.memory_space<vmem>> -> memref<1x640xf32, #tpu.memory_space<vmem>>
        %dma_wait3A_83 = tpu.memref_squeeze %dma_wait3A_82 : memref<1x640xf32, #tpu.memory_space<vmem>> -> memref<640xf32, #tpu.memory_space<vmem>>
        %dma_wait3A_84 = arith.constant 0 : i32
        %dma_wait3A_85 = tpu.memref_slice %dma_wait3A_83[%dma_wait3A_84] : memref<640xf32, #tpu.memory_space<vmem>> -> memref<640xf32, #tpu.memory_space<vmem>>
        %dma_wait3A_86 = arith.constant 0 : i32
        %dma_wait3A_87 = tpu.memref_slice %arg7[%run_scoped3A, %dma_wait3A_86] : memref<16x10112xf32, #tpu.memory_space<vmem_shared>> -> memref<1x10112xf32, #tpu.memory_space<vmem_shared>>
        %dma_wait3A_88 = tpu.memref_squeeze %dma_wait3A_87 : memref<1x10112xf32, #tpu.memory_space<vmem_shared>> -> memref<10112xf32, #tpu.memory_space<vmem_shared>>
        %dma_wait3A_89 = tpu.memref_slice %dma_wait3A_88[%mul3A_18] : memref<10112xf32, #tpu.memory_space<vmem_shared>> -> memref<640xf32, #tpu.memory_space<vmem_shared>>
        tpu.wait_dma2 semaphore(%run_scoped3A_55 : memref<!tpu.dma_semaphore, #tpu.memory_space<semaphore_mem>>) src(%dma_wait3A_89 : memref<640xf32, #tpu.memory_space<vmem_shared>>) dst(%dma_wait3A_85 : memref<640xf32, #tpu.memory_space<vmem>>)
        tpu.yield
      }) : () -> ()
      %run_scoped3A_20 = arith.constant 1 : i32
      %run_scoped3A_21 = arith.constant 1 : i32
      "tpu.region"() ({
        %run_scoped3A_55 = tpu.sem_alloc : memref<!tpu.dma_semaphore, #tpu.memory_space<semaphore_mem>>
        %dma_start3A = arith.constant 0 : i32
        %dma_start3A_56 = tpu.memref_slice %arg6[%run_scoped3A_21, %dma_start3A] : memref<16x640xf32, #tpu.memory_space<vmem>> -> memref<1x640xf32, #tpu.memory_space<vmem>>
        %dma_start3A_57 = tpu.memref_squeeze %dma_start3A_56 : memref<1x640xf32, #tpu.memory_space<vmem>> -> memref<640xf32, #tpu.memory_space<vmem>>
        %dma_start3A_58 = arith.constant 0 : i32
        %dma_start3A_59 = tpu.memref_slice %dma_start3A_57[%dma_start3A_58] : memref<640xf32, #tpu.memory_space<vmem>> -> memref<640xf32, #tpu.memory_space<vmem>>
        %dma_start3A_60 = arith.constant 0 : i32
        %dma_start3A_61 = tpu.memref_slice %arg7[%run_scoped3A_20, %dma_start3A_60] : memref<16x10112xf32, #tpu.memory_space<vmem_shared>> -> memref<1x10112xf32, #tpu.memory_space<vmem_shared>>
        %dma_start3A_62 = tpu.memref_squeeze %dma_start3A_61 : memref<1x10112xf32, #tpu.memory_space<vmem_shared>> -> memref<10112xf32, #tpu.memory_space<vmem_shared>>
        %dma_start3A_63 = tpu.memref_slice %dma_start3A_62[%mul3A_18] : memref<10112xf32, #tpu.memory_space<vmem_shared>> -> memref<640xf32, #tpu.memory_space<vmem_shared>>
        %dma_start3A_64 = arith.constant 0 : i32
        %dma_start3A_65 = tpu.memref_slice %arg6[%run_scoped3A_21, %dma_start3A_64] : memref<16x640xf32, #tpu.memory_space<vmem>> -> memref<1x640xf32, #tpu.memory_space<vmem>>
        %dma_start3A_66 = tpu.memref_squeeze %dma_start3A_65 : memref<1x640xf32, #tpu.memory_space<vmem>> -> memref<640xf32, #tpu.memory_space<vmem>>
        %dma_start3A_67 = arith.constant 0 : i32
        %dma_start3A_68 = tpu.memref_slice %dma_start3A_66[%dma_start3A_67] : memref<640xf32, #tpu.memory_space<vmem>> -> memref<640xf32, #tpu.memory_space<vmem>>
        %dma_start3A_69 = arith.constant 0 : i32
        %dma_start3A_70 = tpu.memref_slice %arg7[%run_scoped3A_20, %dma_start3A_69] : memref<16x10112xf32, #tpu.memory_space<vmem_shared>> -> memref<1x10112xf32, #tpu.memory_space<vmem_shared>>
        %dma_start3A_71 = tpu.memref_squeeze %dma_start3A_70 : memref<1x10112xf32, #tpu.memory_space<vmem_shared>> -> memref<10112xf32, #tpu.memory_space<vmem_shared>>
        %dma_start3A_72 = tpu.memref_slice %dma_start3A_71[%mul3A_18] : memref<10112xf32, #tpu.memory_space<vmem_shared>> -> memref<640xf32, #tpu.memory_space<vmem_shared>>
        tpu.enqueue_dma source(%dma_start3A_72 : memref<640xf32, #tpu.memory_space<vmem_shared>>) target(%dma_start3A_68 : memref<640xf32, #tpu.memory_space<vmem>>) target_semaphore(%run_scoped3A_55 : memref<!tpu.dma_semaphore, #tpu.memory_space<semaphore_mem>>)
        %dma_wait3A = arith.constant 0 : i32
        %dma_wait3A_73 = tpu.memref_slice %arg6[%run_scoped3A_21, %dma_wait3A] : memref<16x640xf32, #tpu.memory_space<vmem>> -> memref<1x640xf32, #tpu.memory_space<vmem>>
        %dma_wait3A_74 = tpu.memref_squeeze %dma_wait3A_73 : memref<1x640xf32, #tpu.memory_space<vmem>> -> memref<640xf32, #tpu.memory_space<vmem>>
        %dma_wait3A_75 = arith.constant 0 : i32
        %dma_wait3A_76 = tpu.memref_slice %dma_wait3A_74[%dma_wait3A_75] : memref<640xf32, #tpu.memory_space<vmem>> -> memref<640xf32, #tpu.memory_space<vmem>>
        %dma_wait3A_77 = arith.constant 0 : i32
        %dma_wait3A_78 = tpu.memref_slice %arg7[%run_scoped3A_20, %dma_wait3A_77] : memref<16x10112xf32, #tpu.memory_space<vmem_shared>> -> memref<1x10112xf32, #tpu.memory_space<vmem_shared>>
        %dma_wait3A_79 = tpu.memref_squeeze %dma_wait3A_78 : memref<1x10112xf32, #tpu.memory_space<vmem_shared>> -> memref<10112xf32, #tpu.memory_space<vmem_shared>>
        %dma_wait3A_80 = tpu.memref_slice %dma_wait3A_79[%mul3A_18] : memref<10112xf32, #tpu.memory_space<vmem_shared>> -> memref<640xf32, #tpu.memory_space<vmem_shared>>
        %dma_wait3A_81 = arith.constant 0 : i32
        %dma_wait3A_82 = tpu.memref_slice %arg6[%run_scoped3A_21, %dma_wait3A_81] : memref<16x640xf32, #tpu.memory_space<vmem>> -> memref<1x640xf32, #tpu.memory_space<vmem>>
        %dma_wait3A_83 = tpu.memref_squeeze %dma_wait3A_82 : memref<1x640xf32, #tpu.memory_space<vmem>> -> memref<640xf32, #tpu.memory_space<vmem>>
        %dma_wait3A_84 = arith.constant 0 : i32
        %dma_wait3A_85 = tpu.memref_slice %dma_wait3A_83[%dma_wait3A_84] : memref<640xf32, #tpu.memory_space<vmem>> -> memref<640xf32, #tpu.memory_space<vmem>>
        %dma_wait3A_86 = arith.constant 0 : i32
        %dma_wait3A_87 = tpu.memref_slice %arg7[%run_scoped3A_20, %dma_wait3A_86] : memref<16x10112xf32, #tpu.memory_space<vmem_shared>> -> memref<1x10112xf32, #tpu.memory_space<vmem_shared>>
        %dma_wait3A_88 = tpu.memref_squeeze %dma_wait3A_87 : memref<1x10112xf32, #tpu.memory_space<vmem_shared>> -> memref<10112xf32, #tpu.memory_space<vmem_shared>>
        %dma_wait3A_89 = tpu.memref_slice %dma_wait3A_88[%mul3A_18] : memref<10112xf32, #tpu.memory_space<vmem_shared>> -> memref<640xf32, #tpu.memory_space<vmem_shared>>
        tpu.wait_dma2 semaphore(%run_scoped3A_55 : memref<!tpu.dma_semaphore, #tpu.memory_space<semaphore_mem>>) src(%dma_wait3A_89 : memref<640xf32, #tpu.memory_space<vmem_shared>>) dst(%dma_wait3A_85 : memref<640xf32, #tpu.memory_space<vmem>>)
        tpu.yield
      }) : () -> ()
      %run_scoped3A_22 = arith.constant 2 : i32
      %run_scoped3A_23 = arith.constant 2 : i32
      "tpu.region"() ({
        %run_scoped3A_55 = tpu.sem_alloc : memref<!tpu.dma_semaphore, #tpu.memory_space<semaphore_mem>>
        %dma_start3A = arith.constant 0 : i32
        %dma_start3A_56 = tpu.memref_slice %arg6[%run_scoped3A_23, %dma_start3A] : memref<16x640xf32, #tpu.memory_space<vmem>> -> memref<1x640xf32, #tpu.memory_space<vmem>>
        %dma_start3A_57 = tpu.memref_squeeze %dma_start3A_56 : memref<1x640xf32, #tpu.memory_space<vmem>> -> memref<640xf32, #tpu.memory_space<vmem>>
        %dma_start3A_58 = arith.constant 0 : i32
        %dma_start3A_59 = tpu.memref_slice %dma_start3A_57[%dma_start3A_58] : memref<640xf32, #tpu.memory_space<vmem>> -> memref<640xf32, #tpu.memory_space<vmem>>
        %dma_start3A_60 = arith.constant 0 : i32
        %dma_start3A_61 = tpu.memref_slice %arg7[%run_scoped3A_22, %dma_start3A_60] : memref<16x10112xf32, #tpu.memory_space<vmem_shared>> -> memref<1x10112xf32, #tpu.memory_space<vmem_shared>>
        %dma_start3A_62 = tpu.memref_squeeze %dma_start3A_61 : memref<1x10112xf32, #tpu.memory_space<vmem_shared>> -> memref<10112xf32, #tpu.memory_space<vmem_shared>>
        %dma_start3A_63 = tpu.memref_slice %dma_start3A_62[%mul3A_18] : memref<10112xf32, #tpu.memory_space<vmem_shared>> -> memref<640xf32, #tpu.memory_space<vmem_shared>>
        %dma_start3A_64 = arith.constant 0 : i32
        %dma_start3A_65 = tpu.memref_slice %arg6[%run_scoped3A_23, %dma_start3A_64] : memref<16x640xf32, #tpu.memory_space<vmem>> -> memref<1x640xf32, #tpu.memory_space<vmem>>
        %dma_start3A_66 = tpu.memref_squeeze %dma_start3A_65 : memref<1x640xf32, #tpu.memory_space<vmem>> -> memref<640xf32, #tpu.memory_space<vmem>>
        %dma_start3A_67 = arith.constant 0 : i32
        %dma_start3A_68 = tpu.memref_slice %dma_start3A_66[%dma_start3A_67] : memref<640xf32, #tpu.memory_space<vmem>> -> memref<640xf32, #tpu.memory_space<vmem>>
        %dma_start3A_69 = arith.constant 0 : i32
        %dma_start3A_70 = tpu.memref_slice %arg7[%run_scoped3A_22, %dma_start3A_69] : memref<16x10112xf32, #tpu.memory_space<vmem_shared>> -> memref<1x10112xf32, #tpu.memory_space<vmem_shared>>
        %dma_start3A_71 = tpu.memref_squeeze %dma_start3A_70 : memref<1x10112xf32, #tpu.memory_space<vmem_shared>> -> memref<10112xf32, #tpu.memory_space<vmem_shared>>
        %dma_start3A_72 = tpu.memref_slice %dma_start3A_71[%mul3A_18] : memref<10112xf32, #tpu.memory_space<vmem_shared>> -> memref<640xf32, #tpu.memory_space<vmem_shared>>
        tpu.enqueue_dma source(%dma_start3A_72 : memref<640xf32, #tpu.memory_space<vmem_shared>>) target(%dma_start3A_68 : memref<640xf32, #tpu.memory_space<vmem>>) target_semaphore(%run_scoped3A_55 : memref<!tpu.dma_semaphore, #tpu.memory_space<semaphore_mem>>)
        %dma_wait3A = arith.constant 0 : i32
        %dma_wait3A_73 = tpu.memref_slice %arg6[%run_scoped3A_23, %dma_wait3A] : memref<16x640xf32, #tpu.memory_space<vmem>> -> memref<1x640xf32, #tpu.memory_space<vmem>>
        %dma_wait3A_74 = tpu.memref_squeeze %dma_wait3A_73 : memref<1x640xf32, #tpu.memory_space<vmem>> -> memref<640xf32, #tpu.memory_space<vmem>>
        %dma_wait3A_75 = arith.constant 0 : i32
        %dma_wait3A_76 = tpu.memref_slice %dma_wait3A_74[%dma_wait3A_75] : memref<640xf32, #tpu.memory_space<vmem>> -> memref<640xf32, #tpu.memory_space<vmem>>
        %dma_wait3A_77 = arith.constant 0 : i32
        %dma_wait3A_78 = tpu.memref_slice %arg7[%run_scoped3A_22, %dma_wait3A_77] : memref<16x10112xf32, #tpu.memory_space<vmem_shared>> -> memref<1x10112xf32, #tpu.memory_space<vmem_shared>>
        %dma_wait3A_79 = tpu.memref_squeeze %dma_wait3A_78 : memref<1x10112xf32, #tpu.memory_space<vmem_shared>> -> memref<10112xf32, #tpu.memory_space<vmem_shared>>
        %dma_wait3A_80 = tpu.memref_slice %dma_wait3A_79[%mul3A_18] : memref<10112xf32, #tpu.memory_space<vmem_shared>> -> memref<640xf32, #tpu.memory_space<vmem_shared>>
        %dma_wait3A_81 = arith.constant 0 : i32
        %dma_wait3A_82 = tpu.memref_slice %arg6[%run_scoped3A_23, %dma_wait3A_81] : memref<16x640xf32, #tpu.memory_space<vmem>> -> memref<1x640xf32, #tpu.memory_space<vmem>>
        %dma_wait3A_83 = tpu.memref_squeeze %dma_wait3A_82 : memref<1x640xf32, #tpu.memory_space<vmem>> -> memref<640xf32, #tpu.memory_space<vmem>>
        %dma_wait3A_84 = arith.constant 0 : i32
        %dma_wait3A_85 = tpu.memref_slice %dma_wait3A_83[%dma_wait3A_84] : memref<640xf32, #tpu.memory_space<vmem>> -> memref<640xf32, #tpu.memory_space<vmem>>
        %dma_wait3A_86 = arith.constant 0 : i32
        %dma_wait3A_87 = tpu.memref_slice %arg7[%run_scoped3A_22, %dma_wait3A_86] : memref<16x10112xf32, #tpu.memory_space<vmem_shared>> -> memref<1x10112xf32, #tpu.memory_space<vmem_shared>>
        %dma_wait3A_88 = tpu.memref_squeeze %dma_wait3A_87 : memref<1x10112xf32, #tpu.memory_space<vmem_shared>> -> memref<10112xf32, #tpu.memory_space<vmem_shared>>
        %dma_wait3A_89 = tpu.memref_slice %dma_wait3A_88[%mul3A_18] : memref<10112xf32, #tpu.memory_space<vmem_shared>> -> memref<640xf32, #tpu.memory_space<vmem_shared>>
        tpu.wait_dma2 semaphore(%run_scoped3A_55 : memref<!tpu.dma_semaphore, #tpu.memory_space<semaphore_mem>>) src(%dma_wait3A_89 : memref<640xf32, #tpu.memory_space<vmem_shared>>) dst(%dma_wait3A_85 : memref<640xf32, #tpu.memory_space<vmem>>)
        tpu.yield
      }) : () -> ()
      %run_scoped3A_24 = arith.constant 3 : i32
      %run_scoped3A_25 = arith.constant 3 : i32
      "tpu.region"() ({
        %run_scoped3A_55 = tpu.sem_alloc : memref<!tpu.dma_semaphore, #tpu.memory_space<semaphore_mem>>
        %dma_start3A = arith.constant 0 : i32
        %dma_start3A_56 = tpu.memref_slice %arg6[%run_scoped3A_25, %dma_start3A] : memref<16x640xf32, #tpu.memory_space<vmem>> -> memref<1x640xf32, #tpu.memory_space<vmem>>
        %dma_start3A_57 = tpu.memref_squeeze %dma_start3A_56 : memref<1x640xf32, #tpu.memory_space<vmem>> -> memref<640xf32, #tpu.memory_space<vmem>>
        %dma_start3A_58 = arith.constant 0 : i32
        %dma_start3A_59 = tpu.memref_slice %dma_start3A_57[%dma_start3A_58] : memref<640xf32, #tpu.memory_space<vmem>> -> memref<640xf32, #tpu.memory_space<vmem>>
        %dma_start3A_60 = arith.constant 0 : i32
        %dma_start3A_61 = tpu.memref_slice %arg7[%run_scoped3A_24, %dma_start3A_60] : memref<16x10112xf32, #tpu.memory_space<vmem_shared>> -> memref<1x10112xf32, #tpu.memory_space<vmem_shared>>
        %dma_start3A_62 = tpu.memref_squeeze %dma_start3A_61 : memref<1x10112xf32, #tpu.memory_space<vmem_shared>> -> memref<10112xf32, #tpu.memory_space<vmem_shared>>
        %dma_start3A_63 = tpu.memref_slice %dma_start3A_62[%mul3A_18] : memref<10112xf32, #tpu.memory_space<vmem_shared>> -> memref<640xf32, #tpu.memory_space<vmem_shared>>
        %dma_start3A_64 = arith.constant 0 : i32
        %dma_start3A_65 = tpu.memref_slice %arg6[%run_scoped3A_25, %dma_start3A_64] : memref<16x640xf32, #tpu.memory_space<vmem>> -> memref<1x640xf32, #tpu.memory_space<vmem>>
        %dma_start3A_66 = tpu.memref_squeeze %dma_start3A_65 : memref<1x640xf32, #tpu.memory_space<vmem>> -> memref<640xf32, #tpu.memory_space<vmem>>
        %dma_start3A_67 = arith.constant 0 : i32
        %dma_start3A_68 = tpu.memref_slice %dma_start3A_66[%dma_start3A_67] : memref<640xf32, #tpu.memory_space<vmem>> -> memref<640xf32, #tpu.memory_space<vmem>>
        %dma_start3A_69 = arith.constant 0 : i32
        %dma_start3A_70 = tpu.memref_slice %arg7[%run_scoped3A_24, %dma_start3A_69] : memref<16x10112xf32, #tpu.memory_space<vmem_shared>> -> memref<1x10112xf32, #tpu.memory_space<vmem_shared>>
        %dma_start3A_71 = tpu.memref_squeeze %dma_start3A_70 : memref<1x10112xf32, #tpu.memory_space<vmem_shared>> -> memref<10112xf32, #tpu.memory_space<vmem_shared>>
        %dma_start3A_72 = tpu.memref_slice %dma_start3A_71[%mul3A_18] : memref<10112xf32, #tpu.memory_space<vmem_shared>> -> memref<640xf32, #tpu.memory_space<vmem_shared>>
        tpu.enqueue_dma source(%dma_start3A_72 : memref<640xf32, #tpu.memory_space<vmem_shared>>) target(%dma_start3A_68 : memref<640xf32, #tpu.memory_space<vmem>>) target_semaphore(%run_scoped3A_55 : memref<!tpu.dma_semaphore, #tpu.memory_space<semaphore_mem>>)
        %dma_wait3A = arith.constant 0 : i32
        %dma_wait3A_73 = tpu.memref_slice %arg6[%run_scoped3A_25, %dma_wait3A] : memref<16x640xf32, #tpu.memory_space<vmem>> -> memref<1x640xf32, #tpu.memory_space<vmem>>
        %dma_wait3A_74 = tpu.memref_squeeze %dma_wait3A_73 : memref<1x640xf32, #tpu.memory_space<vmem>> -> memref<640xf32, #tpu.memory_space<vmem>>
        %dma_wait3A_75 = arith.constant 0 : i32
        %dma_wait3A_76 = tpu.memref_slice %dma_wait3A_74[%dma_wait3A_75] : memref<640xf32, #tpu.memory_space<vmem>> -> memref<640xf32, #tpu.memory_space<vmem>>
        %dma_wait3A_77 = arith.constant 0 : i32
        %dma_wait3A_78 = tpu.memref_slice %arg7[%run_scoped3A_24, %dma_wait3A_77] : memref<16x10112xf32, #tpu.memory_space<vmem_shared>> -> memref<1x10112xf32, #tpu.memory_space<vmem_shared>>
        %dma_wait3A_79 = tpu.memref_squeeze %dma_wait3A_78 : memref<1x10112xf32, #tpu.memory_space<vmem_shared>> -> memref<10112xf32, #tpu.memory_space<vmem_shared>>
        %dma_wait3A_80 = tpu.memref_slice %dma_wait3A_79[%mul3A_18] : memref<10112xf32, #tpu.memory_space<vmem_shared>> -> memref<640xf32, #tpu.memory_space<vmem_shared>>
        %dma_wait3A_81 = arith.constant 0 : i32
        %dma_wait3A_82 = tpu.memref_slice %arg6[%run_scoped3A_25, %dma_wait3A_81] : memref<16x640xf32, #tpu.memory_space<vmem>> -> memref<1x640xf32, #tpu.memory_space<vmem>>
        %dma_wait3A_83 = tpu.memref_squeeze %dma_wait3A_82 : memref<1x640xf32, #tpu.memory_space<vmem>> -> memref<640xf32, #tpu.memory_space<vmem>>
        %dma_wait3A_84 = arith.constant 0 : i32
        %dma_wait3A_85 = tpu.memref_slice %dma_wait3A_83[%dma_wait3A_84] : memref<640xf32, #tpu.memory_space<vmem>> -> memref<640xf32, #tpu.memory_space<vmem>>
        %dma_wait3A_86 = arith.constant 0 : i32
        %dma_wait3A_87 = tpu.memref_slice %arg7[%run_scoped3A_24, %dma_wait3A_86] : memref<16x10112xf32, #tpu.memory_space<vmem_shared>> -> memref<1x10112xf32, #tpu.memory_space<vmem_shared>>
        %dma_wait3A_88 = tpu.memref_squeeze %dma_wait3A_87 : memref<1x10112xf32, #tpu.memory_space<vmem_shared>> -> memref<10112xf32, #tpu.memory_space<vmem_shared>>
        %dma_wait3A_89 = tpu.memref_slice %dma_wait3A_88[%mul3A_18] : memref<10112xf32, #tpu.memory_space<vmem_shared>> -> memref<640xf32, #tpu.memory_space<vmem_shared>>
        tpu.wait_dma2 semaphore(%run_scoped3A_55 : memref<!tpu.dma_semaphore, #tpu.memory_space<semaphore_mem>>) src(%dma_wait3A_89 : memref<640xf32, #tpu.memory_space<vmem_shared>>) dst(%dma_wait3A_85 : memref<640xf32, #tpu.memory_space<vmem>>)
        tpu.yield
      }) : () -> ()
      %run_scoped3A_26 = arith.constant 4 : i32
      %run_scoped3A_27 = arith.constant 4 : i32
      "tpu.region"() ({
        %run_scoped3A_55 = tpu.sem_alloc : memref<!tpu.dma_semaphore, #tpu.memory_space<semaphore_mem>>
        %dma_start3A = arith.constant 0 : i32
        %dma_start3A_56 = tpu.memref_slice %arg6[%run_scoped3A_27, %dma_start3A] : memref<16x640xf32, #tpu.memory_space<vmem>> -> memref<1x640xf32, #tpu.memory_space<vmem>>
        %dma_start3A_57 = tpu.memref_squeeze %dma_start3A_56 : memref<1x640xf32, #tpu.memory_space<vmem>> -> memref<640xf32, #tpu.memory_space<vmem>>
        %dma_start3A_58 = arith.constant 0 : i32
        %dma_start3A_59 = tpu.memref_slice %dma_start3A_57[%dma_start3A_58] : memref<640xf32, #tpu.memory_space<vmem>> -> memref<640xf32, #tpu.memory_space<vmem>>
        %dma_start3A_60 = arith.constant 0 : i32
        %dma_start3A_61 = tpu.memref_slice %arg7[%run_scoped3A_26, %dma_start3A_60] : memref<16x10112xf32, #tpu.memory_space<vmem_shared>> -> memref<1x10112xf32, #tpu.memory_space<vmem_shared>>
        %dma_start3A_62 = tpu.memref_squeeze %dma_start3A_61 : memref<1x10112xf32, #tpu.memory_space<vmem_shared>> -> memref<10112xf32, #tpu.memory_space<vmem_shared>>
        %dma_start3A_63 = tpu.memref_slice %dma_start3A_62[%mul3A_18] : memref<10112xf32, #tpu.memory_space<vmem_shared>> -> memref<640xf32, #tpu.memory_space<vmem_shared>>
        %dma_start3A_64 = arith.constant 0 : i32
        %dma_start3A_65 = tpu.memref_slice %arg6[%run_scoped3A_27, %dma_start3A_64] : memref<16x640xf32, #tpu.memory_space<vmem>> -> memref<1x640xf32, #tpu.memory_space<vmem>>
        %dma_start3A_66 = tpu.memref_squeeze %dma_start3A_65 : memref<1x640xf32, #tpu.memory_space<vmem>> -> memref<640xf32, #tpu.memory_space<vmem>>
        %dma_start3A_67 = arith.constant 0 : i32
        %dma_start3A_68 = tpu.memref_slice %dma_start3A_66[%dma_start3A_67] : memref<640xf32, #tpu.memory_space<vmem>> -> memref<640xf32, #tpu.memory_space<vmem>>
        %dma_start3A_69 = arith.constant 0 : i32
        %dma_start3A_70 = tpu.memref_slice %arg7[%run_scoped3A_26, %dma_start3A_69] : memref<16x10112xf32, #tpu.memory_space<vmem_shared>> -> memref<1x10112xf32, #tpu.memory_space<vmem_shared>>
        %dma_start3A_71 = tpu.memref_squeeze %dma_start3A_70 : memref<1x10112xf32, #tpu.memory_space<vmem_shared>> -> memref<10112xf32, #tpu.memory_space<vmem_shared>>
        %dma_start3A_72 = tpu.memref_slice %dma_start3A_71[%mul3A_18] : memref<10112xf32, #tpu.memory_space<vmem_shared>> -> memref<640xf32, #tpu.memory_space<vmem_shared>>
        tpu.enqueue_dma source(%dma_start3A_72 : memref<640xf32, #tpu.memory_space<vmem_shared>>) target(%dma_start3A_68 : memref<640xf32, #tpu.memory_space<vmem>>) target_semaphore(%run_scoped3A_55 : memref<!tpu.dma_semaphore, #tpu.memory_space<semaphore_mem>>)
        %dma_wait3A = arith.constant 0 : i32
        %dma_wait3A_73 = tpu.memref_slice %arg6[%run_scoped3A_27, %dma_wait3A] : memref<16x640xf32, #tpu.memory_space<vmem>> -> memref<1x640xf32, #tpu.memory_space<vmem>>
        %dma_wait3A_74 = tpu.memref_squeeze %dma_wait3A_73 : memref<1x640xf32, #tpu.memory_space<vmem>> -> memref<640xf32, #tpu.memory_space<vmem>>
        %dma_wait3A_75 = arith.constant 0 : i32
        %dma_wait3A_76 = tpu.memref_slice %dma_wait3A_74[%dma_wait3A_75] : memref<640xf32, #tpu.memory_space<vmem>> -> memref<640xf32, #tpu.memory_space<vmem>>
        %dma_wait3A_77 = arith.constant 0 : i32
        %dma_wait3A_78 = tpu.memref_slice %arg7[%run_scoped3A_26, %dma_wait3A_77] : memref<16x10112xf32, #tpu.memory_space<vmem_shared>> -> memref<1x10112xf32, #tpu.memory_space<vmem_shared>>
        %dma_wait3A_79 = tpu.memref_squeeze %dma_wait3A_78 : memref<1x10112xf32, #tpu.memory_space<vmem_shared>> -> memref<10112xf32, #tpu.memory_space<vmem_shared>>
        %dma_wait3A_80 = tpu.memref_slice %dma_wait3A_79[%mul3A_18] : memref<10112xf32, #tpu.memory_space<vmem_shared>> -> memref<640xf32, #tpu.memory_space<vmem_shared>>
        %dma_wait3A_81 = arith.constant 0 : i32
        %dma_wait3A_82 = tpu.memref_slice %arg6[%run_scoped3A_27, %dma_wait3A_81] : memref<16x640xf32, #tpu.memory_space<vmem>> -> memref<1x640xf32, #tpu.memory_space<vmem>>
        %dma_wait3A_83 = tpu.memref_squeeze %dma_wait3A_82 : memref<1x640xf32, #tpu.memory_space<vmem>> -> memref<640xf32, #tpu.memory_space<vmem>>
        %dma_wait3A_84 = arith.constant 0 : i32
        %dma_wait3A_85 = tpu.memref_slice %dma_wait3A_83[%dma_wait3A_84] : memref<640xf32, #tpu.memory_space<vmem>> -> memref<640xf32, #tpu.memory_space<vmem>>
        %dma_wait3A_86 = arith.constant 0 : i32
        %dma_wait3A_87 = tpu.memref_slice %arg7[%run_scoped3A_26, %dma_wait3A_86] : memref<16x10112xf32, #tpu.memory_space<vmem_shared>> -> memref<1x10112xf32, #tpu.memory_space<vmem_shared>>
        %dma_wait3A_88 = tpu.memref_squeeze %dma_wait3A_87 : memref<1x10112xf32, #tpu.memory_space<vmem_shared>> -> memref<10112xf32, #tpu.memory_space<vmem_shared>>
        %dma_wait3A_89 = tpu.memref_slice %dma_wait3A_88[%mul3A_18] : memref<10112xf32, #tpu.memory_space<vmem_shared>> -> memref<640xf32, #tpu.memory_space<vmem_shared>>
        tpu.wait_dma2 semaphore(%run_scoped3A_55 : memref<!tpu.dma_semaphore, #tpu.memory_space<semaphore_mem>>) src(%dma_wait3A_89 : memref<640xf32, #tpu.memory_space<vmem_shared>>) dst(%dma_wait3A_85 : memref<640xf32, #tpu.memory_space<vmem>>)
        tpu.yield
      }) : () -> ()
      %run_scoped3A_28 = arith.constant 5 : i32
      %run_scoped3A_29 = arith.constant 5 : i32
      "tpu.region"() ({
        %run_scoped3A_55 = tpu.sem_alloc : memref<!tpu.dma_semaphore, #tpu.memory_space<semaphore_mem>>
        %dma_start3A = arith.constant 0 : i32
        %dma_start3A_56 = tpu.memref_slice %arg6[%run_scoped3A_29, %dma_start3A] : memref<16x640xf32, #tpu.memory_space<vmem>> -> memref<1x640xf32, #tpu.memory_space<vmem>>
        %dma_start3A_57 = tpu.memref_squeeze %dma_start3A_56 : memref<1x640xf32, #tpu.memory_space<vmem>> -> memref<640xf32, #tpu.memory_space<vmem>>
        %dma_start3A_58 = arith.constant 0 : i32
        %dma_start3A_59 = tpu.memref_slice %dma_start3A_57[%dma_start3A_58] : memref<640xf32, #tpu.memory_space<vmem>> -> memref<640xf32, #tpu.memory_space<vmem>>
        %dma_start3A_60 = arith.constant 0 : i32
        %dma_start3A_61 = tpu.memref_slice %arg7[%run_scoped3A_28, %dma_start3A_60] : memref<16x10112xf32, #tpu.memory_space<vmem_shared>> -> memref<1x10112xf32, #tpu.memory_space<vmem_shared>>
        %dma_start3A_62 = tpu.memref_squeeze %dma_start3A_61 : memref<1x10112xf32, #tpu.memory_space<vmem_shared>> -> memref<10112xf32, #tpu.memory_space<vmem_shared>>
        %dma_start3A_63 = tpu.memref_slice %dma_start3A_62[%mul3A_18] : memref<10112xf32, #tpu.memory_space<vmem_shared>> -> memref<640xf32, #tpu.memory_space<vmem_shared>>
        %dma_start3A_64 = arith.constant 0 : i32
        %dma_start3A_65 = tpu.memref_slice %arg6[%run_scoped3A_29, %dma_start3A_64] : memref<16x640xf32, #tpu.memory_space<vmem>> -> memref<1x640xf32, #tpu.memory_space<vmem>>
        %dma_start3A_66 = tpu.memref_squeeze %dma_start3A_65 : memref<1x640xf32, #tpu.memory_space<vmem>> -> memref<640xf32, #tpu.memory_space<vmem>>
        %dma_start3A_67 = arith.constant 0 : i32
        %dma_start3A_68 = tpu.memref_slice %dma_start3A_66[%dma_start3A_67] : memref<640xf32, #tpu.memory_space<vmem>> -> memref<640xf32, #tpu.memory_space<vmem>>
        %dma_start3A_69 = arith.constant 0 : i32
        %dma_start3A_70 = tpu.memref_slice %arg7[%run_scoped3A_28, %dma_start3A_69] : memref<16x10112xf32, #tpu.memory_space<vmem_shared>> -> memref<1x10112xf32, #tpu.memory_space<vmem_shared>>
        %dma_start3A_71 = tpu.memref_squeeze %dma_start3A_70 : memref<1x10112xf32, #tpu.memory_space<vmem_shared>> -> memref<10112xf32, #tpu.memory_space<vmem_shared>>
        %dma_start3A_72 = tpu.memref_slice %dma_start3A_71[%mul3A_18] : memref<10112xf32, #tpu.memory_space<vmem_shared>> -> memref<640xf32, #tpu.memory_space<vmem_shared>>
        tpu.enqueue_dma source(%dma_start3A_72 : memref<640xf32, #tpu.memory_space<vmem_shared>>) target(%dma_start3A_68 : memref<640xf32, #tpu.memory_space<vmem>>) target_semaphore(%run_scoped3A_55 : memref<!tpu.dma_semaphore, #tpu.memory_space<semaphore_mem>>)
        %dma_wait3A = arith.constant 0 : i32
        %dma_wait3A_73 = tpu.memref_slice %arg6[%run_scoped3A_29, %dma_wait3A] : memref<16x640xf32, #tpu.memory_space<vmem>> -> memref<1x640xf32, #tpu.memory_space<vmem>>
        %dma_wait3A_74 = tpu.memref_squeeze %dma_wait3A_73 : memref<1x640xf32, #tpu.memory_space<vmem>> -> memref<640xf32, #tpu.memory_space<vmem>>
        %dma_wait3A_75 = arith.constant 0 : i32
        %dma_wait3A_76 = tpu.memref_slice %dma_wait3A_74[%dma_wait3A_75] : memref<640xf32, #tpu.memory_space<vmem>> -> memref<640xf32, #tpu.memory_space<vmem>>
        %dma_wait3A_77 = arith.constant 0 : i32
        %dma_wait3A_78 = tpu.memref_slice %arg7[%run_scoped3A_28, %dma_wait3A_77] : memref<16x10112xf32, #tpu.memory_space<vmem_shared>> -> memref<1x10112xf32, #tpu.memory_space<vmem_shared>>
        %dma_wait3A_79 = tpu.memref_squeeze %dma_wait3A_78 : memref<1x10112xf32, #tpu.memory_space<vmem_shared>> -> memref<10112xf32, #tpu.memory_space<vmem_shared>>
        %dma_wait3A_80 = tpu.memref_slice %dma_wait3A_79[%mul3A_18] : memref<10112xf32, #tpu.memory_space<vmem_shared>> -> memref<640xf32, #tpu.memory_space<vmem_shared>>
        %dma_wait3A_81 = arith.constant 0 : i32
        %dma_wait3A_82 = tpu.memref_slice %arg6[%run_scoped3A_29, %dma_wait3A_81] : memref<16x640xf32, #tpu.memory_space<vmem>> -> memref<1x640xf32, #tpu.memory_space<vmem>>
        %dma_wait3A_83 = tpu.memref_squeeze %dma_wait3A_82 : memref<1x640xf32, #tpu.memory_space<vmem>> -> memref<640xf32, #tpu.memory_space<vmem>>
        %dma_wait3A_84 = arith.constant 0 : i32
        %dma_wait3A_85 = tpu.memref_slice %dma_wait3A_83[%dma_wait3A_84] : memref<640xf32, #tpu.memory_space<vmem>> -> memref<640xf32, #tpu.memory_space<vmem>>
        %dma_wait3A_86 = arith.constant 0 : i32
        %dma_wait3A_87 = tpu.memref_slice %arg7[%run_scoped3A_28, %dma_wait3A_86] : memref<16x10112xf32, #tpu.memory_space<vmem_shared>> -> memref<1x10112xf32, #tpu.memory_space<vmem_shared>>
        %dma_wait3A_88 = tpu.memref_squeeze %dma_wait3A_87 : memref<1x10112xf32, #tpu.memory_space<vmem_shared>> -> memref<10112xf32, #tpu.memory_space<vmem_shared>>
        %dma_wait3A_89 = tpu.memref_slice %dma_wait3A_88[%mul3A_18] : memref<10112xf32, #tpu.memory_space<vmem_shared>> -> memref<640xf32, #tpu.memory_space<vmem_shared>>
        tpu.wait_dma2 semaphore(%run_scoped3A_55 : memref<!tpu.dma_semaphore, #tpu.memory_space<semaphore_mem>>) src(%dma_wait3A_89 : memref<640xf32, #tpu.memory_space<vmem_shared>>) dst(%dma_wait3A_85 : memref<640xf32, #tpu.memory_space<vmem>>)
        tpu.yield
      }) : () -> ()
      %run_scoped3A_30 = arith.constant 6 : i32
      %run_scoped3A_31 = arith.constant 6 : i32
      "tpu.region"() ({
        %run_scoped3A_55 = tpu.sem_alloc : memref<!tpu.dma_semaphore, #tpu.memory_space<semaphore_mem>>
        %dma_start3A = arith.constant 0 : i32
        %dma_start3A_56 = tpu.memref_slice %arg6[%run_scoped3A_31, %dma_start3A] : memref<16x640xf32, #tpu.memory_space<vmem>> -> memref<1x640xf32, #tpu.memory_space<vmem>>
        %dma_start3A_57 = tpu.memref_squeeze %dma_start3A_56 : memref<1x640xf32, #tpu.memory_space<vmem>> -> memref<640xf32, #tpu.memory_space<vmem>>
        %dma_start3A_58 = arith.constant 0 : i32
        %dma_start3A_59 = tpu.memref_slice %dma_start3A_57[%dma_start3A_58] : memref<640xf32, #tpu.memory_space<vmem>> -> memref<640xf32, #tpu.memory_space<vmem>>
        %dma_start3A_60 = arith.constant 0 : i32
        %dma_start3A_61 = tpu.memref_slice %arg7[%run_scoped3A_30, %dma_start3A_60] : memref<16x10112xf32, #tpu.memory_space<vmem_shared>> -> memref<1x10112xf32, #tpu.memory_space<vmem_shared>>
        %dma_start3A_62 = tpu.memref_squeeze %dma_start3A_61 : memref<1x10112xf32, #tpu.memory_space<vmem_shared>> -> memref<10112xf32, #tpu.memory_space<vmem_shared>>
        %dma_start3A_63 = tpu.memref_slice %dma_start3A_62[%mul3A_18] : memref<10112xf32, #tpu.memory_space<vmem_shared>> -> memref<640xf32, #tpu.memory_space<vmem_shared>>
        %dma_start3A_64 = arith.constant 0 : i32
        %dma_start3A_65 = tpu.memref_slice %arg6[%run_scoped3A_31, %dma_start3A_64] : memref<16x640xf32, #tpu.memory_space<vmem>> -> memref<1x640xf32, #tpu.memory_space<vmem>>
        %dma_start3A_66 = tpu.memref_squeeze %dma_start3A_65 : memref<1x640xf32, #tpu.memory_space<vmem>> -> memref<640xf32, #tpu.memory_space<vmem>>
        %dma_start3A_67 = arith.constant 0 : i32
        %dma_start3A_68 = tpu.memref_slice %dma_start3A_66[%dma_start3A_67] : memref<640xf32, #tpu.memory_space<vmem>> -> memref<640xf32, #tpu.memory_space<vmem>>
        %dma_start3A_69 = arith.constant 0 : i32
        %dma_start3A_70 = tpu.memref_slice %arg7[%run_scoped3A_30, %dma_start3A_69] : memref<16x10112xf32, #tpu.memory_space<vmem_shared>> -> memref<1x10112xf32, #tpu.memory_space<vmem_shared>>
        %dma_start3A_71 = tpu.memref_squeeze %dma_start3A_70 : memref<1x10112xf32, #tpu.memory_space<vmem_shared>> -> memref<10112xf32, #tpu.memory_space<vmem_shared>>
        %dma_start3A_72 = tpu.memref_slice %dma_start3A_71[%mul3A_18] : memref<10112xf32, #tpu.memory_space<vmem_shared>> -> memref<640xf32, #tpu.memory_space<vmem_shared>>
        tpu.enqueue_dma source(%dma_start3A_72 : memref<640xf32, #tpu.memory_space<vmem_shared>>) target(%dma_start3A_68 : memref<640xf32, #tpu.memory_space<vmem>>) target_semaphore(%run_scoped3A_55 : memref<!tpu.dma_semaphore, #tpu.memory_space<semaphore_mem>>)
        %dma_wait3A = arith.constant 0 : i32
        %dma_wait3A_73 = tpu.memref_slice %arg6[%run_scoped3A_31, %dma_wait3A] : memref<16x640xf32, #tpu.memory_space<vmem>> -> memref<1x640xf32, #tpu.memory_space<vmem>>
        %dma_wait3A_74 = tpu.memref_squeeze %dma_wait3A_73 : memref<1x640xf32, #tpu.memory_space<vmem>> -> memref<640xf32, #tpu.memory_space<vmem>>
        %dma_wait3A_75 = arith.constant 0 : i32
        %dma_wait3A_76 = tpu.memref_slice %dma_wait3A_74[%dma_wait3A_75] : memref<640xf32, #tpu.memory_space<vmem>> -> memref<640xf32, #tpu.memory_space<vmem>>
        %dma_wait3A_77 = arith.constant 0 : i32
        %dma_wait3A_78 = tpu.memref_slice %arg7[%run_scoped3A_30, %dma_wait3A_77] : memref<16x10112xf32, #tpu.memory_space<vmem_shared>> -> memref<1x10112xf32, #tpu.memory_space<vmem_shared>>
        %dma_wait3A_79 = tpu.memref_squeeze %dma_wait3A_78 : memref<1x10112xf32, #tpu.memory_space<vmem_shared>> -> memref<10112xf32, #tpu.memory_space<vmem_shared>>
        %dma_wait3A_80 = tpu.memref_slice %dma_wait3A_79[%mul3A_18] : memref<10112xf32, #tpu.memory_space<vmem_shared>> -> memref<640xf32, #tpu.memory_space<vmem_shared>>
        %dma_wait3A_81 = arith.constant 0 : i32
        %dma_wait3A_82 = tpu.memref_slice %arg6[%run_scoped3A_31, %dma_wait3A_81] : memref<16x640xf32, #tpu.memory_space<vmem>> -> memref<1x640xf32, #tpu.memory_space<vmem>>
        %dma_wait3A_83 = tpu.memref_squeeze %dma_wait3A_82 : memref<1x640xf32, #tpu.memory_space<vmem>> -> memref<640xf32, #tpu.memory_space<vmem>>
        %dma_wait3A_84 = arith.constant 0 : i32
        %dma_wait3A_85 = tpu.memref_slice %dma_wait3A_83[%dma_wait3A_84] : memref<640xf32, #tpu.memory_space<vmem>> -> memref<640xf32, #tpu.memory_space<vmem>>
        %dma_wait3A_86 = arith.constant 0 : i32
        %dma_wait3A_87 = tpu.memref_slice %arg7[%run_scoped3A_30, %dma_wait3A_86] : memref<16x10112xf32, #tpu.memory_space<vmem_shared>> -> memref<1x10112xf32, #tpu.memory_space<vmem_shared>>
        %dma_wait3A_88 = tpu.memref_squeeze %dma_wait3A_87 : memref<1x10112xf32, #tpu.memory_space<vmem_shared>> -> memref<10112xf32, #tpu.memory_space<vmem_shared>>
        %dma_wait3A_89 = tpu.memref_slice %dma_wait3A_88[%mul3A_18] : memref<10112xf32, #tpu.memory_space<vmem_shared>> -> memref<640xf32, #tpu.memory_space<vmem_shared>>
        tpu.wait_dma2 semaphore(%run_scoped3A_55 : memref<!tpu.dma_semaphore, #tpu.memory_space<semaphore_mem>>) src(%dma_wait3A_89 : memref<640xf32, #tpu.memory_space<vmem_shared>>) dst(%dma_wait3A_85 : memref<640xf32, #tpu.memory_space<vmem>>)
        tpu.yield
      }) : () -> ()
      %run_scoped3A_32 = arith.constant 7 : i32
      %run_scoped3A_33 = arith.constant 7 : i32
      "tpu.region"() ({
        %run_scoped3A_55 = tpu.sem_alloc : memref<!tpu.dma_semaphore, #tpu.memory_space<semaphore_mem>>
        %dma_start3A = arith.constant 0 : i32
        %dma_start3A_56 = tpu.memref_slice %arg6[%run_scoped3A_33, %dma_start3A] : memref<16x640xf32, #tpu.memory_space<vmem>> -> memref<1x640xf32, #tpu.memory_space<vmem>>
        %dma_start3A_57 = tpu.memref_squeeze %dma_start3A_56 : memref<1x640xf32, #tpu.memory_space<vmem>> -> memref<640xf32, #tpu.memory_space<vmem>>
        %dma_start3A_58 = arith.constant 0 : i32
        %dma_start3A_59 = tpu.memref_slice %dma_start3A_57[%dma_start3A_58] : memref<640xf32, #tpu.memory_space<vmem>> -> memref<640xf32, #tpu.memory_space<vmem>>
        %dma_start3A_60 = arith.constant 0 : i32
        %dma_start3A_61 = tpu.memref_slice %arg7[%run_scoped3A_32, %dma_start3A_60] : memref<16x10112xf32, #tpu.memory_space<vmem_shared>> -> memref<1x10112xf32, #tpu.memory_space<vmem_shared>>
        %dma_start3A_62 = tpu.memref_squeeze %dma_start3A_61 : memref<1x10112xf32, #tpu.memory_space<vmem_shared>> -> memref<10112xf32, #tpu.memory_space<vmem_shared>>
        %dma_start3A_63 = tpu.memref_slice %dma_start3A_62[%mul3A_18] : memref<10112xf32, #tpu.memory_space<vmem_shared>> -> memref<640xf32, #tpu.memory_space<vmem_shared>>
        %dma_start3A_64 = arith.constant 0 : i32
        %dma_start3A_65 = tpu.memref_slice %arg6[%run_scoped3A_33, %dma_start3A_64] : memref<16x640xf32, #tpu.memory_space<vmem>> -> memref<1x640xf32, #tpu.memory_space<vmem>>
        %dma_start3A_66 = tpu.memref_squeeze %dma_start3A_65 : memref<1x640xf32, #tpu.memory_space<vmem>> -> memref<640xf32, #tpu.memory_space<vmem>>
        %dma_start3A_67 = arith.constant 0 : i32
        %dma_start3A_68 = tpu.memref_slice %dma_start3A_66[%dma_start3A_67] : memref<640xf32, #tpu.memory_space<vmem>> -> memref<640xf32, #tpu.memory_space<vmem>>
        %dma_start3A_69 = arith.constant 0 : i32
        %dma_start3A_70 = tpu.memref_slice %arg7[%run_scoped3A_32, %dma_start3A_69] : memref<16x10112xf32, #tpu.memory_space<vmem_shared>> -> memref<1x10112xf32, #tpu.memory_space<vmem_shared>>
        %dma_start3A_71 = tpu.memref_squeeze %dma_start3A_70 : memref<1x10112xf32, #tpu.memory_space<vmem_shared>> -> memref<10112xf32, #tpu.memory_space<vmem_shared>>
        %dma_start3A_72 = tpu.memref_slice %dma_start3A_71[%mul3A_18] : memref<10112xf32, #tpu.memory_space<vmem_shared>> -> memref<640xf32, #tpu.memory_space<vmem_shared>>
        tpu.enqueue_dma source(%dma_start3A_72 : memref<640xf32, #tpu.memory_space<vmem_shared>>) target(%dma_start3A_68 : memref<640xf32, #tpu.memory_space<vmem>>) target_semaphore(%run_scoped3A_55 : memref<!tpu.dma_semaphore, #tpu.memory_space<semaphore_mem>>)
        %dma_wait3A = arith.constant 0 : i32
        %dma_wait3A_73 = tpu.memref_slice %arg6[%run_scoped3A_33, %dma_wait3A] : memref<16x640xf32, #tpu.memory_space<vmem>> -> memref<1x640xf32, #tpu.memory_space<vmem>>
        %dma_wait3A_74 = tpu.memref_squeeze %dma_wait3A_73 : memref<1x640xf32, #tpu.memory_space<vmem>> -> memref<640xf32, #tpu.memory_space<vmem>>
        %dma_wait3A_75 = arith.constant 0 : i32
        %dma_wait3A_76 = tpu.memref_slice %dma_wait3A_74[%dma_wait3A_75] : memref<640xf32, #tpu.memory_space<vmem>> -> memref<640xf32, #tpu.memory_space<vmem>>
        %dma_wait3A_77 = arith.constant 0 : i32
        %dma_wait3A_78 = tpu.memref_slice %arg7[%run_scoped3A_32, %dma_wait3A_77] : memref<16x10112xf32, #tpu.memory_space<vmem_shared>> -> memref<1x10112xf32, #tpu.memory_space<vmem_shared>>
        %dma_wait3A_79 = tpu.memref_squeeze %dma_wait3A_78 : memref<1x10112xf32, #tpu.memory_space<vmem_shared>> -> memref<10112xf32, #tpu.memory_space<vmem_shared>>
        %dma_wait3A_80 = tpu.memref_slice %dma_wait3A_79[%mul3A_18] : memref<10112xf32, #tpu.memory_space<vmem_shared>> -> memref<640xf32, #tpu.memory_space<vmem_shared>>
        %dma_wait3A_81 = arith.constant 0 : i32
        %dma_wait3A_82 = tpu.memref_slice %arg6[%run_scoped3A_33, %dma_wait3A_81] : memref<16x640xf32, #tpu.memory_space<vmem>> -> memref<1x640xf32, #tpu.memory_space<vmem>>
        %dma_wait3A_83 = tpu.memref_squeeze %dma_wait3A_82 : memref<1x640xf32, #tpu.memory_space<vmem>> -> memref<640xf32, #tpu.memory_space<vmem>>
        %dma_wait3A_84 = arith.constant 0 : i32
        %dma_wait3A_85 = tpu.memref_slice %dma_wait3A_83[%dma_wait3A_84] : memref<640xf32, #tpu.memory_space<vmem>> -> memref<640xf32, #tpu.memory_space<vmem>>
        %dma_wait3A_86 = arith.constant 0 : i32
        %dma_wait3A_87 = tpu.memref_slice %arg7[%run_scoped3A_32, %dma_wait3A_86] : memref<16x10112xf32, #tpu.memory_space<vmem_shared>> -> memref<1x10112xf32, #tpu.memory_space<vmem_shared>>
        %dma_wait3A_88 = tpu.memref_squeeze %dma_wait3A_87 : memref<1x10112xf32, #tpu.memory_space<vmem_shared>> -> memref<10112xf32, #tpu.memory_space<vmem_shared>>
        %dma_wait3A_89 = tpu.memref_slice %dma_wait3A_88[%mul3A_18] : memref<10112xf32, #tpu.memory_space<vmem_shared>> -> memref<640xf32, #tpu.memory_space<vmem_shared>>
        tpu.wait_dma2 semaphore(%run_scoped3A_55 : memref<!tpu.dma_semaphore, #tpu.memory_space<semaphore_mem>>) src(%dma_wait3A_89 : memref<640xf32, #tpu.memory_space<vmem_shared>>) dst(%dma_wait3A_85 : memref<640xf32, #tpu.memory_space<vmem>>)
        tpu.yield
      }) : () -> ()
      %run_scoped3A_34 = arith.constant 8 : i32
      %run_scoped3A_35 = arith.constant 8 : i32
      "tpu.region"() ({
        %run_scoped3A_55 = tpu.sem_alloc : memref<!tpu.dma_semaphore, #tpu.memory_space<semaphore_mem>>
        %dma_start3A = arith.constant 0 : i32
        %dma_start3A_56 = tpu.memref_slice %arg6[%run_scoped3A_35, %dma_start3A] : memref<16x640xf32, #tpu.memory_space<vmem>> -> memref<1x640xf32, #tpu.memory_space<vmem>>
        %dma_start3A_57 = tpu.memref_squeeze %dma_start3A_56 : memref<1x640xf32, #tpu.memory_space<vmem>> -> memref<640xf32, #tpu.memory_space<vmem>>
        %dma_start3A_58 = arith.constant 0 : i32
        %dma_start3A_59 = tpu.memref_slice %dma_start3A_57[%dma_start3A_58] : memref<640xf32, #tpu.memory_space<vmem>> -> memref<640xf32, #tpu.memory_space<vmem>>
        %dma_start3A_60 = arith.constant 0 : i32
        %dma_start3A_61 = tpu.memref_slice %arg7[%run_scoped3A_34, %dma_start3A_60] : memref<16x10112xf32, #tpu.memory_space<vmem_shared>> -> memref<1x10112xf32, #tpu.memory_space<vmem_shared>>
        %dma_start3A_62 = tpu.memref_squeeze %dma_start3A_61 : memref<1x10112xf32, #tpu.memory_space<vmem_shared>> -> memref<10112xf32, #tpu.memory_space<vmem_shared>>
        %dma_start3A_63 = tpu.memref_slice %dma_start3A_62[%mul3A_18] : memref<10112xf32, #tpu.memory_space<vmem_shared>> -> memref<640xf32, #tpu.memory_space<vmem_shared>>
        %dma_start3A_64 = arith.constant 0 : i32
        %dma_start3A_65 = tpu.memref_slice %arg6[%run_scoped3A_35, %dma_start3A_64] : memref<16x640xf32, #tpu.memory_space<vmem>> -> memref<1x640xf32, #tpu.memory_space<vmem>>
        %dma_start3A_66 = tpu.memref_squeeze %dma_start3A_65 : memref<1x640xf32, #tpu.memory_space<vmem>> -> memref<640xf32, #tpu.memory_space<vmem>>
        %dma_start3A_67 = arith.constant 0 : i32
        %dma_start3A_68 = tpu.memref_slice %dma_start3A_66[%dma_start3A_67] : memref<640xf32, #tpu.memory_space<vmem>> -> memref<640xf32, #tpu.memory_space<vmem>>
        %dma_start3A_69 = arith.constant 0 : i32
        %dma_start3A_70 = tpu.memref_slice %arg7[%run_scoped3A_34, %dma_start3A_69] : memref<16x10112xf32, #tpu.memory_space<vmem_shared>> -> memref<1x10112xf32, #tpu.memory_space<vmem_shared>>
        %dma_start3A_71 = tpu.memref_squeeze %dma_start3A_70 : memref<1x10112xf32, #tpu.memory_space<vmem_shared>> -> memref<10112xf32, #tpu.memory_space<vmem_shared>>
        %dma_start3A_72 = tpu.memref_slice %dma_start3A_71[%mul3A_18] : memref<10112xf32, #tpu.memory_space<vmem_shared>> -> memref<640xf32, #tpu.memory_space<vmem_shared>>
        tpu.enqueue_dma source(%dma_start3A_72 : memref<640xf32, #tpu.memory_space<vmem_shared>>) target(%dma_start3A_68 : memref<640xf32, #tpu.memory_space<vmem>>) target_semaphore(%run_scoped3A_55 : memref<!tpu.dma_semaphore, #tpu.memory_space<semaphore_mem>>)
        %dma_wait3A = arith.constant 0 : i32
        %dma_wait3A_73 = tpu.memref_slice %arg6[%run_scoped3A_35, %dma_wait3A] : memref<16x640xf32, #tpu.memory_space<vmem>> -> memref<1x640xf32, #tpu.memory_space<vmem>>
        %dma_wait3A_74 = tpu.memref_squeeze %dma_wait3A_73 : memref<1x640xf32, #tpu.memory_space<vmem>> -> memref<640xf32, #tpu.memory_space<vmem>>
        %dma_wait3A_75 = arith.constant 0 : i32
        %dma_wait3A_76 = tpu.memref_slice %dma_wait3A_74[%dma_wait3A_75] : memref<640xf32, #tpu.memory_space<vmem>> -> memref<640xf32, #tpu.memory_space<vmem>>
        %dma_wait3A_77 = arith.constant 0 : i32
        %dma_wait3A_78 = tpu.memref_slice %arg7[%run_scoped3A_34, %dma_wait3A_77] : memref<16x10112xf32, #tpu.memory_space<vmem_shared>> -> memref<1x10112xf32, #tpu.memory_space<vmem_shared>>
        %dma_wait3A_79 = tpu.memref_squeeze %dma_wait3A_78 : memref<1x10112xf32, #tpu.memory_space<vmem_shared>> -> memref<10112xf32, #tpu.memory_space<vmem_shared>>
        %dma_wait3A_80 = tpu.memref_slice %dma_wait3A_79[%mul3A_18] : memref<10112xf32, #tpu.memory_space<vmem_shared>> -> memref<640xf32, #tpu.memory_space<vmem_shared>>
        %dma_wait3A_81 = arith.constant 0 : i32
        %dma_wait3A_82 = tpu.memref_slice %arg6[%run_scoped3A_35, %dma_wait3A_81] : memref<16x640xf32, #tpu.memory_space<vmem>> -> memref<1x640xf32, #tpu.memory_space<vmem>>
        %dma_wait3A_83 = tpu.memref_squeeze %dma_wait3A_82 : memref<1x640xf32, #tpu.memory_space<vmem>> -> memref<640xf32, #tpu.memory_space<vmem>>
        %dma_wait3A_84 = arith.constant 0 : i32
        %dma_wait3A_85 = tpu.memref_slice %dma_wait3A_83[%dma_wait3A_84] : memref<640xf32, #tpu.memory_space<vmem>> -> memref<640xf32, #tpu.memory_space<vmem>>
        %dma_wait3A_86 = arith.constant 0 : i32
        %dma_wait3A_87 = tpu.memref_slice %arg7[%run_scoped3A_34, %dma_wait3A_86] : memref<16x10112xf32, #tpu.memory_space<vmem_shared>> -> memref<1x10112xf32, #tpu.memory_space<vmem_shared>>
        %dma_wait3A_88 = tpu.memref_squeeze %dma_wait3A_87 : memref<1x10112xf32, #tpu.memory_space<vmem_shared>> -> memref<10112xf32, #tpu.memory_space<vmem_shared>>
        %dma_wait3A_89 = tpu.memref_slice %dma_wait3A_88[%mul3A_18] : memref<10112xf32, #tpu.memory_space<vmem_shared>> -> memref<640xf32, #tpu.memory_space<vmem_shared>>
        tpu.wait_dma2 semaphore(%run_scoped3A_55 : memref<!tpu.dma_semaphore, #tpu.memory_space<semaphore_mem>>) src(%dma_wait3A_89 : memref<640xf32, #tpu.memory_space<vmem_shared>>) dst(%dma_wait3A_85 : memref<640xf32, #tpu.memory_space<vmem>>)
        tpu.yield
      }) : () -> ()
      %run_scoped3A_36 = arith.constant 9 : i32
      %run_scoped3A_37 = arith.constant 9 : i32
      "tpu.region"() ({
        %run_scoped3A_55 = tpu.sem_alloc : memref<!tpu.dma_semaphore, #tpu.memory_space<semaphore_mem>>
        %dma_start3A = arith.constant 0 : i32
        %dma_start3A_56 = tpu.memref_slice %arg6[%run_scoped3A_37, %dma_start3A] : memref<16x640xf32, #tpu.memory_space<vmem>> -> memref<1x640xf32, #tpu.memory_space<vmem>>
        %dma_start3A_57 = tpu.memref_squeeze %dma_start3A_56 : memref<1x640xf32, #tpu.memory_space<vmem>> -> memref<640xf32, #tpu.memory_space<vmem>>
        %dma_start3A_58 = arith.constant 0 : i32
        %dma_start3A_59 = tpu.memref_slice %dma_start3A_57[%dma_start3A_58] : memref<640xf32, #tpu.memory_space<vmem>> -> memref<640xf32, #tpu.memory_space<vmem>>
        %dma_start3A_60 = arith.constant 0 : i32
        %dma_start3A_61 = tpu.memref_slice %arg7[%run_scoped3A_36, %dma_start3A_60] : memref<16x10112xf32, #tpu.memory_space<vmem_shared>> -> memref<1x10112xf32, #tpu.memory_space<vmem_shared>>
        %dma_start3A_62 = tpu.memref_squeeze %dma_start3A_61 : memref<1x10112xf32, #tpu.memory_space<vmem_shared>> -> memref<10112xf32, #tpu.memory_space<vmem_shared>>
        %dma_start3A_63 = tpu.memref_slice %dma_start3A_62[%mul3A_18] : memref<10112xf32, #tpu.memory_space<vmem_shared>> -> memref<640xf32, #tpu.memory_space<vmem_shared>>
        %dma_start3A_64 = arith.constant 0 : i32
        %dma_start3A_65 = tpu.memref_slice %arg6[%run_scoped3A_37, %dma_start3A_64] : memref<16x640xf32, #tpu.memory_space<vmem>> -> memref<1x640xf32, #tpu.memory_space<vmem>>
        %dma_start3A_66 = tpu.memref_squeeze %dma_start3A_65 : memref<1x640xf32, #tpu.memory_space<vmem>> -> memref<640xf32, #tpu.memory_space<vmem>>
        %dma_start3A_67 = arith.constant 0 : i32
        %dma_start3A_68 = tpu.memref_slice %dma_start3A_66[%dma_start3A_67] : memref<640xf32, #tpu.memory_space<vmem>> -> memref<640xf32, #tpu.memory_space<vmem>>
        %dma_start3A_69 = arith.constant 0 : i32
        %dma_start3A_70 = tpu.memref_slice %arg7[%run_scoped3A_36, %dma_start3A_69] : memref<16x10112xf32, #tpu.memory_space<vmem_shared>> -> memref<1x10112xf32, #tpu.memory_space<vmem_shared>>
        %dma_start3A_71 = tpu.memref_squeeze %dma_start3A_70 : memref<1x10112xf32, #tpu.memory_space<vmem_shared>> -> memref<10112xf32, #tpu.memory_space<vmem_shared>>
        %dma_start3A_72 = tpu.memref_slice %dma_start3A_71[%mul3A_18] : memref<10112xf32, #tpu.memory_space<vmem_shared>> -> memref<640xf32, #tpu.memory_space<vmem_shared>>
        tpu.enqueue_dma source(%dma_start3A_72 : memref<640xf32, #tpu.memory_space<vmem_shared>>) target(%dma_start3A_68 : memref<640xf32, #tpu.memory_space<vmem>>) target_semaphore(%run_scoped3A_55 : memref<!tpu.dma_semaphore, #tpu.memory_space<semaphore_mem>>)
        %dma_wait3A = arith.constant 0 : i32
        %dma_wait3A_73 = tpu.memref_slice %arg6[%run_scoped3A_37, %dma_wait3A] : memref<16x640xf32, #tpu.memory_space<vmem>> -> memref<1x640xf32, #tpu.memory_space<vmem>>
        %dma_wait3A_74 = tpu.memref_squeeze %dma_wait3A_73 : memref<1x640xf32, #tpu.memory_space<vmem>> -> memref<640xf32, #tpu.memory_space<vmem>>
        %dma_wait3A_75 = arith.constant 0 : i32
        %dma_wait3A_76 = tpu.memref_slice %dma_wait3A_74[%dma_wait3A_75] : memref<640xf32, #tpu.memory_space<vmem>> -> memref<640xf32, #tpu.memory_space<vmem>>
        %dma_wait3A_77 = arith.constant 0 : i32
        %dma_wait3A_78 = tpu.memref_slice %arg7[%run_scoped3A_36, %dma_wait3A_77] : memref<16x10112xf32, #tpu.memory_space<vmem_shared>> -> memref<1x10112xf32, #tpu.memory_space<vmem_shared>>
        %dma_wait3A_79 = tpu.memref_squeeze %dma_wait3A_78 : memref<1x10112xf32, #tpu.memory_space<vmem_shared>> -> memref<10112xf32, #tpu.memory_space<vmem_shared>>
        %dma_wait3A_80 = tpu.memref_slice %dma_wait3A_79[%mul3A_18] : memref<10112xf32, #tpu.memory_space<vmem_shared>> -> memref<640xf32, #tpu.memory_space<vmem_shared>>
        %dma_wait3A_81 = arith.constant 0 : i32
        %dma_wait3A_82 = tpu.memref_slice %arg6[%run_scoped3A_37, %dma_wait3A_81] : memref<16x640xf32, #tpu.memory_space<vmem>> -> memref<1x640xf32, #tpu.memory_space<vmem>>
        %dma_wait3A_83 = tpu.memref_squeeze %dma_wait3A_82 : memref<1x640xf32, #tpu.memory_space<vmem>> -> memref<640xf32, #tpu.memory_space<vmem>>
        %dma_wait3A_84 = arith.constant 0 : i32
        %dma_wait3A_85 = tpu.memref_slice %dma_wait3A_83[%dma_wait3A_84] : memref<640xf32, #tpu.memory_space<vmem>> -> memref<640xf32, #tpu.memory_space<vmem>>
        %dma_wait3A_86 = arith.constant 0 : i32
        %dma_wait3A_87 = tpu.memref_slice %arg7[%run_scoped3A_36, %dma_wait3A_86] : memref<16x10112xf32, #tpu.memory_space<vmem_shared>> -> memref<1x10112xf32, #tpu.memory_space<vmem_shared>>
        %dma_wait3A_88 = tpu.memref_squeeze %dma_wait3A_87 : memref<1x10112xf32, #tpu.memory_space<vmem_shared>> -> memref<10112xf32, #tpu.memory_space<vmem_shared>>
        %dma_wait3A_89 = tpu.memref_slice %dma_wait3A_88[%mul3A_18] : memref<10112xf32, #tpu.memory_space<vmem_shared>> -> memref<640xf32, #tpu.memory_space<vmem_shared>>
        tpu.wait_dma2 semaphore(%run_scoped3A_55 : memref<!tpu.dma_semaphore, #tpu.memory_space<semaphore_mem>>) src(%dma_wait3A_89 : memref<640xf32, #tpu.memory_space<vmem_shared>>) dst(%dma_wait3A_85 : memref<640xf32, #tpu.memory_space<vmem>>)
        tpu.yield
      }) : () -> ()
      %run_scoped3A_38 = arith.constant 10 : i32
      %run_scoped3A_39 = arith.constant 10 : i32
      "tpu.region"() ({
        %run_scoped3A_55 = tpu.sem_alloc : memref<!tpu.dma_semaphore, #tpu.memory_space<semaphore_mem>>
        %dma_start3A = arith.constant 0 : i32
        %dma_start3A_56 = tpu.memref_slice %arg6[%run_scoped3A_39, %dma_start3A] : memref<16x640xf32, #tpu.memory_space<vmem>> -> memref<1x640xf32, #tpu.memory_space<vmem>>
        %dma_start3A_57 = tpu.memref_squeeze %dma_start3A_56 : memref<1x640xf32, #tpu.memory_space<vmem>> -> memref<640xf32, #tpu.memory_space<vmem>>
        %dma_start3A_58 = arith.constant 0 : i32
        %dma_start3A_59 = tpu.memref_slice %dma_start3A_57[%dma_start3A_58] : memref<640xf32, #tpu.memory_space<vmem>> -> memref<640xf32, #tpu.memory_space<vmem>>
        %dma_start3A_60 = arith.constant 0 : i32
        %dma_start3A_61 = tpu.memref_slice %arg7[%run_scoped3A_38, %dma_start3A_60] : memref<16x10112xf32, #tpu.memory_space<vmem_shared>> -> memref<1x10112xf32, #tpu.memory_space<vmem_shared>>
        %dma_start3A_62 = tpu.memref_squeeze %dma_start3A_61 : memref<1x10112xf32, #tpu.memory_space<vmem_shared>> -> memref<10112xf32, #tpu.memory_space<vmem_shared>>
        %dma_start3A_63 = tpu.memref_slice %dma_start3A_62[%mul3A_18] : memref<10112xf32, #tpu.memory_space<vmem_shared>> -> memref<640xf32, #tpu.memory_space<vmem_shared>>
        %dma_start3A_64 = arith.constant 0 : i32
        %dma_start3A_65 = tpu.memref_slice %arg6[%run_scoped3A_39, %dma_start3A_64] : memref<16x640xf32, #tpu.memory_space<vmem>> -> memref<1x640xf32, #tpu.memory_space<vmem>>
        %dma_start3A_66 = tpu.memref_squeeze %dma_start3A_65 : memref<1x640xf32, #tpu.memory_space<vmem>> -> memref<640xf32, #tpu.memory_space<vmem>>
        %dma_start3A_67 = arith.constant 0 : i32
        %dma_start3A_68 = tpu.memref_slice %dma_start3A_66[%dma_start3A_67] : memref<640xf32, #tpu.memory_space<vmem>> -> memref<640xf32, #tpu.memory_space<vmem>>
        %dma_start3A_69 = arith.constant 0 : i32
        %dma_start3A_70 = tpu.memref_slice %arg7[%run_scoped3A_38, %dma_start3A_69] : memref<16x10112xf32, #tpu.memory_space<vmem_shared>> -> memref<1x10112xf32, #tpu.memory_space<vmem_shared>>
        %dma_start3A_71 = tpu.memref_squeeze %dma_start3A_70 : memref<1x10112xf32, #tpu.memory_space<vmem_shared>> -> memref<10112xf32, #tpu.memory_space<vmem_shared>>
        %dma_start3A_72 = tpu.memref_slice %dma_start3A_71[%mul3A_18] : memref<10112xf32, #tpu.memory_space<vmem_shared>> -> memref<640xf32, #tpu.memory_space<vmem_shared>>
        tpu.enqueue_dma source(%dma_start3A_72 : memref<640xf32, #tpu.memory_space<vmem_shared>>) target(%dma_start3A_68 : memref<640xf32, #tpu.memory_space<vmem>>) target_semaphore(%run_scoped3A_55 : memref<!tpu.dma_semaphore, #tpu.memory_space<semaphore_mem>>)
        %dma_wait3A = arith.constant 0 : i32
        %dma_wait3A_73 = tpu.memref_slice %arg6[%run_scoped3A_39, %dma_wait3A] : memref<16x640xf32, #tpu.memory_space<vmem>> -> memref<1x640xf32, #tpu.memory_space<vmem>>
        %dma_wait3A_74 = tpu.memref_squeeze %dma_wait3A_73 : memref<1x640xf32, #tpu.memory_space<vmem>> -> memref<640xf32, #tpu.memory_space<vmem>>
        %dma_wait3A_75 = arith.constant 0 : i32
        %dma_wait3A_76 = tpu.memref_slice %dma_wait3A_74[%dma_wait3A_75] : memref<640xf32, #tpu.memory_space<vmem>> -> memref<640xf32, #tpu.memory_space<vmem>>
        %dma_wait3A_77 = arith.constant 0 : i32
        %dma_wait3A_78 = tpu.memref_slice %arg7[%run_scoped3A_38, %dma_wait3A_77] : memref<16x10112xf32, #tpu.memory_space<vmem_shared>> -> memref<1x10112xf32, #tpu.memory_space<vmem_shared>>
        %dma_wait3A_79 = tpu.memref_squeeze %dma_wait3A_78 : memref<1x10112xf32, #tpu.memory_space<vmem_shared>> -> memref<10112xf32, #tpu.memory_space<vmem_shared>>
        %dma_wait3A_80 = tpu.memref_slice %dma_wait3A_79[%mul3A_18] : memref<10112xf32, #tpu.memory_space<vmem_shared>> -> memref<640xf32, #tpu.memory_space<vmem_shared>>
        %dma_wait3A_81 = arith.constant 0 : i32
        %dma_wait3A_82 = tpu.memref_slice %arg6[%run_scoped3A_39, %dma_wait3A_81] : memref<16x640xf32, #tpu.memory_space<vmem>> -> memref<1x640xf32, #tpu.memory_space<vmem>>
        %dma_wait3A_83 = tpu.memref_squeeze %dma_wait3A_82 : memref<1x640xf32, #tpu.memory_space<vmem>> -> memref<640xf32, #tpu.memory_space<vmem>>
        %dma_wait3A_84 = arith.constant 0 : i32
        %dma_wait3A_85 = tpu.memref_slice %dma_wait3A_83[%dma_wait3A_84] : memref<640xf32, #tpu.memory_space<vmem>> -> memref<640xf32, #tpu.memory_space<vmem>>
        %dma_wait3A_86 = arith.constant 0 : i32
        %dma_wait3A_87 = tpu.memref_slice %arg7[%run_scoped3A_38, %dma_wait3A_86] : memref<16x10112xf32, #tpu.memory_space<vmem_shared>> -> memref<1x10112xf32, #tpu.memory_space<vmem_shared>>
        %dma_wait3A_88 = tpu.memref_squeeze %dma_wait3A_87 : memref<1x10112xf32, #tpu.memory_space<vmem_shared>> -> memref<10112xf32, #tpu.memory_space<vmem_shared>>
        %dma_wait3A_89 = tpu.memref_slice %dma_wait3A_88[%mul3A_18] : memref<10112xf32, #tpu.memory_space<vmem_shared>> -> memref<640xf32, #tpu.memory_space<vmem_shared>>
        tpu.wait_dma2 semaphore(%run_scoped3A_55 : memref<!tpu.dma_semaphore, #tpu.memory_space<semaphore_mem>>) src(%dma_wait3A_89 : memref<640xf32, #tpu.memory_space<vmem_shared>>) dst(%dma_wait3A_85 : memref<640xf32, #tpu.memory_space<vmem>>)
        tpu.yield
      }) : () -> ()
      %run_scoped3A_40 = arith.constant 11 : i32
      %run_scoped3A_41 = arith.constant 11 : i32
      "tpu.region"() ({
        %run_scoped3A_55 = tpu.sem_alloc : memref<!tpu.dma_semaphore, #tpu.memory_space<semaphore_mem>>
        %dma_start3A = arith.constant 0 : i32
        %dma_start3A_56 = tpu.memref_slice %arg6[%run_scoped3A_41, %dma_start3A] : memref<16x640xf32, #tpu.memory_space<vmem>> -> memref<1x640xf32, #tpu.memory_space<vmem>>
        %dma_start3A_57 = tpu.memref_squeeze %dma_start3A_56 : memref<1x640xf32, #tpu.memory_space<vmem>> -> memref<640xf32, #tpu.memory_space<vmem>>
        %dma_start3A_58 = arith.constant 0 : i32
        %dma_start3A_59 = tpu.memref_slice %dma_start3A_57[%dma_start3A_58] : memref<640xf32, #tpu.memory_space<vmem>> -> memref<640xf32, #tpu.memory_space<vmem>>
        %dma_start3A_60 = arith.constant 0 : i32
        %dma_start3A_61 = tpu.memref_slice %arg7[%run_scoped3A_40, %dma_start3A_60] : memref<16x10112xf32, #tpu.memory_space<vmem_shared>> -> memref<1x10112xf32, #tpu.memory_space<vmem_shared>>
        %dma_start3A_62 = tpu.memref_squeeze %dma_start3A_61 : memref<1x10112xf32, #tpu.memory_space<vmem_shared>> -> memref<10112xf32, #tpu.memory_space<vmem_shared>>
        %dma_start3A_63 = tpu.memref_slice %dma_start3A_62[%mul3A_18] : memref<10112xf32, #tpu.memory_space<vmem_shared>> -> memref<640xf32, #tpu.memory_space<vmem_shared>>
        %dma_start3A_64 = arith.constant 0 : i32
        %dma_start3A_65 = tpu.memref_slice %arg6[%run_scoped3A_41, %dma_start3A_64] : memref<16x640xf32, #tpu.memory_space<vmem>> -> memref<1x640xf32, #tpu.memory_space<vmem>>
        %dma_start3A_66 = tpu.memref_squeeze %dma_start3A_65 : memref<1x640xf32, #tpu.memory_space<vmem>> -> memref<640xf32, #tpu.memory_space<vmem>>
        %dma_start3A_67 = arith.constant 0 : i32
        %dma_start3A_68 = tpu.memref_slice %dma_start3A_66[%dma_start3A_67] : memref<640xf32, #tpu.memory_space<vmem>> -> memref<640xf32, #tpu.memory_space<vmem>>
        %dma_start3A_69 = arith.constant 0 : i32
        %dma_start3A_70 = tpu.memref_slice %arg7[%run_scoped3A_40, %dma_start3A_69] : memref<16x10112xf32, #tpu.memory_space<vmem_shared>> -> memref<1x10112xf32, #tpu.memory_space<vmem_shared>>
        %dma_start3A_71 = tpu.memref_squeeze %dma_start3A_70 : memref<1x10112xf32, #tpu.memory_space<vmem_shared>> -> memref<10112xf32, #tpu.memory_space<vmem_shared>>
        %dma_start3A_72 = tpu.memref_slice %dma_start3A_71[%mul3A_18] : memref<10112xf32, #tpu.memory_space<vmem_shared>> -> memref<640xf32, #tpu.memory_space<vmem_shared>>
        tpu.enqueue_dma source(%dma_start3A_72 : memref<640xf32, #tpu.memory_space<vmem_shared>>) target(%dma_start3A_68 : memref<640xf32, #tpu.memory_space<vmem>>) target_semaphore(%run_scoped3A_55 : memref<!tpu.dma_semaphore, #tpu.memory_space<semaphore_mem>>)
        %dma_wait3A = arith.constant 0 : i32
        %dma_wait3A_73 = tpu.memref_slice %arg6[%run_scoped3A_41, %dma_wait3A] : memref<16x640xf32, #tpu.memory_space<vmem>> -> memref<1x640xf32, #tpu.memory_space<vmem>>
        %dma_wait3A_74 = tpu.memref_squeeze %dma_wait3A_73 : memref<1x640xf32, #tpu.memory_space<vmem>> -> memref<640xf32, #tpu.memory_space<vmem>>
        %dma_wait3A_75 = arith.constant 0 : i32
        %dma_wait3A_76 = tpu.memref_slice %dma_wait3A_74[%dma_wait3A_75] : memref<640xf32, #tpu.memory_space<vmem>> -> memref<640xf32, #tpu.memory_space<vmem>>
        %dma_wait3A_77 = arith.constant 0 : i32
        %dma_wait3A_78 = tpu.memref_slice %arg7[%run_scoped3A_40, %dma_wait3A_77] : memref<16x10112xf32, #tpu.memory_space<vmem_shared>> -> memref<1x10112xf32, #tpu.memory_space<vmem_shared>>
        %dma_wait3A_79 = tpu.memref_squeeze %dma_wait3A_78 : memref<1x10112xf32, #tpu.memory_space<vmem_shared>> -> memref<10112xf32, #tpu.memory_space<vmem_shared>>
        %dma_wait3A_80 = tpu.memref_slice %dma_wait3A_79[%mul3A_18] : memref<10112xf32, #tpu.memory_space<vmem_shared>> -> memref<640xf32, #tpu.memory_space<vmem_shared>>
        %dma_wait3A_81 = arith.constant 0 : i32
        %dma_wait3A_82 = tpu.memref_slice %arg6[%run_scoped3A_41, %dma_wait3A_81] : memref<16x640xf32, #tpu.memory_space<vmem>> -> memref<1x640xf32, #tpu.memory_space<vmem>>
        %dma_wait3A_83 = tpu.memref_squeeze %dma_wait3A_82 : memref<1x640xf32, #tpu.memory_space<vmem>> -> memref<640xf32, #tpu.memory_space<vmem>>
        %dma_wait3A_84 = arith.constant 0 : i32
        %dma_wait3A_85 = tpu.memref_slice %dma_wait3A_83[%dma_wait3A_84] : memref<640xf32, #tpu.memory_space<vmem>> -> memref<640xf32, #tpu.memory_space<vmem>>
        %dma_wait3A_86 = arith.constant 0 : i32
        %dma_wait3A_87 = tpu.memref_slice %arg7[%run_scoped3A_40, %dma_wait3A_86] : memref<16x10112xf32, #tpu.memory_space<vmem_shared>> -> memref<1x10112xf32, #tpu.memory_space<vmem_shared>>
        %dma_wait3A_88 = tpu.memref_squeeze %dma_wait3A_87 : memref<1x10112xf32, #tpu.memory_space<vmem_shared>> -> memref<10112xf32, #tpu.memory_space<vmem_shared>>
        %dma_wait3A_89 = tpu.memref_slice %dma_wait3A_88[%mul3A_18] : memref<10112xf32, #tpu.memory_space<vmem_shared>> -> memref<640xf32, #tpu.memory_space<vmem_shared>>
        tpu.wait_dma2 semaphore(%run_scoped3A_55 : memref<!tpu.dma_semaphore, #tpu.memory_space<semaphore_mem>>) src(%dma_wait3A_89 : memref<640xf32, #tpu.memory_space<vmem_shared>>) dst(%dma_wait3A_85 : memref<640xf32, #tpu.memory_space<vmem>>)
        tpu.yield
      }) : () -> ()
      %run_scoped3A_42 = arith.constant 12 : i32
      %run_scoped3A_43 = arith.constant 12 : i32
      "tpu.region"() ({
        %run_scoped3A_55 = tpu.sem_alloc : memref<!tpu.dma_semaphore, #tpu.memory_space<semaphore_mem>>
        %dma_start3A = arith.constant 0 : i32
        %dma_start3A_56 = tpu.memref_slice %arg6[%run_scoped3A_43, %dma_start3A] : memref<16x640xf32, #tpu.memory_space<vmem>> -> memref<1x640xf32, #tpu.memory_space<vmem>>
        %dma_start3A_57 = tpu.memref_squeeze %dma_start3A_56 : memref<1x640xf32, #tpu.memory_space<vmem>> -> memref<640xf32, #tpu.memory_space<vmem>>
        %dma_start3A_58 = arith.constant 0 : i32
        %dma_start3A_59 = tpu.memref_slice %dma_start3A_57[%dma_start3A_58] : memref<640xf32, #tpu.memory_space<vmem>> -> memref<640xf32, #tpu.memory_space<vmem>>
        %dma_start3A_60 = arith.constant 0 : i32
        %dma_start3A_61 = tpu.memref_slice %arg7[%run_scoped3A_42, %dma_start3A_60] : memref<16x10112xf32, #tpu.memory_space<vmem_shared>> -> memref<1x10112xf32, #tpu.memory_space<vmem_shared>>
        %dma_start3A_62 = tpu.memref_squeeze %dma_start3A_61 : memref<1x10112xf32, #tpu.memory_space<vmem_shared>> -> memref<10112xf32, #tpu.memory_space<vmem_shared>>
        %dma_start3A_63 = tpu.memref_slice %dma_start3A_62[%mul3A_18] : memref<10112xf32, #tpu.memory_space<vmem_shared>> -> memref<640xf32, #tpu.memory_space<vmem_shared>>
        %dma_start3A_64 = arith.constant 0 : i32
        %dma_start3A_65 = tpu.memref_slice %arg6[%run_scoped3A_43, %dma_start3A_64] : memref<16x640xf32, #tpu.memory_space<vmem>> -> memref<1x640xf32, #tpu.memory_space<vmem>>
        %dma_start3A_66 = tpu.memref_squeeze %dma_start3A_65 : memref<1x640xf32, #tpu.memory_space<vmem>> -> memref<640xf32, #tpu.memory_space<vmem>>
        %dma_start3A_67 = arith.constant 0 : i32
        %dma_start3A_68 = tpu.memref_slice %dma_start3A_66[%dma_start3A_67] : memref<640xf32, #tpu.memory_space<vmem>> -> memref<640xf32, #tpu.memory_space<vmem>>
        %dma_start3A_69 = arith.constant 0 : i32
        %dma_start3A_70 = tpu.memref_slice %arg7[%run_scoped3A_42, %dma_start3A_69] : memref<16x10112xf32, #tpu.memory_space<vmem_shared>> -> memref<1x10112xf32, #tpu.memory_space<vmem_shared>>
        %dma_start3A_71 = tpu.memref_squeeze %dma_start3A_70 : memref<1x10112xf32, #tpu.memory_space<vmem_shared>> -> memref<10112xf32, #tpu.memory_space<vmem_shared>>
        %dma_start3A_72 = tpu.memref_slice %dma_start3A_71[%mul3A_18] : memref<10112xf32, #tpu.memory_space<vmem_shared>> -> memref<640xf32, #tpu.memory_space<vmem_shared>>
        tpu.enqueue_dma source(%dma_start3A_72 : memref<640xf32, #tpu.memory_space<vmem_shared>>) target(%dma_start3A_68 : memref<640xf32, #tpu.memory_space<vmem>>) target_semaphore(%run_scoped3A_55 : memref<!tpu.dma_semaphore, #tpu.memory_space<semaphore_mem>>)
        %dma_wait3A = arith.constant 0 : i32
        %dma_wait3A_73 = tpu.memref_slice %arg6[%run_scoped3A_43, %dma_wait3A] : memref<16x640xf32, #tpu.memory_space<vmem>> -> memref<1x640xf32, #tpu.memory_space<vmem>>
        %dma_wait3A_74 = tpu.memref_squeeze %dma_wait3A_73 : memref<1x640xf32, #tpu.memory_space<vmem>> -> memref<640xf32, #tpu.memory_space<vmem>>
        %dma_wait3A_75 = arith.constant 0 : i32
        %dma_wait3A_76 = tpu.memref_slice %dma_wait3A_74[%dma_wait3A_75] : memref<640xf32, #tpu.memory_space<vmem>> -> memref<640xf32, #tpu.memory_space<vmem>>
        %dma_wait3A_77 = arith.constant 0 : i32
        %dma_wait3A_78 = tpu.memref_slice %arg7[%run_scoped3A_42, %dma_wait3A_77] : memref<16x10112xf32, #tpu.memory_space<vmem_shared>> -> memref<1x10112xf32, #tpu.memory_space<vmem_shared>>
        %dma_wait3A_79 = tpu.memref_squeeze %dma_wait3A_78 : memref<1x10112xf32, #tpu.memory_space<vmem_shared>> -> memref<10112xf32, #tpu.memory_space<vmem_shared>>
        %dma_wait3A_80 = tpu.memref_slice %dma_wait3A_79[%mul3A_18] : memref<10112xf32, #tpu.memory_space<vmem_shared>> -> memref<640xf32, #tpu.memory_space<vmem_shared>>
        %dma_wait3A_81 = arith.constant 0 : i32
        %dma_wait3A_82 = tpu.memref_slice %arg6[%run_scoped3A_43, %dma_wait3A_81] : memref<16x640xf32, #tpu.memory_space<vmem>> -> memref<1x640xf32, #tpu.memory_space<vmem>>
        %dma_wait3A_83 = tpu.memref_squeeze %dma_wait3A_82 : memref<1x640xf32, #tpu.memory_space<vmem>> -> memref<640xf32, #tpu.memory_space<vmem>>
        %dma_wait3A_84 = arith.constant 0 : i32
        %dma_wait3A_85 = tpu.memref_slice %dma_wait3A_83[%dma_wait3A_84] : memref<640xf32, #tpu.memory_space<vmem>> -> memref<640xf32, #tpu.memory_space<vmem>>
        %dma_wait3A_86 = arith.constant 0 : i32
        %dma_wait3A_87 = tpu.memref_slice %arg7[%run_scoped3A_42, %dma_wait3A_86] : memref<16x10112xf32, #tpu.memory_space<vmem_shared>> -> memref<1x10112xf32, #tpu.memory_space<vmem_shared>>
        %dma_wait3A_88 = tpu.memref_squeeze %dma_wait3A_87 : memref<1x10112xf32, #tpu.memory_space<vmem_shared>> -> memref<10112xf32, #tpu.memory_space<vmem_shared>>
        %dma_wait3A_89 = tpu.memref_slice %dma_wait3A_88[%mul3A_18] : memref<10112xf32, #tpu.memory_space<vmem_shared>> -> memref<640xf32, #tpu.memory_space<vmem_shared>>
        tpu.wait_dma2 semaphore(%run_scoped3A_55 : memref<!tpu.dma_semaphore, #tpu.memory_space<semaphore_mem>>) src(%dma_wait3A_89 : memref<640xf32, #tpu.memory_space<vmem_shared>>) dst(%dma_wait3A_85 : memref<640xf32, #tpu.memory_space<vmem>>)
        tpu.yield
      }) : () -> ()
      %run_scoped3A_44 = arith.constant 13 : i32
      %run_scoped3A_45 = arith.constant 13 : i32
      "tpu.region"() ({
        %run_scoped3A_55 = tpu.sem_alloc : memref<!tpu.dma_semaphore, #tpu.memory_space<semaphore_mem>>
        %dma_start3A = arith.constant 0 : i32
        %dma_start3A_56 = tpu.memref_slice %arg6[%run_scoped3A_45, %dma_start3A] : memref<16x640xf32, #tpu.memory_space<vmem>> -> memref<1x640xf32, #tpu.memory_space<vmem>>
        %dma_start3A_57 = tpu.memref_squeeze %dma_start3A_56 : memref<1x640xf32, #tpu.memory_space<vmem>> -> memref<640xf32, #tpu.memory_space<vmem>>
        %dma_start3A_58 = arith.constant 0 : i32
        %dma_start3A_59 = tpu.memref_slice %dma_start3A_57[%dma_start3A_58] : memref<640xf32, #tpu.memory_space<vmem>> -> memref<640xf32, #tpu.memory_space<vmem>>
        %dma_start3A_60 = arith.constant 0 : i32
        %dma_start3A_61 = tpu.memref_slice %arg7[%run_scoped3A_44, %dma_start3A_60] : memref<16x10112xf32, #tpu.memory_space<vmem_shared>> -> memref<1x10112xf32, #tpu.memory_space<vmem_shared>>
        %dma_start3A_62 = tpu.memref_squeeze %dma_start3A_61 : memref<1x10112xf32, #tpu.memory_space<vmem_shared>> -> memref<10112xf32, #tpu.memory_space<vmem_shared>>
        %dma_start3A_63 = tpu.memref_slice %dma_start3A_62[%mul3A_18] : memref<10112xf32, #tpu.memory_space<vmem_shared>> -> memref<640xf32, #tpu.memory_space<vmem_shared>>
        %dma_start3A_64 = arith.constant 0 : i32
        %dma_start3A_65 = tpu.memref_slice %arg6[%run_scoped3A_45, %dma_start3A_64] : memref<16x640xf32, #tpu.memory_space<vmem>> -> memref<1x640xf32, #tpu.memory_space<vmem>>
        %dma_start3A_66 = tpu.memref_squeeze %dma_start3A_65 : memref<1x640xf32, #tpu.memory_space<vmem>> -> memref<640xf32, #tpu.memory_space<vmem>>
        %dma_start3A_67 = arith.constant 0 : i32
        %dma_start3A_68 = tpu.memref_slice %dma_start3A_66[%dma_start3A_67] : memref<640xf32, #tpu.memory_space<vmem>> -> memref<640xf32, #tpu.memory_space<vmem>>
        %dma_start3A_69 = arith.constant 0 : i32
        %dma_start3A_70 = tpu.memref_slice %arg7[%run_scoped3A_44, %dma_start3A_69] : memref<16x10112xf32, #tpu.memory_space<vmem_shared>> -> memref<1x10112xf32, #tpu.memory_space<vmem_shared>>
        %dma_start3A_71 = tpu.memref_squeeze %dma_start3A_70 : memref<1x10112xf32, #tpu.memory_space<vmem_shared>> -> memref<10112xf32, #tpu.memory_space<vmem_shared>>
        %dma_start3A_72 = tpu.memref_slice %dma_start3A_71[%mul3A_18] : memref<10112xf32, #tpu.memory_space<vmem_shared>> -> memref<640xf32, #tpu.memory_space<vmem_shared>>
        tpu.enqueue_dma source(%dma_start3A_72 : memref<640xf32, #tpu.memory_space<vmem_shared>>) target(%dma_start3A_68 : memref<640xf32, #tpu.memory_space<vmem>>) target_semaphore(%run_scoped3A_55 : memref<!tpu.dma_semaphore, #tpu.memory_space<semaphore_mem>>)
        %dma_wait3A = arith.constant 0 : i32
        %dma_wait3A_73 = tpu.memref_slice %arg6[%run_scoped3A_45, %dma_wait3A] : memref<16x640xf32, #tpu.memory_space<vmem>> -> memref<1x640xf32, #tpu.memory_space<vmem>>
        %dma_wait3A_74 = tpu.memref_squeeze %dma_wait3A_73 : memref<1x640xf32, #tpu.memory_space<vmem>> -> memref<640xf32, #tpu.memory_space<vmem>>
        %dma_wait3A_75 = arith.constant 0 : i32
        %dma_wait3A_76 = tpu.memref_slice %dma_wait3A_74[%dma_wait3A_75] : memref<640xf32, #tpu.memory_space<vmem>> -> memref<640xf32, #tpu.memory_space<vmem>>
        %dma_wait3A_77 = arith.constant 0 : i32
        %dma_wait3A_78 = tpu.memref_slice %arg7[%run_scoped3A_44, %dma_wait3A_77] : memref<16x10112xf32, #tpu.memory_space<vmem_shared>> -> memref<1x10112xf32, #tpu.memory_space<vmem_shared>>
        %dma_wait3A_79 = tpu.memref_squeeze %dma_wait3A_78 : memref<1x10112xf32, #tpu.memory_space<vmem_shared>> -> memref<10112xf32, #tpu.memory_space<vmem_shared>>
        %dma_wait3A_80 = tpu.memref_slice %dma_wait3A_79[%mul3A_18] : memref<10112xf32, #tpu.memory_space<vmem_shared>> -> memref<640xf32, #tpu.memory_space<vmem_shared>>
        %dma_wait3A_81 = arith.constant 0 : i32
        %dma_wait3A_82 = tpu.memref_slice %arg6[%run_scoped3A_45, %dma_wait3A_81] : memref<16x640xf32, #tpu.memory_space<vmem>> -> memref<1x640xf32, #tpu.memory_space<vmem>>
        %dma_wait3A_83 = tpu.memref_squeeze %dma_wait3A_82 : memref<1x640xf32, #tpu.memory_space<vmem>> -> memref<640xf32, #tpu.memory_space<vmem>>
        %dma_wait3A_84 = arith.constant 0 : i32
        %dma_wait3A_85 = tpu.memref_slice %dma_wait3A_83[%dma_wait3A_84] : memref<640xf32, #tpu.memory_space<vmem>> -> memref<640xf32, #tpu.memory_space<vmem>>
        %dma_wait3A_86 = arith.constant 0 : i32
        %dma_wait3A_87 = tpu.memref_slice %arg7[%run_scoped3A_44, %dma_wait3A_86] : memref<16x10112xf32, #tpu.memory_space<vmem_shared>> -> memref<1x10112xf32, #tpu.memory_space<vmem_shared>>
        %dma_wait3A_88 = tpu.memref_squeeze %dma_wait3A_87 : memref<1x10112xf32, #tpu.memory_space<vmem_shared>> -> memref<10112xf32, #tpu.memory_space<vmem_shared>>
        %dma_wait3A_89 = tpu.memref_slice %dma_wait3A_88[%mul3A_18] : memref<10112xf32, #tpu.memory_space<vmem_shared>> -> memref<640xf32, #tpu.memory_space<vmem_shared>>
        tpu.wait_dma2 semaphore(%run_scoped3A_55 : memref<!tpu.dma_semaphore, #tpu.memory_space<semaphore_mem>>) src(%dma_wait3A_89 : memref<640xf32, #tpu.memory_space<vmem_shared>>) dst(%dma_wait3A_85 : memref<640xf32, #tpu.memory_space<vmem>>)
        tpu.yield
      }) : () -> ()
      %run_scoped3A_46 = arith.constant 14 : i32
      %run_scoped3A_47 = arith.constant 14 : i32
      "tpu.region"() ({
        %run_scoped3A_55 = tpu.sem_alloc : memref<!tpu.dma_semaphore, #tpu.memory_space<semaphore_mem>>
        %dma_start3A = arith.constant 0 : i32
        %dma_start3A_56 = tpu.memref_slice %arg6[%run_scoped3A_47, %dma_start3A] : memref<16x640xf32, #tpu.memory_space<vmem>> -> memref<1x640xf32, #tpu.memory_space<vmem>>
        %dma_start3A_57 = tpu.memref_squeeze %dma_start3A_56 : memref<1x640xf32, #tpu.memory_space<vmem>> -> memref<640xf32, #tpu.memory_space<vmem>>
        %dma_start3A_58 = arith.constant 0 : i32
        %dma_start3A_59 = tpu.memref_slice %dma_start3A_57[%dma_start3A_58] : memref<640xf32, #tpu.memory_space<vmem>> -> memref<640xf32, #tpu.memory_space<vmem>>
        %dma_start3A_60 = arith.constant 0 : i32
        %dma_start3A_61 = tpu.memref_slice %arg7[%run_scoped3A_46, %dma_start3A_60] : memref<16x10112xf32, #tpu.memory_space<vmem_shared>> -> memref<1x10112xf32, #tpu.memory_space<vmem_shared>>
        %dma_start3A_62 = tpu.memref_squeeze %dma_start3A_61 : memref<1x10112xf32, #tpu.memory_space<vmem_shared>> -> memref<10112xf32, #tpu.memory_space<vmem_shared>>
        %dma_start3A_63 = tpu.memref_slice %dma_start3A_62[%mul3A_18] : memref<10112xf32, #tpu.memory_space<vmem_shared>> -> memref<640xf32, #tpu.memory_space<vmem_shared>>
        %dma_start3A_64 = arith.constant 0 : i32
        %dma_start3A_65 = tpu.memref_slice %arg6[%run_scoped3A_47, %dma_start3A_64] : memref<16x640xf32, #tpu.memory_space<vmem>> -> memref<1x640xf32, #tpu.memory_space<vmem>>
        %dma_start3A_66 = tpu.memref_squeeze %dma_start3A_65 : memref<1x640xf32, #tpu.memory_space<vmem>> -> memref<640xf32, #tpu.memory_space<vmem>>
        %dma_start3A_67 = arith.constant 0 : i32
        %dma_start3A_68 = tpu.memref_slice %dma_start3A_66[%dma_start3A_67] : memref<640xf32, #tpu.memory_space<vmem>> -> memref<640xf32, #tpu.memory_space<vmem>>
        %dma_start3A_69 = arith.constant 0 : i32
        %dma_start3A_70 = tpu.memref_slice %arg7[%run_scoped3A_46, %dma_start3A_69] : memref<16x10112xf32, #tpu.memory_space<vmem_shared>> -> memref<1x10112xf32, #tpu.memory_space<vmem_shared>>
        %dma_start3A_71 = tpu.memref_squeeze %dma_start3A_70 : memref<1x10112xf32, #tpu.memory_space<vmem_shared>> -> memref<10112xf32, #tpu.memory_space<vmem_shared>>
        %dma_start3A_72 = tpu.memref_slice %dma_start3A_71[%mul3A_18] : memref<10112xf32, #tpu.memory_space<vmem_shared>> -> memref<640xf32, #tpu.memory_space<vmem_shared>>
        tpu.enqueue_dma source(%dma_start3A_72 : memref<640xf32, #tpu.memory_space<vmem_shared>>) target(%dma_start3A_68 : memref<640xf32, #tpu.memory_space<vmem>>) target_semaphore(%run_scoped3A_55 : memref<!tpu.dma_semaphore, #tpu.memory_space<semaphore_mem>>)
        %dma_wait3A = arith.constant 0 : i32
        %dma_wait3A_73 = tpu.memref_slice %arg6[%run_scoped3A_47, %dma_wait3A] : memref<16x640xf32, #tpu.memory_space<vmem>> -> memref<1x640xf32, #tpu.memory_space<vmem>>
        %dma_wait3A_74 = tpu.memref_squeeze %dma_wait3A_73 : memref<1x640xf32, #tpu.memory_space<vmem>> -> memref<640xf32, #tpu.memory_space<vmem>>
        %dma_wait3A_75 = arith.constant 0 : i32
        %dma_wait3A_76 = tpu.memref_slice %dma_wait3A_74[%dma_wait3A_75] : memref<640xf32, #tpu.memory_space<vmem>> -> memref<640xf32, #tpu.memory_space<vmem>>
        %dma_wait3A_77 = arith.constant 0 : i32
        %dma_wait3A_78 = tpu.memref_slice %arg7[%run_scoped3A_46, %dma_wait3A_77] : memref<16x10112xf32, #tpu.memory_space<vmem_shared>> -> memref<1x10112xf32, #tpu.memory_space<vmem_shared>>
        %dma_wait3A_79 = tpu.memref_squeeze %dma_wait3A_78 : memref<1x10112xf32, #tpu.memory_space<vmem_shared>> -> memref<10112xf32, #tpu.memory_space<vmem_shared>>
        %dma_wait3A_80 = tpu.memref_slice %dma_wait3A_79[%mul3A_18] : memref<10112xf32, #tpu.memory_space<vmem_shared>> -> memref<640xf32, #tpu.memory_space<vmem_shared>>
        %dma_wait3A_81 = arith.constant 0 : i32
        %dma_wait3A_82 = tpu.memref_slice %arg6[%run_scoped3A_47, %dma_wait3A_81] : memref<16x640xf32, #tpu.memory_space<vmem>> -> memref<1x640xf32, #tpu.memory_space<vmem>>
        %dma_wait3A_83 = tpu.memref_squeeze %dma_wait3A_82 : memref<1x640xf32, #tpu.memory_space<vmem>> -> memref<640xf32, #tpu.memory_space<vmem>>
        %dma_wait3A_84 = arith.constant 0 : i32
        %dma_wait3A_85 = tpu.memref_slice %dma_wait3A_83[%dma_wait3A_84] : memref<640xf32, #tpu.memory_space<vmem>> -> memref<640xf32, #tpu.memory_space<vmem>>
        %dma_wait3A_86 = arith.constant 0 : i32
        %dma_wait3A_87 = tpu.memref_slice %arg7[%run_scoped3A_46, %dma_wait3A_86] : memref<16x10112xf32, #tpu.memory_space<vmem_shared>> -> memref<1x10112xf32, #tpu.memory_space<vmem_shared>>
        %dma_wait3A_88 = tpu.memref_squeeze %dma_wait3A_87 : memref<1x10112xf32, #tpu.memory_space<vmem_shared>> -> memref<10112xf32, #tpu.memory_space<vmem_shared>>
        %dma_wait3A_89 = tpu.memref_slice %dma_wait3A_88[%mul3A_18] : memref<10112xf32, #tpu.memory_space<vmem_shared>> -> memref<640xf32, #tpu.memory_space<vmem_shared>>
        tpu.wait_dma2 semaphore(%run_scoped3A_55 : memref<!tpu.dma_semaphore, #tpu.memory_space<semaphore_mem>>) src(%dma_wait3A_89 : memref<640xf32, #tpu.memory_space<vmem_shared>>) dst(%dma_wait3A_85 : memref<640xf32, #tpu.memory_space<vmem>>)
        tpu.yield
      }) : () -> ()
      %run_scoped3A_48 = arith.constant 15 : i32
      %run_scoped3A_49 = arith.constant 15 : i32
      "tpu.region"() ({
        %run_scoped3A_55 = tpu.sem_alloc : memref<!tpu.dma_semaphore, #tpu.memory_space<semaphore_mem>>
        %dma_start3A = arith.constant 0 : i32
        %dma_start3A_56 = tpu.memref_slice %arg6[%run_scoped3A_49, %dma_start3A] : memref<16x640xf32, #tpu.memory_space<vmem>> -> memref<1x640xf32, #tpu.memory_space<vmem>>
        %dma_start3A_57 = tpu.memref_squeeze %dma_start3A_56 : memref<1x640xf32, #tpu.memory_space<vmem>> -> memref<640xf32, #tpu.memory_space<vmem>>
        %dma_start3A_58 = arith.constant 0 : i32
        %dma_start3A_59 = tpu.memref_slice %dma_start3A_57[%dma_start3A_58] : memref<640xf32, #tpu.memory_space<vmem>> -> memref<640xf32, #tpu.memory_space<vmem>>
        %dma_start3A_60 = arith.constant 0 : i32
        %dma_start3A_61 = tpu.memref_slice %arg7[%run_scoped3A_48, %dma_start3A_60] : memref<16x10112xf32, #tpu.memory_space<vmem_shared>> -> memref<1x10112xf32, #tpu.memory_space<vmem_shared>>
        %dma_start3A_62 = tpu.memref_squeeze %dma_start3A_61 : memref<1x10112xf32, #tpu.memory_space<vmem_shared>> -> memref<10112xf32, #tpu.memory_space<vmem_shared>>
        %dma_start3A_63 = tpu.memref_slice %dma_start3A_62[%mul3A_18] : memref<10112xf32, #tpu.memory_space<vmem_shared>> -> memref<640xf32, #tpu.memory_space<vmem_shared>>
        %dma_start3A_64 = arith.constant 0 : i32
        %dma_start3A_65 = tpu.memref_slice %arg6[%run_scoped3A_49, %dma_start3A_64] : memref<16x640xf32, #tpu.memory_space<vmem>> -> memref<1x640xf32, #tpu.memory_space<vmem>>
        %dma_start3A_66 = tpu.memref_squeeze %dma_start3A_65 : memref<1x640xf32, #tpu.memory_space<vmem>> -> memref<640xf32, #tpu.memory_space<vmem>>
        %dma_start3A_67 = arith.constant 0 : i32
        %dma_start3A_68 = tpu.memref_slice %dma_start3A_66[%dma_start3A_67] : memref<640xf32, #tpu.memory_space<vmem>> -> memref<640xf32, #tpu.memory_space<vmem>>
        %dma_start3A_69 = arith.constant 0 : i32
        %dma_start3A_70 = tpu.memref_slice %arg7[%run_scoped3A_48, %dma_start3A_69] : memref<16x10112xf32, #tpu.memory_space<vmem_shared>> -> memref<1x10112xf32, #tpu.memory_space<vmem_shared>>
        %dma_start3A_71 = tpu.memref_squeeze %dma_start3A_70 : memref<1x10112xf32, #tpu.memory_space<vmem_shared>> -> memref<10112xf32, #tpu.memory_space<vmem_shared>>
        %dma_start3A_72 = tpu.memref_slice %dma_start3A_71[%mul3A_18] : memref<10112xf32, #tpu.memory_space<vmem_shared>> -> memref<640xf32, #tpu.memory_space<vmem_shared>>
        tpu.enqueue_dma source(%dma_start3A_72 : memref<640xf32, #tpu.memory_space<vmem_shared>>) target(%dma_start3A_68 : memref<640xf32, #tpu.memory_space<vmem>>) target_semaphore(%run_scoped3A_55 : memref<!tpu.dma_semaphore, #tpu.memory_space<semaphore_mem>>)
        %dma_wait3A = arith.constant 0 : i32
        %dma_wait3A_73 = tpu.memref_slice %arg6[%run_scoped3A_49, %dma_wait3A] : memref<16x640xf32, #tpu.memory_space<vmem>> -> memref<1x640xf32, #tpu.memory_space<vmem>>
        %dma_wait3A_74 = tpu.memref_squeeze %dma_wait3A_73 : memref<1x640xf32, #tpu.memory_space<vmem>> -> memref<640xf32, #tpu.memory_space<vmem>>
        %dma_wait3A_75 = arith.constant 0 : i32
        %dma_wait3A_76 = tpu.memref_slice %dma_wait3A_74[%dma_wait3A_75] : memref<640xf32, #tpu.memory_space<vmem>> -> memref<640xf32, #tpu.memory_space<vmem>>
        %dma_wait3A_77 = arith.constant 0 : i32
        %dma_wait3A_78 = tpu.memref_slice %arg7[%run_scoped3A_48, %dma_wait3A_77] : memref<16x10112xf32, #tpu.memory_space<vmem_shared>> -> memref<1x10112xf32, #tpu.memory_space<vmem_shared>>
        %dma_wait3A_79 = tpu.memref_squeeze %dma_wait3A_78 : memref<1x10112xf32, #tpu.memory_space<vmem_shared>> -> memref<10112xf32, #tpu.memory_space<vmem_shared>>
        %dma_wait3A_80 = tpu.memref_slice %dma_wait3A_79[%mul3A_18] : memref<10112xf32, #tpu.memory_space<vmem_shared>> -> memref<640xf32, #tpu.memory_space<vmem_shared>>
        %dma_wait3A_81 = arith.constant 0 : i32
        %dma_wait3A_82 = tpu.memref_slice %arg6[%run_scoped3A_49, %dma_wait3A_81] : memref<16x640xf32, #tpu.memory_space<vmem>> -> memref<1x640xf32, #tpu.memory_space<vmem>>
        %dma_wait3A_83 = tpu.memref_squeeze %dma_wait3A_82 : memref<1x640xf32, #tpu.memory_space<vmem>> -> memref<640xf32, #tpu.memory_space<vmem>>
        %dma_wait3A_84 = arith.constant 0 : i32
        %dma_wait3A_85 = tpu.memref_slice %dma_wait3A_83[%dma_wait3A_84] : memref<640xf32, #tpu.memory_space<vmem>> -> memref<640xf32, #tpu.memory_space<vmem>>
        %dma_wait3A_86 = arith.constant 0 : i32
        %dma_wait3A_87 = tpu.memref_slice %arg7[%run_scoped3A_48, %dma_wait3A_86] : memref<16x10112xf32, #tpu.memory_space<vmem_shared>> -> memref<1x10112xf32, #tpu.memory_space<vmem_shared>>
        %dma_wait3A_88 = tpu.memref_squeeze %dma_wait3A_87 : memref<1x10112xf32, #tpu.memory_space<vmem_shared>> -> memref<10112xf32, #tpu.memory_space<vmem_shared>>
        %dma_wait3A_89 = tpu.memref_slice %dma_wait3A_88[%mul3A_18] : memref<10112xf32, #tpu.memory_space<vmem_shared>> -> memref<640xf32, #tpu.memory_space<vmem_shared>>
        tpu.wait_dma2 semaphore(%run_scoped3A_55 : memref<!tpu.dma_semaphore, #tpu.memory_space<semaphore_mem>>) src(%dma_wait3A_89 : memref<640xf32, #tpu.memory_space<vmem_shared>>) dst(%dma_wait3A_85 : memref<640xf32, #tpu.memory_space<vmem>>)
        tpu.yield
      }) : () -> ()
      %scan3A_50 = arith.constant 0 : i32
      %scan3A_51 = arith.constant 40 : i32
      %scan3A_52 = arith.addi %scan3A_50, %scan3A_51 : i32
      %scan3A_53 = arith.constant 1 : i32
      scf.for %scan3A_55 = %scan3A_50 to %scan3A_52 step %scan3A_53  : i32 {
        %mul3A_56 = arith.constant 16 : i32
        %mul3A_57 = arith.muli %scan3A_55, %mul3A_56 : i32
        %add3A_58 = arith.constant 0 : i32
        %add3A_59 = arith.addi %add3A_58, %mul3A_57 : i32
        %broadcast_in_dim3A_60 = arith.constant 0.000000e+00 : f32
        %broadcast_in_dim3A_61 = vector.broadcast %broadcast_in_dim3A_60 : f32 to vector<16xf32>
        %get3A = arith.constant 0 : i32
        %get3A_62 = arith.index_cast %get3A : i32 to index
        %get3A_63 = arith.index_cast %add3A_59 : i32 to index
        %get3A_64 = tpu.vector_load %arg6[%get3A_62, %get3A_63] {strides = array<i32>} : memref<16x640xf32, #tpu.memory_space<vmem>>, vector<16xf32>,
        %add3A_65 = arith.addf %broadcast_in_dim3A_61, %get3A_64 : vector<16xf32>
        %get3A_66 = arith.constant 1 : i32
        %get3A_67 = arith.index_cast %get3A_66 : i32 to index
        %get3A_68 = arith.index_cast %add3A_59 : i32 to index
        %get3A_69 = tpu.vector_load %arg6[%get3A_67, %get3A_68] {strides = array<i32>} : memref<16x640xf32, #tpu.memory_space<vmem>>, vector<16xf32>,
        %add3A_70 = arith.addf %add3A_65, %get3A_69 : vector<16xf32>
        %get3A_71 = arith.constant 2 : i32
        %get3A_72 = arith.index_cast %get3A_71 : i32 to index
        %get3A_73 = arith.index_cast %add3A_59 : i32 to index
        %get3A_74 = tpu.vector_load %arg6[%get3A_72, %get3A_73] {strides = array<i32>} : memref<16x640xf32, #tpu.memory_space<vmem>>, vector<16xf32>,
        %add3A_75 = arith.addf %add3A_70, %get3A_74 : vector<16xf32>
        %get3A_76 = arith.constant 3 : i32
        %get3A_77 = arith.index_cast %get3A_76 : i32 to index
        %get3A_78 = arith.index_cast %add3A_59 : i32 to index
        %get3A_79 = tpu.vector_load %arg6[%get3A_77, %get3A_78] {strides = array<i32>} : memref<16x640xf32, #tpu.memory_space<vmem>>, vector<16xf32>,
        %add3A_80 = arith.addf %add3A_75, %get3A_79 : vector<16xf32>
        %get3A_81 = arith.constant 4 : i32
        %get3A_82 = arith.index_cast %get3A_81 : i32 to index
        %get3A_83 = arith.index_cast %add3A_59 : i32 to index
        %get3A_84 = tpu.vector_load %arg6[%get3A_82, %get3A_83] {strides = array<i32>} : memref<16x640xf32, #tpu.memory_space<vmem>>, vector<16xf32>,
        %add3A_85 = arith.addf %add3A_80, %get3A_84 : vector<16xf32>
        %get3A_86 = arith.constant 5 : i32
        %get3A_87 = arith.index_cast %get3A_86 : i32 to index
        %get3A_88 = arith.index_cast %add3A_59 : i32 to index
        %get3A_89 = tpu.vector_load %arg6[%get3A_87, %get3A_88] {strides = array<i32>} : memref<16x640xf32, #tpu.memory_space<vmem>>, vector<16xf32>,
        %add3A_90 = arith.addf %add3A_85, %get3A_89 : vector<16xf32>
        %get3A_91 = arith.constant 6 : i32
        %get3A_92 = arith.index_cast %get3A_91 : i32 to index
        %get3A_93 = arith.index_cast %add3A_59 : i32 to index
        %get3A_94 = tpu.vector_load %arg6[%get3A_92, %get3A_93] {strides = array<i32>} : memref<16x640xf32, #tpu.memory_space<vmem>>, vector<16xf32>,
        %add3A_95 = arith.addf %add3A_90, %get3A_94 : vector<16xf32>
        %get3A_96 = arith.constant 7 : i32
        %get3A_97 = arith.index_cast %get3A_96 : i32 to index
        %get3A_98 = arith.index_cast %add3A_59 : i32 to index
        %get3A_99 = tpu.vector_load %arg6[%get3A_97, %get3A_98] {strides = array<i32>} : memref<16x640xf32, #tpu.memory_space<vmem>>, vector<16xf32>,
        %add3A_100 = arith.addf %add3A_95, %get3A_99 : vector<16xf32>
        %get3A_101 = arith.constant 8 : i32
        %get3A_102 = arith.index_cast %get3A_101 : i32 to index
        %get3A_103 = arith.index_cast %add3A_59 : i32 to index
        %get3A_104 = tpu.vector_load %arg6[%get3A_102, %get3A_103] {strides = array<i32>} : memref<16x640xf32, #tpu.memory_space<vmem>>, vector<16xf32>,
        %add3A_105 = arith.addf %add3A_100, %get3A_104 : vector<16xf32>
        %get3A_106 = arith.constant 9 : i32
        %get3A_107 = arith.index_cast %get3A_106 : i32 to index
        %get3A_108 = arith.index_cast %add3A_59 : i32 to index
        %get3A_109 = tpu.vector_load %arg6[%get3A_107, %get3A_108] {strides = array<i32>} : memref<16x640xf32, #tpu.memory_space<vmem>>, vector<16xf32>,
        %add3A_110 = arith.addf %add3A_105, %get3A_109 : vector<16xf32>
        %get3A_111 = arith.constant 10 : i32
        %get3A_112 = arith.index_cast %get3A_111 : i32 to index
        %get3A_113 = arith.index_cast %add3A_59 : i32 to index
        %get3A_114 = tpu.vector_load %arg6[%get3A_112, %get3A_113] {strides = array<i32>} : memref<16x640xf32, #tpu.memory_space<vmem>>, vector<16xf32>,
        %add3A_115 = arith.addf %add3A_110, %get3A_114 : vector<16xf32>
        %get3A_116 = arith.constant 11 : i32
        %get3A_117 = arith.index_cast %get3A_116 : i32 to index
        %get3A_118 = arith.index_cast %add3A_59 : i32 to index
        %get3A_119 = tpu.vector_load %arg6[%get3A_117, %get3A_118] {strides = array<i32>} : memref<16x640xf32, #tpu.memory_space<vmem>>, vector<16xf32>,
        %add3A_120 = arith.addf %add3A_115, %get3A_119 : vector<16xf32>
        %get3A_121 = arith.constant 12 : i32
        %get3A_122 = arith.index_cast %get3A_121 : i32 to index
        %get3A_123 = arith.index_cast %add3A_59 : i32 to index
        %get3A_124 = tpu.vector_load %arg6[%get3A_122, %get3A_123] {strides = array<i32>} : memref<16x640xf32, #tpu.memory_space<vmem>>, vector<16xf32>,
        %add3A_125 = arith.addf %add3A_120, %get3A_124 : vector<16xf32>
        %get3A_126 = arith.constant 13 : i32
        %get3A_127 = arith.index_cast %get3A_126 : i32 to index
        %get3A_128 = arith.index_cast %add3A_59 : i32 to index
        %get3A_129 = tpu.vector_load %arg6[%get3A_127, %get3A_128] {strides = array<i32>} : memref<16x640xf32, #tpu.memory_space<vmem>>, vector<16xf32>,
        %add3A_130 = arith.addf %add3A_125, %get3A_129 : vector<16xf32>
        %get3A_131 = arith.constant 14 : i32
        %get3A_132 = arith.index_cast %get3A_131 : i32 to index
        %get3A_133 = arith.index_cast %add3A_59 : i32 to index
        %get3A_134 = tpu.vector_load %arg6[%get3A_132, %get3A_133] {strides = array<i32>} : memref<16x640xf32, #tpu.memory_space<vmem>>, vector<16xf32>,
        %add3A_135 = arith.addf %add3A_130, %get3A_134 : vector<16xf32>
        %get3A_136 = arith.constant 15 : i32
        %get3A_137 = arith.index_cast %get3A_136 : i32 to index
        %get3A_138 = arith.index_cast %add3A_59 : i32 to index
        %get3A_139 = tpu.vector_load %arg6[%get3A_137, %get3A_138] {strides = array<i32>} : memref<16x640xf32, #tpu.memory_space<vmem>>, vector<16xf32>,
        %add3A_140 = arith.addf %add3A_135, %get3A_139 : vector<16xf32>
        %swap3A = arith.index_cast %add3A_59 : i32 to index
        %swap3A_141 = tpu.vector_load %arg5[%swap3A] {strides = array<i32>} : memref<10112xf32, #tpu.memory_space<vmem>>, vector<16xf32>,
        tpu.vector_store %arg5[%swap3A], %add3A_140 {strides = array<i32>} : memref<10112xf32, #tpu.memory_space<vmem>>, vector<16xf32>,
      }
      %scan3A_54 = arith.constant 40 : i32
      "tpu.region"() ({
        %run_scoped3A_55 = tpu.sem_alloc : memref<!tpu.dma_semaphore, #tpu.memory_space<semaphore_mem>>
        %dma_start3A = arith.constant 0 : i32
        %dma_start3A_56 = tpu.memref_slice %arg5[%dma_start3A] : memref<10112xf32, #tpu.memory_space<vmem>> -> memref<640xf32, #tpu.memory_space<vmem>>
        %dma_start3A_57 = arith.constant 0 : i32
        %dma_start3A_58 = tpu.memref_slice %arg3[%arg0, %dma_start3A_57] : memref<2x10112xf32, #tpu.memory_space<hbm>> -> memref<1x10112xf32, #tpu.memory_space<hbm>>
        %dma_start3A_59 = tpu.memref_squeeze %dma_start3A_58 : memref<1x10112xf32, #tpu.memory_space<hbm>> -> memref<10112xf32, #tpu.memory_space<hbm>>
        %dma_start3A_60 = tpu.memref_slice %dma_start3A_59[%mul3A_18] : memref<10112xf32, #tpu.memory_space<hbm>> -> memref<640xf32, #tpu.memory_space<hbm>>
        %dma_start3A_61 = arith.constant 0 : i32
        %dma_start3A_62 = tpu.memref_slice %arg3[%arg0, %dma_start3A_61] : memref<2x10112xf32, #tpu.memory_space<hbm>> -> memref<1x10112xf32, #tpu.memory_space<hbm>>
        %dma_start3A_63 = tpu.memref_squeeze %dma_start3A_62 : memref<1x10112xf32, #tpu.memory_space<hbm>> -> memref<10112xf32, #tpu.memory_space<hbm>>
        %dma_start3A_64 = tpu.memref_slice %dma_start3A_63[%mul3A_18] : memref<10112xf32, #tpu.memory_space<hbm>> -> memref<640xf32, #tpu.memory_space<hbm>>
        %dma_start3A_65 = arith.constant 0 : i32
        %dma_start3A_66 = tpu.memref_slice %arg5[%dma_start3A_65] : memref<10112xf32, #tpu.memory_space<vmem>> -> memref<640xf32, #tpu.memory_space<vmem>>
        tpu.enqueue_dma source(%dma_start3A_66 : memref<640xf32, #tpu.memory_space<vmem>>) target(%dma_start3A_64 : memref<640xf32, #tpu.memory_space<hbm>>) target_semaphore(%run_scoped3A_55 : memref<!tpu.dma_semaphore, #tpu.memory_space<semaphore_mem>>)
        %dma_wait3A = arith.constant 0 : i32
        %dma_wait3A_67 = tpu.memref_slice %arg5[%dma_wait3A] : memref<10112xf32, #tpu.memory_space<vmem>> -> memref<640xf32, #tpu.memory_space<vmem>>
        %dma_wait3A_68 = arith.constant 0 : i32
        %dma_wait3A_69 = tpu.memref_slice %arg3[%arg0, %dma_wait3A_68] : memref<2x10112xf32, #tpu.memory_space<hbm>> -> memref<1x10112xf32, #tpu.memory_space<hbm>>
        %dma_wait3A_70 = tpu.memref_squeeze %dma_wait3A_69 : memref<1x10112xf32, #tpu.memory_space<hbm>> -> memref<10112xf32, #tpu.memory_space<hbm>>
        %dma_wait3A_71 = tpu.memref_slice %dma_wait3A_70[%mul3A_18] : memref<10112xf32, #tpu.memory_space<hbm>> -> memref<640xf32, #tpu.memory_space<hbm>>
        %dma_wait3A_72 = arith.constant 0 : i32
        %dma_wait3A_73 = tpu.memref_slice %arg3[%arg0, %dma_wait3A_72] : memref<2x10112xf32, #tpu.memory_space<hbm>> -> memref<1x10112xf32, #tpu.memory_space<hbm>>
        %dma_wait3A_74 = tpu.memref_squeeze %dma_wait3A_73 : memref<1x10112xf32, #tpu.memory_space<hbm>> -> memref<10112xf32, #tpu.memory_space<hbm>>
        %dma_wait3A_75 = tpu.memref_slice %dma_wait3A_74[%mul3A_18] : memref<10112xf32, #tpu.memory_space<hbm>> -> memref<640xf32, #tpu.memory_space<hbm>>
        %dma_wait3A_76 = arith.constant 0 : i32
        %dma_wait3A_77 = tpu.memref_slice %arg5[%dma_wait3A_76] : memref<10112xf32, #tpu.memory_space<vmem>> -> memref<640xf32, #tpu.memory_space<vmem>>
        tpu.wait_dma2 semaphore(%run_scoped3A_55 : memref<!tpu.dma_semaphore, #tpu.memory_space<semaphore_mem>>) src(%dma_wait3A_77 : memref<640xf32, #tpu.memory_space<vmem>>) dst(%dma_wait3A_75 : memref<640xf32, #tpu.memory_space<hbm>>)
        tpu.yield
      }) : () -> ()
    } else {
    }
    %eq3A = arith.constant 15 : i32
    %eq3A_13 = arith.cmpi eq, %arg1, %eq3A : i32
    %convert_element_type3A_14 = arith.extui %eq3A_13 : i1 to i32
    %cond3A_15 = arith.constant 0 : i32
    %cond3A_16 = arith.cmpi ne, %convert_element_type3A_14, %cond3A_15 : i32
    scf.if %cond3A_16 {
      %run_scoped3A = arith.constant 0 : i32
      %run_scoped3A_17 = arith.constant 0 : i32
      "tpu.region"() ({
        %run_scoped3A_53 = tpu.sem_alloc : memref<!tpu.dma_semaphore, #tpu.memory_space<semaphore_mem>>
        %dma_start3A = arith.constant 0 : i32
        %dma_start3A_54 = tpu.memref_slice %arg6[%run_scoped3A_17, %dma_start3A] : memref<16x640xf32, #tpu.memory_space<vmem>> -> memref<1x640xf32, #tpu.memory_space<vmem>>
        %dma_start3A_55 = tpu.memref_squeeze %dma_start3A_54 : memref<1x640xf32, #tpu.memory_space<vmem>> -> memref<640xf32, #tpu.memory_space<vmem>>
        %dma_start3A_56 = arith.constant 0 : i32
        %dma_start3A_57 = tpu.memref_slice %dma_start3A_55[%dma_start3A_56] : memref<640xf32, #tpu.memory_space<vmem>> -> memref<512xf32, #tpu.memory_space<vmem>>
        %dma_start3A_58 = arith.constant 0 : i32
        %dma_start3A_59 = tpu.memref_slice %arg7[%run_scoped3A, %dma_start3A_58] : memref<16x10112xf32, #tpu.memory_space<vmem_shared>> -> memref<1x10112xf32, #tpu.memory_space<vmem_shared>>
        %dma_start3A_60 = tpu.memref_squeeze %dma_start3A_59 : memref<1x10112xf32, #tpu.memory_space<vmem_shared>> -> memref<10112xf32, #tpu.memory_space<vmem_shared>>
        %dma_start3A_61 = arith.constant 9600 : i32
        %dma_start3A_62 = tpu.memref_slice %dma_start3A_60[%dma_start3A_61] : memref<10112xf32, #tpu.memory_space<vmem_shared>> -> memref<512xf32, #tpu.memory_space<vmem_shared>>
        %dma_start3A_63 = arith.constant 0 : i32
        %dma_start3A_64 = tpu.memref_slice %arg6[%run_scoped3A_17, %dma_start3A_63] : memref<16x640xf32, #tpu.memory_space<vmem>> -> memref<1x640xf32, #tpu.memory_space<vmem>>
        %dma_start3A_65 = tpu.memref_squeeze %dma_start3A_64 : memref<1x640xf32, #tpu.memory_space<vmem>> -> memref<640xf32, #tpu.memory_space<vmem>>
        %dma_start3A_66 = arith.constant 0 : i32
        %dma_start3A_67 = tpu.memref_slice %dma_start3A_65[%dma_start3A_66] : memref<640xf32, #tpu.memory_space<vmem>> -> memref<512xf32, #tpu.memory_space<vmem>>
        %dma_start3A_68 = arith.constant 0 : i32
        %dma_start3A_69 = tpu.memref_slice %arg7[%run_scoped3A, %dma_start3A_68] : memref<16x10112xf32, #tpu.memory_space<vmem_shared>> -> memref<1x10112xf32, #tpu.memory_space<vmem_shared>>
        %dma_start3A_70 = tpu.memref_squeeze %dma_start3A_69 : memref<1x10112xf32, #tpu.memory_space<vmem_shared>> -> memref<10112xf32, #tpu.memory_space<vmem_shared>>
        %dma_start3A_71 = arith.constant 9600 : i32
        %dma_start3A_72 = tpu.memref_slice %dma_start3A_70[%dma_start3A_71] : memref<10112xf32, #tpu.memory_space<vmem_shared>> -> memref<512xf32, #tpu.memory_space<vmem_shared>>
        tpu.enqueue_dma source(%dma_start3A_72 : memref<512xf32, #tpu.memory_space<vmem_shared>>) target(%dma_start3A_67 : memref<512xf32, #tpu.memory_space<vmem>>) target_semaphore(%run_scoped3A_53 : memref<!tpu.dma_semaphore, #tpu.memory_space<semaphore_mem>>)
        %dma_wait3A = arith.constant 0 : i32
        %dma_wait3A_73 = tpu.memref_slice %arg6[%run_scoped3A_17, %dma_wait3A] : memref<16x640xf32, #tpu.memory_space<vmem>> -> memref<1x640xf32, #tpu.memory_space<vmem>>
        %dma_wait3A_74 = tpu.memref_squeeze %dma_wait3A_73 : memref<1x640xf32, #tpu.memory_space<vmem>> -> memref<640xf32, #tpu.memory_space<vmem>>
        %dma_wait3A_75 = arith.constant 0 : i32
        %dma_wait3A_76 = tpu.memref_slice %dma_wait3A_74[%dma_wait3A_75] : memref<640xf32, #tpu.memory_space<vmem>> -> memref<512xf32, #tpu.memory_space<vmem>>
        %dma_wait3A_77 = arith.constant 0 : i32
        %dma_wait3A_78 = tpu.memref_slice %arg7[%run_scoped3A, %dma_wait3A_77] : memref<16x10112xf32, #tpu.memory_space<vmem_shared>> -> memref<1x10112xf32, #tpu.memory_space<vmem_shared>>
        %dma_wait3A_79 = tpu.memref_squeeze %dma_wait3A_78 : memref<1x10112xf32, #tpu.memory_space<vmem_shared>> -> memref<10112xf32, #tpu.memory_space<vmem_shared>>
        %dma_wait3A_80 = arith.constant 9600 : i32
        %dma_wait3A_81 = tpu.memref_slice %dma_wait3A_79[%dma_wait3A_80] : memref<10112xf32, #tpu.memory_space<vmem_shared>> -> memref<512xf32, #tpu.memory_space<vmem_shared>>
        %dma_wait3A_82 = arith.constant 0 : i32
        %dma_wait3A_83 = tpu.memref_slice %arg6[%run_scoped3A_17, %dma_wait3A_82] : memref<16x640xf32, #tpu.memory_space<vmem>> -> memref<1x640xf32, #tpu.memory_space<vmem>>
        %dma_wait3A_84 = tpu.memref_squeeze %dma_wait3A_83 : memref<1x640xf32, #tpu.memory_space<vmem>> -> memref<640xf32, #tpu.memory_space<vmem>>
        %dma_wait3A_85 = arith.constant 0 : i32
        %dma_wait3A_86 = tpu.memref_slice %dma_wait3A_84[%dma_wait3A_85] : memref<640xf32, #tpu.memory_space<vmem>> -> memref<512xf32, #tpu.memory_space<vmem>>
        %dma_wait3A_87 = arith.constant 0 : i32
        %dma_wait3A_88 = tpu.memref_slice %arg7[%run_scoped3A, %dma_wait3A_87] : memref<16x10112xf32, #tpu.memory_space<vmem_shared>> -> memref<1x10112xf32, #tpu.memory_space<vmem_shared>>
        %dma_wait3A_89 = tpu.memref_squeeze %dma_wait3A_88 : memref<1x10112xf32, #tpu.memory_space<vmem_shared>> -> memref<10112xf32, #tpu.memory_space<vmem_shared>>
        %dma_wait3A_90 = arith.constant 9600 : i32
        %dma_wait3A_91 = tpu.memref_slice %dma_wait3A_89[%dma_wait3A_90] : memref<10112xf32, #tpu.memory_space<vmem_shared>> -> memref<512xf32, #tpu.memory_space<vmem_shared>>
        tpu.wait_dma2 semaphore(%run_scoped3A_53 : memref<!tpu.dma_semaphore, #tpu.memory_space<semaphore_mem>>) src(%dma_wait3A_91 : memref<512xf32, #tpu.memory_space<vmem_shared>>) dst(%dma_wait3A_86 : memref<512xf32, #tpu.memory_space<vmem>>)
        tpu.yield
      }) : () -> ()
      %run_scoped3A_18 = arith.constant 1 : i32
      %run_scoped3A_19 = arith.constant 1 : i32
      "tpu.region"() ({
        %run_scoped3A_53 = tpu.sem_alloc : memref<!tpu.dma_semaphore, #tpu.memory_space<semaphore_mem>>
        %dma_start3A = arith.constant 0 : i32
        %dma_start3A_54 = tpu.memref_slice %arg6[%run_scoped3A_19, %dma_start3A] : memref<16x640xf32, #tpu.memory_space<vmem>> -> memref<1x640xf32, #tpu.memory_space<vmem>>
        %dma_start3A_55 = tpu.memref_squeeze %dma_start3A_54 : memref<1x640xf32, #tpu.memory_space<vmem>> -> memref<640xf32, #tpu.memory_space<vmem>>
        %dma_start3A_56 = arith.constant 0 : i32
        %dma_start3A_57 = tpu.memref_slice %dma_start3A_55[%dma_start3A_56] : memref<640xf32, #tpu.memory_space<vmem>> -> memref<512xf32, #tpu.memory_space<vmem>>
        %dma_start3A_58 = arith.constant 0 : i32
        %dma_start3A_59 = tpu.memref_slice %arg7[%run_scoped3A_18, %dma_start3A_58] : memref<16x10112xf32, #tpu.memory_space<vmem_shared>> -> memref<1x10112xf32, #tpu.memory_space<vmem_shared>>
        %dma_start3A_60 = tpu.memref_squeeze %dma_start3A_59 : memref<1x10112xf32, #tpu.memory_space<vmem_shared>> -> memref<10112xf32, #tpu.memory_space<vmem_shared>>
        %dma_start3A_61 = arith.constant 9600 : i32
        %dma_start3A_62 = tpu.memref_slice %dma_start3A_60[%dma_start3A_61] : memref<10112xf32, #tpu.memory_space<vmem_shared>> -> memref<512xf32, #tpu.memory_space<vmem_shared>>
        %dma_start3A_63 = arith.constant 0 : i32
        %dma_start3A_64 = tpu.memref_slice %arg6[%run_scoped3A_19, %dma_start3A_63] : memref<16x640xf32, #tpu.memory_space<vmem>> -> memref<1x640xf32, #tpu.memory_space<vmem>>
        %dma_start3A_65 = tpu.memref_squeeze %dma_start3A_64 : memref<1x640xf32, #tpu.memory_space<vmem>> -> memref<640xf32, #tpu.memory_space<vmem>>
        %dma_start3A_66 = arith.constant 0 : i32
        %dma_start3A_67 = tpu.memref_slice %dma_start3A_65[%dma_start3A_66] : memref<640xf32, #tpu.memory_space<vmem>> -> memref<512xf32, #tpu.memory_space<vmem>>
        %dma_start3A_68 = arith.constant 0 : i32
        %dma_start3A_69 = tpu.memref_slice %arg7[%run_scoped3A_18, %dma_start3A_68] : memref<16x10112xf32, #tpu.memory_space<vmem_shared>> -> memref<1x10112xf32, #tpu.memory_space<vmem_shared>>
        %dma_start3A_70 = tpu.memref_squeeze %dma_start3A_69 : memref<1x10112xf32, #tpu.memory_space<vmem_shared>> -> memref<10112xf32, #tpu.memory_space<vmem_shared>>
        %dma_start3A_71 = arith.constant 9600 : i32
        %dma_start3A_72 = tpu.memref_slice %dma_start3A_70[%dma_start3A_71] : memref<10112xf32, #tpu.memory_space<vmem_shared>> -> memref<512xf32, #tpu.memory_space<vmem_shared>>
        tpu.enqueue_dma source(%dma_start3A_72 : memref<512xf32, #tpu.memory_space<vmem_shared>>) target(%dma_start3A_67 : memref<512xf32, #tpu.memory_space<vmem>>) target_semaphore(%run_scoped3A_53 : memref<!tpu.dma_semaphore, #tpu.memory_space<semaphore_mem>>)
        %dma_wait3A = arith.constant 0 : i32
        %dma_wait3A_73 = tpu.memref_slice %arg6[%run_scoped3A_19, %dma_wait3A] : memref<16x640xf32, #tpu.memory_space<vmem>> -> memref<1x640xf32, #tpu.memory_space<vmem>>
        %dma_wait3A_74 = tpu.memref_squeeze %dma_wait3A_73 : memref<1x640xf32, #tpu.memory_space<vmem>> -> memref<640xf32, #tpu.memory_space<vmem>>
        %dma_wait3A_75 = arith.constant 0 : i32
        %dma_wait3A_76 = tpu.memref_slice %dma_wait3A_74[%dma_wait3A_75] : memref<640xf32, #tpu.memory_space<vmem>> -> memref<512xf32, #tpu.memory_space<vmem>>
        %dma_wait3A_77 = arith.constant 0 : i32
        %dma_wait3A_78 = tpu.memref_slice %arg7[%run_scoped3A_18, %dma_wait3A_77] : memref<16x10112xf32, #tpu.memory_space<vmem_shared>> -> memref<1x10112xf32, #tpu.memory_space<vmem_shared>>
        %dma_wait3A_79 = tpu.memref_squeeze %dma_wait3A_78 : memref<1x10112xf32, #tpu.memory_space<vmem_shared>> -> memref<10112xf32, #tpu.memory_space<vmem_shared>>
        %dma_wait3A_80 = arith.constant 9600 : i32
        %dma_wait3A_81 = tpu.memref_slice %dma_wait3A_79[%dma_wait3A_80] : memref<10112xf32, #tpu.memory_space<vmem_shared>> -> memref<512xf32, #tpu.memory_space<vmem_shared>>
        %dma_wait3A_82 = arith.constant 0 : i32
        %dma_wait3A_83 = tpu.memref_slice %arg6[%run_scoped3A_19, %dma_wait3A_82] : memref<16x640xf32, #tpu.memory_space<vmem>> -> memref<1x640xf32, #tpu.memory_space<vmem>>
        %dma_wait3A_84 = tpu.memref_squeeze %dma_wait3A_83 : memref<1x640xf32, #tpu.memory_space<vmem>> -> memref<640xf32, #tpu.memory_space<vmem>>
        %dma_wait3A_85 = arith.constant 0 : i32
        %dma_wait3A_86 = tpu.memref_slice %dma_wait3A_84[%dma_wait3A_85] : memref<640xf32, #tpu.memory_space<vmem>> -> memref<512xf32, #tpu.memory_space<vmem>>
        %dma_wait3A_87 = arith.constant 0 : i32
        %dma_wait3A_88 = tpu.memref_slice %arg7[%run_scoped3A_18, %dma_wait3A_87] : memref<16x10112xf32, #tpu.memory_space<vmem_shared>> -> memref<1x10112xf32, #tpu.memory_space<vmem_shared>>
        %dma_wait3A_89 = tpu.memref_squeeze %dma_wait3A_88 : memref<1x10112xf32, #tpu.memory_space<vmem_shared>> -> memref<10112xf32, #tpu.memory_space<vmem_shared>>
        %dma_wait3A_90 = arith.constant 9600 : i32
        %dma_wait3A_91 = tpu.memref_slice %dma_wait3A_89[%dma_wait3A_90] : memref<10112xf32, #tpu.memory_space<vmem_shared>> -> memref<512xf32, #tpu.memory_space<vmem_shared>>
        tpu.wait_dma2 semaphore(%run_scoped3A_53 : memref<!tpu.dma_semaphore, #tpu.memory_space<semaphore_mem>>) src(%dma_wait3A_91 : memref<512xf32, #tpu.memory_space<vmem_shared>>) dst(%dma_wait3A_86 : memref<512xf32, #tpu.memory_space<vmem>>)
        tpu.yield
      }) : () -> ()
      %run_scoped3A_20 = arith.constant 2 : i32
      %run_scoped3A_21 = arith.constant 2 : i32
      "tpu.region"() ({
        %run_scoped3A_53 = tpu.sem_alloc : memref<!tpu.dma_semaphore, #tpu.memory_space<semaphore_mem>>
        %dma_start3A = arith.constant 0 : i32
        %dma_start3A_54 = tpu.memref_slice %arg6[%run_scoped3A_21, %dma_start3A] : memref<16x640xf32, #tpu.memory_space<vmem>> -> memref<1x640xf32, #tpu.memory_space<vmem>>
        %dma_start3A_55 = tpu.memref_squeeze %dma_start3A_54 : memref<1x640xf32, #tpu.memory_space<vmem>> -> memref<640xf32, #tpu.memory_space<vmem>>
        %dma_start3A_56 = arith.constant 0 : i32
        %dma_start3A_57 = tpu.memref_slice %dma_start3A_55[%dma_start3A_56] : memref<640xf32, #tpu.memory_space<vmem>> -> memref<512xf32, #tpu.memory_space<vmem>>
        %dma_start3A_58 = arith.constant 0 : i32
        %dma_start3A_59 = tpu.memref_slice %arg7[%run_scoped3A_20, %dma_start3A_58] : memref<16x10112xf32, #tpu.memory_space<vmem_shared>> -> memref<1x10112xf32, #tpu.memory_space<vmem_shared>>
        %dma_start3A_60 = tpu.memref_squeeze %dma_start3A_59 : memref<1x10112xf32, #tpu.memory_space<vmem_shared>> -> memref<10112xf32, #tpu.memory_space<vmem_shared>>
        %dma_start3A_61 = arith.constant 9600 : i32
        %dma_start3A_62 = tpu.memref_slice %dma_start3A_60[%dma_start3A_61] : memref<10112xf32, #tpu.memory_space<vmem_shared>> -> memref<512xf32, #tpu.memory_space<vmem_shared>>
        %dma_start3A_63 = arith.constant 0 : i32
        %dma_start3A_64 = tpu.memref_slice %arg6[%run_scoped3A_21, %dma_start3A_63] : memref<16x640xf32, #tpu.memory_space<vmem>> -> memref<1x640xf32, #tpu.memory_space<vmem>>
        %dma_start3A_65 = tpu.memref_squeeze %dma_start3A_64 : memref<1x640xf32, #tpu.memory_space<vmem>> -> memref<640xf32, #tpu.memory_space<vmem>>
        %dma_start3A_66 = arith.constant 0 : i32
        %dma_start3A_67 = tpu.memref_slice %dma_start3A_65[%dma_start3A_66] : memref<640xf32, #tpu.memory_space<vmem>> -> memref<512xf32, #tpu.memory_space<vmem>>
        %dma_start3A_68 = arith.constant 0 : i32
        %dma_start3A_69 = tpu.memref_slice %arg7[%run_scoped3A_20, %dma_start3A_68] : memref<16x10112xf32, #tpu.memory_space<vmem_shared>> -> memref<1x10112xf32, #tpu.memory_space<vmem_shared>>
        %dma_start3A_70 = tpu.memref_squeeze %dma_start3A_69 : memref<1x10112xf32, #tpu.memory_space<vmem_shared>> -> memref<10112xf32, #tpu.memory_space<vmem_shared>>
        %dma_start3A_71 = arith.constant 9600 : i32
        %dma_start3A_72 = tpu.memref_slice %dma_start3A_70[%dma_start3A_71] : memref<10112xf32, #tpu.memory_space<vmem_shared>> -> memref<512xf32, #tpu.memory_space<vmem_shared>>
        tpu.enqueue_dma source(%dma_start3A_72 : memref<512xf32, #tpu.memory_space<vmem_shared>>) target(%dma_start3A_67 : memref<512xf32, #tpu.memory_space<vmem>>) target_semaphore(%run_scoped3A_53 : memref<!tpu.dma_semaphore, #tpu.memory_space<semaphore_mem>>)
        %dma_wait3A = arith.constant 0 : i32
        %dma_wait3A_73 = tpu.memref_slice %arg6[%run_scoped3A_21, %dma_wait3A] : memref<16x640xf32, #tpu.memory_space<vmem>> -> memref<1x640xf32, #tpu.memory_space<vmem>>
        %dma_wait3A_74 = tpu.memref_squeeze %dma_wait3A_73 : memref<1x640xf32, #tpu.memory_space<vmem>> -> memref<640xf32, #tpu.memory_space<vmem>>
        %dma_wait3A_75 = arith.constant 0 : i32
        %dma_wait3A_76 = tpu.memref_slice %dma_wait3A_74[%dma_wait3A_75] : memref<640xf32, #tpu.memory_space<vmem>> -> memref<512xf32, #tpu.memory_space<vmem>>
        %dma_wait3A_77 = arith.constant 0 : i32
        %dma_wait3A_78 = tpu.memref_slice %arg7[%run_scoped3A_20, %dma_wait3A_77] : memref<16x10112xf32, #tpu.memory_space<vmem_shared>> -> memref<1x10112xf32, #tpu.memory_space<vmem_shared>>
        %dma_wait3A_79 = tpu.memref_squeeze %dma_wait3A_78 : memref<1x10112xf32, #tpu.memory_space<vmem_shared>> -> memref<10112xf32, #tpu.memory_space<vmem_shared>>
        %dma_wait3A_80 = arith.constant 9600 : i32
        %dma_wait3A_81 = tpu.memref_slice %dma_wait3A_79[%dma_wait3A_80] : memref<10112xf32, #tpu.memory_space<vmem_shared>> -> memref<512xf32, #tpu.memory_space<vmem_shared>>
        %dma_wait3A_82 = arith.constant 0 : i32
        %dma_wait3A_83 = tpu.memref_slice %arg6[%run_scoped3A_21, %dma_wait3A_82] : memref<16x640xf32, #tpu.memory_space<vmem>> -> memref<1x640xf32, #tpu.memory_space<vmem>>
        %dma_wait3A_84 = tpu.memref_squeeze %dma_wait3A_83 : memref<1x640xf32, #tpu.memory_space<vmem>> -> memref<640xf32, #tpu.memory_space<vmem>>
        %dma_wait3A_85 = arith.constant 0 : i32
        %dma_wait3A_86 = tpu.memref_slice %dma_wait3A_84[%dma_wait3A_85] : memref<640xf32, #tpu.memory_space<vmem>> -> memref<512xf32, #tpu.memory_space<vmem>>
        %dma_wait3A_87 = arith.constant 0 : i32
        %dma_wait3A_88 = tpu.memref_slice %arg7[%run_scoped3A_20, %dma_wait3A_87] : memref<16x10112xf32, #tpu.memory_space<vmem_shared>> -> memref<1x10112xf32, #tpu.memory_space<vmem_shared>>
        %dma_wait3A_89 = tpu.memref_squeeze %dma_wait3A_88 : memref<1x10112xf32, #tpu.memory_space<vmem_shared>> -> memref<10112xf32, #tpu.memory_space<vmem_shared>>
        %dma_wait3A_90 = arith.constant 9600 : i32
        %dma_wait3A_91 = tpu.memref_slice %dma_wait3A_89[%dma_wait3A_90] : memref<10112xf32, #tpu.memory_space<vmem_shared>> -> memref<512xf32, #tpu.memory_space<vmem_shared>>
        tpu.wait_dma2 semaphore(%run_scoped3A_53 : memref<!tpu.dma_semaphore, #tpu.memory_space<semaphore_mem>>) src(%dma_wait3A_91 : memref<512xf32, #tpu.memory_space<vmem_shared>>) dst(%dma_wait3A_86 : memref<512xf32, #tpu.memory_space<vmem>>)
        tpu.yield
      }) : () -> ()
      %run_scoped3A_22 = arith.constant 3 : i32
      %run_scoped3A_23 = arith.constant 3 : i32
      "tpu.region"() ({
        %run_scoped3A_53 = tpu.sem_alloc : memref<!tpu.dma_semaphore, #tpu.memory_space<semaphore_mem>>
        %dma_start3A = arith.constant 0 : i32
        %dma_start3A_54 = tpu.memref_slice %arg6[%run_scoped3A_23, %dma_start3A] : memref<16x640xf32, #tpu.memory_space<vmem>> -> memref<1x640xf32, #tpu.memory_space<vmem>>
        %dma_start3A_55 = tpu.memref_squeeze %dma_start3A_54 : memref<1x640xf32, #tpu.memory_space<vmem>> -> memref<640xf32, #tpu.memory_space<vmem>>
        %dma_start3A_56 = arith.constant 0 : i32
        %dma_start3A_57 = tpu.memref_slice %dma_start3A_55[%dma_start3A_56] : memref<640xf32, #tpu.memory_space<vmem>> -> memref<512xf32, #tpu.memory_space<vmem>>
        %dma_start3A_58 = arith.constant 0 : i32
        %dma_start3A_59 = tpu.memref_slice %arg7[%run_scoped3A_22, %dma_start3A_58] : memref<16x10112xf32, #tpu.memory_space<vmem_shared>> -> memref<1x10112xf32, #tpu.memory_space<vmem_shared>>
        %dma_start3A_60 = tpu.memref_squeeze %dma_start3A_59 : memref<1x10112xf32, #tpu.memory_space<vmem_shared>> -> memref<10112xf32, #tpu.memory_space<vmem_shared>>
        %dma_start3A_61 = arith.constant 9600 : i32
        %dma_start3A_62 = tpu.memref_slice %dma_start3A_60[%dma_start3A_61] : memref<10112xf32, #tpu.memory_space<vmem_shared>> -> memref<512xf32, #tpu.memory_space<vmem_shared>>
        %dma_start3A_63 = arith.constant 0 : i32
        %dma_start3A_64 = tpu.memref_slice %arg6[%run_scoped3A_23, %dma_start3A_63] : memref<16x640xf32, #tpu.memory_space<vmem>> -> memref<1x640xf32, #tpu.memory_space<vmem>>
        %dma_start3A_65 = tpu.memref_squeeze %dma_start3A_64 : memref<1x640xf32, #tpu.memory_space<vmem>> -> memref<640xf32, #tpu.memory_space<vmem>>
        %dma_start3A_66 = arith.constant 0 : i32
        %dma_start3A_67 = tpu.memref_slice %dma_start3A_65[%dma_start3A_66] : memref<640xf32, #tpu.memory_space<vmem>> -> memref<512xf32, #tpu.memory_space<vmem>>
        %dma_start3A_68 = arith.constant 0 : i32
        %dma_start3A_69 = tpu.memref_slice %arg7[%run_scoped3A_22, %dma_start3A_68] : memref<16x10112xf32, #tpu.memory_space<vmem_shared>> -> memref<1x10112xf32, #tpu.memory_space<vmem_shared>>
        %dma_start3A_70 = tpu.memref_squeeze %dma_start3A_69 : memref<1x10112xf32, #tpu.memory_space<vmem_shared>> -> memref<10112xf32, #tpu.memory_space<vmem_shared>>
        %dma_start3A_71 = arith.constant 9600 : i32
        %dma_start3A_72 = tpu.memref_slice %dma_start3A_70[%dma_start3A_71] : memref<10112xf32, #tpu.memory_space<vmem_shared>> -> memref<512xf32, #tpu.memory_space<vmem_shared>>
        tpu.enqueue_dma source(%dma_start3A_72 : memref<512xf32, #tpu.memory_space<vmem_shared>>) target(%dma_start3A_67 : memref<512xf32, #tpu.memory_space<vmem>>) target_semaphore(%run_scoped3A_53 : memref<!tpu.dma_semaphore, #tpu.memory_space<semaphore_mem>>)
        %dma_wait3A = arith.constant 0 : i32
        %dma_wait3A_73 = tpu.memref_slice %arg6[%run_scoped3A_23, %dma_wait3A] : memref<16x640xf32, #tpu.memory_space<vmem>> -> memref<1x640xf32, #tpu.memory_space<vmem>>
        %dma_wait3A_74 = tpu.memref_squeeze %dma_wait3A_73 : memref<1x640xf32, #tpu.memory_space<vmem>> -> memref<640xf32, #tpu.memory_space<vmem>>
        %dma_wait3A_75 = arith.constant 0 : i32
        %dma_wait3A_76 = tpu.memref_slice %dma_wait3A_74[%dma_wait3A_75] : memref<640xf32, #tpu.memory_space<vmem>> -> memref<512xf32, #tpu.memory_space<vmem>>
        %dma_wait3A_77 = arith.constant 0 : i32
        %dma_wait3A_78 = tpu.memref_slice %arg7[%run_scoped3A_22, %dma_wait3A_77] : memref<16x10112xf32, #tpu.memory_space<vmem_shared>> -> memref<1x10112xf32, #tpu.memory_space<vmem_shared>>
        %dma_wait3A_79 = tpu.memref_squeeze %dma_wait3A_78 : memref<1x10112xf32, #tpu.memory_space<vmem_shared>> -> memref<10112xf32, #tpu.memory_space<vmem_shared>>
        %dma_wait3A_80 = arith.constant 9600 : i32
        %dma_wait3A_81 = tpu.memref_slice %dma_wait3A_79[%dma_wait3A_80] : memref<10112xf32, #tpu.memory_space<vmem_shared>> -> memref<512xf32, #tpu.memory_space<vmem_shared>>
        %dma_wait3A_82 = arith.constant 0 : i32
        %dma_wait3A_83 = tpu.memref_slice %arg6[%run_scoped3A_23, %dma_wait3A_82] : memref<16x640xf32, #tpu.memory_space<vmem>> -> memref<1x640xf32, #tpu.memory_space<vmem>>
        %dma_wait3A_84 = tpu.memref_squeeze %dma_wait3A_83 : memref<1x640xf32, #tpu.memory_space<vmem>> -> memref<640xf32, #tpu.memory_space<vmem>>
        %dma_wait3A_85 = arith.constant 0 : i32
        %dma_wait3A_86 = tpu.memref_slice %dma_wait3A_84[%dma_wait3A_85] : memref<640xf32, #tpu.memory_space<vmem>> -> memref<512xf32, #tpu.memory_space<vmem>>
        %dma_wait3A_87 = arith.constant 0 : i32
        %dma_wait3A_88 = tpu.memref_slice %arg7[%run_scoped3A_22, %dma_wait3A_87] : memref<16x10112xf32, #tpu.memory_space<vmem_shared>> -> memref<1x10112xf32, #tpu.memory_space<vmem_shared>>
        %dma_wait3A_89 = tpu.memref_squeeze %dma_wait3A_88 : memref<1x10112xf32, #tpu.memory_space<vmem_shared>> -> memref<10112xf32, #tpu.memory_space<vmem_shared>>
        %dma_wait3A_90 = arith.constant 9600 : i32
        %dma_wait3A_91 = tpu.memref_slice %dma_wait3A_89[%dma_wait3A_90] : memref<10112xf32, #tpu.memory_space<vmem_shared>> -> memref<512xf32, #tpu.memory_space<vmem_shared>>
        tpu.wait_dma2 semaphore(%run_scoped3A_53 : memref<!tpu.dma_semaphore, #tpu.memory_space<semaphore_mem>>) src(%dma_wait3A_91 : memref<512xf32, #tpu.memory_space<vmem_shared>>) dst(%dma_wait3A_86 : memref<512xf32, #tpu.memory_space<vmem>>)
        tpu.yield
      }) : () -> ()
      %run_scoped3A_24 = arith.constant 4 : i32
      %run_scoped3A_25 = arith.constant 4 : i32
      "tpu.region"() ({
        %run_scoped3A_53 = tpu.sem_alloc : memref<!tpu.dma_semaphore, #tpu.memory_space<semaphore_mem>>
        %dma_start3A = arith.constant 0 : i32
        %dma_start3A_54 = tpu.memref_slice %arg6[%run_scoped3A_25, %dma_start3A] : memref<16x640xf32, #tpu.memory_space<vmem>> -> memref<1x640xf32, #tpu.memory_space<vmem>>
        %dma_start3A_55 = tpu.memref_squeeze %dma_start3A_54 : memref<1x640xf32, #tpu.memory_space<vmem>> -> memref<640xf32, #tpu.memory_space<vmem>>
        %dma_start3A_56 = arith.constant 0 : i32
        %dma_start3A_57 = tpu.memref_slice %dma_start3A_55[%dma_start3A_56] : memref<640xf32, #tpu.memory_space<vmem>> -> memref<512xf32, #tpu.memory_space<vmem>>
        %dma_start3A_58 = arith.constant 0 : i32
        %dma_start3A_59 = tpu.memref_slice %arg7[%run_scoped3A_24, %dma_start3A_58] : memref<16x10112xf32, #tpu.memory_space<vmem_shared>> -> memref<1x10112xf32, #tpu.memory_space<vmem_shared>>
        %dma_start3A_60 = tpu.memref_squeeze %dma_start3A_59 : memref<1x10112xf32, #tpu.memory_space<vmem_shared>> -> memref<10112xf32, #tpu.memory_space<vmem_shared>>
        %dma_start3A_61 = arith.constant 9600 : i32
        %dma_start3A_62 = tpu.memref_slice %dma_start3A_60[%dma_start3A_61] : memref<10112xf32, #tpu.memory_space<vmem_shared>> -> memref<512xf32, #tpu.memory_space<vmem_shared>>
        %dma_start3A_63 = arith.constant 0 : i32
        %dma_start3A_64 = tpu.memref_slice %arg6[%run_scoped3A_25, %dma_start3A_63] : memref<16x640xf32, #tpu.memory_space<vmem>> -> memref<1x640xf32, #tpu.memory_space<vmem>>
        %dma_start3A_65 = tpu.memref_squeeze %dma_start3A_64 : memref<1x640xf32, #tpu.memory_space<vmem>> -> memref<640xf32, #tpu.memory_space<vmem>>
        %dma_start3A_66 = arith.constant 0 : i32
        %dma_start3A_67 = tpu.memref_slice %dma_start3A_65[%dma_start3A_66] : memref<640xf32, #tpu.memory_space<vmem>> -> memref<512xf32, #tpu.memory_space<vmem>>
        %dma_start3A_68 = arith.constant 0 : i32
        %dma_start3A_69 = tpu.memref_slice %arg7[%run_scoped3A_24, %dma_start3A_68] : memref<16x10112xf32, #tpu.memory_space<vmem_shared>> -> memref<1x10112xf32, #tpu.memory_space<vmem_shared>>
        %dma_start3A_70 = tpu.memref_squeeze %dma_start3A_69 : memref<1x10112xf32, #tpu.memory_space<vmem_shared>> -> memref<10112xf32, #tpu.memory_space<vmem_shared>>
        %dma_start3A_71 = arith.constant 9600 : i32
        %dma_start3A_72 = tpu.memref_slice %dma_start3A_70[%dma_start3A_71] : memref<10112xf32, #tpu.memory_space<vmem_shared>> -> memref<512xf32, #tpu.memory_space<vmem_shared>>
        tpu.enqueue_dma source(%dma_start3A_72 : memref<512xf32, #tpu.memory_space<vmem_shared>>) target(%dma_start3A_67 : memref<512xf32, #tpu.memory_space<vmem>>) target_semaphore(%run_scoped3A_53 : memref<!tpu.dma_semaphore, #tpu.memory_space<semaphore_mem>>)
        %dma_wait3A = arith.constant 0 : i32
        %dma_wait3A_73 = tpu.memref_slice %arg6[%run_scoped3A_25, %dma_wait3A] : memref<16x640xf32, #tpu.memory_space<vmem>> -> memref<1x640xf32, #tpu.memory_space<vmem>>
        %dma_wait3A_74 = tpu.memref_squeeze %dma_wait3A_73 : memref<1x640xf32, #tpu.memory_space<vmem>> -> memref<640xf32, #tpu.memory_space<vmem>>
        %dma_wait3A_75 = arith.constant 0 : i32
        %dma_wait3A_76 = tpu.memref_slice %dma_wait3A_74[%dma_wait3A_75] : memref<640xf32, #tpu.memory_space<vmem>> -> memref<512xf32, #tpu.memory_space<vmem>>
        %dma_wait3A_77 = arith.constant 0 : i32
        %dma_wait3A_78 = tpu.memref_slice %arg7[%run_scoped3A_24, %dma_wait3A_77] : memref<16x10112xf32, #tpu.memory_space<vmem_shared>> -> memref<1x10112xf32, #tpu.memory_space<vmem_shared>>
        %dma_wait3A_79 = tpu.memref_squeeze %dma_wait3A_78 : memref<1x10112xf32, #tpu.memory_space<vmem_shared>> -> memref<10112xf32, #tpu.memory_space<vmem_shared>>
        %dma_wait3A_80 = arith.constant 9600 : i32
        %dma_wait3A_81 = tpu.memref_slice %dma_wait3A_79[%dma_wait3A_80] : memref<10112xf32, #tpu.memory_space<vmem_shared>> -> memref<512xf32, #tpu.memory_space<vmem_shared>>
        %dma_wait3A_82 = arith.constant 0 : i32
        %dma_wait3A_83 = tpu.memref_slice %arg6[%run_scoped3A_25, %dma_wait3A_82] : memref<16x640xf32, #tpu.memory_space<vmem>> -> memref<1x640xf32, #tpu.memory_space<vmem>>
        %dma_wait3A_84 = tpu.memref_squeeze %dma_wait3A_83 : memref<1x640xf32, #tpu.memory_space<vmem>> -> memref<640xf32, #tpu.memory_space<vmem>>
        %dma_wait3A_85 = arith.constant 0 : i32
        %dma_wait3A_86 = tpu.memref_slice %dma_wait3A_84[%dma_wait3A_85] : memref<640xf32, #tpu.memory_space<vmem>> -> memref<512xf32, #tpu.memory_space<vmem>>
        %dma_wait3A_87 = arith.constant 0 : i32
        %dma_wait3A_88 = tpu.memref_slice %arg7[%run_scoped3A_24, %dma_wait3A_87] : memref<16x10112xf32, #tpu.memory_space<vmem_shared>> -> memref<1x10112xf32, #tpu.memory_space<vmem_shared>>
        %dma_wait3A_89 = tpu.memref_squeeze %dma_wait3A_88 : memref<1x10112xf32, #tpu.memory_space<vmem_shared>> -> memref<10112xf32, #tpu.memory_space<vmem_shared>>
        %dma_wait3A_90 = arith.constant 9600 : i32
        %dma_wait3A_91 = tpu.memref_slice %dma_wait3A_89[%dma_wait3A_90] : memref<10112xf32, #tpu.memory_space<vmem_shared>> -> memref<512xf32, #tpu.memory_space<vmem_shared>>
        tpu.wait_dma2 semaphore(%run_scoped3A_53 : memref<!tpu.dma_semaphore, #tpu.memory_space<semaphore_mem>>) src(%dma_wait3A_91 : memref<512xf32, #tpu.memory_space<vmem_shared>>) dst(%dma_wait3A_86 : memref<512xf32, #tpu.memory_space<vmem>>)
        tpu.yield
      }) : () -> ()
      %run_scoped3A_26 = arith.constant 5 : i32
      %run_scoped3A_27 = arith.constant 5 : i32
      "tpu.region"() ({
        %run_scoped3A_53 = tpu.sem_alloc : memref<!tpu.dma_semaphore, #tpu.memory_space<semaphore_mem>>
        %dma_start3A = arith.constant 0 : i32
        %dma_start3A_54 = tpu.memref_slice %arg6[%run_scoped3A_27, %dma_start3A] : memref<16x640xf32, #tpu.memory_space<vmem>> -> memref<1x640xf32, #tpu.memory_space<vmem>>
        %dma_start3A_55 = tpu.memref_squeeze %dma_start3A_54 : memref<1x640xf32, #tpu.memory_space<vmem>> -> memref<640xf32, #tpu.memory_space<vmem>>
        %dma_start3A_56 = arith.constant 0 : i32
        %dma_start3A_57 = tpu.memref_slice %dma_start3A_55[%dma_start3A_56] : memref<640xf32, #tpu.memory_space<vmem>> -> memref<512xf32, #tpu.memory_space<vmem>>
        %dma_start3A_58 = arith.constant 0 : i32
        %dma_start3A_59 = tpu.memref_slice %arg7[%run_scoped3A_26, %dma_start3A_58] : memref<16x10112xf32, #tpu.memory_space<vmem_shared>> -> memref<1x10112xf32, #tpu.memory_space<vmem_shared>>
        %dma_start3A_60 = tpu.memref_squeeze %dma_start3A_59 : memref<1x10112xf32, #tpu.memory_space<vmem_shared>> -> memref<10112xf32, #tpu.memory_space<vmem_shared>>
        %dma_start3A_61 = arith.constant 9600 : i32
        %dma_start3A_62 = tpu.memref_slice %dma_start3A_60[%dma_start3A_61] : memref<10112xf32, #tpu.memory_space<vmem_shared>> -> memref<512xf32, #tpu.memory_space<vmem_shared>>
        %dma_start3A_63 = arith.constant 0 : i32
        %dma_start3A_64 = tpu.memref_slice %arg6[%run_scoped3A_27, %dma_start3A_63] : memref<16x640xf32, #tpu.memory_space<vmem>> -> memref<1x640xf32, #tpu.memory_space<vmem>>
        %dma_start3A_65 = tpu.memref_squeeze %dma_start3A_64 : memref<1x640xf32, #tpu.memory_space<vmem>> -> memref<640xf32, #tpu.memory_space<vmem>>
        %dma_start3A_66 = arith.constant 0 : i32
        %dma_start3A_67 = tpu.memref_slice %dma_start3A_65[%dma_start3A_66] : memref<640xf32, #tpu.memory_space<vmem>> -> memref<512xf32, #tpu.memory_space<vmem>>
        %dma_start3A_68 = arith.constant 0 : i32
        %dma_start3A_69 = tpu.memref_slice %arg7[%run_scoped3A_26, %dma_start3A_68] : memref<16x10112xf32, #tpu.memory_space<vmem_shared>> -> memref<1x10112xf32, #tpu.memory_space<vmem_shared>>
        %dma_start3A_70 = tpu.memref_squeeze %dma_start3A_69 : memref<1x10112xf32, #tpu.memory_space<vmem_shared>> -> memref<10112xf32, #tpu.memory_space<vmem_shared>>
        %dma_start3A_71 = arith.constant 9600 : i32
        %dma_start3A_72 = tpu.memref_slice %dma_start3A_70[%dma_start3A_71] : memref<10112xf32, #tpu.memory_space<vmem_shared>> -> memref<512xf32, #tpu.memory_space<vmem_shared>>
        tpu.enqueue_dma source(%dma_start3A_72 : memref<512xf32, #tpu.memory_space<vmem_shared>>) target(%dma_start3A_67 : memref<512xf32, #tpu.memory_space<vmem>>) target_semaphore(%run_scoped3A_53 : memref<!tpu.dma_semaphore, #tpu.memory_space<semaphore_mem>>)
        %dma_wait3A = arith.constant 0 : i32
        %dma_wait3A_73 = tpu.memref_slice %arg6[%run_scoped3A_27, %dma_wait3A] : memref<16x640xf32, #tpu.memory_space<vmem>> -> memref<1x640xf32, #tpu.memory_space<vmem>>
        %dma_wait3A_74 = tpu.memref_squeeze %dma_wait3A_73 : memref<1x640xf32, #tpu.memory_space<vmem>> -> memref<640xf32, #tpu.memory_space<vmem>>
        %dma_wait3A_75 = arith.constant 0 : i32
        %dma_wait3A_76 = tpu.memref_slice %dma_wait3A_74[%dma_wait3A_75] : memref<640xf32, #tpu.memory_space<vmem>> -> memref<512xf32, #tpu.memory_space<vmem>>
        %dma_wait3A_77 = arith.constant 0 : i32
        %dma_wait3A_78 = tpu.memref_slice %arg7[%run_scoped3A_26, %dma_wait3A_77] : memref<16x10112xf32, #tpu.memory_space<vmem_shared>> -> memref<1x10112xf32, #tpu.memory_space<vmem_shared>>
        %dma_wait3A_79 = tpu.memref_squeeze %dma_wait3A_78 : memref<1x10112xf32, #tpu.memory_space<vmem_shared>> -> memref<10112xf32, #tpu.memory_space<vmem_shared>>
        %dma_wait3A_80 = arith.constant 9600 : i32
        %dma_wait3A_81 = tpu.memref_slice %dma_wait3A_79[%dma_wait3A_80] : memref<10112xf32, #tpu.memory_space<vmem_shared>> -> memref<512xf32, #tpu.memory_space<vmem_shared>>
        %dma_wait3A_82 = arith.constant 0 : i32
        %dma_wait3A_83 = tpu.memref_slice %arg6[%run_scoped3A_27, %dma_wait3A_82] : memref<16x640xf32, #tpu.memory_space<vmem>> -> memref<1x640xf32, #tpu.memory_space<vmem>>
        %dma_wait3A_84 = tpu.memref_squeeze %dma_wait3A_83 : memref<1x640xf32, #tpu.memory_space<vmem>> -> memref<640xf32, #tpu.memory_space<vmem>>
        %dma_wait3A_85 = arith.constant 0 : i32
        %dma_wait3A_86 = tpu.memref_slice %dma_wait3A_84[%dma_wait3A_85] : memref<640xf32, #tpu.memory_space<vmem>> -> memref<512xf32, #tpu.memory_space<vmem>>
        %dma_wait3A_87 = arith.constant 0 : i32
        %dma_wait3A_88 = tpu.memref_slice %arg7[%run_scoped3A_26, %dma_wait3A_87] : memref<16x10112xf32, #tpu.memory_space<vmem_shared>> -> memref<1x10112xf32, #tpu.memory_space<vmem_shared>>
        %dma_wait3A_89 = tpu.memref_squeeze %dma_wait3A_88 : memref<1x10112xf32, #tpu.memory_space<vmem_shared>> -> memref<10112xf32, #tpu.memory_space<vmem_shared>>
        %dma_wait3A_90 = arith.constant 9600 : i32
        %dma_wait3A_91 = tpu.memref_slice %dma_wait3A_89[%dma_wait3A_90] : memref<10112xf32, #tpu.memory_space<vmem_shared>> -> memref<512xf32, #tpu.memory_space<vmem_shared>>
        tpu.wait_dma2 semaphore(%run_scoped3A_53 : memref<!tpu.dma_semaphore, #tpu.memory_space<semaphore_mem>>) src(%dma_wait3A_91 : memref<512xf32, #tpu.memory_space<vmem_shared>>) dst(%dma_wait3A_86 : memref<512xf32, #tpu.memory_space<vmem>>)
        tpu.yield
      }) : () -> ()
      %run_scoped3A_28 = arith.constant 6 : i32
      %run_scoped3A_29 = arith.constant 6 : i32
      "tpu.region"() ({
        %run_scoped3A_53 = tpu.sem_alloc : memref<!tpu.dma_semaphore, #tpu.memory_space<semaphore_mem>>
        %dma_start3A = arith.constant 0 : i32
        %dma_start3A_54 = tpu.memref_slice %arg6[%run_scoped3A_29, %dma_start3A] : memref<16x640xf32, #tpu.memory_space<vmem>> -> memref<1x640xf32, #tpu.memory_space<vmem>>
        %dma_start3A_55 = tpu.memref_squeeze %dma_start3A_54 : memref<1x640xf32, #tpu.memory_space<vmem>> -> memref<640xf32, #tpu.memory_space<vmem>>
        %dma_start3A_56 = arith.constant 0 : i32
        %dma_start3A_57 = tpu.memref_slice %dma_start3A_55[%dma_start3A_56] : memref<640xf32, #tpu.memory_space<vmem>> -> memref<512xf32, #tpu.memory_space<vmem>>
        %dma_start3A_58 = arith.constant 0 : i32
        %dma_start3A_59 = tpu.memref_slice %arg7[%run_scoped3A_28, %dma_start3A_58] : memref<16x10112xf32, #tpu.memory_space<vmem_shared>> -> memref<1x10112xf32, #tpu.memory_space<vmem_shared>>
        %dma_start3A_60 = tpu.memref_squeeze %dma_start3A_59 : memref<1x10112xf32, #tpu.memory_space<vmem_shared>> -> memref<10112xf32, #tpu.memory_space<vmem_shared>>
        %dma_start3A_61 = arith.constant 9600 : i32
        %dma_start3A_62 = tpu.memref_slice %dma_start3A_60[%dma_start3A_61] : memref<10112xf32, #tpu.memory_space<vmem_shared>> -> memref<512xf32, #tpu.memory_space<vmem_shared>>
        %dma_start3A_63 = arith.constant 0 : i32
        %dma_start3A_64 = tpu.memref_slice %arg6[%run_scoped3A_29, %dma_start3A_63] : memref<16x640xf32, #tpu.memory_space<vmem>> -> memref<1x640xf32, #tpu.memory_space<vmem>>
        %dma_start3A_65 = tpu.memref_squeeze %dma_start3A_64 : memref<1x640xf32, #tpu.memory_space<vmem>> -> memref<640xf32, #tpu.memory_space<vmem>>
        %dma_start3A_66 = arith.constant 0 : i32
        %dma_start3A_67 = tpu.memref_slice %dma_start3A_65[%dma_start3A_66] : memref<640xf32, #tpu.memory_space<vmem>> -> memref<512xf32, #tpu.memory_space<vmem>>
        %dma_start3A_68 = arith.constant 0 : i32
        %dma_start3A_69 = tpu.memref_slice %arg7[%run_scoped3A_28, %dma_start3A_68] : memref<16x10112xf32, #tpu.memory_space<vmem_shared>> -> memref<1x10112xf32, #tpu.memory_space<vmem_shared>>
        %dma_start3A_70 = tpu.memref_squeeze %dma_start3A_69 : memref<1x10112xf32, #tpu.memory_space<vmem_shared>> -> memref<10112xf32, #tpu.memory_space<vmem_shared>>
        %dma_start3A_71 = arith.constant 9600 : i32
        %dma_start3A_72 = tpu.memref_slice %dma_start3A_70[%dma_start3A_71] : memref<10112xf32, #tpu.memory_space<vmem_shared>> -> memref<512xf32, #tpu.memory_space<vmem_shared>>
        tpu.enqueue_dma source(%dma_start3A_72 : memref<512xf32, #tpu.memory_space<vmem_shared>>) target(%dma_start3A_67 : memref<512xf32, #tpu.memory_space<vmem>>) target_semaphore(%run_scoped3A_53 : memref<!tpu.dma_semaphore, #tpu.memory_space<semaphore_mem>>)
        %dma_wait3A = arith.constant 0 : i32
        %dma_wait3A_73 = tpu.memref_slice %arg6[%run_scoped3A_29, %dma_wait3A] : memref<16x640xf32, #tpu.memory_space<vmem>> -> memref<1x640xf32, #tpu.memory_space<vmem>>
        %dma_wait3A_74 = tpu.memref_squeeze %dma_wait3A_73 : memref<1x640xf32, #tpu.memory_space<vmem>> -> memref<640xf32, #tpu.memory_space<vmem>>
        %dma_wait3A_75 = arith.constant 0 : i32
        %dma_wait3A_76 = tpu.memref_slice %dma_wait3A_74[%dma_wait3A_75] : memref<640xf32, #tpu.memory_space<vmem>> -> memref<512xf32, #tpu.memory_space<vmem>>
        %dma_wait3A_77 = arith.constant 0 : i32
        %dma_wait3A_78 = tpu.memref_slice %arg7[%run_scoped3A_28, %dma_wait3A_77] : memref<16x10112xf32, #tpu.memory_space<vmem_shared>> -> memref<1x10112xf32, #tpu.memory_space<vmem_shared>>
        %dma_wait3A_79 = tpu.memref_squeeze %dma_wait3A_78 : memref<1x10112xf32, #tpu.memory_space<vmem_shared>> -> memref<10112xf32, #tpu.memory_space<vmem_shared>>
        %dma_wait3A_80 = arith.constant 9600 : i32
        %dma_wait3A_81 = tpu.memref_slice %dma_wait3A_79[%dma_wait3A_80] : memref<10112xf32, #tpu.memory_space<vmem_shared>> -> memref<512xf32, #tpu.memory_space<vmem_shared>>
        %dma_wait3A_82 = arith.constant 0 : i32
        %dma_wait3A_83 = tpu.memref_slice %arg6[%run_scoped3A_29, %dma_wait3A_82] : memref<16x640xf32, #tpu.memory_space<vmem>> -> memref<1x640xf32, #tpu.memory_space<vmem>>
        %dma_wait3A_84 = tpu.memref_squeeze %dma_wait3A_83 : memref<1x640xf32, #tpu.memory_space<vmem>> -> memref<640xf32, #tpu.memory_space<vmem>>
        %dma_wait3A_85 = arith.constant 0 : i32
        %dma_wait3A_86 = tpu.memref_slice %dma_wait3A_84[%dma_wait3A_85] : memref<640xf32, #tpu.memory_space<vmem>> -> memref<512xf32, #tpu.memory_space<vmem>>
        %dma_wait3A_87 = arith.constant 0 : i32
        %dma_wait3A_88 = tpu.memref_slice %arg7[%run_scoped3A_28, %dma_wait3A_87] : memref<16x10112xf32, #tpu.memory_space<vmem_shared>> -> memref<1x10112xf32, #tpu.memory_space<vmem_shared>>
        %dma_wait3A_89 = tpu.memref_squeeze %dma_wait3A_88 : memref<1x10112xf32, #tpu.memory_space<vmem_shared>> -> memref<10112xf32, #tpu.memory_space<vmem_shared>>
        %dma_wait3A_90 = arith.constant 9600 : i32
        %dma_wait3A_91 = tpu.memref_slice %dma_wait3A_89[%dma_wait3A_90] : memref<10112xf32, #tpu.memory_space<vmem_shared>> -> memref<512xf32, #tpu.memory_space<vmem_shared>>
        tpu.wait_dma2 semaphore(%run_scoped3A_53 : memref<!tpu.dma_semaphore, #tpu.memory_space<semaphore_mem>>) src(%dma_wait3A_91 : memref<512xf32, #tpu.memory_space<vmem_shared>>) dst(%dma_wait3A_86 : memref<512xf32, #tpu.memory_space<vmem>>)
        tpu.yield
      }) : () -> ()
      %run_scoped3A_30 = arith.constant 7 : i32
      %run_scoped3A_31 = arith.constant 7 : i32
      "tpu.region"() ({
        %run_scoped3A_53 = tpu.sem_alloc : memref<!tpu.dma_semaphore, #tpu.memory_space<semaphore_mem>>
        %dma_start3A = arith.constant 0 : i32
        %dma_start3A_54 = tpu.memref_slice %arg6[%run_scoped3A_31, %dma_start3A] : memref<16x640xf32, #tpu.memory_space<vmem>> -> memref<1x640xf32, #tpu.memory_space<vmem>>
        %dma_start3A_55 = tpu.memref_squeeze %dma_start3A_54 : memref<1x640xf32, #tpu.memory_space<vmem>> -> memref<640xf32, #tpu.memory_space<vmem>>
        %dma_start3A_56 = arith.constant 0 : i32
        %dma_start3A_57 = tpu.memref_slice %dma_start3A_55[%dma_start3A_56] : memref<640xf32, #tpu.memory_space<vmem>> -> memref<512xf32, #tpu.memory_space<vmem>>
        %dma_start3A_58 = arith.constant 0 : i32
        %dma_start3A_59 = tpu.memref_slice %arg7[%run_scoped3A_30, %dma_start3A_58] : memref<16x10112xf32, #tpu.memory_space<vmem_shared>> -> memref<1x10112xf32, #tpu.memory_space<vmem_shared>>
        %dma_start3A_60 = tpu.memref_squeeze %dma_start3A_59 : memref<1x10112xf32, #tpu.memory_space<vmem_shared>> -> memref<10112xf32, #tpu.memory_space<vmem_shared>>
        %dma_start3A_61 = arith.constant 9600 : i32
        %dma_start3A_62 = tpu.memref_slice %dma_start3A_60[%dma_start3A_61] : memref<10112xf32, #tpu.memory_space<vmem_shared>> -> memref<512xf32, #tpu.memory_space<vmem_shared>>
        %dma_start3A_63 = arith.constant 0 : i32
        %dma_start3A_64 = tpu.memref_slice %arg6[%run_scoped3A_31, %dma_start3A_63] : memref<16x640xf32, #tpu.memory_space<vmem>> -> memref<1x640xf32, #tpu.memory_space<vmem>>
        %dma_start3A_65 = tpu.memref_squeeze %dma_start3A_64 : memref<1x640xf32, #tpu.memory_space<vmem>> -> memref<640xf32, #tpu.memory_space<vmem>>
        %dma_start3A_66 = arith.constant 0 : i32
        %dma_start3A_67 = tpu.memref_slice %dma_start3A_65[%dma_start3A_66] : memref<640xf32, #tpu.memory_space<vmem>> -> memref<512xf32, #tpu.memory_space<vmem>>
        %dma_start3A_68 = arith.constant 0 : i32
        %dma_start3A_69 = tpu.memref_slice %arg7[%run_scoped3A_30, %dma_start3A_68] : memref<16x10112xf32, #tpu.memory_space<vmem_shared>> -> memref<1x10112xf32, #tpu.memory_space<vmem_shared>>
        %dma_start3A_70 = tpu.memref_squeeze %dma_start3A_69 : memref<1x10112xf32, #tpu.memory_space<vmem_shared>> -> memref<10112xf32, #tpu.memory_space<vmem_shared>>
        %dma_start3A_71 = arith.constant 9600 : i32
        %dma_start3A_72 = tpu.memref_slice %dma_start3A_70[%dma_start3A_71] : memref<10112xf32, #tpu.memory_space<vmem_shared>> -> memref<512xf32, #tpu.memory_space<vmem_shared>>
        tpu.enqueue_dma source(%dma_start3A_72 : memref<512xf32, #tpu.memory_space<vmem_shared>>) target(%dma_start3A_67 : memref<512xf32, #tpu.memory_space<vmem>>) target_semaphore(%run_scoped3A_53 : memref<!tpu.dma_semaphore, #tpu.memory_space<semaphore_mem>>)
        %dma_wait3A = arith.constant 0 : i32
        %dma_wait3A_73 = tpu.memref_slice %arg6[%run_scoped3A_31, %dma_wait3A] : memref<16x640xf32, #tpu.memory_space<vmem>> -> memref<1x640xf32, #tpu.memory_space<vmem>>
        %dma_wait3A_74 = tpu.memref_squeeze %dma_wait3A_73 : memref<1x640xf32, #tpu.memory_space<vmem>> -> memref<640xf32, #tpu.memory_space<vmem>>
        %dma_wait3A_75 = arith.constant 0 : i32
        %dma_wait3A_76 = tpu.memref_slice %dma_wait3A_74[%dma_wait3A_75] : memref<640xf32, #tpu.memory_space<vmem>> -> memref<512xf32, #tpu.memory_space<vmem>>
        %dma_wait3A_77 = arith.constant 0 : i32
        %dma_wait3A_78 = tpu.memref_slice %arg7[%run_scoped3A_30, %dma_wait3A_77] : memref<16x10112xf32, #tpu.memory_space<vmem_shared>> -> memref<1x10112xf32, #tpu.memory_space<vmem_shared>>
        %dma_wait3A_79 = tpu.memref_squeeze %dma_wait3A_78 : memref<1x10112xf32, #tpu.memory_space<vmem_shared>> -> memref<10112xf32, #tpu.memory_space<vmem_shared>>
        %dma_wait3A_80 = arith.constant 9600 : i32
        %dma_wait3A_81 = tpu.memref_slice %dma_wait3A_79[%dma_wait3A_80] : memref<10112xf32, #tpu.memory_space<vmem_shared>> -> memref<512xf32, #tpu.memory_space<vmem_shared>>
        %dma_wait3A_82 = arith.constant 0 : i32
        %dma_wait3A_83 = tpu.memref_slice %arg6[%run_scoped3A_31, %dma_wait3A_82] : memref<16x640xf32, #tpu.memory_space<vmem>> -> memref<1x640xf32, #tpu.memory_space<vmem>>
        %dma_wait3A_84 = tpu.memref_squeeze %dma_wait3A_83 : memref<1x640xf32, #tpu.memory_space<vmem>> -> memref<640xf32, #tpu.memory_space<vmem>>
        %dma_wait3A_85 = arith.constant 0 : i32
        %dma_wait3A_86 = tpu.memref_slice %dma_wait3A_84[%dma_wait3A_85] : memref<640xf32, #tpu.memory_space<vmem>> -> memref<512xf32, #tpu.memory_space<vmem>>
        %dma_wait3A_87 = arith.constant 0 : i32
        %dma_wait3A_88 = tpu.memref_slice %arg7[%run_scoped3A_30, %dma_wait3A_87] : memref<16x10112xf32, #tpu.memory_space<vmem_shared>> -> memref<1x10112xf32, #tpu.memory_space<vmem_shared>>
        %dma_wait3A_89 = tpu.memref_squeeze %dma_wait3A_88 : memref<1x10112xf32, #tpu.memory_space<vmem_shared>> -> memref<10112xf32, #tpu.memory_space<vmem_shared>>
        %dma_wait3A_90 = arith.constant 9600 : i32
        %dma_wait3A_91 = tpu.memref_slice %dma_wait3A_89[%dma_wait3A_90] : memref<10112xf32, #tpu.memory_space<vmem_shared>> -> memref<512xf32, #tpu.memory_space<vmem_shared>>
        tpu.wait_dma2 semaphore(%run_scoped3A_53 : memref<!tpu.dma_semaphore, #tpu.memory_space<semaphore_mem>>) src(%dma_wait3A_91 : memref<512xf32, #tpu.memory_space<vmem_shared>>) dst(%dma_wait3A_86 : memref<512xf32, #tpu.memory_space<vmem>>)
        tpu.yield
      }) : () -> ()
      %run_scoped3A_32 = arith.constant 8 : i32
      %run_scoped3A_33 = arith.constant 8 : i32
      "tpu.region"() ({
        %run_scoped3A_53 = tpu.sem_alloc : memref<!tpu.dma_semaphore, #tpu.memory_space<semaphore_mem>>
        %dma_start3A = arith.constant 0 : i32
        %dma_start3A_54 = tpu.memref_slice %arg6[%run_scoped3A_33, %dma_start3A] : memref<16x640xf32, #tpu.memory_space<vmem>> -> memref<1x640xf32, #tpu.memory_space<vmem>>
        %dma_start3A_55 = tpu.memref_squeeze %dma_start3A_54 : memref<1x640xf32, #tpu.memory_space<vmem>> -> memref<640xf32, #tpu.memory_space<vmem>>
        %dma_start3A_56 = arith.constant 0 : i32
        %dma_start3A_57 = tpu.memref_slice %dma_start3A_55[%dma_start3A_56] : memref<640xf32, #tpu.memory_space<vmem>> -> memref<512xf32, #tpu.memory_space<vmem>>
        %dma_start3A_58 = arith.constant 0 : i32
        %dma_start3A_59 = tpu.memref_slice %arg7[%run_scoped3A_32, %dma_start3A_58] : memref<16x10112xf32, #tpu.memory_space<vmem_shared>> -> memref<1x10112xf32, #tpu.memory_space<vmem_shared>>
        %dma_start3A_60 = tpu.memref_squeeze %dma_start3A_59 : memref<1x10112xf32, #tpu.memory_space<vmem_shared>> -> memref<10112xf32, #tpu.memory_space<vmem_shared>>
        %dma_start3A_61 = arith.constant 9600 : i32
        %dma_start3A_62 = tpu.memref_slice %dma_start3A_60[%dma_start3A_61] : memref<10112xf32, #tpu.memory_space<vmem_shared>> -> memref<512xf32, #tpu.memory_space<vmem_shared>>
        %dma_start3A_63 = arith.constant 0 : i32
        %dma_start3A_64 = tpu.memref_slice %arg6[%run_scoped3A_33, %dma_start3A_63] : memref<16x640xf32, #tpu.memory_space<vmem>> -> memref<1x640xf32, #tpu.memory_space<vmem>>
        %dma_start3A_65 = tpu.memref_squeeze %dma_start3A_64 : memref<1x640xf32, #tpu.memory_space<vmem>> -> memref<640xf32, #tpu.memory_space<vmem>>
        %dma_start3A_66 = arith.constant 0 : i32
        %dma_start3A_67 = tpu.memref_slice %dma_start3A_65[%dma_start3A_66] : memref<640xf32, #tpu.memory_space<vmem>> -> memref<512xf32, #tpu.memory_space<vmem>>
        %dma_start3A_68 = arith.constant 0 : i32
        %dma_start3A_69 = tpu.memref_slice %arg7[%run_scoped3A_32, %dma_start3A_68] : memref<16x10112xf32, #tpu.memory_space<vmem_shared>> -> memref<1x10112xf32, #tpu.memory_space<vmem_shared>>
        %dma_start3A_70 = tpu.memref_squeeze %dma_start3A_69 : memref<1x10112xf32, #tpu.memory_space<vmem_shared>> -> memref<10112xf32, #tpu.memory_space<vmem_shared>>
        %dma_start3A_71 = arith.constant 9600 : i32
        %dma_start3A_72 = tpu.memref_slice %dma_start3A_70[%dma_start3A_71] : memref<10112xf32, #tpu.memory_space<vmem_shared>> -> memref<512xf32, #tpu.memory_space<vmem_shared>>
        tpu.enqueue_dma source(%dma_start3A_72 : memref<512xf32, #tpu.memory_space<vmem_shared>>) target(%dma_start3A_67 : memref<512xf32, #tpu.memory_space<vmem>>) target_semaphore(%run_scoped3A_53 : memref<!tpu.dma_semaphore, #tpu.memory_space<semaphore_mem>>)
        %dma_wait3A = arith.constant 0 : i32
        %dma_wait3A_73 = tpu.memref_slice %arg6[%run_scoped3A_33, %dma_wait3A] : memref<16x640xf32, #tpu.memory_space<vmem>> -> memref<1x640xf32, #tpu.memory_space<vmem>>
        %dma_wait3A_74 = tpu.memref_squeeze %dma_wait3A_73 : memref<1x640xf32, #tpu.memory_space<vmem>> -> memref<640xf32, #tpu.memory_space<vmem>>
        %dma_wait3A_75 = arith.constant 0 : i32
        %dma_wait3A_76 = tpu.memref_slice %dma_wait3A_74[%dma_wait3A_75] : memref<640xf32, #tpu.memory_space<vmem>> -> memref<512xf32, #tpu.memory_space<vmem>>
        %dma_wait3A_77 = arith.constant 0 : i32
        %dma_wait3A_78 = tpu.memref_slice %arg7[%run_scoped3A_32, %dma_wait3A_77] : memref<16x10112xf32, #tpu.memory_space<vmem_shared>> -> memref<1x10112xf32, #tpu.memory_space<vmem_shared>>
        %dma_wait3A_79 = tpu.memref_squeeze %dma_wait3A_78 : memref<1x10112xf32, #tpu.memory_space<vmem_shared>> -> memref<10112xf32, #tpu.memory_space<vmem_shared>>
        %dma_wait3A_80 = arith.constant 9600 : i32
        %dma_wait3A_81 = tpu.memref_slice %dma_wait3A_79[%dma_wait3A_80] : memref<10112xf32, #tpu.memory_space<vmem_shared>> -> memref<512xf32, #tpu.memory_space<vmem_shared>>
        %dma_wait3A_82 = arith.constant 0 : i32
        %dma_wait3A_83 = tpu.memref_slice %arg6[%run_scoped3A_33, %dma_wait3A_82] : memref<16x640xf32, #tpu.memory_space<vmem>> -> memref<1x640xf32, #tpu.memory_space<vmem>>
        %dma_wait3A_84 = tpu.memref_squeeze %dma_wait3A_83 : memref<1x640xf32, #tpu.memory_space<vmem>> -> memref<640xf32, #tpu.memory_space<vmem>>
        %dma_wait3A_85 = arith.constant 0 : i32
        %dma_wait3A_86 = tpu.memref_slice %dma_wait3A_84[%dma_wait3A_85] : memref<640xf32, #tpu.memory_space<vmem>> -> memref<512xf32, #tpu.memory_space<vmem>>
        %dma_wait3A_87 = arith.constant 0 : i32
        %dma_wait3A_88 = tpu.memref_slice %arg7[%run_scoped3A_32, %dma_wait3A_87] : memref<16x10112xf32, #tpu.memory_space<vmem_shared>> -> memref<1x10112xf32, #tpu.memory_space<vmem_shared>>
        %dma_wait3A_89 = tpu.memref_squeeze %dma_wait3A_88 : memref<1x10112xf32, #tpu.memory_space<vmem_shared>> -> memref<10112xf32, #tpu.memory_space<vmem_shared>>
        %dma_wait3A_90 = arith.constant 9600 : i32
        %dma_wait3A_91 = tpu.memref_slice %dma_wait3A_89[%dma_wait3A_90] : memref<10112xf32, #tpu.memory_space<vmem_shared>> -> memref<512xf32, #tpu.memory_space<vmem_shared>>
        tpu.wait_dma2 semaphore(%run_scoped3A_53 : memref<!tpu.dma_semaphore, #tpu.memory_space<semaphore_mem>>) src(%dma_wait3A_91 : memref<512xf32, #tpu.memory_space<vmem_shared>>) dst(%dma_wait3A_86 : memref<512xf32, #tpu.memory_space<vmem>>)
        tpu.yield
      }) : () -> ()
      %run_scoped3A_34 = arith.constant 9 : i32
      %run_scoped3A_35 = arith.constant 9 : i32
      "tpu.region"() ({
        %run_scoped3A_53 = tpu.sem_alloc : memref<!tpu.dma_semaphore, #tpu.memory_space<semaphore_mem>>
        %dma_start3A = arith.constant 0 : i32
        %dma_start3A_54 = tpu.memref_slice %arg6[%run_scoped3A_35, %dma_start3A] : memref<16x640xf32, #tpu.memory_space<vmem>> -> memref<1x640xf32, #tpu.memory_space<vmem>>
        %dma_start3A_55 = tpu.memref_squeeze %dma_start3A_54 : memref<1x640xf32, #tpu.memory_space<vmem>> -> memref<640xf32, #tpu.memory_space<vmem>>
        %dma_start3A_56 = arith.constant 0 : i32
        %dma_start3A_57 = tpu.memref_slice %dma_start3A_55[%dma_start3A_56] : memref<640xf32, #tpu.memory_space<vmem>> -> memref<512xf32, #tpu.memory_space<vmem>>
        %dma_start3A_58 = arith.constant 0 : i32
        %dma_start3A_59 = tpu.memref_slice %arg7[%run_scoped3A_34, %dma_start3A_58] : memref<16x10112xf32, #tpu.memory_space<vmem_shared>> -> memref<1x10112xf32, #tpu.memory_space<vmem_shared>>
        %dma_start3A_60 = tpu.memref_squeeze %dma_start3A_59 : memref<1x10112xf32, #tpu.memory_space<vmem_shared>> -> memref<10112xf32, #tpu.memory_space<vmem_shared>>
        %dma_start3A_61 = arith.constant 9600 : i32
        %dma_start3A_62 = tpu.memref_slice %dma_start3A_60[%dma_start3A_61] : memref<10112xf32, #tpu.memory_space<vmem_shared>> -> memref<512xf32, #tpu.memory_space<vmem_shared>>
        %dma_start3A_63 = arith.constant 0 : i32
        %dma_start3A_64 = tpu.memref_slice %arg6[%run_scoped3A_35, %dma_start3A_63] : memref<16x640xf32, #tpu.memory_space<vmem>> -> memref<1x640xf32, #tpu.memory_space<vmem>>
        %dma_start3A_65 = tpu.memref_squeeze %dma_start3A_64 : memref<1x640xf32, #tpu.memory_space<vmem>> -> memref<640xf32, #tpu.memory_space<vmem>>
        %dma_start3A_66 = arith.constant 0 : i32
        %dma_start3A_67 = tpu.memref_slice %dma_start3A_65[%dma_start3A_66] : memref<640xf32, #tpu.memory_space<vmem>> -> memref<512xf32, #tpu.memory_space<vmem>>
        %dma_start3A_68 = arith.constant 0 : i32
        %dma_start3A_69 = tpu.memref_slice %arg7[%run_scoped3A_34, %dma_start3A_68] : memref<16x10112xf32, #tpu.memory_space<vmem_shared>> -> memref<1x10112xf32, #tpu.memory_space<vmem_shared>>
        %dma_start3A_70 = tpu.memref_squeeze %dma_start3A_69 : memref<1x10112xf32, #tpu.memory_space<vmem_shared>> -> memref<10112xf32, #tpu.memory_space<vmem_shared>>
        %dma_start3A_71 = arith.constant 9600 : i32
        %dma_start3A_72 = tpu.memref_slice %dma_start3A_70[%dma_start3A_71] : memref<10112xf32, #tpu.memory_space<vmem_shared>> -> memref<512xf32, #tpu.memory_space<vmem_shared>>
        tpu.enqueue_dma source(%dma_start3A_72 : memref<512xf32, #tpu.memory_space<vmem_shared>>) target(%dma_start3A_67 : memref<512xf32, #tpu.memory_space<vmem>>) target_semaphore(%run_scoped3A_53 : memref<!tpu.dma_semaphore, #tpu.memory_space<semaphore_mem>>)
        %dma_wait3A = arith.constant 0 : i32
        %dma_wait3A_73 = tpu.memref_slice %arg6[%run_scoped3A_35, %dma_wait3A] : memref<16x640xf32, #tpu.memory_space<vmem>> -> memref<1x640xf32, #tpu.memory_space<vmem>>
        %dma_wait3A_74 = tpu.memref_squeeze %dma_wait3A_73 : memref<1x640xf32, #tpu.memory_space<vmem>> -> memref<640xf32, #tpu.memory_space<vmem>>
        %dma_wait3A_75 = arith.constant 0 : i32
        %dma_wait3A_76 = tpu.memref_slice %dma_wait3A_74[%dma_wait3A_75] : memref<640xf32, #tpu.memory_space<vmem>> -> memref<512xf32, #tpu.memory_space<vmem>>
        %dma_wait3A_77 = arith.constant 0 : i32
        %dma_wait3A_78 = tpu.memref_slice %arg7[%run_scoped3A_34, %dma_wait3A_77] : memref<16x10112xf32, #tpu.memory_space<vmem_shared>> -> memref<1x10112xf32, #tpu.memory_space<vmem_shared>>
        %dma_wait3A_79 = tpu.memref_squeeze %dma_wait3A_78 : memref<1x10112xf32, #tpu.memory_space<vmem_shared>> -> memref<10112xf32, #tpu.memory_space<vmem_shared>>
        %dma_wait3A_80 = arith.constant 9600 : i32
        %dma_wait3A_81 = tpu.memref_slice %dma_wait3A_79[%dma_wait3A_80] : memref<10112xf32, #tpu.memory_space<vmem_shared>> -> memref<512xf32, #tpu.memory_space<vmem_shared>>
        %dma_wait3A_82 = arith.constant 0 : i32
        %dma_wait3A_83 = tpu.memref_slice %arg6[%run_scoped3A_35, %dma_wait3A_82] : memref<16x640xf32, #tpu.memory_space<vmem>> -> memref<1x640xf32, #tpu.memory_space<vmem>>
        %dma_wait3A_84 = tpu.memref_squeeze %dma_wait3A_83 : memref<1x640xf32, #tpu.memory_space<vmem>> -> memref<640xf32, #tpu.memory_space<vmem>>
        %dma_wait3A_85 = arith.constant 0 : i32
        %dma_wait3A_86 = tpu.memref_slice %dma_wait3A_84[%dma_wait3A_85] : memref<640xf32, #tpu.memory_space<vmem>> -> memref<512xf32, #tpu.memory_space<vmem>>
        %dma_wait3A_87 = arith.constant 0 : i32
        %dma_wait3A_88 = tpu.memref_slice %arg7[%run_scoped3A_34, %dma_wait3A_87] : memref<16x10112xf32, #tpu.memory_space<vmem_shared>> -> memref<1x10112xf32, #tpu.memory_space<vmem_shared>>
        %dma_wait3A_89 = tpu.memref_squeeze %dma_wait3A_88 : memref<1x10112xf32, #tpu.memory_space<vmem_shared>> -> memref<10112xf32, #tpu.memory_space<vmem_shared>>
        %dma_wait3A_90 = arith.constant 9600 : i32
        %dma_wait3A_91 = tpu.memref_slice %dma_wait3A_89[%dma_wait3A_90] : memref<10112xf32, #tpu.memory_space<vmem_shared>> -> memref<512xf32, #tpu.memory_space<vmem_shared>>
        tpu.wait_dma2 semaphore(%run_scoped3A_53 : memref<!tpu.dma_semaphore, #tpu.memory_space<semaphore_mem>>) src(%dma_wait3A_91 : memref<512xf32, #tpu.memory_space<vmem_shared>>) dst(%dma_wait3A_86 : memref<512xf32, #tpu.memory_space<vmem>>)
        tpu.yield
      }) : () -> ()
      %run_scoped3A_36 = arith.constant 10 : i32
      %run_scoped3A_37 = arith.constant 10 : i32
      "tpu.region"() ({
        %run_scoped3A_53 = tpu.sem_alloc : memref<!tpu.dma_semaphore, #tpu.memory_space<semaphore_mem>>
        %dma_start3A = arith.constant 0 : i32
        %dma_start3A_54 = tpu.memref_slice %arg6[%run_scoped3A_37, %dma_start3A] : memref<16x640xf32, #tpu.memory_space<vmem>> -> memref<1x640xf32, #tpu.memory_space<vmem>>
        %dma_start3A_55 = tpu.memref_squeeze %dma_start3A_54 : memref<1x640xf32, #tpu.memory_space<vmem>> -> memref<640xf32, #tpu.memory_space<vmem>>
        %dma_start3A_56 = arith.constant 0 : i32
        %dma_start3A_57 = tpu.memref_slice %dma_start3A_55[%dma_start3A_56] : memref<640xf32, #tpu.memory_space<vmem>> -> memref<512xf32, #tpu.memory_space<vmem>>
        %dma_start3A_58 = arith.constant 0 : i32
        %dma_start3A_59 = tpu.memref_slice %arg7[%run_scoped3A_36, %dma_start3A_58] : memref<16x10112xf32, #tpu.memory_space<vmem_shared>> -> memref<1x10112xf32, #tpu.memory_space<vmem_shared>>
        %dma_start3A_60 = tpu.memref_squeeze %dma_start3A_59 : memref<1x10112xf32, #tpu.memory_space<vmem_shared>> -> memref<10112xf32, #tpu.memory_space<vmem_shared>>
        %dma_start3A_61 = arith.constant 9600 : i32
        %dma_start3A_62 = tpu.memref_slice %dma_start3A_60[%dma_start3A_61] : memref<10112xf32, #tpu.memory_space<vmem_shared>> -> memref<512xf32, #tpu.memory_space<vmem_shared>>
        %dma_start3A_63 = arith.constant 0 : i32
        %dma_start3A_64 = tpu.memref_slice %arg6[%run_scoped3A_37, %dma_start3A_63] : memref<16x640xf32, #tpu.memory_space<vmem>> -> memref<1x640xf32, #tpu.memory_space<vmem>>
        %dma_start3A_65 = tpu.memref_squeeze %dma_start3A_64 : memref<1x640xf32, #tpu.memory_space<vmem>> -> memref<640xf32, #tpu.memory_space<vmem>>
        %dma_start3A_66 = arith.constant 0 : i32
        %dma_start3A_67 = tpu.memref_slice %dma_start3A_65[%dma_start3A_66] : memref<640xf32, #tpu.memory_space<vmem>> -> memref<512xf32, #tpu.memory_space<vmem>>
        %dma_start3A_68 = arith.constant 0 : i32
        %dma_start3A_69 = tpu.memref_slice %arg7[%run_scoped3A_36, %dma_start3A_68] : memref<16x10112xf32, #tpu.memory_space<vmem_shared>> -> memref<1x10112xf32, #tpu.memory_space<vmem_shared>>
        %dma_start3A_70 = tpu.memref_squeeze %dma_start3A_69 : memref<1x10112xf32, #tpu.memory_space<vmem_shared>> -> memref<10112xf32, #tpu.memory_space<vmem_shared>>
        %dma_start3A_71 = arith.constant 9600 : i32
        %dma_start3A_72 = tpu.memref_slice %dma_start3A_70[%dma_start3A_71] : memref<10112xf32, #tpu.memory_space<vmem_shared>> -> memref<512xf32, #tpu.memory_space<vmem_shared>>
        tpu.enqueue_dma source(%dma_start3A_72 : memref<512xf32, #tpu.memory_space<vmem_shared>>) target(%dma_start3A_67 : memref<512xf32, #tpu.memory_space<vmem>>) target_semaphore(%run_scoped3A_53 : memref<!tpu.dma_semaphore, #tpu.memory_space<semaphore_mem>>)
        %dma_wait3A = arith.constant 0 : i32
        %dma_wait3A_73 = tpu.memref_slice %arg6[%run_scoped3A_37, %dma_wait3A] : memref<16x640xf32, #tpu.memory_space<vmem>> -> memref<1x640xf32, #tpu.memory_space<vmem>>
        %dma_wait3A_74 = tpu.memref_squeeze %dma_wait3A_73 : memref<1x640xf32, #tpu.memory_space<vmem>> -> memref<640xf32, #tpu.memory_space<vmem>>
        %dma_wait3A_75 = arith.constant 0 : i32
        %dma_wait3A_76 = tpu.memref_slice %dma_wait3A_74[%dma_wait3A_75] : memref<640xf32, #tpu.memory_space<vmem>> -> memref<512xf32, #tpu.memory_space<vmem>>
        %dma_wait3A_77 = arith.constant 0 : i32
        %dma_wait3A_78 = tpu.memref_slice %arg7[%run_scoped3A_36, %dma_wait3A_77] : memref<16x10112xf32, #tpu.memory_space<vmem_shared>> -> memref<1x10112xf32, #tpu.memory_space<vmem_shared>>
        %dma_wait3A_79 = tpu.memref_squeeze %dma_wait3A_78 : memref<1x10112xf32, #tpu.memory_space<vmem_shared>> -> memref<10112xf32, #tpu.memory_space<vmem_shared>>
        %dma_wait3A_80 = arith.constant 9600 : i32
        %dma_wait3A_81 = tpu.memref_slice %dma_wait3A_79[%dma_wait3A_80] : memref<10112xf32, #tpu.memory_space<vmem_shared>> -> memref<512xf32, #tpu.memory_space<vmem_shared>>
        %dma_wait3A_82 = arith.constant 0 : i32
        %dma_wait3A_83 = tpu.memref_slice %arg6[%run_scoped3A_37, %dma_wait3A_82] : memref<16x640xf32, #tpu.memory_space<vmem>> -> memref<1x640xf32, #tpu.memory_space<vmem>>
        %dma_wait3A_84 = tpu.memref_squeeze %dma_wait3A_83 : memref<1x640xf32, #tpu.memory_space<vmem>> -> memref<640xf32, #tpu.memory_space<vmem>>
        %dma_wait3A_85 = arith.constant 0 : i32
        %dma_wait3A_86 = tpu.memref_slice %dma_wait3A_84[%dma_wait3A_85] : memref<640xf32, #tpu.memory_space<vmem>> -> memref<512xf32, #tpu.memory_space<vmem>>
        %dma_wait3A_87 = arith.constant 0 : i32
        %dma_wait3A_88 = tpu.memref_slice %arg7[%run_scoped3A_36, %dma_wait3A_87] : memref<16x10112xf32, #tpu.memory_space<vmem_shared>> -> memref<1x10112xf32, #tpu.memory_space<vmem_shared>>
        %dma_wait3A_89 = tpu.memref_squeeze %dma_wait3A_88 : memref<1x10112xf32, #tpu.memory_space<vmem_shared>> -> memref<10112xf32, #tpu.memory_space<vmem_shared>>
        %dma_wait3A_90 = arith.constant 9600 : i32
        %dma_wait3A_91 = tpu.memref_slice %dma_wait3A_89[%dma_wait3A_90] : memref<10112xf32, #tpu.memory_space<vmem_shared>> -> memref<512xf32, #tpu.memory_space<vmem_shared>>
        tpu.wait_dma2 semaphore(%run_scoped3A_53 : memref<!tpu.dma_semaphore, #tpu.memory_space<semaphore_mem>>) src(%dma_wait3A_91 : memref<512xf32, #tpu.memory_space<vmem_shared>>) dst(%dma_wait3A_86 : memref<512xf32, #tpu.memory_space<vmem>>)
        tpu.yield
      }) : () -> ()
      %run_scoped3A_38 = arith.constant 11 : i32
      %run_scoped3A_39 = arith.constant 11 : i32
      "tpu.region"() ({
        %run_scoped3A_53 = tpu.sem_alloc : memref<!tpu.dma_semaphore, #tpu.memory_space<semaphore_mem>>
        %dma_start3A = arith.constant 0 : i32
        %dma_start3A_54 = tpu.memref_slice %arg6[%run_scoped3A_39, %dma_start3A] : memref<16x640xf32, #tpu.memory_space<vmem>> -> memref<1x640xf32, #tpu.memory_space<vmem>>
        %dma_start3A_55 = tpu.memref_squeeze %dma_start3A_54 : memref<1x640xf32, #tpu.memory_space<vmem>> -> memref<640xf32, #tpu.memory_space<vmem>>
        %dma_start3A_56 = arith.constant 0 : i32
        %dma_start3A_57 = tpu.memref_slice %dma_start3A_55[%dma_start3A_56] : memref<640xf32, #tpu.memory_space<vmem>> -> memref<512xf32, #tpu.memory_space<vmem>>
        %dma_start3A_58 = arith.constant 0 : i32
        %dma_start3A_59 = tpu.memref_slice %arg7[%run_scoped3A_38, %dma_start3A_58] : memref<16x10112xf32, #tpu.memory_space<vmem_shared>> -> memref<1x10112xf32, #tpu.memory_space<vmem_shared>>
        %dma_start3A_60 = tpu.memref_squeeze %dma_start3A_59 : memref<1x10112xf32, #tpu.memory_space<vmem_shared>> -> memref<10112xf32, #tpu.memory_space<vmem_shared>>
        %dma_start3A_61 = arith.constant 9600 : i32
        %dma_start3A_62 = tpu.memref_slice %dma_start3A_60[%dma_start3A_61] : memref<10112xf32, #tpu.memory_space<vmem_shared>> -> memref<512xf32, #tpu.memory_space<vmem_shared>>
        %dma_start3A_63 = arith.constant 0 : i32
        %dma_start3A_64 = tpu.memref_slice %arg6[%run_scoped3A_39, %dma_start3A_63] : memref<16x640xf32, #tpu.memory_space<vmem>> -> memref<1x640xf32, #tpu.memory_space<vmem>>
        %dma_start3A_65 = tpu.memref_squeeze %dma_start3A_64 : memref<1x640xf32, #tpu.memory_space<vmem>> -> memref<640xf32, #tpu.memory_space<vmem>>
        %dma_start3A_66 = arith.constant 0 : i32
        %dma_start3A_67 = tpu.memref_slice %dma_start3A_65[%dma_start3A_66] : memref<640xf32, #tpu.memory_space<vmem>> -> memref<512xf32, #tpu.memory_space<vmem>>
        %dma_start3A_68 = arith.constant 0 : i32
        %dma_start3A_69 = tpu.memref_slice %arg7[%run_scoped3A_38, %dma_start3A_68] : memref<16x10112xf32, #tpu.memory_space<vmem_shared>> -> memref<1x10112xf32, #tpu.memory_space<vmem_shared>>
        %dma_start3A_70 = tpu.memref_squeeze %dma_start3A_69 : memref<1x10112xf32, #tpu.memory_space<vmem_shared>> -> memref<10112xf32, #tpu.memory_space<vmem_shared>>
        %dma_start3A_71 = arith.constant 9600 : i32
        %dma_start3A_72 = tpu.memref_slice %dma_start3A_70[%dma_start3A_71] : memref<10112xf32, #tpu.memory_space<vmem_shared>> -> memref<512xf32, #tpu.memory_space<vmem_shared>>
        tpu.enqueue_dma source(%dma_start3A_72 : memref<512xf32, #tpu.memory_space<vmem_shared>>) target(%dma_start3A_67 : memref<512xf32, #tpu.memory_space<vmem>>) target_semaphore(%run_scoped3A_53 : memref<!tpu.dma_semaphore, #tpu.memory_space<semaphore_mem>>)
        %dma_wait3A = arith.constant 0 : i32
        %dma_wait3A_73 = tpu.memref_slice %arg6[%run_scoped3A_39, %dma_wait3A] : memref<16x640xf32, #tpu.memory_space<vmem>> -> memref<1x640xf32, #tpu.memory_space<vmem>>
        %dma_wait3A_74 = tpu.memref_squeeze %dma_wait3A_73 : memref<1x640xf32, #tpu.memory_space<vmem>> -> memref<640xf32, #tpu.memory_space<vmem>>
        %dma_wait3A_75 = arith.constant 0 : i32
        %dma_wait3A_76 = tpu.memref_slice %dma_wait3A_74[%dma_wait3A_75] : memref<640xf32, #tpu.memory_space<vmem>> -> memref<512xf32, #tpu.memory_space<vmem>>
        %dma_wait3A_77 = arith.constant 0 : i32
        %dma_wait3A_78 = tpu.memref_slice %arg7[%run_scoped3A_38, %dma_wait3A_77] : memref<16x10112xf32, #tpu.memory_space<vmem_shared>> -> memref<1x10112xf32, #tpu.memory_space<vmem_shared>>
        %dma_wait3A_79 = tpu.memref_squeeze %dma_wait3A_78 : memref<1x10112xf32, #tpu.memory_space<vmem_shared>> -> memref<10112xf32, #tpu.memory_space<vmem_shared>>
        %dma_wait3A_80 = arith.constant 9600 : i32
        %dma_wait3A_81 = tpu.memref_slice %dma_wait3A_79[%dma_wait3A_80] : memref<10112xf32, #tpu.memory_space<vmem_shared>> -> memref<512xf32, #tpu.memory_space<vmem_shared>>
        %dma_wait3A_82 = arith.constant 0 : i32
        %dma_wait3A_83 = tpu.memref_slice %arg6[%run_scoped3A_39, %dma_wait3A_82] : memref<16x640xf32, #tpu.memory_space<vmem>> -> memref<1x640xf32, #tpu.memory_space<vmem>>
        %dma_wait3A_84 = tpu.memref_squeeze %dma_wait3A_83 : memref<1x640xf32, #tpu.memory_space<vmem>> -> memref<640xf32, #tpu.memory_space<vmem>>
        %dma_wait3A_85 = arith.constant 0 : i32
        %dma_wait3A_86 = tpu.memref_slice %dma_wait3A_84[%dma_wait3A_85] : memref<640xf32, #tpu.memory_space<vmem>> -> memref<512xf32, #tpu.memory_space<vmem>>
        %dma_wait3A_87 = arith.constant 0 : i32
        %dma_wait3A_88 = tpu.memref_slice %arg7[%run_scoped3A_38, %dma_wait3A_87] : memref<16x10112xf32, #tpu.memory_space<vmem_shared>> -> memref<1x10112xf32, #tpu.memory_space<vmem_shared>>
        %dma_wait3A_89 = tpu.memref_squeeze %dma_wait3A_88 : memref<1x10112xf32, #tpu.memory_space<vmem_shared>> -> memref<10112xf32, #tpu.memory_space<vmem_shared>>
        %dma_wait3A_90 = arith.constant 9600 : i32
        %dma_wait3A_91 = tpu.memref_slice %dma_wait3A_89[%dma_wait3A_90] : memref<10112xf32, #tpu.memory_space<vmem_shared>> -> memref<512xf32, #tpu.memory_space<vmem_shared>>
        tpu.wait_dma2 semaphore(%run_scoped3A_53 : memref<!tpu.dma_semaphore, #tpu.memory_space<semaphore_mem>>) src(%dma_wait3A_91 : memref<512xf32, #tpu.memory_space<vmem_shared>>) dst(%dma_wait3A_86 : memref<512xf32, #tpu.memory_space<vmem>>)
        tpu.yield
      }) : () -> ()
      %run_scoped3A_40 = arith.constant 12 : i32
      %run_scoped3A_41 = arith.constant 12 : i32
      "tpu.region"() ({
        %run_scoped3A_53 = tpu.sem_alloc : memref<!tpu.dma_semaphore, #tpu.memory_space<semaphore_mem>>
        %dma_start3A = arith.constant 0 : i32
        %dma_start3A_54 = tpu.memref_slice %arg6[%run_scoped3A_41, %dma_start3A] : memref<16x640xf32, #tpu.memory_space<vmem>> -> memref<1x640xf32, #tpu.memory_space<vmem>>
        %dma_start3A_55 = tpu.memref_squeeze %dma_start3A_54 : memref<1x640xf32, #tpu.memory_space<vmem>> -> memref<640xf32, #tpu.memory_space<vmem>>
        %dma_start3A_56 = arith.constant 0 : i32
        %dma_start3A_57 = tpu.memref_slice %dma_start3A_55[%dma_start3A_56] : memref<640xf32, #tpu.memory_space<vmem>> -> memref<512xf32, #tpu.memory_space<vmem>>
        %dma_start3A_58 = arith.constant 0 : i32
        %dma_start3A_59 = tpu.memref_slice %arg7[%run_scoped3A_40, %dma_start3A_58] : memref<16x10112xf32, #tpu.memory_space<vmem_shared>> -> memref<1x10112xf32, #tpu.memory_space<vmem_shared>>
        %dma_start3A_60 = tpu.memref_squeeze %dma_start3A_59 : memref<1x10112xf32, #tpu.memory_space<vmem_shared>> -> memref<10112xf32, #tpu.memory_space<vmem_shared>>
        %dma_start3A_61 = arith.constant 9600 : i32
        %dma_start3A_62 = tpu.memref_slice %dma_start3A_60[%dma_start3A_61] : memref<10112xf32, #tpu.memory_space<vmem_shared>> -> memref<512xf32, #tpu.memory_space<vmem_shared>>
        %dma_start3A_63 = arith.constant 0 : i32
        %dma_start3A_64 = tpu.memref_slice %arg6[%run_scoped3A_41, %dma_start3A_63] : memref<16x640xf32, #tpu.memory_space<vmem>> -> memref<1x640xf32, #tpu.memory_space<vmem>>
        %dma_start3A_65 = tpu.memref_squeeze %dma_start3A_64 : memref<1x640xf32, #tpu.memory_space<vmem>> -> memref<640xf32, #tpu.memory_space<vmem>>
        %dma_start3A_66 = arith.constant 0 : i32
        %dma_start3A_67 = tpu.memref_slice %dma_start3A_65[%dma_start3A_66] : memref<640xf32, #tpu.memory_space<vmem>> -> memref<512xf32, #tpu.memory_space<vmem>>
        %dma_start3A_68 = arith.constant 0 : i32
        %dma_start3A_69 = tpu.memref_slice %arg7[%run_scoped3A_40, %dma_start3A_68] : memref<16x10112xf32, #tpu.memory_space<vmem_shared>> -> memref<1x10112xf32, #tpu.memory_space<vmem_shared>>
        %dma_start3A_70 = tpu.memref_squeeze %dma_start3A_69 : memref<1x10112xf32, #tpu.memory_space<vmem_shared>> -> memref<10112xf32, #tpu.memory_space<vmem_shared>>
        %dma_start3A_71 = arith.constant 9600 : i32
        %dma_start3A_72 = tpu.memref_slice %dma_start3A_70[%dma_start3A_71] : memref<10112xf32, #tpu.memory_space<vmem_shared>> -> memref<512xf32, #tpu.memory_space<vmem_shared>>
        tpu.enqueue_dma source(%dma_start3A_72 : memref<512xf32, #tpu.memory_space<vmem_shared>>) target(%dma_start3A_67 : memref<512xf32, #tpu.memory_space<vmem>>) target_semaphore(%run_scoped3A_53 : memref<!tpu.dma_semaphore, #tpu.memory_space<semaphore_mem>>)
        %dma_wait3A = arith.constant 0 : i32
        %dma_wait3A_73 = tpu.memref_slice %arg6[%run_scoped3A_41, %dma_wait3A] : memref<16x640xf32, #tpu.memory_space<vmem>> -> memref<1x640xf32, #tpu.memory_space<vmem>>
        %dma_wait3A_74 = tpu.memref_squeeze %dma_wait3A_73 : memref<1x640xf32, #tpu.memory_space<vmem>> -> memref<640xf32, #tpu.memory_space<vmem>>
        %dma_wait3A_75 = arith.constant 0 : i32
        %dma_wait3A_76 = tpu.memref_slice %dma_wait3A_74[%dma_wait3A_75] : memref<640xf32, #tpu.memory_space<vmem>> -> memref<512xf32, #tpu.memory_space<vmem>>
        %dma_wait3A_77 = arith.constant 0 : i32
        %dma_wait3A_78 = tpu.memref_slice %arg7[%run_scoped3A_40, %dma_wait3A_77] : memref<16x10112xf32, #tpu.memory_space<vmem_shared>> -> memref<1x10112xf32, #tpu.memory_space<vmem_shared>>
        %dma_wait3A_79 = tpu.memref_squeeze %dma_wait3A_78 : memref<1x10112xf32, #tpu.memory_space<vmem_shared>> -> memref<10112xf32, #tpu.memory_space<vmem_shared>>
        %dma_wait3A_80 = arith.constant 9600 : i32
        %dma_wait3A_81 = tpu.memref_slice %dma_wait3A_79[%dma_wait3A_80] : memref<10112xf32, #tpu.memory_space<vmem_shared>> -> memref<512xf32, #tpu.memory_space<vmem_shared>>
        %dma_wait3A_82 = arith.constant 0 : i32
        %dma_wait3A_83 = tpu.memref_slice %arg6[%run_scoped3A_41, %dma_wait3A_82] : memref<16x640xf32, #tpu.memory_space<vmem>> -> memref<1x640xf32, #tpu.memory_space<vmem>>
        %dma_wait3A_84 = tpu.memref_squeeze %dma_wait3A_83 : memref<1x640xf32, #tpu.memory_space<vmem>> -> memref<640xf32, #tpu.memory_space<vmem>>
        %dma_wait3A_85 = arith.constant 0 : i32
        %dma_wait3A_86 = tpu.memref_slice %dma_wait3A_84[%dma_wait3A_85] : memref<640xf32, #tpu.memory_space<vmem>> -> memref<512xf32, #tpu.memory_space<vmem>>
        %dma_wait3A_87 = arith.constant 0 : i32
        %dma_wait3A_88 = tpu.memref_slice %arg7[%run_scoped3A_40, %dma_wait3A_87] : memref<16x10112xf32, #tpu.memory_space<vmem_shared>> -> memref<1x10112xf32, #tpu.memory_space<vmem_shared>>
        %dma_wait3A_89 = tpu.memref_squeeze %dma_wait3A_88 : memref<1x10112xf32, #tpu.memory_space<vmem_shared>> -> memref<10112xf32, #tpu.memory_space<vmem_shared>>
        %dma_wait3A_90 = arith.constant 9600 : i32
        %dma_wait3A_91 = tpu.memref_slice %dma_wait3A_89[%dma_wait3A_90] : memref<10112xf32, #tpu.memory_space<vmem_shared>> -> memref<512xf32, #tpu.memory_space<vmem_shared>>
        tpu.wait_dma2 semaphore(%run_scoped3A_53 : memref<!tpu.dma_semaphore, #tpu.memory_space<semaphore_mem>>) src(%dma_wait3A_91 : memref<512xf32, #tpu.memory_space<vmem_shared>>) dst(%dma_wait3A_86 : memref<512xf32, #tpu.memory_space<vmem>>)
        tpu.yield
      }) : () -> ()
      %run_scoped3A_42 = arith.constant 13 : i32
      %run_scoped3A_43 = arith.constant 13 : i32
      "tpu.region"() ({
        %run_scoped3A_53 = tpu.sem_alloc : memref<!tpu.dma_semaphore, #tpu.memory_space<semaphore_mem>>
        %dma_start3A = arith.constant 0 : i32
        %dma_start3A_54 = tpu.memref_slice %arg6[%run_scoped3A_43, %dma_start3A] : memref<16x640xf32, #tpu.memory_space<vmem>> -> memref<1x640xf32, #tpu.memory_space<vmem>>
        %dma_start3A_55 = tpu.memref_squeeze %dma_start3A_54 : memref<1x640xf32, #tpu.memory_space<vmem>> -> memref<640xf32, #tpu.memory_space<vmem>>
        %dma_start3A_56 = arith.constant 0 : i32
        %dma_start3A_57 = tpu.memref_slice %dma_start3A_55[%dma_start3A_56] : memref<640xf32, #tpu.memory_space<vmem>> -> memref<512xf32, #tpu.memory_space<vmem>>
        %dma_start3A_58 = arith.constant 0 : i32
        %dma_start3A_59 = tpu.memref_slice %arg7[%run_scoped3A_42, %dma_start3A_58] : memref<16x10112xf32, #tpu.memory_space<vmem_shared>> -> memref<1x10112xf32, #tpu.memory_space<vmem_shared>>
        %dma_start3A_60 = tpu.memref_squeeze %dma_start3A_59 : memref<1x10112xf32, #tpu.memory_space<vmem_shared>> -> memref<10112xf32, #tpu.memory_space<vmem_shared>>
        %dma_start3A_61 = arith.constant 9600 : i32
        %dma_start3A_62 = tpu.memref_slice %dma_start3A_60[%dma_start3A_61] : memref<10112xf32, #tpu.memory_space<vmem_shared>> -> memref<512xf32, #tpu.memory_space<vmem_shared>>
        %dma_start3A_63 = arith.constant 0 : i32
        %dma_start3A_64 = tpu.memref_slice %arg6[%run_scoped3A_43, %dma_start3A_63] : memref<16x640xf32, #tpu.memory_space<vmem>> -> memref<1x640xf32, #tpu.memory_space<vmem>>
        %dma_start3A_65 = tpu.memref_squeeze %dma_start3A_64 : memref<1x640xf32, #tpu.memory_space<vmem>> -> memref<640xf32, #tpu.memory_space<vmem>>
        %dma_start3A_66 = arith.constant 0 : i32
        %dma_start3A_67 = tpu.memref_slice %dma_start3A_65[%dma_start3A_66] : memref<640xf32, #tpu.memory_space<vmem>> -> memref<512xf32, #tpu.memory_space<vmem>>
        %dma_start3A_68 = arith.constant 0 : i32
        %dma_start3A_69 = tpu.memref_slice %arg7[%run_scoped3A_42, %dma_start3A_68] : memref<16x10112xf32, #tpu.memory_space<vmem_shared>> -> memref<1x10112xf32, #tpu.memory_space<vmem_shared>>
        %dma_start3A_70 = tpu.memref_squeeze %dma_start3A_69 : memref<1x10112xf32, #tpu.memory_space<vmem_shared>> -> memref<10112xf32, #tpu.memory_space<vmem_shared>>
        %dma_start3A_71 = arith.constant 9600 : i32
        %dma_start3A_72 = tpu.memref_slice %dma_start3A_70[%dma_start3A_71] : memref<10112xf32, #tpu.memory_space<vmem_shared>> -> memref<512xf32, #tpu.memory_space<vmem_shared>>
        tpu.enqueue_dma source(%dma_start3A_72 : memref<512xf32, #tpu.memory_space<vmem_shared>>) target(%dma_start3A_67 : memref<512xf32, #tpu.memory_space<vmem>>) target_semaphore(%run_scoped3A_53 : memref<!tpu.dma_semaphore, #tpu.memory_space<semaphore_mem>>)
        %dma_wait3A = arith.constant 0 : i32
        %dma_wait3A_73 = tpu.memref_slice %arg6[%run_scoped3A_43, %dma_wait3A] : memref<16x640xf32, #tpu.memory_space<vmem>> -> memref<1x640xf32, #tpu.memory_space<vmem>>
        %dma_wait3A_74 = tpu.memref_squeeze %dma_wait3A_73 : memref<1x640xf32, #tpu.memory_space<vmem>> -> memref<640xf32, #tpu.memory_space<vmem>>
        %dma_wait3A_75 = arith.constant 0 : i32
        %dma_wait3A_76 = tpu.memref_slice %dma_wait3A_74[%dma_wait3A_75] : memref<640xf32, #tpu.memory_space<vmem>> -> memref<512xf32, #tpu.memory_space<vmem>>
        %dma_wait3A_77 = arith.constant 0 : i32
        %dma_wait3A_78 = tpu.memref_slice %arg7[%run_scoped3A_42, %dma_wait3A_77] : memref<16x10112xf32, #tpu.memory_space<vmem_shared>> -> memref<1x10112xf32, #tpu.memory_space<vmem_shared>>
        %dma_wait3A_79 = tpu.memref_squeeze %dma_wait3A_78 : memref<1x10112xf32, #tpu.memory_space<vmem_shared>> -> memref<10112xf32, #tpu.memory_space<vmem_shared>>
        %dma_wait3A_80 = arith.constant 9600 : i32
        %dma_wait3A_81 = tpu.memref_slice %dma_wait3A_79[%dma_wait3A_80] : memref<10112xf32, #tpu.memory_space<vmem_shared>> -> memref<512xf32, #tpu.memory_space<vmem_shared>>
        %dma_wait3A_82 = arith.constant 0 : i32
        %dma_wait3A_83 = tpu.memref_slice %arg6[%run_scoped3A_43, %dma_wait3A_82] : memref<16x640xf32, #tpu.memory_space<vmem>> -> memref<1x640xf32, #tpu.memory_space<vmem>>
        %dma_wait3A_84 = tpu.memref_squeeze %dma_wait3A_83 : memref<1x640xf32, #tpu.memory_space<vmem>> -> memref<640xf32, #tpu.memory_space<vmem>>
        %dma_wait3A_85 = arith.constant 0 : i32
        %dma_wait3A_86 = tpu.memref_slice %dma_wait3A_84[%dma_wait3A_85] : memref<640xf32, #tpu.memory_space<vmem>> -> memref<512xf32, #tpu.memory_space<vmem>>
        %dma_wait3A_87 = arith.constant 0 : i32
        %dma_wait3A_88 = tpu.memref_slice %arg7[%run_scoped3A_42, %dma_wait3A_87] : memref<16x10112xf32, #tpu.memory_space<vmem_shared>> -> memref<1x10112xf32, #tpu.memory_space<vmem_shared>>
        %dma_wait3A_89 = tpu.memref_squeeze %dma_wait3A_88 : memref<1x10112xf32, #tpu.memory_space<vmem_shared>> -> memref<10112xf32, #tpu.memory_space<vmem_shared>>
        %dma_wait3A_90 = arith.constant 9600 : i32
        %dma_wait3A_91 = tpu.memref_slice %dma_wait3A_89[%dma_wait3A_90] : memref<10112xf32, #tpu.memory_space<vmem_shared>> -> memref<512xf32, #tpu.memory_space<vmem_shared>>
        tpu.wait_dma2 semaphore(%run_scoped3A_53 : memref<!tpu.dma_semaphore, #tpu.memory_space<semaphore_mem>>) src(%dma_wait3A_91 : memref<512xf32, #tpu.memory_space<vmem_shared>>) dst(%dma_wait3A_86 : memref<512xf32, #tpu.memory_space<vmem>>)
        tpu.yield
      }) : () -> ()
      %run_scoped3A_44 = arith.constant 14 : i32
      %run_scoped3A_45 = arith.constant 14 : i32
      "tpu.region"() ({
        %run_scoped3A_53 = tpu.sem_alloc : memref<!tpu.dma_semaphore, #tpu.memory_space<semaphore_mem>>
        %dma_start3A = arith.constant 0 : i32
        %dma_start3A_54 = tpu.memref_slice %arg6[%run_scoped3A_45, %dma_start3A] : memref<16x640xf32, #tpu.memory_space<vmem>> -> memref<1x640xf32, #tpu.memory_space<vmem>>
        %dma_start3A_55 = tpu.memref_squeeze %dma_start3A_54 : memref<1x640xf32, #tpu.memory_space<vmem>> -> memref<640xf32, #tpu.memory_space<vmem>>
        %dma_start3A_56 = arith.constant 0 : i32
        %dma_start3A_57 = tpu.memref_slice %dma_start3A_55[%dma_start3A_56] : memref<640xf32, #tpu.memory_space<vmem>> -> memref<512xf32, #tpu.memory_space<vmem>>
        %dma_start3A_58 = arith.constant 0 : i32
        %dma_start3A_59 = tpu.memref_slice %arg7[%run_scoped3A_44, %dma_start3A_58] : memref<16x10112xf32, #tpu.memory_space<vmem_shared>> -> memref<1x10112xf32, #tpu.memory_space<vmem_shared>>
        %dma_start3A_60 = tpu.memref_squeeze %dma_start3A_59 : memref<1x10112xf32, #tpu.memory_space<vmem_shared>> -> memref<10112xf32, #tpu.memory_space<vmem_shared>>
        %dma_start3A_61 = arith.constant 9600 : i32
        %dma_start3A_62 = tpu.memref_slice %dma_start3A_60[%dma_start3A_61] : memref<10112xf32, #tpu.memory_space<vmem_shared>> -> memref<512xf32, #tpu.memory_space<vmem_shared>>
        %dma_start3A_63 = arith.constant 0 : i32
        %dma_start3A_64 = tpu.memref_slice %arg6[%run_scoped3A_45, %dma_start3A_63] : memref<16x640xf32, #tpu.memory_space<vmem>> -> memref<1x640xf32, #tpu.memory_space<vmem>>
        %dma_start3A_65 = tpu.memref_squeeze %dma_start3A_64 : memref<1x640xf32, #tpu.memory_space<vmem>> -> memref<640xf32, #tpu.memory_space<vmem>>
        %dma_start3A_66 = arith.constant 0 : i32
        %dma_start3A_67 = tpu.memref_slice %dma_start3A_65[%dma_start3A_66] : memref<640xf32, #tpu.memory_space<vmem>> -> memref<512xf32, #tpu.memory_space<vmem>>
        %dma_start3A_68 = arith.constant 0 : i32
        %dma_start3A_69 = tpu.memref_slice %arg7[%run_scoped3A_44, %dma_start3A_68] : memref<16x10112xf32, #tpu.memory_space<vmem_shared>> -> memref<1x10112xf32, #tpu.memory_space<vmem_shared>>
        %dma_start3A_70 = tpu.memref_squeeze %dma_start3A_69 : memref<1x10112xf32, #tpu.memory_space<vmem_shared>> -> memref<10112xf32, #tpu.memory_space<vmem_shared>>
        %dma_start3A_71 = arith.constant 9600 : i32
        %dma_start3A_72 = tpu.memref_slice %dma_start3A_70[%dma_start3A_71] : memref<10112xf32, #tpu.memory_space<vmem_shared>> -> memref<512xf32, #tpu.memory_space<vmem_shared>>
        tpu.enqueue_dma source(%dma_start3A_72 : memref<512xf32, #tpu.memory_space<vmem_shared>>) target(%dma_start3A_67 : memref<512xf32, #tpu.memory_space<vmem>>) target_semaphore(%run_scoped3A_53 : memref<!tpu.dma_semaphore, #tpu.memory_space<semaphore_mem>>)
        %dma_wait3A = arith.constant 0 : i32
        %dma_wait3A_73 = tpu.memref_slice %arg6[%run_scoped3A_45, %dma_wait3A] : memref<16x640xf32, #tpu.memory_space<vmem>> -> memref<1x640xf32, #tpu.memory_space<vmem>>
        %dma_wait3A_74 = tpu.memref_squeeze %dma_wait3A_73 : memref<1x640xf32, #tpu.memory_space<vmem>> -> memref<640xf32, #tpu.memory_space<vmem>>
        %dma_wait3A_75 = arith.constant 0 : i32
        %dma_wait3A_76 = tpu.memref_slice %dma_wait3A_74[%dma_wait3A_75] : memref<640xf32, #tpu.memory_space<vmem>> -> memref<512xf32, #tpu.memory_space<vmem>>
        %dma_wait3A_77 = arith.constant 0 : i32
        %dma_wait3A_78 = tpu.memref_slice %arg7[%run_scoped3A_44, %dma_wait3A_77] : memref<16x10112xf32, #tpu.memory_space<vmem_shared>> -> memref<1x10112xf32, #tpu.memory_space<vmem_shared>>
        %dma_wait3A_79 = tpu.memref_squeeze %dma_wait3A_78 : memref<1x10112xf32, #tpu.memory_space<vmem_shared>> -> memref<10112xf32, #tpu.memory_space<vmem_shared>>
        %dma_wait3A_80 = arith.constant 9600 : i32
        %dma_wait3A_81 = tpu.memref_slice %dma_wait3A_79[%dma_wait3A_80] : memref<10112xf32, #tpu.memory_space<vmem_shared>> -> memref<512xf32, #tpu.memory_space<vmem_shared>>
        %dma_wait3A_82 = arith.constant 0 : i32
        %dma_wait3A_83 = tpu.memref_slice %arg6[%run_scoped3A_45, %dma_wait3A_82] : memref<16x640xf32, #tpu.memory_space<vmem>> -> memref<1x640xf32, #tpu.memory_space<vmem>>
        %dma_wait3A_84 = tpu.memref_squeeze %dma_wait3A_83 : memref<1x640xf32, #tpu.memory_space<vmem>> -> memref<640xf32, #tpu.memory_space<vmem>>
        %dma_wait3A_85 = arith.constant 0 : i32
        %dma_wait3A_86 = tpu.memref_slice %dma_wait3A_84[%dma_wait3A_85] : memref<640xf32, #tpu.memory_space<vmem>> -> memref<512xf32, #tpu.memory_space<vmem>>
        %dma_wait3A_87 = arith.constant 0 : i32
        %dma_wait3A_88 = tpu.memref_slice %arg7[%run_scoped3A_44, %dma_wait3A_87] : memref<16x10112xf32, #tpu.memory_space<vmem_shared>> -> memref<1x10112xf32, #tpu.memory_space<vmem_shared>>
        %dma_wait3A_89 = tpu.memref_squeeze %dma_wait3A_88 : memref<1x10112xf32, #tpu.memory_space<vmem_shared>> -> memref<10112xf32, #tpu.memory_space<vmem_shared>>
        %dma_wait3A_90 = arith.constant 9600 : i32
        %dma_wait3A_91 = tpu.memref_slice %dma_wait3A_89[%dma_wait3A_90] : memref<10112xf32, #tpu.memory_space<vmem_shared>> -> memref<512xf32, #tpu.memory_space<vmem_shared>>
        tpu.wait_dma2 semaphore(%run_scoped3A_53 : memref<!tpu.dma_semaphore, #tpu.memory_space<semaphore_mem>>) src(%dma_wait3A_91 : memref<512xf32, #tpu.memory_space<vmem_shared>>) dst(%dma_wait3A_86 : memref<512xf32, #tpu.memory_space<vmem>>)
        tpu.yield
      }) : () -> ()
      %run_scoped3A_46 = arith.constant 15 : i32
      %run_scoped3A_47 = arith.constant 15 : i32
      "tpu.region"() ({
        %run_scoped3A_53 = tpu.sem_alloc : memref<!tpu.dma_semaphore, #tpu.memory_space<semaphore_mem>>
        %dma_start3A = arith.constant 0 : i32
        %dma_start3A_54 = tpu.memref_slice %arg6[%run_scoped3A_47, %dma_start3A] : memref<16x640xf32, #tpu.memory_space<vmem>> -> memref<1x640xf32, #tpu.memory_space<vmem>>
        %dma_start3A_55 = tpu.memref_squeeze %dma_start3A_54 : memref<1x640xf32, #tpu.memory_space<vmem>> -> memref<640xf32, #tpu.memory_space<vmem>>
        %dma_start3A_56 = arith.constant 0 : i32
        %dma_start3A_57 = tpu.memref_slice %dma_start3A_55[%dma_start3A_56] : memref<640xf32, #tpu.memory_space<vmem>> -> memref<512xf32, #tpu.memory_space<vmem>>
        %dma_start3A_58 = arith.constant 0 : i32
        %dma_start3A_59 = tpu.memref_slice %arg7[%run_scoped3A_46, %dma_start3A_58] : memref<16x10112xf32, #tpu.memory_space<vmem_shared>> -> memref<1x10112xf32, #tpu.memory_space<vmem_shared>>
        %dma_start3A_60 = tpu.memref_squeeze %dma_start3A_59 : memref<1x10112xf32, #tpu.memory_space<vmem_shared>> -> memref<10112xf32, #tpu.memory_space<vmem_shared>>
        %dma_start3A_61 = arith.constant 9600 : i32
        %dma_start3A_62 = tpu.memref_slice %dma_start3A_60[%dma_start3A_61] : memref<10112xf32, #tpu.memory_space<vmem_shared>> -> memref<512xf32, #tpu.memory_space<vmem_shared>>
        %dma_start3A_63 = arith.constant 0 : i32
        %dma_start3A_64 = tpu.memref_slice %arg6[%run_scoped3A_47, %dma_start3A_63] : memref<16x640xf32, #tpu.memory_space<vmem>> -> memref<1x640xf32, #tpu.memory_space<vmem>>
        %dma_start3A_65 = tpu.memref_squeeze %dma_start3A_64 : memref<1x640xf32, #tpu.memory_space<vmem>> -> memref<640xf32, #tpu.memory_space<vmem>>
        %dma_start3A_66 = arith.constant 0 : i32
        %dma_start3A_67 = tpu.memref_slice %dma_start3A_65[%dma_start3A_66] : memref<640xf32, #tpu.memory_space<vmem>> -> memref<512xf32, #tpu.memory_space<vmem>>
        %dma_start3A_68 = arith.constant 0 : i32
        %dma_start3A_69 = tpu.memref_slice %arg7[%run_scoped3A_46, %dma_start3A_68] : memref<16x10112xf32, #tpu.memory_space<vmem_shared>> -> memref<1x10112xf32, #tpu.memory_space<vmem_shared>>
        %dma_start3A_70 = tpu.memref_squeeze %dma_start3A_69 : memref<1x10112xf32, #tpu.memory_space<vmem_shared>> -> memref<10112xf32, #tpu.memory_space<vmem_shared>>
        %dma_start3A_71 = arith.constant 9600 : i32
        %dma_start3A_72 = tpu.memref_slice %dma_start3A_70[%dma_start3A_71] : memref<10112xf32, #tpu.memory_space<vmem_shared>> -> memref<512xf32, #tpu.memory_space<vmem_shared>>
        tpu.enqueue_dma source(%dma_start3A_72 : memref<512xf32, #tpu.memory_space<vmem_shared>>) target(%dma_start3A_67 : memref<512xf32, #tpu.memory_space<vmem>>) target_semaphore(%run_scoped3A_53 : memref<!tpu.dma_semaphore, #tpu.memory_space<semaphore_mem>>)
        %dma_wait3A = arith.constant 0 : i32
        %dma_wait3A_73 = tpu.memref_slice %arg6[%run_scoped3A_47, %dma_wait3A] : memref<16x640xf32, #tpu.memory_space<vmem>> -> memref<1x640xf32, #tpu.memory_space<vmem>>
        %dma_wait3A_74 = tpu.memref_squeeze %dma_wait3A_73 : memref<1x640xf32, #tpu.memory_space<vmem>> -> memref<640xf32, #tpu.memory_space<vmem>>
        %dma_wait3A_75 = arith.constant 0 : i32
        %dma_wait3A_76 = tpu.memref_slice %dma_wait3A_74[%dma_wait3A_75] : memref<640xf32, #tpu.memory_space<vmem>> -> memref<512xf32, #tpu.memory_space<vmem>>
        %dma_wait3A_77 = arith.constant 0 : i32
        %dma_wait3A_78 = tpu.memref_slice %arg7[%run_scoped3A_46, %dma_wait3A_77] : memref<16x10112xf32, #tpu.memory_space<vmem_shared>> -> memref<1x10112xf32, #tpu.memory_space<vmem_shared>>
        %dma_wait3A_79 = tpu.memref_squeeze %dma_wait3A_78 : memref<1x10112xf32, #tpu.memory_space<vmem_shared>> -> memref<10112xf32, #tpu.memory_space<vmem_shared>>
        %dma_wait3A_80 = arith.constant 9600 : i32
        %dma_wait3A_81 = tpu.memref_slice %dma_wait3A_79[%dma_wait3A_80] : memref<10112xf32, #tpu.memory_space<vmem_shared>> -> memref<512xf32, #tpu.memory_space<vmem_shared>>
        %dma_wait3A_82 = arith.constant 0 : i32
        %dma_wait3A_83 = tpu.memref_slice %arg6[%run_scoped3A_47, %dma_wait3A_82] : memref<16x640xf32, #tpu.memory_space<vmem>> -> memref<1x640xf32, #tpu.memory_space<vmem>>
        %dma_wait3A_84 = tpu.memref_squeeze %dma_wait3A_83 : memref<1x640xf32, #tpu.memory_space<vmem>> -> memref<640xf32, #tpu.memory_space<vmem>>
        %dma_wait3A_85 = arith.constant 0 : i32
        %dma_wait3A_86 = tpu.memref_slice %dma_wait3A_84[%dma_wait3A_85] : memref<640xf32, #tpu.memory_space<vmem>> -> memref<512xf32, #tpu.memory_space<vmem>>
        %dma_wait3A_87 = arith.constant 0 : i32
        %dma_wait3A_88 = tpu.memref_slice %arg7[%run_scoped3A_46, %dma_wait3A_87] : memref<16x10112xf32, #tpu.memory_space<vmem_shared>> -> memref<1x10112xf32, #tpu.memory_space<vmem_shared>>
        %dma_wait3A_89 = tpu.memref_squeeze %dma_wait3A_88 : memref<1x10112xf32, #tpu.memory_space<vmem_shared>> -> memref<10112xf32, #tpu.memory_space<vmem_shared>>
        %dma_wait3A_90 = arith.constant 9600 : i32
        %dma_wait3A_91 = tpu.memref_slice %dma_wait3A_89[%dma_wait3A_90] : memref<10112xf32, #tpu.memory_space<vmem_shared>> -> memref<512xf32, #tpu.memory_space<vmem_shared>>
        tpu.wait_dma2 semaphore(%run_scoped3A_53 : memref<!tpu.dma_semaphore, #tpu.memory_space<semaphore_mem>>) src(%dma_wait3A_91 : memref<512xf32, #tpu.memory_space<vmem_shared>>) dst(%dma_wait3A_86 : memref<512xf32, #tpu.memory_space<vmem>>)
        tpu.yield
      }) : () -> ()
      %scan3A_48 = arith.constant 0 : i32
      %scan3A_49 = arith.constant 32 : i32
      %scan3A_50 = arith.addi %scan3A_48, %scan3A_49 : i32
      %scan3A_51 = arith.constant 1 : i32
      scf.for %scan3A_53 = %scan3A_48 to %scan3A_50 step %scan3A_51  : i32 {
        %mul3A_54 = arith.constant 16 : i32
        %mul3A_55 = arith.muli %scan3A_53, %mul3A_54 : i32
        %add3A_56 = arith.constant 0 : i32
        %add3A_57 = arith.addi %add3A_56, %mul3A_55 : i32
        %broadcast_in_dim3A_58 = arith.constant 0.000000e+00 : f32
        %broadcast_in_dim3A_59 = vector.broadcast %broadcast_in_dim3A_58 : f32 to vector<16xf32>
        %get3A = arith.constant 0 : i32
        %get3A_60 = arith.index_cast %get3A : i32 to index
        %get3A_61 = arith.index_cast %add3A_57 : i32 to index
        %get3A_62 = tpu.vector_load %arg6[%get3A_60, %get3A_61] {strides = array<i32>} : memref<16x640xf32, #tpu.memory_space<vmem>>, vector<16xf32>,
        %add3A_63 = arith.addf %broadcast_in_dim3A_59, %get3A_62 : vector<16xf32>
        %get3A_64 = arith.constant 1 : i32
        %get3A_65 = arith.index_cast %get3A_64 : i32 to index
        %get3A_66 = arith.index_cast %add3A_57 : i32 to index
        %get3A_67 = tpu.vector_load %arg6[%get3A_65, %get3A_66] {strides = array<i32>} : memref<16x640xf32, #tpu.memory_space<vmem>>, vector<16xf32>,
        %add3A_68 = arith.addf %add3A_63, %get3A_67 : vector<16xf32>
        %get3A_69 = arith.constant 2 : i32
        %get3A_70 = arith.index_cast %get3A_69 : i32 to index
        %get3A_71 = arith.index_cast %add3A_57 : i32 to index
        %get3A_72 = tpu.vector_load %arg6[%get3A_70, %get3A_71] {strides = array<i32>} : memref<16x640xf32, #tpu.memory_space<vmem>>, vector<16xf32>,
        %add3A_73 = arith.addf %add3A_68, %get3A_72 : vector<16xf32>
        %get3A_74 = arith.constant 3 : i32
        %get3A_75 = arith.index_cast %get3A_74 : i32 to index
        %get3A_76 = arith.index_cast %add3A_57 : i32 to index
        %get3A_77 = tpu.vector_load %arg6[%get3A_75, %get3A_76] {strides = array<i32>} : memref<16x640xf32, #tpu.memory_space<vmem>>, vector<16xf32>,
        %add3A_78 = arith.addf %add3A_73, %get3A_77 : vector<16xf32>
        %get3A_79 = arith.constant 4 : i32
        %get3A_80 = arith.index_cast %get3A_79 : i32 to index
        %get3A_81 = arith.index_cast %add3A_57 : i32 to index
        %get3A_82 = tpu.vector_load %arg6[%get3A_80, %get3A_81] {strides = array<i32>} : memref<16x640xf32, #tpu.memory_space<vmem>>, vector<16xf32>,
        %add3A_83 = arith.addf %add3A_78, %get3A_82 : vector<16xf32>
        %get3A_84 = arith.constant 5 : i32
        %get3A_85 = arith.index_cast %get3A_84 : i32 to index
        %get3A_86 = arith.index_cast %add3A_57 : i32 to index
        %get3A_87 = tpu.vector_load %arg6[%get3A_85, %get3A_86] {strides = array<i32>} : memref<16x640xf32, #tpu.memory_space<vmem>>, vector<16xf32>,
        %add3A_88 = arith.addf %add3A_83, %get3A_87 : vector<16xf32>
        %get3A_89 = arith.constant 6 : i32
        %get3A_90 = arith.index_cast %get3A_89 : i32 to index
        %get3A_91 = arith.index_cast %add3A_57 : i32 to index
        %get3A_92 = tpu.vector_load %arg6[%get3A_90, %get3A_91] {strides = array<i32>} : memref<16x640xf32, #tpu.memory_space<vmem>>, vector<16xf32>,
        %add3A_93 = arith.addf %add3A_88, %get3A_92 : vector<16xf32>
        %get3A_94 = arith.constant 7 : i32
        %get3A_95 = arith.index_cast %get3A_94 : i32 to index
        %get3A_96 = arith.index_cast %add3A_57 : i32 to index
        %get3A_97 = tpu.vector_load %arg6[%get3A_95, %get3A_96] {strides = array<i32>} : memref<16x640xf32, #tpu.memory_space<vmem>>, vector<16xf32>,
        %add3A_98 = arith.addf %add3A_93, %get3A_97 : vector<16xf32>
        %get3A_99 = arith.constant 8 : i32
        %get3A_100 = arith.index_cast %get3A_99 : i32 to index
        %get3A_101 = arith.index_cast %add3A_57 : i32 to index
        %get3A_102 = tpu.vector_load %arg6[%get3A_100, %get3A_101] {strides = array<i32>} : memref<16x640xf32, #tpu.memory_space<vmem>>, vector<16xf32>,
        %add3A_103 = arith.addf %add3A_98, %get3A_102 : vector<16xf32>
        %get3A_104 = arith.constant 9 : i32
        %get3A_105 = arith.index_cast %get3A_104 : i32 to index
        %get3A_106 = arith.index_cast %add3A_57 : i32 to index
        %get3A_107 = tpu.vector_load %arg6[%get3A_105, %get3A_106] {strides = array<i32>} : memref<16x640xf32, #tpu.memory_space<vmem>>, vector<16xf32>,
        %add3A_108 = arith.addf %add3A_103, %get3A_107 : vector<16xf32>
        %get3A_109 = arith.constant 10 : i32
        %get3A_110 = arith.index_cast %get3A_109 : i32 to index
        %get3A_111 = arith.index_cast %add3A_57 : i32 to index
        %get3A_112 = tpu.vector_load %arg6[%get3A_110, %get3A_111] {strides = array<i32>} : memref<16x640xf32, #tpu.memory_space<vmem>>, vector<16xf32>,
        %add3A_113 = arith.addf %add3A_108, %get3A_112 : vector<16xf32>
        %get3A_114 = arith.constant 11 : i32
        %get3A_115 = arith.index_cast %get3A_114 : i32 to index
        %get3A_116 = arith.index_cast %add3A_57 : i32 to index
        %get3A_117 = tpu.vector_load %arg6[%get3A_115, %get3A_116] {strides = array<i32>} : memref<16x640xf32, #tpu.memory_space<vmem>>, vector<16xf32>,
        %add3A_118 = arith.addf %add3A_113, %get3A_117 : vector<16xf32>
        %get3A_119 = arith.constant 12 : i32
        %get3A_120 = arith.index_cast %get3A_119 : i32 to index
        %get3A_121 = arith.index_cast %add3A_57 : i32 to index
        %get3A_122 = tpu.vector_load %arg6[%get3A_120, %get3A_121] {strides = array<i32>} : memref<16x640xf32, #tpu.memory_space<vmem>>, vector<16xf32>,
        %add3A_123 = arith.addf %add3A_118, %get3A_122 : vector<16xf32>
        %get3A_124 = arith.constant 13 : i32
        %get3A_125 = arith.index_cast %get3A_124 : i32 to index
        %get3A_126 = arith.index_cast %add3A_57 : i32 to index
        %get3A_127 = tpu.vector_load %arg6[%get3A_125, %get3A_126] {strides = array<i32>} : memref<16x640xf32, #tpu.memory_space<vmem>>, vector<16xf32>,
        %add3A_128 = arith.addf %add3A_123, %get3A_127 : vector<16xf32>
        %get3A_129 = arith.constant 14 : i32
        %get3A_130 = arith.index_cast %get3A_129 : i32 to index
        %get3A_131 = arith.index_cast %add3A_57 : i32 to index
        %get3A_132 = tpu.vector_load %arg6[%get3A_130, %get3A_131] {strides = array<i32>} : memref<16x640xf32, #tpu.memory_space<vmem>>, vector<16xf32>,
        %add3A_133 = arith.addf %add3A_128, %get3A_132 : vector<16xf32>
        %get3A_134 = arith.constant 15 : i32
        %get3A_135 = arith.index_cast %get3A_134 : i32 to index
        %get3A_136 = arith.index_cast %add3A_57 : i32 to index
        %get3A_137 = tpu.vector_load %arg6[%get3A_135, %get3A_136] {strides = array<i32>} : memref<16x640xf32, #tpu.memory_space<vmem>>, vector<16xf32>,
        %add3A_138 = arith.addf %add3A_133, %get3A_137 : vector<16xf32>
        %swap3A = arith.index_cast %add3A_57 : i32 to index
        %swap3A_139 = tpu.vector_load %arg5[%swap3A] {strides = array<i32>} : memref<10112xf32, #tpu.memory_space<vmem>>, vector<16xf32>,
        tpu.vector_store %arg5[%swap3A], %add3A_138 {strides = array<i32>} : memref<10112xf32, #tpu.memory_space<vmem>>, vector<16xf32>,
      }
      %scan3A_52 = arith.constant 32 : i32
      "tpu.region"() ({
        %run_scoped3A_53 = tpu.sem_alloc : memref<!tpu.dma_semaphore, #tpu.memory_space<semaphore_mem>>
        %dma_start3A = arith.constant 0 : i32
        %dma_start3A_54 = tpu.memref_slice %arg5[%dma_start3A] : memref<10112xf32, #tpu.memory_space<vmem>> -> memref<512xf32, #tpu.memory_space<vmem>>
        %dma_start3A_55 = arith.constant 0 : i32
        %dma_start3A_56 = tpu.memref_slice %arg3[%arg0, %dma_start3A_55] : memref<2x10112xf32, #tpu.memory_space<hbm>> -> memref<1x10112xf32, #tpu.memory_space<hbm>>
        %dma_start3A_57 = tpu.memref_squeeze %dma_start3A_56 : memref<1x10112xf32, #tpu.memory_space<hbm>> -> memref<10112xf32, #tpu.memory_space<hbm>>
        %dma_start3A_58 = arith.constant 9600 : i32
        %dma_start3A_59 = tpu.memref_slice %dma_start3A_57[%dma_start3A_58] : memref<10112xf32, #tpu.memory_space<hbm>> -> memref<512xf32, #tpu.memory_space<hbm>>
        %dma_start3A_60 = arith.constant 0 : i32
        %dma_start3A_61 = tpu.memref_slice %arg3[%arg0, %dma_start3A_60] : memref<2x10112xf32, #tpu.memory_space<hbm>> -> memref<1x10112xf32, #tpu.memory_space<hbm>>
        %dma_start3A_62 = tpu.memref_squeeze %dma_start3A_61 : memref<1x10112xf32, #tpu.memory_space<hbm>> -> memref<10112xf32, #tpu.memory_space<hbm>>
        %dma_start3A_63 = arith.constant 9600 : i32
        %dma_start3A_64 = tpu.memref_slice %dma_start3A_62[%dma_start3A_63] : memref<10112xf32, #tpu.memory_space<hbm>> -> memref<512xf32, #tpu.memory_space<hbm>>
        %dma_start3A_65 = arith.constant 0 : i32
        %dma_start3A_66 = tpu.memref_slice %arg5[%dma_start3A_65] : memref<10112xf32, #tpu.memory_space<vmem>> -> memref<512xf32, #tpu.memory_space<vmem>>
        tpu.enqueue_dma source(%dma_start3A_66 : memref<512xf32, #tpu.memory_space<vmem>>) target(%dma_start3A_64 : memref<512xf32, #tpu.memory_space<hbm>>) target_semaphore(%run_scoped3A_53 : memref<!tpu.dma_semaphore, #tpu.memory_space<semaphore_mem>>)
        %dma_wait3A = arith.constant 0 : i32
        %dma_wait3A_67 = tpu.memref_slice %arg5[%dma_wait3A] : memref<10112xf32, #tpu.memory_space<vmem>> -> memref<512xf32, #tpu.memory_space<vmem>>
        %dma_wait3A_68 = arith.constant 0 : i32
        %dma_wait3A_69 = tpu.memref_slice %arg3[%arg0, %dma_wait3A_68] : memref<2x10112xf32, #tpu.memory_space<hbm>> -> memref<1x10112xf32, #tpu.memory_space<hbm>>
        %dma_wait3A_70 = tpu.memref_squeeze %dma_wait3A_69 : memref<1x10112xf32, #tpu.memory_space<hbm>> -> memref<10112xf32, #tpu.memory_space<hbm>>
        %dma_wait3A_71 = arith.constant 9600 : i32
        %dma_wait3A_72 = tpu.memref_slice %dma_wait3A_70[%dma_wait3A_71] : memref<10112xf32, #tpu.memory_space<hbm>> -> memref<512xf32, #tpu.memory_space<hbm>>
        %dma_wait3A_73 = arith.constant 0 : i32
        %dma_wait3A_74 = tpu.memref_slice %arg3[%arg0, %dma_wait3A_73] : memref<2x10112xf32, #tpu.memory_space<hbm>> -> memref<1x10112xf32, #tpu.memory_space<hbm>>
        %dma_wait3A_75 = tpu.memref_squeeze %dma_wait3A_74 : memref<1x10112xf32, #tpu.memory_space<hbm>> -> memref<10112xf32, #tpu.memory_space<hbm>>
        %dma_wait3A_76 = arith.constant 9600 : i32
        %dma_wait3A_77 = tpu.memref_slice %dma_wait3A_75[%dma_wait3A_76] : memref<10112xf32, #tpu.memory_space<hbm>> -> memref<512xf32, #tpu.memory_space<hbm>>
        %dma_wait3A_78 = arith.constant 0 : i32
        %dma_wait3A_79 = tpu.memref_slice %arg5[%dma_wait3A_78] : memref<10112xf32, #tpu.memory_space<vmem>> -> memref<512xf32, #tpu.memory_space<vmem>>
        tpu.wait_dma2 semaphore(%run_scoped3A_53 : memref<!tpu.dma_semaphore, #tpu.memory_space<semaphore_mem>>) src(%dma_wait3A_79 : memref<512xf32, #tpu.memory_space<vmem>>) dst(%dma_wait3A_77 : memref<512xf32, #tpu.memory_space<hbm>>)
        tpu.yield
      }) : () -> ()
    } else {
    }
    return
  }
}

#map = affine_map<(d0, d1) -> (0, 0)>
#map1 = affine_map<(d0, d1) -> (0, 0, 0)>
module attributes {stable_mosaic.version = 14 : i64} {
  func.func @_hop_body(%arg0: i32, %arg1: i32, %arg2: memref<10000x128xf32, #tpu.memory_space<hbm>>, %arg3: memref<32x80x128xi32, #tpu.memory_space<hbm>>, %arg4: memref<32x80x128xi32, #tpu.memory_space<hbm>>, %arg5: memref<2x10112x128xf32, #tpu.memory_space<hbm>>, %arg6: memref<80x128xi32, #tpu.memory_space<vmem>>, %arg7: memref<80x128xi32, #tpu.memory_space<vmem>>, %arg8: memref<128x128xf32, #tpu.memory_space<vmem>>, %arg9: memref<10112x128xf32, #tpu.memory_space<vmem_shared>>) attributes {dimension_semantics = [#tpu.dimension_semantics<core_parallel>, #tpu.dimension_semantics<subcore_parallel>], iteration_bounds = array<i64: 2, 16>, scalar_prefetch = 0 : i64, scratch_operands = 4 : i64, tpu.core_type = #tpu.core_type<sc_vector_subcore>, window_params = [{transform_indices = #map}, {transform_indices = #map1}, {transform_indices = #map1}, {transform_indices = #map1}]} {
    %mul3A = arith.constant 2 : i32
    %mul3A_0 = arith.muli %arg1, %mul3A : i32
    %add3A = arith.addi %mul3A_0, %arg0 : i32
    %scan3A = arith.constant 0 : i32
    %scan3A_1 = arith.constant 128 : i32
    %scan3A_2 = arith.addi %scan3A, %scan3A_1 : i32
    %scan3A_3 = arith.constant 1 : i32
    scf.for %scan3A_25 = %scan3A to %scan3A_2 step %scan3A_3  : i32 {
      %mul3A_26 = arith.constant 1 : i32
      %mul3A_27 = arith.muli %scan3A_25, %mul3A_26 : i32
      %add3A_28 = arith.constant 0 : i32
      %add3A_29 = arith.addi %add3A_28, %mul3A_27 : i32
      %broadcast_in_dim3A = arith.constant 0.000000e+00 : f32
      %broadcast_in_dim3A_30 = vector.broadcast %broadcast_in_dim3A : f32 to vector<16xf32>
      %swap3A = arith.index_cast %add3A_29 : i32 to index
      %swap3A_31 = arith.constant 0 : index
      %swap3A_32 = tpu.vector_load %arg8[%swap3A, %swap3A_31] {strides = array<i32>} : memref<128x128xf32, #tpu.memory_space<vmem>>, vector<1x16xf32>,
      %swap3A_33 = vector.shape_cast %swap3A_32 : vector<1x16xf32> to vector<16xf32>
      %swap3A_34 = vector.shape_cast %broadcast_in_dim3A_30 : vector<16xf32> to vector<1x16xf32>
      tpu.vector_store %arg8[%swap3A, %swap3A_31], %swap3A_34 {strides = array<i32>} : memref<128x128xf32, #tpu.memory_space<vmem>>, vector<1x16xf32>,
      %broadcast_in_dim3A_35 = arith.constant 0.000000e+00 : f32
      %broadcast_in_dim3A_36 = vector.broadcast %broadcast_in_dim3A_35 : f32 to vector<16xf32>
      %swap3A_37 = arith.index_cast %add3A_29 : i32 to index
      %swap3A_38 = arith.constant 16 : index
      %swap3A_39 = tpu.vector_load %arg8[%swap3A_37, %swap3A_38] {strides = array<i32>} : memref<128x128xf32, #tpu.memory_space<vmem>>, vector<1x16xf32>,
      %swap3A_40 = vector.shape_cast %swap3A_39 : vector<1x16xf32> to vector<16xf32>
      %swap3A_41 = vector.shape_cast %broadcast_in_dim3A_36 : vector<16xf32> to vector<1x16xf32>
      tpu.vector_store %arg8[%swap3A_37, %swap3A_38], %swap3A_41 {strides = array<i32>} : memref<128x128xf32, #tpu.memory_space<vmem>>, vector<1x16xf32>,
      %broadcast_in_dim3A_42 = arith.constant 0.000000e+00 : f32
      %broadcast_in_dim3A_43 = vector.broadcast %broadcast_in_dim3A_42 : f32 to vector<16xf32>
      %swap3A_44 = arith.index_cast %add3A_29 : i32 to index
      %swap3A_45 = arith.constant 32 : index
      %swap3A_46 = tpu.vector_load %arg8[%swap3A_44, %swap3A_45] {strides = array<i32>} : memref<128x128xf32, #tpu.memory_space<vmem>>, vector<1x16xf32>,
      %swap3A_47 = vector.shape_cast %swap3A_46 : vector<1x16xf32> to vector<16xf32>
      %swap3A_48 = vector.shape_cast %broadcast_in_dim3A_43 : vector<16xf32> to vector<1x16xf32>
      tpu.vector_store %arg8[%swap3A_44, %swap3A_45], %swap3A_48 {strides = array<i32>} : memref<128x128xf32, #tpu.memory_space<vmem>>, vector<1x16xf32>,
      %broadcast_in_dim3A_49 = arith.constant 0.000000e+00 : f32
      %broadcast_in_dim3A_50 = vector.broadcast %broadcast_in_dim3A_49 : f32 to vector<16xf32>
      %swap3A_51 = arith.index_cast %add3A_29 : i32 to index
      %swap3A_52 = arith.constant 48 : index
      %swap3A_53 = tpu.vector_load %arg8[%swap3A_51, %swap3A_52] {strides = array<i32>} : memref<128x128xf32, #tpu.memory_space<vmem>>, vector<1x16xf32>,
      %swap3A_54 = vector.shape_cast %swap3A_53 : vector<1x16xf32> to vector<16xf32>
      %swap3A_55 = vector.shape_cast %broadcast_in_dim3A_50 : vector<16xf32> to vector<1x16xf32>
      tpu.vector_store %arg8[%swap3A_51, %swap3A_52], %swap3A_55 {strides = array<i32>} : memref<128x128xf32, #tpu.memory_space<vmem>>, vector<1x16xf32>,
      %broadcast_in_dim3A_56 = arith.constant 0.000000e+00 : f32
      %broadcast_in_dim3A_57 = vector.broadcast %broadcast_in_dim3A_56 : f32 to vector<16xf32>
      %swap3A_58 = arith.index_cast %add3A_29 : i32 to index
      %swap3A_59 = arith.constant 64 : index
      %swap3A_60 = tpu.vector_load %arg8[%swap3A_58, %swap3A_59] {strides = array<i32>} : memref<128x128xf32, #tpu.memory_space<vmem>>, vector<1x16xf32>,
      %swap3A_61 = vector.shape_cast %swap3A_60 : vector<1x16xf32> to vector<16xf32>
      %swap3A_62 = vector.shape_cast %broadcast_in_dim3A_57 : vector<16xf32> to vector<1x16xf32>
      tpu.vector_store %arg8[%swap3A_58, %swap3A_59], %swap3A_62 {strides = array<i32>} : memref<128x128xf32, #tpu.memory_space<vmem>>, vector<1x16xf32>,
      %broadcast_in_dim3A_63 = arith.constant 0.000000e+00 : f32
      %broadcast_in_dim3A_64 = vector.broadcast %broadcast_in_dim3A_63 : f32 to vector<16xf32>
      %swap3A_65 = arith.index_cast %add3A_29 : i32 to index
      %swap3A_66 = arith.constant 80 : index
      %swap3A_67 = tpu.vector_load %arg8[%swap3A_65, %swap3A_66] {strides = array<i32>} : memref<128x128xf32, #tpu.memory_space<vmem>>, vector<1x16xf32>,
      %swap3A_68 = vector.shape_cast %swap3A_67 : vector<1x16xf32> to vector<16xf32>
      %swap3A_69 = vector.shape_cast %broadcast_in_dim3A_64 : vector<16xf32> to vector<1x16xf32>
      tpu.vector_store %arg8[%swap3A_65, %swap3A_66], %swap3A_69 {strides = array<i32>} : memref<128x128xf32, #tpu.memory_space<vmem>>, vector<1x16xf32>,
      %broadcast_in_dim3A_70 = arith.constant 0.000000e+00 : f32
      %broadcast_in_dim3A_71 = vector.broadcast %broadcast_in_dim3A_70 : f32 to vector<16xf32>
      %swap3A_72 = arith.index_cast %add3A_29 : i32 to index
      %swap3A_73 = arith.constant 96 : index
      %swap3A_74 = tpu.vector_load %arg8[%swap3A_72, %swap3A_73] {strides = array<i32>} : memref<128x128xf32, #tpu.memory_space<vmem>>, vector<1x16xf32>,
      %swap3A_75 = vector.shape_cast %swap3A_74 : vector<1x16xf32> to vector<16xf32>
      %swap3A_76 = vector.shape_cast %broadcast_in_dim3A_71 : vector<16xf32> to vector<1x16xf32>
      tpu.vector_store %arg8[%swap3A_72, %swap3A_73], %swap3A_76 {strides = array<i32>} : memref<128x128xf32, #tpu.memory_space<vmem>>, vector<1x16xf32>,
      %broadcast_in_dim3A_77 = arith.constant 0.000000e+00 : f32
      %broadcast_in_dim3A_78 = vector.broadcast %broadcast_in_dim3A_77 : f32 to vector<16xf32>
      %swap3A_79 = arith.index_cast %add3A_29 : i32 to index
      %swap3A_80 = arith.constant 112 : index
      %swap3A_81 = tpu.vector_load %arg8[%swap3A_79, %swap3A_80] {strides = array<i32>} : memref<128x128xf32, #tpu.memory_space<vmem>>, vector<1x16xf32>,
      %swap3A_82 = vector.shape_cast %swap3A_81 : vector<1x16xf32> to vector<16xf32>
      %swap3A_83 = vector.shape_cast %broadcast_in_dim3A_78 : vector<16xf32> to vector<1x16xf32>
      tpu.vector_store %arg8[%swap3A_79, %swap3A_80], %swap3A_83 {strides = array<i32>} : memref<128x128xf32, #tpu.memory_space<vmem>>, vector<1x16xf32>,
    }
    %scan3A_4 = arith.constant 128 : i32
    %mul3A_5 = arith.constant 632 : i32
    %mul3A_6 = arith.muli %arg1, %mul3A_5 : i32
    %add3A_7 = arith.constant 0 : i32
    %add3A_8 = arith.addi %mul3A_6, %add3A_7 : i32
    "tpu.region"() ({
      %run_scoped3A = tpu.sem_alloc : memref<!tpu.dma_semaphore, #tpu.memory_space<semaphore_mem>>
      %dma_start3A = arith.constant 0 : i32
      %dma_start3A_25 = tpu.memref_slice %arg9[%add3A_8, %dma_start3A] : memref<10112x128xf32, #tpu.memory_space<vmem_shared>> -> memref<128x128xf32, #tpu.memory_space<vmem_shared>>
      %dma_start3A_26 = arith.constant 0 : i32
      %dma_start3A_27 = tpu.memref_slice %arg9[%add3A_8, %dma_start3A_26] : memref<10112x128xf32, #tpu.memory_space<vmem_shared>> -> memref<128x128xf32, #tpu.memory_space<vmem_shared>>
      tpu.enqueue_dma source(%arg8 : memref<128x128xf32, #tpu.memory_space<vmem>>) target(%dma_start3A_27 : memref<128x128xf32, #tpu.memory_space<vmem_shared>>) target_semaphore(%run_scoped3A : memref<!tpu.dma_semaphore, #tpu.memory_space<semaphore_mem>>)
      %dma_wait3A = arith.constant 0 : i32
      %dma_wait3A_28 = tpu.memref_slice %arg9[%add3A_8, %dma_wait3A] : memref<10112x128xf32, #tpu.memory_space<vmem_shared>> -> memref<128x128xf32, #tpu.memory_space<vmem_shared>>
      %dma_wait3A_29 = arith.constant 0 : i32
      %dma_wait3A_30 = tpu.memref_slice %arg9[%add3A_8, %dma_wait3A_29] : memref<10112x128xf32, #tpu.memory_space<vmem_shared>> -> memref<128x128xf32, #tpu.memory_space<vmem_shared>>
      tpu.wait_dma2 semaphore(%run_scoped3A : memref<!tpu.dma_semaphore, #tpu.memory_space<semaphore_mem>>) src(%arg8 : memref<128x128xf32, #tpu.memory_space<vmem>>) dst(%dma_wait3A_30 : memref<128x128xf32, #tpu.memory_space<vmem_shared>>)
      tpu.yield
    }) : () -> ()
    %add3A_9 = arith.constant 128 : i32
    %add3A_10 = arith.addi %mul3A_6, %add3A_9 : i32
    "tpu.region"() ({
      %run_scoped3A = tpu.sem_alloc : memref<!tpu.dma_semaphore, #tpu.memory_space<semaphore_mem>>
      %dma_start3A = arith.constant 0 : i32
      %dma_start3A_25 = tpu.memref_slice %arg9[%add3A_10, %dma_start3A] : memref<10112x128xf32, #tpu.memory_space<vmem_shared>> -> memref<128x128xf32, #tpu.memory_space<vmem_shared>>
      %dma_start3A_26 = arith.constant 0 : i32
      %dma_start3A_27 = tpu.memref_slice %arg9[%add3A_10, %dma_start3A_26] : memref<10112x128xf32, #tpu.memory_space<vmem_shared>> -> memref<128x128xf32, #tpu.memory_space<vmem_shared>>
      tpu.enqueue_dma source(%arg8 : memref<128x128xf32, #tpu.memory_space<vmem>>) target(%dma_start3A_27 : memref<128x128xf32, #tpu.memory_space<vmem_shared>>) target_semaphore(%run_scoped3A : memref<!tpu.dma_semaphore, #tpu.memory_space<semaphore_mem>>)
      %dma_wait3A = arith.constant 0 : i32
      %dma_wait3A_28 = tpu.memref_slice %arg9[%add3A_10, %dma_wait3A] : memref<10112x128xf32, #tpu.memory_space<vmem_shared>> -> memref<128x128xf32, #tpu.memory_space<vmem_shared>>
      %dma_wait3A_29 = arith.constant 0 : i32
      %dma_wait3A_30 = tpu.memref_slice %arg9[%add3A_10, %dma_wait3A_29] : memref<10112x128xf32, #tpu.memory_space<vmem_shared>> -> memref<128x128xf32, #tpu.memory_space<vmem_shared>>
      tpu.wait_dma2 semaphore(%run_scoped3A : memref<!tpu.dma_semaphore, #tpu.memory_space<semaphore_mem>>) src(%arg8 : memref<128x128xf32, #tpu.memory_space<vmem>>) dst(%dma_wait3A_30 : memref<128x128xf32, #tpu.memory_space<vmem_shared>>)
      tpu.yield
    }) : () -> ()
    %add3A_11 = arith.constant 256 : i32
    %add3A_12 = arith.addi %mul3A_6, %add3A_11 : i32
    "tpu.region"() ({
      %run_scoped3A = tpu.sem_alloc : memref<!tpu.dma_semaphore, #tpu.memory_space<semaphore_mem>>
      %dma_start3A = arith.constant 0 : i32
      %dma_start3A_25 = tpu.memref_slice %arg9[%add3A_12, %dma_start3A] : memref<10112x128xf32, #tpu.memory_space<vmem_shared>> -> memref<128x128xf32, #tpu.memory_space<vmem_shared>>
      %dma_start3A_26 = arith.constant 0 : i32
      %dma_start3A_27 = tpu.memref_slice %arg9[%add3A_12, %dma_start3A_26] : memref<10112x128xf32, #tpu.memory_space<vmem_shared>> -> memref<128x128xf32, #tpu.memory_space<vmem_shared>>
      tpu.enqueue_dma source(%arg8 : memref<128x128xf32, #tpu.memory_space<vmem>>) target(%dma_start3A_27 : memref<128x128xf32, #tpu.memory_space<vmem_shared>>) target_semaphore(%run_scoped3A : memref<!tpu.dma_semaphore, #tpu.memory_space<semaphore_mem>>)
      %dma_wait3A = arith.constant 0 : i32
      %dma_wait3A_28 = tpu.memref_slice %arg9[%add3A_12, %dma_wait3A] : memref<10112x128xf32, #tpu.memory_space<vmem_shared>> -> memref<128x128xf32, #tpu.memory_space<vmem_shared>>
      %dma_wait3A_29 = arith.constant 0 : i32
      %dma_wait3A_30 = tpu.memref_slice %arg9[%add3A_12, %dma_wait3A_29] : memref<10112x128xf32, #tpu.memory_space<vmem_shared>> -> memref<128x128xf32, #tpu.memory_space<vmem_shared>>
      tpu.wait_dma2 semaphore(%run_scoped3A : memref<!tpu.dma_semaphore, #tpu.memory_space<semaphore_mem>>) src(%arg8 : memref<128x128xf32, #tpu.memory_space<vmem>>) dst(%dma_wait3A_30 : memref<128x128xf32, #tpu.memory_space<vmem_shared>>)
      tpu.yield
    }) : () -> ()
    %add3A_13 = arith.constant 384 : i32
    %add3A_14 = arith.addi %mul3A_6, %add3A_13 : i32
    "tpu.region"() ({
      %run_scoped3A = tpu.sem_alloc : memref<!tpu.dma_semaphore, #tpu.memory_space<semaphore_mem>>
      %dma_start3A = arith.constant 0 : i32
      %dma_start3A_25 = tpu.memref_slice %arg9[%add3A_14, %dma_start3A] : memref<10112x128xf32, #tpu.memory_space<vmem_shared>> -> memref<128x128xf32, #tpu.memory_space<vmem_shared>>
      %dma_start3A_26 = arith.constant 0 : i32
      %dma_start3A_27 = tpu.memref_slice %arg9[%add3A_14, %dma_start3A_26] : memref<10112x128xf32, #tpu.memory_space<vmem_shared>> -> memref<128x128xf32, #tpu.memory_space<vmem_shared>>
      tpu.enqueue_dma source(%arg8 : memref<128x128xf32, #tpu.memory_space<vmem>>) target(%dma_start3A_27 : memref<128x128xf32, #tpu.memory_space<vmem_shared>>) target_semaphore(%run_scoped3A : memref<!tpu.dma_semaphore, #tpu.memory_space<semaphore_mem>>)
      %dma_wait3A = arith.constant 0 : i32
      %dma_wait3A_28 = tpu.memref_slice %arg9[%add3A_14, %dma_wait3A] : memref<10112x128xf32, #tpu.memory_space<vmem_shared>> -> memref<128x128xf32, #tpu.memory_space<vmem_shared>>
      %dma_wait3A_29 = arith.constant 0 : i32
      %dma_wait3A_30 = tpu.memref_slice %arg9[%add3A_14, %dma_wait3A_29] : memref<10112x128xf32, #tpu.memory_space<vmem_shared>> -> memref<128x128xf32, #tpu.memory_space<vmem_shared>>
      tpu.wait_dma2 semaphore(%run_scoped3A : memref<!tpu.dma_semaphore, #tpu.memory_space<semaphore_mem>>) src(%arg8 : memref<128x128xf32, #tpu.memory_space<vmem>>) dst(%dma_wait3A_30 : memref<128x128xf32, #tpu.memory_space<vmem_shared>>)
      tpu.yield
    }) : () -> ()
    %add3A_15 = arith.constant 512 : i32
    %add3A_16 = arith.addi %mul3A_6, %add3A_15 : i32
    "tpu.region"() ({
      %run_scoped3A = tpu.sem_alloc : memref<!tpu.dma_semaphore, #tpu.memory_space<semaphore_mem>>
      %dma_start3A = arith.constant 0 : i32
      %dma_start3A_25 = arith.constant 0 : i32
      %dma_start3A_26 = tpu.memref_slice %arg8[%dma_start3A, %dma_start3A_25] : memref<128x128xf32, #tpu.memory_space<vmem>> -> memref<120x128xf32, #tpu.memory_space<vmem>>
      %dma_start3A_27 = arith.constant 0 : i32
      %dma_start3A_28 = tpu.memref_slice %arg9[%add3A_16, %dma_start3A_27] : memref<10112x128xf32, #tpu.memory_space<vmem_shared>> -> memref<120x128xf32, #tpu.memory_space<vmem_shared>>
      %dma_start3A_29 = arith.constant 0 : i32
      %dma_start3A_30 = tpu.memref_slice %arg9[%add3A_16, %dma_start3A_29] : memref<10112x128xf32, #tpu.memory_space<vmem_shared>> -> memref<120x128xf32, #tpu.memory_space<vmem_shared>>
      %dma_start3A_31 = arith.constant 0 : i32
      %dma_start3A_32 = arith.constant 0 : i32
      %dma_start3A_33 = tpu.memref_slice %arg8[%dma_start3A_31, %dma_start3A_32] : memref<128x128xf32, #tpu.memory_space<vmem>> -> memref<120x128xf32, #tpu.memory_space<vmem>>
      tpu.enqueue_dma source(%dma_start3A_33 : memref<120x128xf32, #tpu.memory_space<vmem>>) target(%dma_start3A_30 : memref<120x128xf32, #tpu.memory_space<vmem_shared>>) target_semaphore(%run_scoped3A : memref<!tpu.dma_semaphore, #tpu.memory_space<semaphore_mem>>)
      %dma_wait3A = arith.constant 0 : i32
      %dma_wait3A_34 = arith.constant 0 : i32
      %dma_wait3A_35 = tpu.memref_slice %arg8[%dma_wait3A, %dma_wait3A_34] : memref<128x128xf32, #tpu.memory_space<vmem>> -> memref<120x128xf32, #tpu.memory_space<vmem>>
      %dma_wait3A_36 = arith.constant 0 : i32
      %dma_wait3A_37 = tpu.memref_slice %arg9[%add3A_16, %dma_wait3A_36] : memref<10112x128xf32, #tpu.memory_space<vmem_shared>> -> memref<120x128xf32, #tpu.memory_space<vmem_shared>>
      %dma_wait3A_38 = arith.constant 0 : i32
      %dma_wait3A_39 = tpu.memref_slice %arg9[%add3A_16, %dma_wait3A_38] : memref<10112x128xf32, #tpu.memory_space<vmem_shared>> -> memref<120x128xf32, #tpu.memory_space<vmem_shared>>
      %dma_wait3A_40 = arith.constant 0 : i32
      %dma_wait3A_41 = arith.constant 0 : i32
      %dma_wait3A_42 = tpu.memref_slice %arg8[%dma_wait3A_40, %dma_wait3A_41] : memref<128x128xf32, #tpu.memory_space<vmem>> -> memref<120x128xf32, #tpu.memory_space<vmem>>
      tpu.wait_dma2 semaphore(%run_scoped3A : memref<!tpu.dma_semaphore, #tpu.memory_space<semaphore_mem>>) src(%dma_wait3A_42 : memref<120x128xf32, #tpu.memory_space<vmem>>) dst(%dma_wait3A_39 : memref<120x128xf32, #tpu.memory_space<vmem_shared>>)
      tpu.yield
    }) : () -> ()
    %barrier3A = arith.constant 0 : index
    tpu.barrier barrier_id(%barrier3A)
    "tpu.region"() ({
      %run_scoped3A = tpu.sem_alloc : memref<!tpu.dma_semaphore, #tpu.memory_space<semaphore_mem>>
      %dma_start3A = arith.constant 0 : i32
      %dma_start3A_25 = arith.constant 0 : i32
      %dma_start3A_26 = tpu.memref_slice %arg3[%add3A, %dma_start3A, %dma_start3A_25] : memref<32x80x128xi32, #tpu.memory_space<hbm>> -> memref<1x80x128xi32, #tpu.memory_space<hbm>>
      %dma_start3A_27 = tpu.memref_squeeze %dma_start3A_26 : memref<1x80x128xi32, #tpu.memory_space<hbm>> -> memref<80x128xi32, #tpu.memory_space<hbm>>
      %dma_start3A_28 = arith.constant 0 : i32
      %dma_start3A_29 = arith.constant 0 : i32
      %dma_start3A_30 = tpu.memref_slice %arg3[%add3A, %dma_start3A_28, %dma_start3A_29] : memref<32x80x128xi32, #tpu.memory_space<hbm>> -> memref<1x80x128xi32, #tpu.memory_space<hbm>>
      %dma_start3A_31 = tpu.memref_squeeze %dma_start3A_30 : memref<1x80x128xi32, #tpu.memory_space<hbm>> -> memref<80x128xi32, #tpu.memory_space<hbm>>
      tpu.enqueue_dma source(%dma_start3A_31 : memref<80x128xi32, #tpu.memory_space<hbm>>) target(%arg6 : memref<80x128xi32, #tpu.memory_space<vmem>>) target_semaphore(%run_scoped3A : memref<!tpu.dma_semaphore, #tpu.memory_space<semaphore_mem>>)
      %dma_wait3A = arith.constant 0 : i32
      %dma_wait3A_32 = arith.constant 0 : i32
      %dma_wait3A_33 = tpu.memref_slice %arg3[%add3A, %dma_wait3A, %dma_wait3A_32] : memref<32x80x128xi32, #tpu.memory_space<hbm>> -> memref<1x80x128xi32, #tpu.memory_space<hbm>>
      %dma_wait3A_34 = tpu.memref_squeeze %dma_wait3A_33 : memref<1x80x128xi32, #tpu.memory_space<hbm>> -> memref<80x128xi32, #tpu.memory_space<hbm>>
      %dma_wait3A_35 = arith.constant 0 : i32
      %dma_wait3A_36 = arith.constant 0 : i32
      %dma_wait3A_37 = tpu.memref_slice %arg3[%add3A, %dma_wait3A_35, %dma_wait3A_36] : memref<32x80x128xi32, #tpu.memory_space<hbm>> -> memref<1x80x128xi32, #tpu.memory_space<hbm>>
      %dma_wait3A_38 = tpu.memref_squeeze %dma_wait3A_37 : memref<1x80x128xi32, #tpu.memory_space<hbm>> -> memref<80x128xi32, #tpu.memory_space<hbm>>
      tpu.wait_dma2 semaphore(%run_scoped3A : memref<!tpu.dma_semaphore, #tpu.memory_space<semaphore_mem>>) src(%dma_wait3A_38 : memref<80x128xi32, #tpu.memory_space<hbm>>) dst(%arg6 : memref<80x128xi32, #tpu.memory_space<vmem>>)
      tpu.yield
    }) : () -> ()
    "tpu.region"() ({
      %run_scoped3A = tpu.sem_alloc : memref<!tpu.dma_semaphore, #tpu.memory_space<semaphore_mem>>
      %dma_start3A = arith.constant 0 : i32
      %dma_start3A_25 = arith.constant 0 : i32
      %dma_start3A_26 = tpu.memref_slice %arg4[%add3A, %dma_start3A, %dma_start3A_25] : memref<32x80x128xi32, #tpu.memory_space<hbm>> -> memref<1x80x128xi32, #tpu.memory_space<hbm>>
      %dma_start3A_27 = tpu.memref_squeeze %dma_start3A_26 : memref<1x80x128xi32, #tpu.memory_space<hbm>> -> memref<80x128xi32, #tpu.memory_space<hbm>>
      %dma_start3A_28 = arith.constant 0 : i32
      %dma_start3A_29 = arith.constant 0 : i32
      %dma_start3A_30 = tpu.memref_slice %arg4[%add3A, %dma_start3A_28, %dma_start3A_29] : memref<32x80x128xi32, #tpu.memory_space<hbm>> -> memref<1x80x128xi32, #tpu.memory_space<hbm>>
      %dma_start3A_31 = tpu.memref_squeeze %dma_start3A_30 : memref<1x80x128xi32, #tpu.memory_space<hbm>> -> memref<80x128xi32, #tpu.memory_space<hbm>>
      tpu.enqueue_dma source(%dma_start3A_31 : memref<80x128xi32, #tpu.memory_space<hbm>>) target(%arg7 : memref<80x128xi32, #tpu.memory_space<vmem>>) target_semaphore(%run_scoped3A : memref<!tpu.dma_semaphore, #tpu.memory_space<semaphore_mem>>)
      %dma_wait3A = arith.constant 0 : i32
      %dma_wait3A_32 = arith.constant 0 : i32
      %dma_wait3A_33 = tpu.memref_slice %arg4[%add3A, %dma_wait3A, %dma_wait3A_32] : memref<32x80x128xi32, #tpu.memory_space<hbm>> -> memref<1x80x128xi32, #tpu.memory_space<hbm>>
      %dma_wait3A_34 = tpu.memref_squeeze %dma_wait3A_33 : memref<1x80x128xi32, #tpu.memory_space<hbm>> -> memref<80x128xi32, #tpu.memory_space<hbm>>
      %dma_wait3A_35 = arith.constant 0 : i32
      %dma_wait3A_36 = arith.constant 0 : i32
      %dma_wait3A_37 = tpu.memref_slice %arg4[%add3A, %dma_wait3A_35, %dma_wait3A_36] : memref<32x80x128xi32, #tpu.memory_space<hbm>> -> memref<1x80x128xi32, #tpu.memory_space<hbm>>
      %dma_wait3A_38 = tpu.memref_squeeze %dma_wait3A_37 : memref<1x80x128xi32, #tpu.memory_space<hbm>> -> memref<80x128xi32, #tpu.memory_space<hbm>>
      tpu.wait_dma2 semaphore(%run_scoped3A : memref<!tpu.dma_semaphore, #tpu.memory_space<semaphore_mem>>) src(%dma_wait3A_38 : memref<80x128xi32, #tpu.memory_space<hbm>>) dst(%arg7 : memref<80x128xi32, #tpu.memory_space<vmem>>)
      tpu.yield
    }) : () -> ()
    %scan3A_17 = arith.constant 0 : i32
    %scan3A_18 = arith.constant 20 : i32
    %scan3A_19 = arith.addi %scan3A_17, %scan3A_18 : i32
    %scan3A_20 = arith.constant 1 : i32
    scf.for %scan3A_25 = %scan3A_17 to %scan3A_19 step %scan3A_20  : i32 {
      %mul3A_26 = arith.constant 4 : i32
      %mul3A_27 = arith.muli %scan3A_25, %mul3A_26 : i32
      %add3A_28 = arith.constant 0 : i32
      %add3A_29 = arith.addi %add3A_28, %mul3A_27 : i32
      %add3A_30 = arith.constant 0 : i32
      %add3A_31 = arith.addi %add3A_29, %add3A_30 : i32
      "tpu.region"() ({
        %run_scoped3A = tpu.sem_alloc : memref<!tpu.dma_semaphore, #tpu.memory_space<semaphore_mem>>
        %dma_start3A = arith.constant 0 : i32
        %dma_start3A_46 = tpu.memref_slice %arg6[%add3A_31, %dma_start3A] : memref<80x128xi32, #tpu.memory_space<vmem>> -> memref<1x128xi32, #tpu.memory_space<vmem>>
        %dma_start3A_47 = tpu.memref_squeeze %dma_start3A_46 : memref<1x128xi32, #tpu.memory_space<vmem>> -> memref<128xi32, #tpu.memory_space<vmem>>
        %dma_start3A_48 = arith.constant 0 : i32
        %dma_start3A_49 = arith.constant 0 : i32
        %dma_start3A_50 = tpu.memref_slice %arg2[%dma_start3A_48, %dma_start3A_49] : memref<10000x128xf32, #tpu.memory_space<hbm>> -> memref<10000x128xf32, #tpu.memory_space<hbm>>
        tpu.enqueue_indirect_dma source(%dma_start3A_50 : memref<10000x128xf32, #tpu.memory_space<hbm>>) target(%arg8 : memref<128x128xf32, #tpu.memory_space<vmem>>) offsets(%dma_start3A_47 : memref<128xi32, #tpu.memory_space<vmem>>) semaphore(%run_scoped3A : memref<!tpu.dma_semaphore, #tpu.memory_space<semaphore_mem>>)
        %dma_wait3A = arith.constant 0 : i32
        %dma_wait3A_51 = tpu.memref_slice %arg6[%add3A_31, %dma_wait3A] : memref<80x128xi32, #tpu.memory_space<vmem>> -> memref<1x128xi32, #tpu.memory_space<vmem>>
        %dma_wait3A_52 = tpu.memref_squeeze %dma_wait3A_51 : memref<1x128xi32, #tpu.memory_space<vmem>> -> memref<128xi32, #tpu.memory_space<vmem>>
        %dma_wait3A_53 = arith.constant 0 : i32
        %dma_wait3A_54 = arith.constant 0 : i32
        %dma_wait3A_55 = tpu.memref_slice %arg2[%dma_wait3A_53, %dma_wait3A_54] : memref<10000x128xf32, #tpu.memory_space<hbm>> -> memref<10000x128xf32, #tpu.memory_space<hbm>>
        tpu.wait_indirect_dma semaphore(%run_scoped3A : memref<!tpu.dma_semaphore, #tpu.memory_space<semaphore_mem>>) src(%dma_wait3A_55 : memref<10000x128xf32, #tpu.memory_space<hbm>>) dst(%arg8 : memref<128x128xf32, #tpu.memory_space<vmem>>)
        tpu.yield
      }) : () -> ()
      %add3A_32 = arith.constant 0 : i32
      %add3A_33 = arith.addi %add3A_29, %add3A_32 : i32
      "tpu.region"() ({
        %run_scoped3A = tpu.sem_alloc : memref<!tpu.dma_semaphore, #tpu.memory_space<semaphore_mem>>
        %dma_start3A = arith.constant 0 : i32
        %dma_start3A_46 = tpu.memref_slice %arg7[%add3A_33, %dma_start3A] : memref<80x128xi32, #tpu.memory_space<vmem>> -> memref<1x128xi32, #tpu.memory_space<vmem>>
        %dma_start3A_47 = tpu.memref_squeeze %dma_start3A_46 : memref<1x128xi32, #tpu.memory_space<vmem>> -> memref<128xi32, #tpu.memory_space<vmem>>
        %dma_start3A_48 = arith.constant 0 : i32
        %dma_start3A_49 = arith.constant 0 : i32
        %dma_start3A_50 = tpu.memref_slice %arg9[%dma_start3A_48, %dma_start3A_49] : memref<10112x128xf32, #tpu.memory_space<vmem_shared>> -> memref<10112x128xf32, #tpu.memory_space<vmem_shared>>
        tpu.enqueue_indirect_dma source(%arg8 : memref<128x128xf32, #tpu.memory_space<vmem>>) target(%dma_start3A_50 : memref<10112x128xf32, #tpu.memory_space<vmem_shared>>) offsets(%dma_start3A_47 : memref<128xi32, #tpu.memory_space<vmem>>) semaphore(%run_scoped3A : memref<!tpu.dma_semaphore, #tpu.memory_space<semaphore_mem>>) {add = true}
        %dma_wait3A = arith.constant 0 : i32
        %dma_wait3A_51 = tpu.memref_slice %arg7[%add3A_33, %dma_wait3A] : memref<80x128xi32, #tpu.memory_space<vmem>> -> memref<1x128xi32, #tpu.memory_space<vmem>>
        %dma_wait3A_52 = tpu.memref_squeeze %dma_wait3A_51 : memref<1x128xi32, #tpu.memory_space<vmem>> -> memref<128xi32, #tpu.memory_space<vmem>>
        %dma_wait3A_53 = arith.constant 0 : i32
        %dma_wait3A_54 = arith.constant 0 : i32
        %dma_wait3A_55 = tpu.memref_slice %arg9[%dma_wait3A_53, %dma_wait3A_54] : memref<10112x128xf32, #tpu.memory_space<vmem_shared>> -> memref<10112x128xf32, #tpu.memory_space<vmem_shared>>
        tpu.wait_indirect_dma semaphore(%run_scoped3A : memref<!tpu.dma_semaphore, #tpu.memory_space<semaphore_mem>>) src(%arg8 : memref<128x128xf32, #tpu.memory_space<vmem>>) dst(%dma_wait3A_55 : memref<10112x128xf32, #tpu.memory_space<vmem_shared>>)
        tpu.yield
      }) : () -> ()
      %add3A_34 = arith.constant 1 : i32
      %add3A_35 = arith.addi %add3A_29, %add3A_34 : i32
      "tpu.region"() ({
        %run_scoped3A = tpu.sem_alloc : memref<!tpu.dma_semaphore, #tpu.memory_space<semaphore_mem>>
        %dma_start3A = arith.constant 0 : i32
        %dma_start3A_46 = tpu.memref_slice %arg6[%add3A_35, %dma_start3A] : memref<80x128xi32, #tpu.memory_space<vmem>> -> memref<1x128xi32, #tpu.memory_space<vmem>>
        %dma_start3A_47 = tpu.memref_squeeze %dma_start3A_46 : memref<1x128xi32, #tpu.memory_space<vmem>> -> memref<128xi32, #tpu.memory_space<vmem>>
        %dma_start3A_48 = arith.constant 0 : i32
        %dma_start3A_49 = arith.constant 0 : i32
        %dma_start3A_50 = tpu.memref_slice %arg2[%dma_start3A_48, %dma_start3A_49] : memref<10000x128xf32, #tpu.memory_space<hbm>> -> memref<10000x128xf32, #tpu.memory_space<hbm>>
        tpu.enqueue_indirect_dma source(%dma_start3A_50 : memref<10000x128xf32, #tpu.memory_space<hbm>>) target(%arg8 : memref<128x128xf32, #tpu.memory_space<vmem>>) offsets(%dma_start3A_47 : memref<128xi32, #tpu.memory_space<vmem>>) semaphore(%run_scoped3A : memref<!tpu.dma_semaphore, #tpu.memory_space<semaphore_mem>>)
        %dma_wait3A = arith.constant 0 : i32
        %dma_wait3A_51 = tpu.memref_slice %arg6[%add3A_35, %dma_wait3A] : memref<80x128xi32, #tpu.memory_space<vmem>> -> memref<1x128xi32, #tpu.memory_space<vmem>>
        %dma_wait3A_52 = tpu.memref_squeeze %dma_wait3A_51 : memref<1x128xi32, #tpu.memory_space<vmem>> -> memref<128xi32, #tpu.memory_space<vmem>>
        %dma_wait3A_53 = arith.constant 0 : i32
        %dma_wait3A_54 = arith.constant 0 : i32
        %dma_wait3A_55 = tpu.memref_slice %arg2[%dma_wait3A_53, %dma_wait3A_54] : memref<10000x128xf32, #tpu.memory_space<hbm>> -> memref<10000x128xf32, #tpu.memory_space<hbm>>
        tpu.wait_indirect_dma semaphore(%run_scoped3A : memref<!tpu.dma_semaphore, #tpu.memory_space<semaphore_mem>>) src(%dma_wait3A_55 : memref<10000x128xf32, #tpu.memory_space<hbm>>) dst(%arg8 : memref<128x128xf32, #tpu.memory_space<vmem>>)
        tpu.yield
      }) : () -> ()
      %add3A_36 = arith.constant 1 : i32
      %add3A_37 = arith.addi %add3A_29, %add3A_36 : i32
      "tpu.region"() ({
        %run_scoped3A = tpu.sem_alloc : memref<!tpu.dma_semaphore, #tpu.memory_space<semaphore_mem>>
        %dma_start3A = arith.constant 0 : i32
        %dma_start3A_46 = tpu.memref_slice %arg7[%add3A_37, %dma_start3A] : memref<80x128xi32, #tpu.memory_space<vmem>> -> memref<1x128xi32, #tpu.memory_space<vmem>>
        %dma_start3A_47 = tpu.memref_squeeze %dma_start3A_46 : memref<1x128xi32, #tpu.memory_space<vmem>> -> memref<128xi32, #tpu.memory_space<vmem>>
        %dma_start3A_48 = arith.constant 0 : i32
        %dma_start3A_49 = arith.constant 0 : i32
        %dma_start3A_50 = tpu.memref_slice %arg9[%dma_start3A_48, %dma_start3A_49] : memref<10112x128xf32, #tpu.memory_space<vmem_shared>> -> memref<10112x128xf32, #tpu.memory_space<vmem_shared>>
        tpu.enqueue_indirect_dma source(%arg8 : memref<128x128xf32, #tpu.memory_space<vmem>>) target(%dma_start3A_50 : memref<10112x128xf32, #tpu.memory_space<vmem_shared>>) offsets(%dma_start3A_47 : memref<128xi32, #tpu.memory_space<vmem>>) semaphore(%run_scoped3A : memref<!tpu.dma_semaphore, #tpu.memory_space<semaphore_mem>>) {add = true}
        %dma_wait3A = arith.constant 0 : i32
        %dma_wait3A_51 = tpu.memref_slice %arg7[%add3A_37, %dma_wait3A] : memref<80x128xi32, #tpu.memory_space<vmem>> -> memref<1x128xi32, #tpu.memory_space<vmem>>
        %dma_wait3A_52 = tpu.memref_squeeze %dma_wait3A_51 : memref<1x128xi32, #tpu.memory_space<vmem>> -> memref<128xi32, #tpu.memory_space<vmem>>
        %dma_wait3A_53 = arith.constant 0 : i32
        %dma_wait3A_54 = arith.constant 0 : i32
        %dma_wait3A_55 = tpu.memref_slice %arg9[%dma_wait3A_53, %dma_wait3A_54] : memref<10112x128xf32, #tpu.memory_space<vmem_shared>> -> memref<10112x128xf32, #tpu.memory_space<vmem_shared>>
        tpu.wait_indirect_dma semaphore(%run_scoped3A : memref<!tpu.dma_semaphore, #tpu.memory_space<semaphore_mem>>) src(%arg8 : memref<128x128xf32, #tpu.memory_space<vmem>>) dst(%dma_wait3A_55 : memref<10112x128xf32, #tpu.memory_space<vmem_shared>>)
        tpu.yield
      }) : () -> ()
      %add3A_38 = arith.constant 2 : i32
      %add3A_39 = arith.addi %add3A_29, %add3A_38 : i32
      "tpu.region"() ({
        %run_scoped3A = tpu.sem_alloc : memref<!tpu.dma_semaphore, #tpu.memory_space<semaphore_mem>>
        %dma_start3A = arith.constant 0 : i32
        %dma_start3A_46 = tpu.memref_slice %arg6[%add3A_39, %dma_start3A] : memref<80x128xi32, #tpu.memory_space<vmem>> -> memref<1x128xi32, #tpu.memory_space<vmem>>
        %dma_start3A_47 = tpu.memref_squeeze %dma_start3A_46 : memref<1x128xi32, #tpu.memory_space<vmem>> -> memref<128xi32, #tpu.memory_space<vmem>>
        %dma_start3A_48 = arith.constant 0 : i32
        %dma_start3A_49 = arith.constant 0 : i32
        %dma_start3A_50 = tpu.memref_slice %arg2[%dma_start3A_48, %dma_start3A_49] : memref<10000x128xf32, #tpu.memory_space<hbm>> -> memref<10000x128xf32, #tpu.memory_space<hbm>>
        tpu.enqueue_indirect_dma source(%dma_start3A_50 : memref<10000x128xf32, #tpu.memory_space<hbm>>) target(%arg8 : memref<128x128xf32, #tpu.memory_space<vmem>>) offsets(%dma_start3A_47 : memref<128xi32, #tpu.memory_space<vmem>>) semaphore(%run_scoped3A : memref<!tpu.dma_semaphore, #tpu.memory_space<semaphore_mem>>)
        %dma_wait3A = arith.constant 0 : i32
        %dma_wait3A_51 = tpu.memref_slice %arg6[%add3A_39, %dma_wait3A] : memref<80x128xi32, #tpu.memory_space<vmem>> -> memref<1x128xi32, #tpu.memory_space<vmem>>
        %dma_wait3A_52 = tpu.memref_squeeze %dma_wait3A_51 : memref<1x128xi32, #tpu.memory_space<vmem>> -> memref<128xi32, #tpu.memory_space<vmem>>
        %dma_wait3A_53 = arith.constant 0 : i32
        %dma_wait3A_54 = arith.constant 0 : i32
        %dma_wait3A_55 = tpu.memref_slice %arg2[%dma_wait3A_53, %dma_wait3A_54] : memref<10000x128xf32, #tpu.memory_space<hbm>> -> memref<10000x128xf32, #tpu.memory_space<hbm>>
        tpu.wait_indirect_dma semaphore(%run_scoped3A : memref<!tpu.dma_semaphore, #tpu.memory_space<semaphore_mem>>) src(%dma_wait3A_55 : memref<10000x128xf32, #tpu.memory_space<hbm>>) dst(%arg8 : memref<128x128xf32, #tpu.memory_space<vmem>>)
        tpu.yield
      }) : () -> ()
      %add3A_40 = arith.constant 2 : i32
      %add3A_41 = arith.addi %add3A_29, %add3A_40 : i32
      "tpu.region"() ({
        %run_scoped3A = tpu.sem_alloc : memref<!tpu.dma_semaphore, #tpu.memory_space<semaphore_mem>>
        %dma_start3A = arith.constant 0 : i32
        %dma_start3A_46 = tpu.memref_slice %arg7[%add3A_41, %dma_start3A] : memref<80x128xi32, #tpu.memory_space<vmem>> -> memref<1x128xi32, #tpu.memory_space<vmem>>
        %dma_start3A_47 = tpu.memref_squeeze %dma_start3A_46 : memref<1x128xi32, #tpu.memory_space<vmem>> -> memref<128xi32, #tpu.memory_space<vmem>>
        %dma_start3A_48 = arith.constant 0 : i32
        %dma_start3A_49 = arith.constant 0 : i32
        %dma_start3A_50 = tpu.memref_slice %arg9[%dma_start3A_48, %dma_start3A_49] : memref<10112x128xf32, #tpu.memory_space<vmem_shared>> -> memref<10112x128xf32, #tpu.memory_space<vmem_shared>>
        tpu.enqueue_indirect_dma source(%arg8 : memref<128x128xf32, #tpu.memory_space<vmem>>) target(%dma_start3A_50 : memref<10112x128xf32, #tpu.memory_space<vmem_shared>>) offsets(%dma_start3A_47 : memref<128xi32, #tpu.memory_space<vmem>>) semaphore(%run_scoped3A : memref<!tpu.dma_semaphore, #tpu.memory_space<semaphore_mem>>) {add = true}
        %dma_wait3A = arith.constant 0 : i32
        %dma_wait3A_51 = tpu.memref_slice %arg7[%add3A_41, %dma_wait3A] : memref<80x128xi32, #tpu.memory_space<vmem>> -> memref<1x128xi32, #tpu.memory_space<vmem>>
        %dma_wait3A_52 = tpu.memref_squeeze %dma_wait3A_51 : memref<1x128xi32, #tpu.memory_space<vmem>> -> memref<128xi32, #tpu.memory_space<vmem>>
        %dma_wait3A_53 = arith.constant 0 : i32
        %dma_wait3A_54 = arith.constant 0 : i32
        %dma_wait3A_55 = tpu.memref_slice %arg9[%dma_wait3A_53, %dma_wait3A_54] : memref<10112x128xf32, #tpu.memory_space<vmem_shared>> -> memref<10112x128xf32, #tpu.memory_space<vmem_shared>>
        tpu.wait_indirect_dma semaphore(%run_scoped3A : memref<!tpu.dma_semaphore, #tpu.memory_space<semaphore_mem>>) src(%arg8 : memref<128x128xf32, #tpu.memory_space<vmem>>) dst(%dma_wait3A_55 : memref<10112x128xf32, #tpu.memory_space<vmem_shared>>)
        tpu.yield
      }) : () -> ()
      %add3A_42 = arith.constant 3 : i32
      %add3A_43 = arith.addi %add3A_29, %add3A_42 : i32
      "tpu.region"() ({
        %run_scoped3A = tpu.sem_alloc : memref<!tpu.dma_semaphore, #tpu.memory_space<semaphore_mem>>
        %dma_start3A = arith.constant 0 : i32
        %dma_start3A_46 = tpu.memref_slice %arg6[%add3A_43, %dma_start3A] : memref<80x128xi32, #tpu.memory_space<vmem>> -> memref<1x128xi32, #tpu.memory_space<vmem>>
        %dma_start3A_47 = tpu.memref_squeeze %dma_start3A_46 : memref<1x128xi32, #tpu.memory_space<vmem>> -> memref<128xi32, #tpu.memory_space<vmem>>
        %dma_start3A_48 = arith.constant 0 : i32
        %dma_start3A_49 = arith.constant 0 : i32
        %dma_start3A_50 = tpu.memref_slice %arg2[%dma_start3A_48, %dma_start3A_49] : memref<10000x128xf32, #tpu.memory_space<hbm>> -> memref<10000x128xf32, #tpu.memory_space<hbm>>
        tpu.enqueue_indirect_dma source(%dma_start3A_50 : memref<10000x128xf32, #tpu.memory_space<hbm>>) target(%arg8 : memref<128x128xf32, #tpu.memory_space<vmem>>) offsets(%dma_start3A_47 : memref<128xi32, #tpu.memory_space<vmem>>) semaphore(%run_scoped3A : memref<!tpu.dma_semaphore, #tpu.memory_space<semaphore_mem>>)
        %dma_wait3A = arith.constant 0 : i32
        %dma_wait3A_51 = tpu.memref_slice %arg6[%add3A_43, %dma_wait3A] : memref<80x128xi32, #tpu.memory_space<vmem>> -> memref<1x128xi32, #tpu.memory_space<vmem>>
        %dma_wait3A_52 = tpu.memref_squeeze %dma_wait3A_51 : memref<1x128xi32, #tpu.memory_space<vmem>> -> memref<128xi32, #tpu.memory_space<vmem>>
        %dma_wait3A_53 = arith.constant 0 : i32
        %dma_wait3A_54 = arith.constant 0 : i32
        %dma_wait3A_55 = tpu.memref_slice %arg2[%dma_wait3A_53, %dma_wait3A_54] : memref<10000x128xf32, #tpu.memory_space<hbm>> -> memref<10000x128xf32, #tpu.memory_space<hbm>>
        tpu.wait_indirect_dma semaphore(%run_scoped3A : memref<!tpu.dma_semaphore, #tpu.memory_space<semaphore_mem>>) src(%dma_wait3A_55 : memref<10000x128xf32, #tpu.memory_space<hbm>>) dst(%arg8 : memref<128x128xf32, #tpu.memory_space<vmem>>)
        tpu.yield
      }) : () -> ()
      %add3A_44 = arith.constant 3 : i32
      %add3A_45 = arith.addi %add3A_29, %add3A_44 : i32
      "tpu.region"() ({
        %run_scoped3A = tpu.sem_alloc : memref<!tpu.dma_semaphore, #tpu.memory_space<semaphore_mem>>
        %dma_start3A = arith.constant 0 : i32
        %dma_start3A_46 = tpu.memref_slice %arg7[%add3A_45, %dma_start3A] : memref<80x128xi32, #tpu.memory_space<vmem>> -> memref<1x128xi32, #tpu.memory_space<vmem>>
        %dma_start3A_47 = tpu.memref_squeeze %dma_start3A_46 : memref<1x128xi32, #tpu.memory_space<vmem>> -> memref<128xi32, #tpu.memory_space<vmem>>
        %dma_start3A_48 = arith.constant 0 : i32
        %dma_start3A_49 = arith.constant 0 : i32
        %dma_start3A_50 = tpu.memref_slice %arg9[%dma_start3A_48, %dma_start3A_49] : memref<10112x128xf32, #tpu.memory_space<vmem_shared>> -> memref<10112x128xf32, #tpu.memory_space<vmem_shared>>
        tpu.enqueue_indirect_dma source(%arg8 : memref<128x128xf32, #tpu.memory_space<vmem>>) target(%dma_start3A_50 : memref<10112x128xf32, #tpu.memory_space<vmem_shared>>) offsets(%dma_start3A_47 : memref<128xi32, #tpu.memory_space<vmem>>) semaphore(%run_scoped3A : memref<!tpu.dma_semaphore, #tpu.memory_space<semaphore_mem>>) {add = true}
        %dma_wait3A = arith.constant 0 : i32
        %dma_wait3A_51 = tpu.memref_slice %arg7[%add3A_45, %dma_wait3A] : memref<80x128xi32, #tpu.memory_space<vmem>> -> memref<1x128xi32, #tpu.memory_space<vmem>>
        %dma_wait3A_52 = tpu.memref_squeeze %dma_wait3A_51 : memref<1x128xi32, #tpu.memory_space<vmem>> -> memref<128xi32, #tpu.memory_space<vmem>>
        %dma_wait3A_53 = arith.constant 0 : i32
        %dma_wait3A_54 = arith.constant 0 : i32
        %dma_wait3A_55 = tpu.memref_slice %arg9[%dma_wait3A_53, %dma_wait3A_54] : memref<10112x128xf32, #tpu.memory_space<vmem_shared>> -> memref<10112x128xf32, #tpu.memory_space<vmem_shared>>
        tpu.wait_indirect_dma semaphore(%run_scoped3A : memref<!tpu.dma_semaphore, #tpu.memory_space<semaphore_mem>>) src(%arg8 : memref<128x128xf32, #tpu.memory_space<vmem>>) dst(%dma_wait3A_55 : memref<10112x128xf32, #tpu.memory_space<vmem_shared>>)
        tpu.yield
      }) : () -> ()
    }
    %scan3A_21 = arith.constant 20 : i32
    %barrier3A_22 = arith.constant 0 : index
    tpu.barrier barrier_id(%barrier3A_22)
    %mul3A_23 = arith.constant 632 : i32
    %mul3A_24 = arith.muli %arg1, %mul3A_23 : i32
    "tpu.region"() ({
      %run_scoped3A = tpu.sem_alloc : memref<!tpu.dma_semaphore, #tpu.memory_space<semaphore_mem>>
      %dma_start3A = arith.constant 0 : i32
      %dma_start3A_25 = arith.constant 0 : i32
      %dma_start3A_26 = tpu.memref_slice %arg5[%arg0, %dma_start3A, %dma_start3A_25] : memref<2x10112x128xf32, #tpu.memory_space<hbm>> -> memref<1x10112x128xf32, #tpu.memory_space<hbm>>
      %dma_start3A_27 = tpu.memref_squeeze %dma_start3A_26 : memref<1x10112x128xf32, #tpu.memory_space<hbm>> -> memref<10112x128xf32, #tpu.memory_space<hbm>>
      %dma_start3A_28 = arith.constant 0 : i32
      %dma_start3A_29 = tpu.memref_slice %dma_start3A_27[%mul3A_24, %dma_start3A_28] : memref<10112x128xf32, #tpu.memory_space<hbm>> -> memref<632x128xf32, #tpu.memory_space<hbm>>
      %dma_start3A_30 = arith.constant 0 : i32
      %dma_start3A_31 = tpu.memref_slice %arg9[%mul3A_24, %dma_start3A_30] : memref<10112x128xf32, #tpu.memory_space<vmem_shared>> -> memref<632x128xf32, #tpu.memory_space<vmem_shared>>
      tpu.enqueue_dma source(%dma_start3A_31 : memref<632x128xf32, #tpu.memory_space<vmem_shared>>) target(%dma_start3A_29 : memref<632x128xf32, #tpu.memory_space<hbm>>) target_semaphore(%run_scoped3A : memref<!tpu.dma_semaphore, #tpu.memory_space<semaphore_mem>>)
      %dma_wait3A = arith.constant 0 : i32
      %dma_wait3A_32 = arith.constant 0 : i32
      %dma_wait3A_33 = tpu.memref_slice %arg5[%arg0, %dma_wait3A, %dma_wait3A_32] : memref<2x10112x128xf32, #tpu.memory_space<hbm>> -> memref<1x10112x128xf32, #tpu.memory_space<hbm>>
      %dma_wait3A_34 = tpu.memref_squeeze %dma_wait3A_33 : memref<1x10112x128xf32, #tpu.memory_space<hbm>> -> memref<10112x128xf32, #tpu.memory_space<hbm>>
      %dma_wait3A_35 = arith.constant 0 : i32
      %dma_wait3A_36 = tpu.memref_slice %dma_wait3A_34[%mul3A_24, %dma_wait3A_35] : memref<10112x128xf32, #tpu.memory_space<hbm>> -> memref<632x128xf32, #tpu.memory_space<hbm>>
      %dma_wait3A_37 = arith.constant 0 : i32
      %dma_wait3A_38 = tpu.memref_slice %arg9[%mul3A_24, %dma_wait3A_37] : memref<10112x128xf32, #tpu.memory_space<vmem_shared>> -> memref<632x128xf32, #tpu.memory_space<vmem_shared>>
      tpu.wait_dma2 semaphore(%run_scoped3A : memref<!tpu.dma_semaphore, #tpu.memory_space<semaphore_mem>>) src(%dma_wait3A_38 : memref<632x128xf32, #tpu.memory_space<vmem_shared>>) dst(%dma_wait3A_36 : memref<632x128xf32, #tpu.memory_space<hbm>>)
      tpu.yield
    }) : () -> ()
    return
  }
}

#map = affine_map<(d0, d1) -> (0, 0)>
#map1 = affine_map<(d0, d1) -> (0, 0, 0)>
module attributes {stable_mosaic.version = 14 : i64} {
  func.func @_hop_body(%arg0: i32, %arg1: i32, %arg2: memref<10000x128xf32, #tpu.memory_space<hbm>>, %arg3: memref<32x80x128xi32, #tpu.memory_space<hbm>>, %arg4: memref<32x80x128xi32, #tpu.memory_space<hbm>>, %arg5: memref<2x10112x128xf32, #tpu.memory_space<hbm>>, %arg6: memref<80x128xi32, #tpu.memory_space<vmem>>, %arg7: memref<80x128xi32, #tpu.memory_space<vmem>>, %arg8: memref<128x128xf32, #tpu.memory_space<vmem>>, %arg9: memref<10112x128xf32, #tpu.memory_space<vmem_shared>>) attributes {dimension_semantics = [#tpu.dimension_semantics<core_parallel>, #tpu.dimension_semantics<subcore_parallel>], iteration_bounds = array<i64: 2, 16>, scalar_prefetch = 0 : i64, scratch_operands = 4 : i64, tpu.core_type = #tpu.core_type<sc_vector_subcore>, window_params = [{transform_indices = #map}, {transform_indices = #map1}, {transform_indices = #map1}, {transform_indices = #map1}]} {
    %mul3A = arith.constant 2 : i32
    %mul3A_0 = arith.muli %arg1, %mul3A : i32
    %add3A = arith.addi %mul3A_0, %arg0 : i32
    %scan3A = arith.constant 0 : i32
    %scan3A_1 = arith.constant 128 : i32
    %scan3A_2 = arith.addi %scan3A, %scan3A_1 : i32
    %scan3A_3 = arith.constant 1 : i32
    scf.for %scan3A_25 = %scan3A to %scan3A_2 step %scan3A_3  : i32 {
      %mul3A_26 = arith.constant 1 : i32
      %mul3A_27 = arith.muli %scan3A_25, %mul3A_26 : i32
      %add3A_28 = arith.constant 0 : i32
      %add3A_29 = arith.addi %add3A_28, %mul3A_27 : i32
      %broadcast_in_dim3A = arith.constant 0.000000e+00 : f32
      %broadcast_in_dim3A_30 = vector.broadcast %broadcast_in_dim3A : f32 to vector<16xf32>
      %swap3A = arith.index_cast %add3A_29 : i32 to index
      %swap3A_31 = arith.constant 0 : index
      %swap3A_32 = tpu.vector_load %arg8[%swap3A, %swap3A_31] {strides = array<i32>} : memref<128x128xf32, #tpu.memory_space<vmem>>, vector<1x16xf32>,
      %swap3A_33 = vector.shape_cast %swap3A_32 : vector<1x16xf32> to vector<16xf32>
      %swap3A_34 = vector.shape_cast %broadcast_in_dim3A_30 : vector<16xf32> to vector<1x16xf32>
      tpu.vector_store %arg8[%swap3A, %swap3A_31], %swap3A_34 {strides = array<i32>} : memref<128x128xf32, #tpu.memory_space<vmem>>, vector<1x16xf32>,
      %broadcast_in_dim3A_35 = arith.constant 0.000000e+00 : f32
      %broadcast_in_dim3A_36 = vector.broadcast %broadcast_in_dim3A_35 : f32 to vector<16xf32>
      %swap3A_37 = arith.index_cast %add3A_29 : i32 to index
      %swap3A_38 = arith.constant 16 : index
      %swap3A_39 = tpu.vector_load %arg8[%swap3A_37, %swap3A_38] {strides = array<i32>} : memref<128x128xf32, #tpu.memory_space<vmem>>, vector<1x16xf32>,
      %swap3A_40 = vector.shape_cast %swap3A_39 : vector<1x16xf32> to vector<16xf32>
      %swap3A_41 = vector.shape_cast %broadcast_in_dim3A_36 : vector<16xf32> to vector<1x16xf32>
      tpu.vector_store %arg8[%swap3A_37, %swap3A_38], %swap3A_41 {strides = array<i32>} : memref<128x128xf32, #tpu.memory_space<vmem>>, vector<1x16xf32>,
      %broadcast_in_dim3A_42 = arith.constant 0.000000e+00 : f32
      %broadcast_in_dim3A_43 = vector.broadcast %broadcast_in_dim3A_42 : f32 to vector<16xf32>
      %swap3A_44 = arith.index_cast %add3A_29 : i32 to index
      %swap3A_45 = arith.constant 32 : index
      %swap3A_46 = tpu.vector_load %arg8[%swap3A_44, %swap3A_45] {strides = array<i32>} : memref<128x128xf32, #tpu.memory_space<vmem>>, vector<1x16xf32>,
      %swap3A_47 = vector.shape_cast %swap3A_46 : vector<1x16xf32> to vector<16xf32>
      %swap3A_48 = vector.shape_cast %broadcast_in_dim3A_43 : vector<16xf32> to vector<1x16xf32>
      tpu.vector_store %arg8[%swap3A_44, %swap3A_45], %swap3A_48 {strides = array<i32>} : memref<128x128xf32, #tpu.memory_space<vmem>>, vector<1x16xf32>,
      %broadcast_in_dim3A_49 = arith.constant 0.000000e+00 : f32
      %broadcast_in_dim3A_50 = vector.broadcast %broadcast_in_dim3A_49 : f32 to vector<16xf32>
      %swap3A_51 = arith.index_cast %add3A_29 : i32 to index
      %swap3A_52 = arith.constant 48 : index
      %swap3A_53 = tpu.vector_load %arg8[%swap3A_51, %swap3A_52] {strides = array<i32>} : memref<128x128xf32, #tpu.memory_space<vmem>>, vector<1x16xf32>,
      %swap3A_54 = vector.shape_cast %swap3A_53 : vector<1x16xf32> to vector<16xf32>
      %swap3A_55 = vector.shape_cast %broadcast_in_dim3A_50 : vector<16xf32> to vector<1x16xf32>
      tpu.vector_store %arg8[%swap3A_51, %swap3A_52], %swap3A_55 {strides = array<i32>} : memref<128x128xf32, #tpu.memory_space<vmem>>, vector<1x16xf32>,
      %broadcast_in_dim3A_56 = arith.constant 0.000000e+00 : f32
      %broadcast_in_dim3A_57 = vector.broadcast %broadcast_in_dim3A_56 : f32 to vector<16xf32>
      %swap3A_58 = arith.index_cast %add3A_29 : i32 to index
      %swap3A_59 = arith.constant 64 : index
      %swap3A_60 = tpu.vector_load %arg8[%swap3A_58, %swap3A_59] {strides = array<i32>} : memref<128x128xf32, #tpu.memory_space<vmem>>, vector<1x16xf32>,
      %swap3A_61 = vector.shape_cast %swap3A_60 : vector<1x16xf32> to vector<16xf32>
      %swap3A_62 = vector.shape_cast %broadcast_in_dim3A_57 : vector<16xf32> to vector<1x16xf32>
      tpu.vector_store %arg8[%swap3A_58, %swap3A_59], %swap3A_62 {strides = array<i32>} : memref<128x128xf32, #tpu.memory_space<vmem>>, vector<1x16xf32>,
      %broadcast_in_dim3A_63 = arith.constant 0.000000e+00 : f32
      %broadcast_in_dim3A_64 = vector.broadcast %broadcast_in_dim3A_63 : f32 to vector<16xf32>
      %swap3A_65 = arith.index_cast %add3A_29 : i32 to index
      %swap3A_66 = arith.constant 80 : index
      %swap3A_67 = tpu.vector_load %arg8[%swap3A_65, %swap3A_66] {strides = array<i32>} : memref<128x128xf32, #tpu.memory_space<vmem>>, vector<1x16xf32>,
      %swap3A_68 = vector.shape_cast %swap3A_67 : vector<1x16xf32> to vector<16xf32>
      %swap3A_69 = vector.shape_cast %broadcast_in_dim3A_64 : vector<16xf32> to vector<1x16xf32>
      tpu.vector_store %arg8[%swap3A_65, %swap3A_66], %swap3A_69 {strides = array<i32>} : memref<128x128xf32, #tpu.memory_space<vmem>>, vector<1x16xf32>,
      %broadcast_in_dim3A_70 = arith.constant 0.000000e+00 : f32
      %broadcast_in_dim3A_71 = vector.broadcast %broadcast_in_dim3A_70 : f32 to vector<16xf32>
      %swap3A_72 = arith.index_cast %add3A_29 : i32 to index
      %swap3A_73 = arith.constant 96 : index
      %swap3A_74 = tpu.vector_load %arg8[%swap3A_72, %swap3A_73] {strides = array<i32>} : memref<128x128xf32, #tpu.memory_space<vmem>>, vector<1x16xf32>,
      %swap3A_75 = vector.shape_cast %swap3A_74 : vector<1x16xf32> to vector<16xf32>
      %swap3A_76 = vector.shape_cast %broadcast_in_dim3A_71 : vector<16xf32> to vector<1x16xf32>
      tpu.vector_store %arg8[%swap3A_72, %swap3A_73], %swap3A_76 {strides = array<i32>} : memref<128x128xf32, #tpu.memory_space<vmem>>, vector<1x16xf32>,
      %broadcast_in_dim3A_77 = arith.constant 0.000000e+00 : f32
      %broadcast_in_dim3A_78 = vector.broadcast %broadcast_in_dim3A_77 : f32 to vector<16xf32>
      %swap3A_79 = arith.index_cast %add3A_29 : i32 to index
      %swap3A_80 = arith.constant 112 : index
      %swap3A_81 = tpu.vector_load %arg8[%swap3A_79, %swap3A_80] {strides = array<i32>} : memref<128x128xf32, #tpu.memory_space<vmem>>, vector<1x16xf32>,
      %swap3A_82 = vector.shape_cast %swap3A_81 : vector<1x16xf32> to vector<16xf32>
      %swap3A_83 = vector.shape_cast %broadcast_in_dim3A_78 : vector<16xf32> to vector<1x16xf32>
      tpu.vector_store %arg8[%swap3A_79, %swap3A_80], %swap3A_83 {strides = array<i32>} : memref<128x128xf32, #tpu.memory_space<vmem>>, vector<1x16xf32>,
    }
    %scan3A_4 = arith.constant 128 : i32
    %mul3A_5 = arith.constant 632 : i32
    %mul3A_6 = arith.muli %arg1, %mul3A_5 : i32
    %add3A_7 = arith.constant 0 : i32
    %add3A_8 = arith.addi %mul3A_6, %add3A_7 : i32
    "tpu.region"() ({
      %run_scoped3A = tpu.sem_alloc : memref<!tpu.dma_semaphore, #tpu.memory_space<semaphore_mem>>
      %dma_start3A = arith.constant 0 : i32
      %dma_start3A_25 = tpu.memref_slice %arg9[%add3A_8, %dma_start3A] : memref<10112x128xf32, #tpu.memory_space<vmem_shared>> -> memref<128x128xf32, #tpu.memory_space<vmem_shared>>
      %dma_start3A_26 = arith.constant 0 : i32
      %dma_start3A_27 = tpu.memref_slice %arg9[%add3A_8, %dma_start3A_26] : memref<10112x128xf32, #tpu.memory_space<vmem_shared>> -> memref<128x128xf32, #tpu.memory_space<vmem_shared>>
      tpu.enqueue_dma source(%arg8 : memref<128x128xf32, #tpu.memory_space<vmem>>) target(%dma_start3A_27 : memref<128x128xf32, #tpu.memory_space<vmem_shared>>) target_semaphore(%run_scoped3A : memref<!tpu.dma_semaphore, #tpu.memory_space<semaphore_mem>>)
      %dma_wait3A = arith.constant 0 : i32
      %dma_wait3A_28 = tpu.memref_slice %arg9[%add3A_8, %dma_wait3A] : memref<10112x128xf32, #tpu.memory_space<vmem_shared>> -> memref<128x128xf32, #tpu.memory_space<vmem_shared>>
      %dma_wait3A_29 = arith.constant 0 : i32
      %dma_wait3A_30 = tpu.memref_slice %arg9[%add3A_8, %dma_wait3A_29] : memref<10112x128xf32, #tpu.memory_space<vmem_shared>> -> memref<128x128xf32, #tpu.memory_space<vmem_shared>>
      tpu.wait_dma2 semaphore(%run_scoped3A : memref<!tpu.dma_semaphore, #tpu.memory_space<semaphore_mem>>) src(%arg8 : memref<128x128xf32, #tpu.memory_space<vmem>>) dst(%dma_wait3A_30 : memref<128x128xf32, #tpu.memory_space<vmem_shared>>)
      tpu.yield
    }) : () -> ()
    %add3A_9 = arith.constant 128 : i32
    %add3A_10 = arith.addi %mul3A_6, %add3A_9 : i32
    "tpu.region"() ({
      %run_scoped3A = tpu.sem_alloc : memref<!tpu.dma_semaphore, #tpu.memory_space<semaphore_mem>>
      %dma_start3A = arith.constant 0 : i32
      %dma_start3A_25 = tpu.memref_slice %arg9[%add3A_10, %dma_start3A] : memref<10112x128xf32, #tpu.memory_space<vmem_shared>> -> memref<128x128xf32, #tpu.memory_space<vmem_shared>>
      %dma_start3A_26 = arith.constant 0 : i32
      %dma_start3A_27 = tpu.memref_slice %arg9[%add3A_10, %dma_start3A_26] : memref<10112x128xf32, #tpu.memory_space<vmem_shared>> -> memref<128x128xf32, #tpu.memory_space<vmem_shared>>
      tpu.enqueue_dma source(%arg8 : memref<128x128xf32, #tpu.memory_space<vmem>>) target(%dma_start3A_27 : memref<128x128xf32, #tpu.memory_space<vmem_shared>>) target_semaphore(%run_scoped3A : memref<!tpu.dma_semaphore, #tpu.memory_space<semaphore_mem>>)
      %dma_wait3A = arith.constant 0 : i32
      %dma_wait3A_28 = tpu.memref_slice %arg9[%add3A_10, %dma_wait3A] : memref<10112x128xf32, #tpu.memory_space<vmem_shared>> -> memref<128x128xf32, #tpu.memory_space<vmem_shared>>
      %dma_wait3A_29 = arith.constant 0 : i32
      %dma_wait3A_30 = tpu.memref_slice %arg9[%add3A_10, %dma_wait3A_29] : memref<10112x128xf32, #tpu.memory_space<vmem_shared>> -> memref<128x128xf32, #tpu.memory_space<vmem_shared>>
      tpu.wait_dma2 semaphore(%run_scoped3A : memref<!tpu.dma_semaphore, #tpu.memory_space<semaphore_mem>>) src(%arg8 : memref<128x128xf32, #tpu.memory_space<vmem>>) dst(%dma_wait3A_30 : memref<128x128xf32, #tpu.memory_space<vmem_shared>>)
      tpu.yield
    }) : () -> ()
    %add3A_11 = arith.constant 256 : i32
    %add3A_12 = arith.addi %mul3A_6, %add3A_11 : i32
    "tpu.region"() ({
      %run_scoped3A = tpu.sem_alloc : memref<!tpu.dma_semaphore, #tpu.memory_space<semaphore_mem>>
      %dma_start3A = arith.constant 0 : i32
      %dma_start3A_25 = tpu.memref_slice %arg9[%add3A_12, %dma_start3A] : memref<10112x128xf32, #tpu.memory_space<vmem_shared>> -> memref<128x128xf32, #tpu.memory_space<vmem_shared>>
      %dma_start3A_26 = arith.constant 0 : i32
      %dma_start3A_27 = tpu.memref_slice %arg9[%add3A_12, %dma_start3A_26] : memref<10112x128xf32, #tpu.memory_space<vmem_shared>> -> memref<128x128xf32, #tpu.memory_space<vmem_shared>>
      tpu.enqueue_dma source(%arg8 : memref<128x128xf32, #tpu.memory_space<vmem>>) target(%dma_start3A_27 : memref<128x128xf32, #tpu.memory_space<vmem_shared>>) target_semaphore(%run_scoped3A : memref<!tpu.dma_semaphore, #tpu.memory_space<semaphore_mem>>)
      %dma_wait3A = arith.constant 0 : i32
      %dma_wait3A_28 = tpu.memref_slice %arg9[%add3A_12, %dma_wait3A] : memref<10112x128xf32, #tpu.memory_space<vmem_shared>> -> memref<128x128xf32, #tpu.memory_space<vmem_shared>>
      %dma_wait3A_29 = arith.constant 0 : i32
      %dma_wait3A_30 = tpu.memref_slice %arg9[%add3A_12, %dma_wait3A_29] : memref<10112x128xf32, #tpu.memory_space<vmem_shared>> -> memref<128x128xf32, #tpu.memory_space<vmem_shared>>
      tpu.wait_dma2 semaphore(%run_scoped3A : memref<!tpu.dma_semaphore, #tpu.memory_space<semaphore_mem>>) src(%arg8 : memref<128x128xf32, #tpu.memory_space<vmem>>) dst(%dma_wait3A_30 : memref<128x128xf32, #tpu.memory_space<vmem_shared>>)
      tpu.yield
    }) : () -> ()
    %add3A_13 = arith.constant 384 : i32
    %add3A_14 = arith.addi %mul3A_6, %add3A_13 : i32
    "tpu.region"() ({
      %run_scoped3A = tpu.sem_alloc : memref<!tpu.dma_semaphore, #tpu.memory_space<semaphore_mem>>
      %dma_start3A = arith.constant 0 : i32
      %dma_start3A_25 = tpu.memref_slice %arg9[%add3A_14, %dma_start3A] : memref<10112x128xf32, #tpu.memory_space<vmem_shared>> -> memref<128x128xf32, #tpu.memory_space<vmem_shared>>
      %dma_start3A_26 = arith.constant 0 : i32
      %dma_start3A_27 = tpu.memref_slice %arg9[%add3A_14, %dma_start3A_26] : memref<10112x128xf32, #tpu.memory_space<vmem_shared>> -> memref<128x128xf32, #tpu.memory_space<vmem_shared>>
      tpu.enqueue_dma source(%arg8 : memref<128x128xf32, #tpu.memory_space<vmem>>) target(%dma_start3A_27 : memref<128x128xf32, #tpu.memory_space<vmem_shared>>) target_semaphore(%run_scoped3A : memref<!tpu.dma_semaphore, #tpu.memory_space<semaphore_mem>>)
      %dma_wait3A = arith.constant 0 : i32
      %dma_wait3A_28 = tpu.memref_slice %arg9[%add3A_14, %dma_wait3A] : memref<10112x128xf32, #tpu.memory_space<vmem_shared>> -> memref<128x128xf32, #tpu.memory_space<vmem_shared>>
      %dma_wait3A_29 = arith.constant 0 : i32
      %dma_wait3A_30 = tpu.memref_slice %arg9[%add3A_14, %dma_wait3A_29] : memref<10112x128xf32, #tpu.memory_space<vmem_shared>> -> memref<128x128xf32, #tpu.memory_space<vmem_shared>>
      tpu.wait_dma2 semaphore(%run_scoped3A : memref<!tpu.dma_semaphore, #tpu.memory_space<semaphore_mem>>) src(%arg8 : memref<128x128xf32, #tpu.memory_space<vmem>>) dst(%dma_wait3A_30 : memref<128x128xf32, #tpu.memory_space<vmem_shared>>)
      tpu.yield
    }) : () -> ()
    %add3A_15 = arith.constant 512 : i32
    %add3A_16 = arith.addi %mul3A_6, %add3A_15 : i32
    "tpu.region"() ({
      %run_scoped3A = tpu.sem_alloc : memref<!tpu.dma_semaphore, #tpu.memory_space<semaphore_mem>>
      %dma_start3A = arith.constant 0 : i32
      %dma_start3A_25 = arith.constant 0 : i32
      %dma_start3A_26 = tpu.memref_slice %arg8[%dma_start3A, %dma_start3A_25] : memref<128x128xf32, #tpu.memory_space<vmem>> -> memref<120x128xf32, #tpu.memory_space<vmem>>
      %dma_start3A_27 = arith.constant 0 : i32
      %dma_start3A_28 = tpu.memref_slice %arg9[%add3A_16, %dma_start3A_27] : memref<10112x128xf32, #tpu.memory_space<vmem_shared>> -> memref<120x128xf32, #tpu.memory_space<vmem_shared>>
      %dma_start3A_29 = arith.constant 0 : i32
      %dma_start3A_30 = tpu.memref_slice %arg9[%add3A_16, %dma_start3A_29] : memref<10112x128xf32, #tpu.memory_space<vmem_shared>> -> memref<120x128xf32, #tpu.memory_space<vmem_shared>>
      %dma_start3A_31 = arith.constant 0 : i32
      %dma_start3A_32 = arith.constant 0 : i32
      %dma_start3A_33 = tpu.memref_slice %arg8[%dma_start3A_31, %dma_start3A_32] : memref<128x128xf32, #tpu.memory_space<vmem>> -> memref<120x128xf32, #tpu.memory_space<vmem>>
      tpu.enqueue_dma source(%dma_start3A_33 : memref<120x128xf32, #tpu.memory_space<vmem>>) target(%dma_start3A_30 : memref<120x128xf32, #tpu.memory_space<vmem_shared>>) target_semaphore(%run_scoped3A : memref<!tpu.dma_semaphore, #tpu.memory_space<semaphore_mem>>)
      %dma_wait3A = arith.constant 0 : i32
      %dma_wait3A_34 = arith.constant 0 : i32
      %dma_wait3A_35 = tpu.memref_slice %arg8[%dma_wait3A, %dma_wait3A_34] : memref<128x128xf32, #tpu.memory_space<vmem>> -> memref<120x128xf32, #tpu.memory_space<vmem>>
      %dma_wait3A_36 = arith.constant 0 : i32
      %dma_wait3A_37 = tpu.memref_slice %arg9[%add3A_16, %dma_wait3A_36] : memref<10112x128xf32, #tpu.memory_space<vmem_shared>> -> memref<120x128xf32, #tpu.memory_space<vmem_shared>>
      %dma_wait3A_38 = arith.constant 0 : i32
      %dma_wait3A_39 = tpu.memref_slice %arg9[%add3A_16, %dma_wait3A_38] : memref<10112x128xf32, #tpu.memory_space<vmem_shared>> -> memref<120x128xf32, #tpu.memory_space<vmem_shared>>
      %dma_wait3A_40 = arith.constant 0 : i32
      %dma_wait3A_41 = arith.constant 0 : i32
      %dma_wait3A_42 = tpu.memref_slice %arg8[%dma_wait3A_40, %dma_wait3A_41] : memref<128x128xf32, #tpu.memory_space<vmem>> -> memref<120x128xf32, #tpu.memory_space<vmem>>
      tpu.wait_dma2 semaphore(%run_scoped3A : memref<!tpu.dma_semaphore, #tpu.memory_space<semaphore_mem>>) src(%dma_wait3A_42 : memref<120x128xf32, #tpu.memory_space<vmem>>) dst(%dma_wait3A_39 : memref<120x128xf32, #tpu.memory_space<vmem_shared>>)
      tpu.yield
    }) : () -> ()
    %barrier3A = arith.constant 0 : index
    tpu.barrier barrier_id(%barrier3A)
    "tpu.region"() ({
      %run_scoped3A = tpu.sem_alloc : memref<!tpu.dma_semaphore, #tpu.memory_space<semaphore_mem>>
      %dma_start3A = arith.constant 0 : i32
      %dma_start3A_25 = arith.constant 0 : i32
      %dma_start3A_26 = tpu.memref_slice %arg3[%add3A, %dma_start3A, %dma_start3A_25] : memref<32x80x128xi32, #tpu.memory_space<hbm>> -> memref<1x80x128xi32, #tpu.memory_space<hbm>>
      %dma_start3A_27 = tpu.memref_squeeze %dma_start3A_26 : memref<1x80x128xi32, #tpu.memory_space<hbm>> -> memref<80x128xi32, #tpu.memory_space<hbm>>
      %dma_start3A_28 = arith.constant 0 : i32
      %dma_start3A_29 = arith.constant 0 : i32
      %dma_start3A_30 = tpu.memref_slice %arg3[%add3A, %dma_start3A_28, %dma_start3A_29] : memref<32x80x128xi32, #tpu.memory_space<hbm>> -> memref<1x80x128xi32, #tpu.memory_space<hbm>>
      %dma_start3A_31 = tpu.memref_squeeze %dma_start3A_30 : memref<1x80x128xi32, #tpu.memory_space<hbm>> -> memref<80x128xi32, #tpu.memory_space<hbm>>
      tpu.enqueue_dma source(%dma_start3A_31 : memref<80x128xi32, #tpu.memory_space<hbm>>) target(%arg6 : memref<80x128xi32, #tpu.memory_space<vmem>>) target_semaphore(%run_scoped3A : memref<!tpu.dma_semaphore, #tpu.memory_space<semaphore_mem>>)
      %dma_wait3A = arith.constant 0 : i32
      %dma_wait3A_32 = arith.constant 0 : i32
      %dma_wait3A_33 = tpu.memref_slice %arg3[%add3A, %dma_wait3A, %dma_wait3A_32] : memref<32x80x128xi32, #tpu.memory_space<hbm>> -> memref<1x80x128xi32, #tpu.memory_space<hbm>>
      %dma_wait3A_34 = tpu.memref_squeeze %dma_wait3A_33 : memref<1x80x128xi32, #tpu.memory_space<hbm>> -> memref<80x128xi32, #tpu.memory_space<hbm>>
      %dma_wait3A_35 = arith.constant 0 : i32
      %dma_wait3A_36 = arith.constant 0 : i32
      %dma_wait3A_37 = tpu.memref_slice %arg3[%add3A, %dma_wait3A_35, %dma_wait3A_36] : memref<32x80x128xi32, #tpu.memory_space<hbm>> -> memref<1x80x128xi32, #tpu.memory_space<hbm>>
      %dma_wait3A_38 = tpu.memref_squeeze %dma_wait3A_37 : memref<1x80x128xi32, #tpu.memory_space<hbm>> -> memref<80x128xi32, #tpu.memory_space<hbm>>
      tpu.wait_dma2 semaphore(%run_scoped3A : memref<!tpu.dma_semaphore, #tpu.memory_space<semaphore_mem>>) src(%dma_wait3A_38 : memref<80x128xi32, #tpu.memory_space<hbm>>) dst(%arg6 : memref<80x128xi32, #tpu.memory_space<vmem>>)
      tpu.yield
    }) : () -> ()
    "tpu.region"() ({
      %run_scoped3A = tpu.sem_alloc : memref<!tpu.dma_semaphore, #tpu.memory_space<semaphore_mem>>
      %dma_start3A = arith.constant 0 : i32
      %dma_start3A_25 = arith.constant 0 : i32
      %dma_start3A_26 = tpu.memref_slice %arg4[%add3A, %dma_start3A, %dma_start3A_25] : memref<32x80x128xi32, #tpu.memory_space<hbm>> -> memref<1x80x128xi32, #tpu.memory_space<hbm>>
      %dma_start3A_27 = tpu.memref_squeeze %dma_start3A_26 : memref<1x80x128xi32, #tpu.memory_space<hbm>> -> memref<80x128xi32, #tpu.memory_space<hbm>>
      %dma_start3A_28 = arith.constant 0 : i32
      %dma_start3A_29 = arith.constant 0 : i32
      %dma_start3A_30 = tpu.memref_slice %arg4[%add3A, %dma_start3A_28, %dma_start3A_29] : memref<32x80x128xi32, #tpu.memory_space<hbm>> -> memref<1x80x128xi32, #tpu.memory_space<hbm>>
      %dma_start3A_31 = tpu.memref_squeeze %dma_start3A_30 : memref<1x80x128xi32, #tpu.memory_space<hbm>> -> memref<80x128xi32, #tpu.memory_space<hbm>>
      tpu.enqueue_dma source(%dma_start3A_31 : memref<80x128xi32, #tpu.memory_space<hbm>>) target(%arg7 : memref<80x128xi32, #tpu.memory_space<vmem>>) target_semaphore(%run_scoped3A : memref<!tpu.dma_semaphore, #tpu.memory_space<semaphore_mem>>)
      %dma_wait3A = arith.constant 0 : i32
      %dma_wait3A_32 = arith.constant 0 : i32
      %dma_wait3A_33 = tpu.memref_slice %arg4[%add3A, %dma_wait3A, %dma_wait3A_32] : memref<32x80x128xi32, #tpu.memory_space<hbm>> -> memref<1x80x128xi32, #tpu.memory_space<hbm>>
      %dma_wait3A_34 = tpu.memref_squeeze %dma_wait3A_33 : memref<1x80x128xi32, #tpu.memory_space<hbm>> -> memref<80x128xi32, #tpu.memory_space<hbm>>
      %dma_wait3A_35 = arith.constant 0 : i32
      %dma_wait3A_36 = arith.constant 0 : i32
      %dma_wait3A_37 = tpu.memref_slice %arg4[%add3A, %dma_wait3A_35, %dma_wait3A_36] : memref<32x80x128xi32, #tpu.memory_space<hbm>> -> memref<1x80x128xi32, #tpu.memory_space<hbm>>
      %dma_wait3A_38 = tpu.memref_squeeze %dma_wait3A_37 : memref<1x80x128xi32, #tpu.memory_space<hbm>> -> memref<80x128xi32, #tpu.memory_space<hbm>>
      tpu.wait_dma2 semaphore(%run_scoped3A : memref<!tpu.dma_semaphore, #tpu.memory_space<semaphore_mem>>) src(%dma_wait3A_38 : memref<80x128xi32, #tpu.memory_space<hbm>>) dst(%arg7 : memref<80x128xi32, #tpu.memory_space<vmem>>)
      tpu.yield
    }) : () -> ()
    %scan3A_17 = arith.constant 0 : i32
    %scan3A_18 = arith.constant 20 : i32
    %scan3A_19 = arith.addi %scan3A_17, %scan3A_18 : i32
    %scan3A_20 = arith.constant 1 : i32
    scf.for %scan3A_25 = %scan3A_17 to %scan3A_19 step %scan3A_20  : i32 {
      %mul3A_26 = arith.constant 4 : i32
      %mul3A_27 = arith.muli %scan3A_25, %mul3A_26 : i32
      %add3A_28 = arith.constant 0 : i32
      %add3A_29 = arith.addi %add3A_28, %mul3A_27 : i32
      %add3A_30 = arith.constant 0 : i32
      %add3A_31 = arith.addi %add3A_29, %add3A_30 : i32
      "tpu.region"() ({
        %run_scoped3A = tpu.sem_alloc : memref<!tpu.dma_semaphore, #tpu.memory_space<semaphore_mem>>
        %dma_start3A = arith.constant 0 : i32
        %dma_start3A_46 = tpu.memref_slice %arg6[%add3A_31, %dma_start3A] : memref<80x128xi32, #tpu.memory_space<vmem>> -> memref<1x128xi32, #tpu.memory_space<vmem>>
        %dma_start3A_47 = tpu.memref_squeeze %dma_start3A_46 : memref<1x128xi32, #tpu.memory_space<vmem>> -> memref<128xi32, #tpu.memory_space<vmem>>
        %dma_start3A_48 = arith.constant 0 : i32
        %dma_start3A_49 = arith.constant 0 : i32
        %dma_start3A_50 = tpu.memref_slice %arg2[%dma_start3A_48, %dma_start3A_49] : memref<10000x128xf32, #tpu.memory_space<hbm>> -> memref<10000x128xf32, #tpu.memory_space<hbm>>
        tpu.enqueue_indirect_dma source(%dma_start3A_50 : memref<10000x128xf32, #tpu.memory_space<hbm>>) target(%arg8 : memref<128x128xf32, #tpu.memory_space<vmem>>) offsets(%dma_start3A_47 : memref<128xi32, #tpu.memory_space<vmem>>) semaphore(%run_scoped3A : memref<!tpu.dma_semaphore, #tpu.memory_space<semaphore_mem>>)
        %dma_wait3A = arith.constant 0 : i32
        %dma_wait3A_51 = tpu.memref_slice %arg6[%add3A_31, %dma_wait3A] : memref<80x128xi32, #tpu.memory_space<vmem>> -> memref<1x128xi32, #tpu.memory_space<vmem>>
        %dma_wait3A_52 = tpu.memref_squeeze %dma_wait3A_51 : memref<1x128xi32, #tpu.memory_space<vmem>> -> memref<128xi32, #tpu.memory_space<vmem>>
        %dma_wait3A_53 = arith.constant 0 : i32
        %dma_wait3A_54 = arith.constant 0 : i32
        %dma_wait3A_55 = tpu.memref_slice %arg2[%dma_wait3A_53, %dma_wait3A_54] : memref<10000x128xf32, #tpu.memory_space<hbm>> -> memref<10000x128xf32, #tpu.memory_space<hbm>>
        tpu.wait_indirect_dma semaphore(%run_scoped3A : memref<!tpu.dma_semaphore, #tpu.memory_space<semaphore_mem>>) src(%dma_wait3A_55 : memref<10000x128xf32, #tpu.memory_space<hbm>>) dst(%arg8 : memref<128x128xf32, #tpu.memory_space<vmem>>)
        tpu.yield
      }) : () -> ()
      %add3A_32 = arith.constant 0 : i32
      %add3A_33 = arith.addi %add3A_29, %add3A_32 : i32
      "tpu.region"() ({
        %run_scoped3A = tpu.sem_alloc : memref<!tpu.dma_semaphore, #tpu.memory_space<semaphore_mem>>
        %dma_start3A = arith.constant 0 : i32
        %dma_start3A_46 = tpu.memref_slice %arg7[%add3A_33, %dma_start3A] : memref<80x128xi32, #tpu.memory_space<vmem>> -> memref<1x128xi32, #tpu.memory_space<vmem>>
        %dma_start3A_47 = tpu.memref_squeeze %dma_start3A_46 : memref<1x128xi32, #tpu.memory_space<vmem>> -> memref<128xi32, #tpu.memory_space<vmem>>
        %dma_start3A_48 = arith.constant 0 : i32
        %dma_start3A_49 = arith.constant 0 : i32
        %dma_start3A_50 = tpu.memref_slice %arg9[%dma_start3A_48, %dma_start3A_49] : memref<10112x128xf32, #tpu.memory_space<vmem_shared>> -> memref<10112x128xf32, #tpu.memory_space<vmem_shared>>
        tpu.enqueue_indirect_dma source(%arg8 : memref<128x128xf32, #tpu.memory_space<vmem>>) target(%dma_start3A_50 : memref<10112x128xf32, #tpu.memory_space<vmem_shared>>) offsets(%dma_start3A_47 : memref<128xi32, #tpu.memory_space<vmem>>) semaphore(%run_scoped3A : memref<!tpu.dma_semaphore, #tpu.memory_space<semaphore_mem>>) {add = true}
        %dma_wait3A = arith.constant 0 : i32
        %dma_wait3A_51 = tpu.memref_slice %arg7[%add3A_33, %dma_wait3A] : memref<80x128xi32, #tpu.memory_space<vmem>> -> memref<1x128xi32, #tpu.memory_space<vmem>>
        %dma_wait3A_52 = tpu.memref_squeeze %dma_wait3A_51 : memref<1x128xi32, #tpu.memory_space<vmem>> -> memref<128xi32, #tpu.memory_space<vmem>>
        %dma_wait3A_53 = arith.constant 0 : i32
        %dma_wait3A_54 = arith.constant 0 : i32
        %dma_wait3A_55 = tpu.memref_slice %arg9[%dma_wait3A_53, %dma_wait3A_54] : memref<10112x128xf32, #tpu.memory_space<vmem_shared>> -> memref<10112x128xf32, #tpu.memory_space<vmem_shared>>
        tpu.wait_indirect_dma semaphore(%run_scoped3A : memref<!tpu.dma_semaphore, #tpu.memory_space<semaphore_mem>>) src(%arg8 : memref<128x128xf32, #tpu.memory_space<vmem>>) dst(%dma_wait3A_55 : memref<10112x128xf32, #tpu.memory_space<vmem_shared>>)
        tpu.yield
      }) : () -> ()
      %add3A_34 = arith.constant 1 : i32
      %add3A_35 = arith.addi %add3A_29, %add3A_34 : i32
      "tpu.region"() ({
        %run_scoped3A = tpu.sem_alloc : memref<!tpu.dma_semaphore, #tpu.memory_space<semaphore_mem>>
        %dma_start3A = arith.constant 0 : i32
        %dma_start3A_46 = tpu.memref_slice %arg6[%add3A_35, %dma_start3A] : memref<80x128xi32, #tpu.memory_space<vmem>> -> memref<1x128xi32, #tpu.memory_space<vmem>>
        %dma_start3A_47 = tpu.memref_squeeze %dma_start3A_46 : memref<1x128xi32, #tpu.memory_space<vmem>> -> memref<128xi32, #tpu.memory_space<vmem>>
        %dma_start3A_48 = arith.constant 0 : i32
        %dma_start3A_49 = arith.constant 0 : i32
        %dma_start3A_50 = tpu.memref_slice %arg2[%dma_start3A_48, %dma_start3A_49] : memref<10000x128xf32, #tpu.memory_space<hbm>> -> memref<10000x128xf32, #tpu.memory_space<hbm>>
        tpu.enqueue_indirect_dma source(%dma_start3A_50 : memref<10000x128xf32, #tpu.memory_space<hbm>>) target(%arg8 : memref<128x128xf32, #tpu.memory_space<vmem>>) offsets(%dma_start3A_47 : memref<128xi32, #tpu.memory_space<vmem>>) semaphore(%run_scoped3A : memref<!tpu.dma_semaphore, #tpu.memory_space<semaphore_mem>>)
        %dma_wait3A = arith.constant 0 : i32
        %dma_wait3A_51 = tpu.memref_slice %arg6[%add3A_35, %dma_wait3A] : memref<80x128xi32, #tpu.memory_space<vmem>> -> memref<1x128xi32, #tpu.memory_space<vmem>>
        %dma_wait3A_52 = tpu.memref_squeeze %dma_wait3A_51 : memref<1x128xi32, #tpu.memory_space<vmem>> -> memref<128xi32, #tpu.memory_space<vmem>>
        %dma_wait3A_53 = arith.constant 0 : i32
        %dma_wait3A_54 = arith.constant 0 : i32
        %dma_wait3A_55 = tpu.memref_slice %arg2[%dma_wait3A_53, %dma_wait3A_54] : memref<10000x128xf32, #tpu.memory_space<hbm>> -> memref<10000x128xf32, #tpu.memory_space<hbm>>
        tpu.wait_indirect_dma semaphore(%run_scoped3A : memref<!tpu.dma_semaphore, #tpu.memory_space<semaphore_mem>>) src(%dma_wait3A_55 : memref<10000x128xf32, #tpu.memory_space<hbm>>) dst(%arg8 : memref<128x128xf32, #tpu.memory_space<vmem>>)
        tpu.yield
      }) : () -> ()
      %add3A_36 = arith.constant 1 : i32
      %add3A_37 = arith.addi %add3A_29, %add3A_36 : i32
      "tpu.region"() ({
        %run_scoped3A = tpu.sem_alloc : memref<!tpu.dma_semaphore, #tpu.memory_space<semaphore_mem>>
        %dma_start3A = arith.constant 0 : i32
        %dma_start3A_46 = tpu.memref_slice %arg7[%add3A_37, %dma_start3A] : memref<80x128xi32, #tpu.memory_space<vmem>> -> memref<1x128xi32, #tpu.memory_space<vmem>>
        %dma_start3A_47 = tpu.memref_squeeze %dma_start3A_46 : memref<1x128xi32, #tpu.memory_space<vmem>> -> memref<128xi32, #tpu.memory_space<vmem>>
        %dma_start3A_48 = arith.constant 0 : i32
        %dma_start3A_49 = arith.constant 0 : i32
        %dma_start3A_50 = tpu.memref_slice %arg9[%dma_start3A_48, %dma_start3A_49] : memref<10112x128xf32, #tpu.memory_space<vmem_shared>> -> memref<10112x128xf32, #tpu.memory_space<vmem_shared>>
        tpu.enqueue_indirect_dma source(%arg8 : memref<128x128xf32, #tpu.memory_space<vmem>>) target(%dma_start3A_50 : memref<10112x128xf32, #tpu.memory_space<vmem_shared>>) offsets(%dma_start3A_47 : memref<128xi32, #tpu.memory_space<vmem>>) semaphore(%run_scoped3A : memref<!tpu.dma_semaphore, #tpu.memory_space<semaphore_mem>>) {add = true}
        %dma_wait3A = arith.constant 0 : i32
        %dma_wait3A_51 = tpu.memref_slice %arg7[%add3A_37, %dma_wait3A] : memref<80x128xi32, #tpu.memory_space<vmem>> -> memref<1x128xi32, #tpu.memory_space<vmem>>
        %dma_wait3A_52 = tpu.memref_squeeze %dma_wait3A_51 : memref<1x128xi32, #tpu.memory_space<vmem>> -> memref<128xi32, #tpu.memory_space<vmem>>
        %dma_wait3A_53 = arith.constant 0 : i32
        %dma_wait3A_54 = arith.constant 0 : i32
        %dma_wait3A_55 = tpu.memref_slice %arg9[%dma_wait3A_53, %dma_wait3A_54] : memref<10112x128xf32, #tpu.memory_space<vmem_shared>> -> memref<10112x128xf32, #tpu.memory_space<vmem_shared>>
        tpu.wait_indirect_dma semaphore(%run_scoped3A : memref<!tpu.dma_semaphore, #tpu.memory_space<semaphore_mem>>) src(%arg8 : memref<128x128xf32, #tpu.memory_space<vmem>>) dst(%dma_wait3A_55 : memref<10112x128xf32, #tpu.memory_space<vmem_shared>>)
        tpu.yield
      }) : () -> ()
      %add3A_38 = arith.constant 2 : i32
      %add3A_39 = arith.addi %add3A_29, %add3A_38 : i32
      "tpu.region"() ({
        %run_scoped3A = tpu.sem_alloc : memref<!tpu.dma_semaphore, #tpu.memory_space<semaphore_mem>>
        %dma_start3A = arith.constant 0 : i32
        %dma_start3A_46 = tpu.memref_slice %arg6[%add3A_39, %dma_start3A] : memref<80x128xi32, #tpu.memory_space<vmem>> -> memref<1x128xi32, #tpu.memory_space<vmem>>
        %dma_start3A_47 = tpu.memref_squeeze %dma_start3A_46 : memref<1x128xi32, #tpu.memory_space<vmem>> -> memref<128xi32, #tpu.memory_space<vmem>>
        %dma_start3A_48 = arith.constant 0 : i32
        %dma_start3A_49 = arith.constant 0 : i32
        %dma_start3A_50 = tpu.memref_slice %arg2[%dma_start3A_48, %dma_start3A_49] : memref<10000x128xf32, #tpu.memory_space<hbm>> -> memref<10000x128xf32, #tpu.memory_space<hbm>>
        tpu.enqueue_indirect_dma source(%dma_start3A_50 : memref<10000x128xf32, #tpu.memory_space<hbm>>) target(%arg8 : memref<128x128xf32, #tpu.memory_space<vmem>>) offsets(%dma_start3A_47 : memref<128xi32, #tpu.memory_space<vmem>>) semaphore(%run_scoped3A : memref<!tpu.dma_semaphore, #tpu.memory_space<semaphore_mem>>)
        %dma_wait3A = arith.constant 0 : i32
        %dma_wait3A_51 = tpu.memref_slice %arg6[%add3A_39, %dma_wait3A] : memref<80x128xi32, #tpu.memory_space<vmem>> -> memref<1x128xi32, #tpu.memory_space<vmem>>
        %dma_wait3A_52 = tpu.memref_squeeze %dma_wait3A_51 : memref<1x128xi32, #tpu.memory_space<vmem>> -> memref<128xi32, #tpu.memory_space<vmem>>
        %dma_wait3A_53 = arith.constant 0 : i32
        %dma_wait3A_54 = arith.constant 0 : i32
        %dma_wait3A_55 = tpu.memref_slice %arg2[%dma_wait3A_53, %dma_wait3A_54] : memref<10000x128xf32, #tpu.memory_space<hbm>> -> memref<10000x128xf32, #tpu.memory_space<hbm>>
        tpu.wait_indirect_dma semaphore(%run_scoped3A : memref<!tpu.dma_semaphore, #tpu.memory_space<semaphore_mem>>) src(%dma_wait3A_55 : memref<10000x128xf32, #tpu.memory_space<hbm>>) dst(%arg8 : memref<128x128xf32, #tpu.memory_space<vmem>>)
        tpu.yield
      }) : () -> ()
      %add3A_40 = arith.constant 2 : i32
      %add3A_41 = arith.addi %add3A_29, %add3A_40 : i32
      "tpu.region"() ({
        %run_scoped3A = tpu.sem_alloc : memref<!tpu.dma_semaphore, #tpu.memory_space<semaphore_mem>>
        %dma_start3A = arith.constant 0 : i32
        %dma_start3A_46 = tpu.memref_slice %arg7[%add3A_41, %dma_start3A] : memref<80x128xi32, #tpu.memory_space<vmem>> -> memref<1x128xi32, #tpu.memory_space<vmem>>
        %dma_start3A_47 = tpu.memref_squeeze %dma_start3A_46 : memref<1x128xi32, #tpu.memory_space<vmem>> -> memref<128xi32, #tpu.memory_space<vmem>>
        %dma_start3A_48 = arith.constant 0 : i32
        %dma_start3A_49 = arith.constant 0 : i32
        %dma_start3A_50 = tpu.memref_slice %arg9[%dma_start3A_48, %dma_start3A_49] : memref<10112x128xf32, #tpu.memory_space<vmem_shared>> -> memref<10112x128xf32, #tpu.memory_space<vmem_shared>>
        tpu.enqueue_indirect_dma source(%arg8 : memref<128x128xf32, #tpu.memory_space<vmem>>) target(%dma_start3A_50 : memref<10112x128xf32, #tpu.memory_space<vmem_shared>>) offsets(%dma_start3A_47 : memref<128xi32, #tpu.memory_space<vmem>>) semaphore(%run_scoped3A : memref<!tpu.dma_semaphore, #tpu.memory_space<semaphore_mem>>) {add = true}
        %dma_wait3A = arith.constant 0 : i32
        %dma_wait3A_51 = tpu.memref_slice %arg7[%add3A_41, %dma_wait3A] : memref<80x128xi32, #tpu.memory_space<vmem>> -> memref<1x128xi32, #tpu.memory_space<vmem>>
        %dma_wait3A_52 = tpu.memref_squeeze %dma_wait3A_51 : memref<1x128xi32, #tpu.memory_space<vmem>> -> memref<128xi32, #tpu.memory_space<vmem>>
        %dma_wait3A_53 = arith.constant 0 : i32
        %dma_wait3A_54 = arith.constant 0 : i32
        %dma_wait3A_55 = tpu.memref_slice %arg9[%dma_wait3A_53, %dma_wait3A_54] : memref<10112x128xf32, #tpu.memory_space<vmem_shared>> -> memref<10112x128xf32, #tpu.memory_space<vmem_shared>>
        tpu.wait_indirect_dma semaphore(%run_scoped3A : memref<!tpu.dma_semaphore, #tpu.memory_space<semaphore_mem>>) src(%arg8 : memref<128x128xf32, #tpu.memory_space<vmem>>) dst(%dma_wait3A_55 : memref<10112x128xf32, #tpu.memory_space<vmem_shared>>)
        tpu.yield
      }) : () -> ()
      %add3A_42 = arith.constant 3 : i32
      %add3A_43 = arith.addi %add3A_29, %add3A_42 : i32
      "tpu.region"() ({
        %run_scoped3A = tpu.sem_alloc : memref<!tpu.dma_semaphore, #tpu.memory_space<semaphore_mem>>
        %dma_start3A = arith.constant 0 : i32
        %dma_start3A_46 = tpu.memref_slice %arg6[%add3A_43, %dma_start3A] : memref<80x128xi32, #tpu.memory_space<vmem>> -> memref<1x128xi32, #tpu.memory_space<vmem>>
        %dma_start3A_47 = tpu.memref_squeeze %dma_start3A_46 : memref<1x128xi32, #tpu.memory_space<vmem>> -> memref<128xi32, #tpu.memory_space<vmem>>
        %dma_start3A_48 = arith.constant 0 : i32
        %dma_start3A_49 = arith.constant 0 : i32
        %dma_start3A_50 = tpu.memref_slice %arg2[%dma_start3A_48, %dma_start3A_49] : memref<10000x128xf32, #tpu.memory_space<hbm>> -> memref<10000x128xf32, #tpu.memory_space<hbm>>
        tpu.enqueue_indirect_dma source(%dma_start3A_50 : memref<10000x128xf32, #tpu.memory_space<hbm>>) target(%arg8 : memref<128x128xf32, #tpu.memory_space<vmem>>) offsets(%dma_start3A_47 : memref<128xi32, #tpu.memory_space<vmem>>) semaphore(%run_scoped3A : memref<!tpu.dma_semaphore, #tpu.memory_space<semaphore_mem>>)
        %dma_wait3A = arith.constant 0 : i32
        %dma_wait3A_51 = tpu.memref_slice %arg6[%add3A_43, %dma_wait3A] : memref<80x128xi32, #tpu.memory_space<vmem>> -> memref<1x128xi32, #tpu.memory_space<vmem>>
        %dma_wait3A_52 = tpu.memref_squeeze %dma_wait3A_51 : memref<1x128xi32, #tpu.memory_space<vmem>> -> memref<128xi32, #tpu.memory_space<vmem>>
        %dma_wait3A_53 = arith.constant 0 : i32
        %dma_wait3A_54 = arith.constant 0 : i32
        %dma_wait3A_55 = tpu.memref_slice %arg2[%dma_wait3A_53, %dma_wait3A_54] : memref<10000x128xf32, #tpu.memory_space<hbm>> -> memref<10000x128xf32, #tpu.memory_space<hbm>>
        tpu.wait_indirect_dma semaphore(%run_scoped3A : memref<!tpu.dma_semaphore, #tpu.memory_space<semaphore_mem>>) src(%dma_wait3A_55 : memref<10000x128xf32, #tpu.memory_space<hbm>>) dst(%arg8 : memref<128x128xf32, #tpu.memory_space<vmem>>)
        tpu.yield
      }) : () -> ()
      %add3A_44 = arith.constant 3 : i32
      %add3A_45 = arith.addi %add3A_29, %add3A_44 : i32
      "tpu.region"() ({
        %run_scoped3A = tpu.sem_alloc : memref<!tpu.dma_semaphore, #tpu.memory_space<semaphore_mem>>
        %dma_start3A = arith.constant 0 : i32
        %dma_start3A_46 = tpu.memref_slice %arg7[%add3A_45, %dma_start3A] : memref<80x128xi32, #tpu.memory_space<vmem>> -> memref<1x128xi32, #tpu.memory_space<vmem>>
        %dma_start3A_47 = tpu.memref_squeeze %dma_start3A_46 : memref<1x128xi32, #tpu.memory_space<vmem>> -> memref<128xi32, #tpu.memory_space<vmem>>
        %dma_start3A_48 = arith.constant 0 : i32
        %dma_start3A_49 = arith.constant 0 : i32
        %dma_start3A_50 = tpu.memref_slice %arg9[%dma_start3A_48, %dma_start3A_49] : memref<10112x128xf32, #tpu.memory_space<vmem_shared>> -> memref<10112x128xf32, #tpu.memory_space<vmem_shared>>
        tpu.enqueue_indirect_dma source(%arg8 : memref<128x128xf32, #tpu.memory_space<vmem>>) target(%dma_start3A_50 : memref<10112x128xf32, #tpu.memory_space<vmem_shared>>) offsets(%dma_start3A_47 : memref<128xi32, #tpu.memory_space<vmem>>) semaphore(%run_scoped3A : memref<!tpu.dma_semaphore, #tpu.memory_space<semaphore_mem>>) {add = true}
        %dma_wait3A = arith.constant 0 : i32
        %dma_wait3A_51 = tpu.memref_slice %arg7[%add3A_45, %dma_wait3A] : memref<80x128xi32, #tpu.memory_space<vmem>> -> memref<1x128xi32, #tpu.memory_space<vmem>>
        %dma_wait3A_52 = tpu.memref_squeeze %dma_wait3A_51 : memref<1x128xi32, #tpu.memory_space<vmem>> -> memref<128xi32, #tpu.memory_space<vmem>>
        %dma_wait3A_53 = arith.constant 0 : i32
        %dma_wait3A_54 = arith.constant 0 : i32
        %dma_wait3A_55 = tpu.memref_slice %arg9[%dma_wait3A_53, %dma_wait3A_54] : memref<10112x128xf32, #tpu.memory_space<vmem_shared>> -> memref<10112x128xf32, #tpu.memory_space<vmem_shared>>
        tpu.wait_indirect_dma semaphore(%run_scoped3A : memref<!tpu.dma_semaphore, #tpu.memory_space<semaphore_mem>>) src(%arg8 : memref<128x128xf32, #tpu.memory_space<vmem>>) dst(%dma_wait3A_55 : memref<10112x128xf32, #tpu.memory_space<vmem_shared>>)
        tpu.yield
      }) : () -> ()
    }
    %scan3A_21 = arith.constant 20 : i32
    %barrier3A_22 = arith.constant 0 : index
    tpu.barrier barrier_id(%barrier3A_22)
    %mul3A_23 = arith.constant 632 : i32
    %mul3A_24 = arith.muli %arg1, %mul3A_23 : i32
    "tpu.region"() ({
      %run_scoped3A = tpu.sem_alloc : memref<!tpu.dma_semaphore, #tpu.memory_space<semaphore_mem>>
      %dma_start3A = arith.constant 0 : i32
      %dma_start3A_25 = arith.constant 0 : i32
      %dma_start3A_26 = tpu.memref_slice %arg5[%arg0, %dma_start3A, %dma_start3A_25] : memref<2x10112x128xf32, #tpu.memory_space<hbm>> -> memref<1x10112x128xf32, #tpu.memory_space<hbm>>
      %dma_start3A_27 = tpu.memref_squeeze %dma_start3A_26 : memref<1x10112x128xf32, #tpu.memory_space<hbm>> -> memref<10112x128xf32, #tpu.memory_space<hbm>>
      %dma_start3A_28 = arith.constant 0 : i32
      %dma_start3A_29 = tpu.memref_slice %dma_start3A_27[%mul3A_24, %dma_start3A_28] : memref<10112x128xf32, #tpu.memory_space<hbm>> -> memref<632x128xf32, #tpu.memory_space<hbm>>
      %dma_start3A_30 = arith.constant 0 : i32
      %dma_start3A_31 = tpu.memref_slice %arg9[%mul3A_24, %dma_start3A_30] : memref<10112x128xf32, #tpu.memory_space<vmem_shared>> -> memref<632x128xf32, #tpu.memory_space<vmem_shared>>
      tpu.enqueue_dma source(%dma_start3A_31 : memref<632x128xf32, #tpu.memory_space<vmem_shared>>) target(%dma_start3A_29 : memref<632x128xf32, #tpu.memory_space<hbm>>) target_semaphore(%run_scoped3A : memref<!tpu.dma_semaphore, #tpu.memory_space<semaphore_mem>>)
      %dma_wait3A = arith.constant 0 : i32
      %dma_wait3A_32 = arith.constant 0 : i32
      %dma_wait3A_33 = tpu.memref_slice %arg5[%arg0, %dma_wait3A, %dma_wait3A_32] : memref<2x10112x128xf32, #tpu.memory_space<hbm>> -> memref<1x10112x128xf32, #tpu.memory_space<hbm>>
      %dma_wait3A_34 = tpu.memref_squeeze %dma_wait3A_33 : memref<1x10112x128xf32, #tpu.memory_space<hbm>> -> memref<10112x128xf32, #tpu.memory_space<hbm>>
      %dma_wait3A_35 = arith.constant 0 : i32
      %dma_wait3A_36 = tpu.memref_slice %dma_wait3A_34[%mul3A_24, %dma_wait3A_35] : memref<10112x128xf32, #tpu.memory_space<hbm>> -> memref<632x128xf32, #tpu.memory_space<hbm>>
      %dma_wait3A_37 = arith.constant 0 : i32
      %dma_wait3A_38 = tpu.memref_slice %arg9[%mul3A_24, %dma_wait3A_37] : memref<10112x128xf32, #tpu.memory_space<vmem_shared>> -> memref<632x128xf32, #tpu.memory_space<vmem_shared>>
      tpu.wait_dma2 semaphore(%run_scoped3A : memref<!tpu.dma_semaphore, #tpu.memory_space<semaphore_mem>>) src(%dma_wait3A_38 : memref<632x128xf32, #tpu.memory_space<vmem_shared>>) dst(%dma_wait3A_36 : memref<632x128xf32, #tpu.memory_space<hbm>>)
      tpu.yield
    }) : () -> ()
    return
  }
}

module attributes {stable_mosaic.version = 14 : i64} {
  func.func @_prescale_body(%arg0: i32, %arg1: memref<1000x128xf32, #tpu.memory_space<vmem>>, %arg2: memref<2x1000x1xf32, #tpu.memory_space<vmem>>, %arg3: memref<1000x128xf32, #tpu.memory_space<vmem>>) attributes {dimension_semantics = [#tpu.dimension_semantics<arbitrary>], iteration_bounds = array<i64: 10>, scalar_prefetch = 0 : i64, scratch_operands = 0 : i64, tpu.core_type = #tpu.core_type<tc>, window_params = [{transform_indices = @transform_0, window_bounds = array<i64: 1000, 128>}, {transform_indices = @transform_1, window_bounds = array<i64: 2, 1000, 1>}, {transform_indices = @transform_2, window_bounds = array<i64: 1000, 128>}]} {
    %get3A = arith.constant 0 : index
    %get3A_0 = arith.constant 0 : index
    %get3A_1 = arith.constant 0 : index
    %get3A_2 = vector.load %arg2[%get3A, %get3A_0, %get3A_1] : memref<2x1000x1xf32, #tpu.memory_space<vmem>>, vector<2x1000x1xf32>
    %get3A_3 = arith.constant 0 : index
    %get3A_4 = arith.constant 0 : index
    %get3A_5 = vector.load %arg1[%get3A_3, %get3A_4] : memref<1000x128xf32, #tpu.memory_space<vmem>>, vector<1000x128xf32>
    %slice3A = vector.extract_strided_slice %get3A_2 {offsets = [0, 0, 0], sizes = [1, 1000, 1], strides = [1, 1, 1]} : vector<2x1000x1xf32> to vector<1x1000x1xf32>
    %squeeze3A = vector.shape_cast %slice3A : vector<1x1000x1xf32> to vector<1000x1xf32>
    %slice3A_6 = vector.extract_strided_slice %get3A_2 {offsets = [1, 0, 0], sizes = [1, 1000, 1], strides = [1, 1, 1]} : vector<2x1000x1xf32> to vector<1x1000x1xf32>
    %squeeze3A_7 = vector.shape_cast %slice3A_6 : vector<1x1000x1xf32> to vector<1000x1xf32>
    %add3A = arith.addf %squeeze3A, %squeeze3A_7 : vector<1000x1xf32>
    %max3A = arith.constant 1.000000e+00 : f32
    %max3A_8 = vector.broadcast %max3A : f32 to vector<1000x1xf32>
    %max3A_9 = arith.maximumf %add3A, %max3A_8 : vector<1000x1xf32>
    %rsqrt3A = math.rsqrt %max3A_9 : vector<1000x1xf32>
    %mul3A = vector.broadcast %rsqrt3A : vector<1000x1xf32> to vector<1000x128xf32>
    %mul3A_10 = arith.mulf %get3A_5, %mul3A : vector<1000x128xf32>
    %swap3A = arith.constant 0 : index
    %swap3A_11 = arith.constant 0 : index
    %swap3A_12 = vector.load %arg3[%swap3A, %swap3A_11] : memref<1000x128xf32, #tpu.memory_space<vmem>>, vector<1000x128xf32>
    tpu.vector_store %arg3[%swap3A, %swap3A_11], %mul3A_10 {strides = array<i32>} : memref<1000x128xf32, #tpu.memory_space<vmem>>, vector<1000x128xf32>,
    return
  }
  func.func @transform_0(%arg0: i32) -> (i32, i32) {
    %c0_i32 = arith.constant 0 : i32
    %c0_i32_0 = arith.constant 0 : i32
    return %arg0, %c0_i32 : i32, i32
  }
  func.func @transform_1(%arg0: i32) -> (i32, i32, i32) {
    %c0_i32 = arith.constant 0 : i32
    %c0_i32_0 = arith.constant 0 : i32
    %c0_i32_1 = arith.constant 0 : i32
    return %c0_i32, %arg0, %c0_i32_0 : i32, i32, i32
  }
  func.func @transform_2(%arg0: i32) -> (i32, i32) {
    %c0_i32 = arith.constant 0 : i32
    %c0_i32_0 = arith.constant 0 : i32
    return %arg0, %c0_i32 : i32, i32
  }
}

module attributes {stable_mosaic.version = 14 : i64} {
  func.func @_mid_body(%arg0: i32, %arg1: memref<2x1000x128xf32, #tpu.memory_space<vmem>>, %arg2: memref<2x1000x1xf32, #tpu.memory_space<vmem>>, %arg3: memref<1000x128xf32, #tpu.memory_space<vmem>>) attributes {dimension_semantics = [#tpu.dimension_semantics<arbitrary>], iteration_bounds = array<i64: 10>, scalar_prefetch = 0 : i64, scratch_operands = 0 : i64, tpu.core_type = #tpu.core_type<tc>, window_params = [{transform_indices = @transform_0, window_bounds = array<i64: 2, 1000, 128>}, {transform_indices = @transform_1, window_bounds = array<i64: 2, 1000, 1>}, {transform_indices = @transform_2, window_bounds = array<i64: 1000, 128>}]} {
    %get3A = arith.constant 0 : index
    %get3A_0 = arith.constant 0 : index
    %get3A_1 = arith.constant 0 : index
    %get3A_2 = vector.load %arg1[%get3A, %get3A_0, %get3A_1] : memref<2x1000x128xf32, #tpu.memory_space<vmem>>, vector<2x1000x128xf32>
    %get3A_3 = arith.constant 0 : index
    %get3A_4 = arith.constant 0 : index
    %get3A_5 = arith.constant 0 : index
    %get3A_6 = vector.load %arg2[%get3A_3, %get3A_4, %get3A_5] : memref<2x1000x1xf32, #tpu.memory_space<vmem>>, vector<2x1000x1xf32>
    %slice3A = vector.extract_strided_slice %get3A_2 {offsets = [0, 0, 0], sizes = [1, 1000, 128], strides = [1, 1, 1]} : vector<2x1000x128xf32> to vector<1x1000x128xf32>
    %squeeze3A = vector.shape_cast %slice3A : vector<1x1000x128xf32> to vector<1000x128xf32>
    %slice3A_7 = vector.extract_strided_slice %get3A_2 {offsets = [1, 0, 0], sizes = [1, 1000, 128], strides = [1, 1, 1]} : vector<2x1000x128xf32> to vector<1x1000x128xf32>
    %squeeze3A_8 = vector.shape_cast %slice3A_7 : vector<1x1000x128xf32> to vector<1000x128xf32>
    %add3A = arith.addf %squeeze3A, %squeeze3A_8 : vector<1000x128xf32>
    %slice3A_9 = vector.extract_strided_slice %get3A_6 {offsets = [0, 0, 0], sizes = [1, 1000, 1], strides = [1, 1, 1]} : vector<2x1000x1xf32> to vector<1x1000x1xf32>
    %squeeze3A_10 = vector.shape_cast %slice3A_9 : vector<1x1000x1xf32> to vector<1000x1xf32>
    %slice3A_11 = vector.extract_strided_slice %get3A_6 {offsets = [1, 0, 0], sizes = [1, 1000, 1], strides = [1, 1, 1]} : vector<2x1000x1xf32> to vector<1x1000x1xf32>
    %squeeze3A_12 = vector.shape_cast %slice3A_11 : vector<1x1000x1xf32> to vector<1000x1xf32>
    %add3A_13 = arith.addf %squeeze3A_10, %squeeze3A_12 : vector<1000x1xf32>
    %max3A = arith.constant 1.000000e+00 : f32
    %max3A_14 = vector.broadcast %max3A : f32 to vector<1000x1xf32>
    %max3A_15 = arith.maximumf %add3A_13, %max3A_14 : vector<1000x1xf32>
    %div3A = vector.broadcast %max3A_15 : vector<1000x1xf32> to vector<1000x128xf32>
    %div3A_16 = arith.divf %add3A, %div3A : vector<1000x128xf32>
    %swap3A = arith.constant 0 : index
    %swap3A_17 = arith.constant 0 : index
    %swap3A_18 = vector.load %arg3[%swap3A, %swap3A_17] : memref<1000x128xf32, #tpu.memory_space<vmem>>, vector<1000x128xf32>
    tpu.vector_store %arg3[%swap3A, %swap3A_17], %div3A_16 {strides = array<i32>} : memref<1000x128xf32, #tpu.memory_space<vmem>>, vector<1000x128xf32>,
    return
  }
  func.func @transform_0(%arg0: i32) -> (i32, i32, i32) {
    %c0_i32 = arith.constant 0 : i32
    %c0_i32_0 = arith.constant 0 : i32
    %c0_i32_1 = arith.constant 0 : i32
    return %c0_i32, %arg0, %c0_i32_0 : i32, i32, i32
  }
  func.func @transform_1(%arg0: i32) -> (i32, i32, i32) {
    %c0_i32 = arith.constant 0 : i32
    %c0_i32_0 = arith.constant 0 : i32
    %c0_i32_1 = arith.constant 0 : i32
    return %c0_i32, %arg0, %c0_i32_0 : i32, i32, i32
  }
  func.func @transform_2(%arg0: i32) -> (i32, i32) {
    %c0_i32 = arith.constant 0 : i32
    %c0_i32_0 = arith.constant 0 : i32
    return %arg0, %c0_i32 : i32, i32
  }
}

module attributes {stable_mosaic.version = 14 : i64} {
  func.func @_final_body(%arg0: i32, %arg1: memref<2x1000x128xf32, #tpu.memory_space<vmem>>, %arg2: memref<2x1000x1xf32, #tpu.memory_space<vmem>>, %arg3: memref<128x128xf32, #tpu.memory_space<vmem>>, %arg4: memref<1000x128xf32, #tpu.memory_space<vmem>>) attributes {dimension_semantics = [#tpu.dimension_semantics<arbitrary>], iteration_bounds = array<i64: 10>, scalar_prefetch = 0 : i64, scratch_operands = 0 : i64, tpu.core_type = #tpu.core_type<tc>, window_params = [{transform_indices = @transform_0, window_bounds = array<i64: 2, 1000, 128>}, {transform_indices = @transform_1, window_bounds = array<i64: 2, 1000, 1>}, {pipeline_mode = #tpu.pipeline_mode<synchronous>, transform_indices = @transform_2, window_bounds = array<i64: 128, 128>}, {transform_indices = @transform_3, window_bounds = array<i64: 1000, 128>}]} {
    %get3A = arith.constant 0 : index
    %get3A_0 = arith.constant 0 : index
    %get3A_1 = arith.constant 0 : index
    %get3A_2 = vector.load %arg1[%get3A, %get3A_0, %get3A_1] : memref<2x1000x128xf32, #tpu.memory_space<vmem>>, vector<2x1000x128xf32>
    %get3A_3 = arith.constant 0 : index
    %get3A_4 = arith.constant 0 : index
    %get3A_5 = arith.constant 0 : index
    %get3A_6 = vector.load %arg2[%get3A_3, %get3A_4, %get3A_5] : memref<2x1000x1xf32, #tpu.memory_space<vmem>>, vector<2x1000x1xf32>
    %slice3A = vector.extract_strided_slice %get3A_2 {offsets = [0, 0, 0], sizes = [1, 1000, 128], strides = [1, 1, 1]} : vector<2x1000x128xf32> to vector<1x1000x128xf32>
    %squeeze3A = vector.shape_cast %slice3A : vector<1x1000x128xf32> to vector<1000x128xf32>
    %slice3A_7 = vector.extract_strided_slice %get3A_2 {offsets = [1, 0, 0], sizes = [1, 1000, 128], strides = [1, 1, 1]} : vector<2x1000x128xf32> to vector<1x1000x128xf32>
    %squeeze3A_8 = vector.shape_cast %slice3A_7 : vector<1x1000x128xf32> to vector<1000x128xf32>
    %add3A = arith.addf %squeeze3A, %squeeze3A_8 : vector<1000x128xf32>
    %slice3A_9 = vector.extract_strided_slice %get3A_6 {offsets = [0, 0, 0], sizes = [1, 1000, 1], strides = [1, 1, 1]} : vector<2x1000x1xf32> to vector<1x1000x1xf32>
    %squeeze3A_10 = vector.shape_cast %slice3A_9 : vector<1x1000x1xf32> to vector<1000x1xf32>
    %slice3A_11 = vector.extract_strided_slice %get3A_6 {offsets = [1, 0, 0], sizes = [1, 1000, 1], strides = [1, 1, 1]} : vector<2x1000x1xf32> to vector<1x1000x1xf32>
    %squeeze3A_12 = vector.shape_cast %slice3A_11 : vector<1x1000x1xf32> to vector<1000x1xf32>
    %add3A_13 = arith.addf %squeeze3A_10, %squeeze3A_12 : vector<1000x1xf32>
    %max3A = arith.constant 1.000000e+00 : f32
    %max3A_14 = vector.broadcast %max3A : f32 to vector<1000x1xf32>
    %max3A_15 = arith.maximumf %add3A_13, %max3A_14 : vector<1000x1xf32>
    %rsqrt3A = math.rsqrt %max3A_15 : vector<1000x1xf32>
    %mul3A = vector.broadcast %rsqrt3A : vector<1000x1xf32> to vector<1000x128xf32>
    %mul3A_16 = arith.mulf %add3A, %mul3A : vector<1000x128xf32>
    %get3A_17 = arith.constant 0 : index
    %get3A_18 = arith.constant 0 : index
    %get3A_19 = vector.load %arg3[%get3A_17, %get3A_18] : memref<128x128xf32, #tpu.memory_space<vmem>>, vector<128x128xf32>
    %dot_general3A = arith.constant dense<0.000000e+00> : vector<1000x128xf32>
    %dot_general3A_20 = tpu.matmul %mul3A_16, %get3A_19, %dot_general3A {dimension_numbers = #tpu.dot_dimension_numbers<[1], [1], [0], [0], [0, 0, 1, 0], [], []>, precision = #tpu.contract_precision<fp32>, transpose_lhs_hint = false} : vector<1000x128xf32>, vector<128x128xf32>, vector<1000x128xf32> -> vector<1000x128xf32>
    %swap3A = arith.constant 0 : index
    %swap3A_21 = arith.constant 0 : index
    %swap3A_22 = vector.load %arg4[%swap3A, %swap3A_21] : memref<1000x128xf32, #tpu.memory_space<vmem>>, vector<1000x128xf32>
    tpu.vector_store %arg4[%swap3A, %swap3A_21], %dot_general3A_20 {strides = array<i32>} : memref<1000x128xf32, #tpu.memory_space<vmem>>, vector<1000x128xf32>,
    return
  }
  func.func @transform_0(%arg0: i32) -> (i32, i32, i32) {
    %c0_i32 = arith.constant 0 : i32
    %c0_i32_0 = arith.constant 0 : i32
    %c0_i32_1 = arith.constant 0 : i32
    return %c0_i32, %arg0, %c0_i32_0 : i32, i32, i32
  }
  func.func @transform_1(%arg0: i32) -> (i32, i32, i32) {
    %c0_i32 = arith.constant 0 : i32
    %c0_i32_0 = arith.constant 0 : i32
    %c0_i32_1 = arith.constant 0 : i32
    return %c0_i32, %arg0, %c0_i32_0 : i32, i32, i32
  }
  func.func @transform_2(%arg0: i32) -> (i32, i32) {
    %c0_i32 = arith.constant 0 : i32
    %c0_i32_0 = arith.constant 0 : i32
    %c0_i32_1 = arith.constant 0 : i32
    return %c0_i32, %c0_i32_0 : i32, i32
  }
  func.func @transform_3(%arg0: i32) -> (i32, i32) {
    %c0_i32 = arith.constant 0 : i32
    %c0_i32_0 = arith.constant 0 : i32
    return %arg0, %c0_i32 : i32, i32
  }
}

</mosaic_0001>

<sc_bundles>
// kernel: kernel.11.cloned.1.call-start
scs
__scs_entry_jumppad:
0x0: {  	(pc) =	sbr.rel $0x88, $3  }
0x1: {  	(tag) =	ssettag $0x0;
	lr =	simm.s32 $0x1  }
0x2: {  	[smem:$0x3F9E] =	sst lr;
	_ =	strace $0xD0000000  }
0x3: {  	_ = 	snop  }
0x4: {  	_ = 	snop  }
0x5: {  	_ = 	snop  }
0x6: {  	_ = 	snop  }
0x7: {  	_ = 	snop  }
__scs_overlays_trampoline_lowered:
0x8: {  	[smem:$0x3FAD] =	sst s0  }
0x9: {  	[smem:$0x3FAE] =	sst s1  }
0xa: {  	[smem:$0x3FAF] =	sst s2  }
0xb: {  	[smem:$0x3FB0] =	sst s3  }
0xc: {  	[smem:$0x3FB1] =	sst s4  }
0xd: {  	[smem:$0x3FB2] =	sst s5  }
0xe: {  	[smem:$0x3FB3] =	sst s6  }
0xf: {  	[smem:$0x3FB4] =	sst s7  }
0x10: {  	[smem:$0x3FB5] =	sst s8  }
0x11: {  	[smem:$0x3FB6] =	sst s9;
	s0 =	simm.s32 @!p0 $0x0  }
0x12: {  	s1 =	sld [smem:$0x3F9C];
	s0 =	simm.s32 @p0 $0x1  }
0x13: {  	[smem:$0x3FB7] =	sst s0;
	s0 =	simm.s32 @!p1 $0x0  }
0x14: {  	s2 =	sld [smem:$0x3F9B];
	s0 =	simm.s32 @p1 $0x1  }
0x15: {  	[smem:$0x3FB8] =	sst s0;
	s0 =	simm.s32 @!p2 $0x0  }
0x16: {  	s3 =	sld [smem:$0x3FDB];
	s0 =	simm.s32 @p2 $0x1  }
0x17: {  	s4 =	simm.s32 $0x1BF5;
	[smem:$0x3FBA] =	sst s0  }
0x18: {  	s0 =	sld [smem:$0x3F9D];
	_ =	swait.ge [sflag:s4], $0x0  }
0x19: {  	s7 =	sld [smem:$0x3F9E]  }
0x1a: {  	s8 =	sadd.s32 $0xFFFFE003, lr  }
0x1b: {  	s9 =	sadd.s32 $0xFFFFFEF7, lr;
	s5 =	simm.s32 $0xFFFFFFFF;
	p2 =	slt.u32 s8, $0xFFFFF086  }
0x1c: {  	p1 =	slt.u32 s9, $0xF7A;
	s5 =	simm.s32 @!p2 $0x0  }
0x1d: {  	s5 =	simm.s32 @p1 $0x1;
	p0 =	seq.s32 s7, s2  }
0x1e: {  	s7 =	smul.u32 @!p0 $0xF7A, s2;
	p2 =	seq.s32 @!p0 s5, $0x0  }
0x1f: {  	s9 =	smul.u32 $0xF7A, s1;
	s8 =	simm.s32 @!p0 $0x1BF5;
	p2 =	por !p2, p0  }
0x20: {  	[sflag:s8] =	ssyncset.s32 @!p0 $0xFFFFF086;
	s6 =	sadd.s32 @!p0 s3, s7;
	s7 =	simm.s32 @!p0 $0x108  }
0x21: {  	s3 =	sadd.s32 s3, s9;
	s6 =	sadd.s32 @!p0 $0x88, s6;
	s7 =	simm.s32 @p2 $0x1082  }
0x22: {  	[simem:s7], [sflag:s8] =	dma.local @!p0 [hbm:s6], $0xF7A  }
0x23: {  	s9 =	sor.u32 $0xD0000000, s2;
	s6 =	simm.s32 $0x108;
	_ =	swait.ge @!p0 [sflag:s8], $0x0  }
0x24: {  	s3 =	sadd.s32 $0x88, s3;
	s6 =	simm.s32 @!p1 $0x1082;
	[sflag:s4] =	ssyncset.s32 $0xFFFFF086  }
0x25: {  	[simem:s6], [sflag:s4] =	dma.local [hbm:s3], $0xF7A  }
0x26: {  	[smem:$0x3F9E] =	sst s1;
	(tag) =	ssettag s2;
	_ =	strace s9  }
0x27: {  	s1 =	sld [smem:$0x3FAE]  }
0x28: {  	s2 =	sld [smem:$0x3FAF]  }
0x29: {  	s4 =	sld [smem:$0x3FB1]  }
0x2a: {  	p0 =	seq.s32 s5, $0x0;
	s5 =	sld [smem:$0x3FB2]  }
0x2b: {  	s6 =	sld [smem:$0x3FB3]  }
0x2c: {  	s7 =	sld [smem:$0x3FB4]  }
0x2d: {  	s3 =	simm.s32 $0x108;
	s8 =	sld [smem:$0x3FB5]  }
0x2e: {  	s3 =	simm.s32 @!p0 $0x1082;
	s9 =	sld [smem:$0x3FB6]  }
0x2f: {  	lr =	sadd.s32 s0, s3;
	s0 =	sld [smem:$0x3FAD]  }
0x30: {  	s3 =	sld [smem:$0x3FB0]  }
0x31: {  	[smem:$0x3FB9] =	sst s10  }
0x32: {  	s10 =	sld [smem:$0x3FB7];
	_ =	sdelay $0x3  }
0x33: {  	p0 =	seq.s32 s10, $0x1;
	s10 =	sld [smem:$0x3FB9];
	_ =	sdelay $0x3  }
0x34: {  	[smem:$0x3FB9] =	sst s10  }
0x35: {  	s10 =	sld [smem:$0x3FB8];
	_ =	sdelay $0x3  }
0x36: {  	p1 =	seq.s32 s10, $0x1;
	s10 =	sld [smem:$0x3FB9];
	_ =	sdelay $0x3  }
0x37: {  	[smem:$0x3FB9] =	sst s10  }
0x38: {  	s10 =	sld [smem:$0x3FBA]  }
0x39: {  	_ = 	snop;
	(pc) =	sbr.ind lr, $3  }
0x3a: {  	_ = 	snop  }
0x3b: {  	_ = 	snop  }
0x3c: {  	p2 =	seq.s32 s10, $0x1;
	s10 =	sld [smem:$0x3FB9]  }
0x3d: {  	_ =	shalt  }
0x3e: {  	_ =	shalt  }
0x3f: {  	_ =	shalt  }
0x40: {  	_ =	shalt  }
0x41: {  	_ =	shalt  }
0x42: {  	_ =	shalt  }
0x43: {  	_ =	shalt  }
0x44: {  	_ =	shalt  }
0x45: {  	_ =	shalt  }
0x46: {  	_ =	shalt  }
0x47: {  	_ =	shalt  }
0x48: {  	_ =	shalt  }
0x49: {  	_ =	shalt  }
0x4a: {  	_ =	shalt  }
0x4b: {  	_ =	shalt  }
0x4c: {  	_ =	shalt  }
0x4d: {  	_ =	shalt  }
0x4e: {  	_ =	shalt  }
0x4f: {  	_ =	shalt  }
0x50: {  	_ =	shalt  }
0x51: {  	_ =	shalt  }
0x52: {  	_ =	shalt  }
0x53: {  	_ =	shalt  }
0x54: {  	_ =	shalt  }
0x55: {  	_ =	shalt  }
0x56: {  	_ =	shalt  }
0x57: {  	_ =	shalt  }
0x58: {  	_ =	shalt  }
0x59: {  	_ =	shalt  }
0x5a: {  	_ =	shalt  }
0x5b: {  	_ =	shalt  }
0x5c: {  	_ =	shalt  }
0x5d: {  	_ =	shalt  }
0x5e: {  	_ =	shalt  }
0x5f: {  	_ =	shalt  }
0x60: {  	_ =	shalt  }
0x61: {  	_ =	shalt  }
0x62: {  	_ =	shalt  }
0x63: {  	_ =	shalt  }
0x64: {  	_ =	shalt  }
0x65: {  	_ =	shalt  }
0x66: {  	_ =	shalt  }
0x67: {  	_ =	shalt  }
0x68: {  	_ =	shalt  }
0x69: {  	_ =	shalt  }
0x6a: {  	_ =	shalt  }
0x6b: {  	_ =	shalt  }
0x6c: {  	_ =	shalt  }
0x6d: {  	_ =	shalt  }
0x6e: {  	_ =	shalt  }
0x6f: {  	_ =	shalt  }
0x70: {  	_ =	shalt  }
0x71: {  	_ =	shalt  }
0x72: {  	_ =	shalt  }
0x73: {  	_ =	shalt  }
0x74: {  	_ =	shalt  }
0x75: {  	_ =	shalt  }
0x76: {  	_ =	shalt  }
0x77: {  	_ =	shalt  }
0x78: {  	_ =	shalt  }
0x79: {  	_ =	shalt  }
0x7a: {  	_ =	shalt  }
0x7b: {  	_ =	shalt  }
0x7c: {  	_ =	shalt  }
0x7d: {  	_ =	shalt  }
0x7e: {  	_ =	shalt  }
0x7f: {  	_ =	shalt  }
0x80: {  	_ =	shalt  }
0x81: {  	_ =	shalt  }
0x82: {  	_ =	shalt  }
0x83: {  	_ =	shalt  }
0x84: {  	_ =	shalt  }
0x85: {  	_ =	shalt  }
0x86: {  	_ =	shalt  }
0x87: {  	_ =	shalt  }
.Lfunc_end0:
.L_simem_size_0:
called_computation.1_lowered:
.L_overlay_start_0:
0x88: {  	s2 =	sld [smem:$0x3FD9]  }
0x89: {  	s3 =	sld [smem:$0x3FFE];
	_ =	sdelay $0x1  }
0x8a: {  	s1 =	srdreg.scid  }
0x8b: {  	s0 =	sand.u32 $0x1, s1  }
0x8c: {  	s17 =	sshll.u32 s0, $0xA;
	s2 =	sadd.s32 s3, s2  }
0x8d: {  	s2 =	sadd.s32 s2, s17  }
0x8e: {  	[smem:$0x3FC5] =	sst s2  }
0x8f: {  	_ = 	snop  }
0x90: {  	s2 =	sld [smem:$0x3FD0];
	(tm) =	ssettm $0x1  }
0x91: {  	s18 =	sld [smem:$0x3FFB];
	_ =	sdelay $0x3  }
0x92: {  	_ =	strace s18  }
0x93: {  	s3 =	sld [smem:$0x3FFC];
	_ =	sdelay $0x3  }
0x94: {  	_ =	strace s3  }
0x95: {  	s3 =	sld [smem:$0x3FFD];
	_ =	sdelay $0x3  }
0x96: {  	_ =	strace s3  }
0x97: {  	_ =	strace $0x8FFFFFFF  }
0x98: {  	s19 =	sld [smem:$0x3FDB];
	_ =	sdelay $0x1  }
0x99: {  	s4 =	simm.s32 $_scs_section_size  }
0x9a: {  	s5 =	simm.s32 $_size__tile_overlayer_lowered;
	s6 =	simm.s32 $_tile_overlayer_lowered  }
0x9b: {  	s22 =	simm.s32 $0x1BFF;
	s21 =	sshll.u32 s6, $0x1;
	s3 =	sadd.s32 s4, s19  }
0x9c: {  	s7 =	simm.s32 $0x0;
	s20 =	sshll.u32 s5, $0x1;
	s5 =	sadd.s32 s21, s3  }
0x9d: {  	[timem:s7], [sflag:s22] =	dma.local [hbm:s5], s20  }
0x9e: {  	_ =	swait.ge [sflag:s22], s20  }
0x9f: {  	s4 =	ssub.s32 $0x0, s20;
	[sflag:s22] =	ssyncset.done $0x0  }
0xa0: {  	[sflag:s22] =	ssyncadd.s32 s4;
	_ =	sdelay $0x1  }
0xa1: {  	s23 =	simm.s32 $0x1B8B  }
0xa2: {  	_ =	swait.ge [sflag:s23], $0x1  }
0xa3: {  	[sflag:s23] =	ssyncset.done $0x0  }
0xa4: {  	s25 =	simm.s32 $0x1B8E;
	s24 =	sld [smem:$0x3FFE];
	[sflag:s23] =	ssyncadd.s32 $0xFFFFFFFF  }
0xa5: {  	s26 =	simm.s32 $execute0_lowered;
	[smem:$0x3FD2] =	sst s25  }
0xa6: {  	s5 =	sshll.u32 s26, $0x1;
	_ =	strace $0x80000049;
	[dreg:$0x1] =	wrdreg $0xFFFFFFFF  }
0xa7: {  	s28 =	simm.s32 $_size_execute0_lowered;
	s3 =	sadd.s32 s3, s5;
	[dreg:$0x0] =	wrdreg $0x0  }
0xa8: {  	s5 =	sshll.u32 s28, $0x1;
	[dreg:$0x2] =	wrdreg s3  }
0xa9: {  	[dreg:$0x3] =	wrdreg s5  }
0xaa: {  	[dreg:$0x4] =	wrdreg $0xC0  }
0xab: {  	_ =	task [dreg:s7], $0x5FFFF  }
0xac: {  	[dreg:$0x1] =	wrdreg $0xFFFFFFFF  }
0xad: {  	[dreg:$0x0] =	wrdreg $0x60  }
0xae: {  	[dreg:$0x2] =	wrdreg s2  }
0xaf: {  	[dreg:$0x3] =	wrdreg s24  }
0xb0: {  	[dreg:$0x4] =	wrdreg $0x90000  }
0xb1: {  	[dreg:$0x5] =	wrdreg $0x9  }
0xb2: {  	_ =	task.clear_ibuf [dreg:s7], $0x6FFFF;
	_ =	strace $0x90000049  }
0xb3: {  	s29 =	simm.s32 $0x9;
	_ =	strace $0x8000004B  }
0xb4: {  	_ =	swait.ge [sflag:s29], $0x1  }
0xb5: {  	[sflag:s29] =	ssyncadd.s32 $0xFFFFFFFF  }
0xb6: {  	_ =	strace $0x9000004B  }
0xb7: {  	_ =	sfence  }
0xb8: {  	s30 =	sld [smem:$0x0];
	_ =	sdelay $0x2  }
0xb9: {  	s31 =	sshll.u32 s1, $0xD;
	s1 =	sshrl.u32 s1, $0x2  }
0xba: {  	s3 =	sand.u32 $0x4000, s31;
	s1 =	sadd.s32 s1, s30  }
0xbb: {  	s0 =	sor.u32 s3, s0;
	s1 =	sshll.u32 s1, $0x11  }
0xbc: {  	s0 =	sor.u32 s1, s0  }
0xbd: {  	s0 =	sadd.s32 $0x8F2B, s0  }
0xbe: {  	[sflag:s0] =	ssyncadd.remote.s32 $0x1  }
0xbf: {  	_ =	sfence.sel $0xFFFF  }
0xc0: {  	[dreg:$0x0] =	wrdreg $0xFFFFFFFF;
	(pc) =	sbr.abs _section_cstart, $3  }
0xc1: {  	[dreg:$0x1] =	wrdreg $0xFFFFFFFF  }
0xc2: {  	_ =	task.clear_ibuf [dreg:s7], $0x2FFFF;
	_ =	strace $0x9FFFFFFF  }
0xc3: {  	(tm) =	ssettm $0x7FFFFFFF  }
tec
execute0_lowered:
.L_overlay_start_1:
0x0: {  	(tag) =	ssettag $0x1  }
0x1: {  	s1 =	rddreg [dreg:$0x0]  }
0x2: {  	s2 =	srdreg.scid;
	s5 =	rddreg [dreg:$0x1]  }
0x3: {  	s0 =	stileid.u32;
	s3 =	rddreg [dreg:$0x2];
	s4 =	simm.s32 $0x0  }
0x4: {  	s14 =	simm.s32 $0x1;
	s15 =	simm.s32 $0x2800;
	s16 =	simm.s32 $0x80  }
0x5: {  	s6 =	sand.u32 $0x1, s2;
	s2 =	rddreg [dreg:$0x3];
	s8 =	smul.u32 $0x4F000, s0  }
0x6: {  	s29 =	sshll.u32 s0, $0x1;
	[smem:$0x7FF] =	sst s4;
	s18 =	smul.u32 $0x2780, s0  }
0x7: {  	s19 =	sshll.u32 s0, $0x6;
	s7 =	sor.u32 s6, s29;
	s9 =	smul.u32 $0x27800, s6  }
0x8: {  	_ =	strace $0x8000004A;
	s6 =	ssub.s32 $0x2, s6;
	s7 =	smul.u32 $0x500, s7  }
0x9: {  	s30 =	sshrl.u32 s8, $0x2;
	s31 =	sshrl.u32 s6, $0x1;
	s12 =	sadd.s32 s9, s5  }
0xa: {  	s13 =	ssub.s32 s6, s31;
	s11 =	sadd.s32 s7, s5;
	s5 =	sadd.s32 s30, s3  }
0xb: {  	s17 =	sadd.s32 $0x65400, s12;
	s12 =	smax.u32 s13, $0x1;
	s13 =	simm.s32 $0x5000  }
0xc: {  	s6 =	sadd.s32 $0x4000, s5;
	s7 =	sadd.s32 $0x8000, s5;
	s8 =	sadd.s32 $0xC000, s5  }
0xd: {  	s9 =	sadd.s32 $0x10000, s5;
	s10 =	sadd.s32 $0xC400, s11;
	s11 =	sadd.s32 $0x2400, s11  }
0xe: {  	v0 =	vimm.f32 $0.0e+00;
	s17 =	sadd.s32 s18, s17;
	s18 =	sor.u32 $0x1C01, s19;
	s19 =	sshrl.u32 s5, $0x3  }
.LBB2_1:
0xf: {  	s20 =	simm.s32 $0x0;
	s21 =	simm.s32 $0x200  }
.LBB2_2:
0x10: {  	p0 =	sne.s32 s21, $0xFE00;
	[tilespmem:s20+$0x5070] =	vst v0  }
0x11: {  	[tilespmem:s20+$0x5000] =	vst v0  }
0x12: {  	[tilespmem:s20+$0x5010] =	vst v0  }
.Ltmp0:
0x13: {  	[tilespmem:s20+$0x5020] =	vst v0;
	(pc) =	sbr.rel @p0 .LBB2_2-.Ltmp0, $4  }
0x14: {  	[tilespmem:s20+$0x5030] =	vst v0  }
0x15: {  	[tilespmem:s20+$0x5040] =	vst v0  }
0x16: {  	[tilespmem:s20+$0x5050] =	vst v0  }
0x17: {  	[tilespmem:s20+$0x5060] =	vst v0;
	s20 =	sshra.s32 s21, $0x2;
	s21 =	sadd.s32 $0x200, s21  }
0x18: {  	[tilespmem:s20+$0x5070] =	vst v0  }
0x19: {  	[tilespmem:s20+$0x5000] =	vst v0  }
0x1a: {  	[tilespmem:s20+$0x5010] =	vst v0  }
0x1b: {  	[tilespmem:s20+$0x5020] =	vst v0  }
0x1c: {  	[tilespmem:s20+$0x5030] =	vst v0  }
0x1d: {  	[tilespmem:s20+$0x5040] =	vst v0  }
0x1e: {  	[tilespmem:s20+$0x5050] =	vst v0  }
0x1f: {  	[tilespmem:s20+$0x5060] =	vst v0  }
0x20: {  	[spmem:s5] =	stream.linear.scatter [tilespmem:s13], [sflag:$0x1], $0x4000, $0x38;
	[tilespmem:$0x1CC00] =	vst v63  }
0x21: {  	_ =	swait.ge [sflag:s14], $0x4000  }
0x22: {  	[sflag:s14] =	ssyncset.done $0x0  }
0x23: {  	[sflag:s14] =	ssyncadd.s32 $0xFFFFC000  }
0x24: {  	[spmem:s6] =	stream.linear.scatter [tilespmem:s13], [sflag:$0x1], $0x4000, $0x38;
	[tilespmem:$0x1CC00] =	vst v63  }
0x25: {  	_ =	swait.ge [sflag:s14], $0x4000  }
0x26: {  	[sflag:s14] =	ssyncset.done $0x0  }
0x27: {  	[sflag:s14] =	ssyncadd.s32 $0xFFFFC000  }
0x28: {  	[spmem:s7] =	stream.linear.scatter [tilespmem:s13], [sflag:$0x1], $0x4000, $0x38;
	[tilespmem:$0x1CC00] =	vst v63  }
0x29: {  	_ =	swait.ge [sflag:s14], $0x4000  }
0x2a: {  	[sflag:s14] =	ssyncset.done $0x0  }
0x2b: {  	[sflag:s14] =	ssyncadd.s32 $0xFFFFC000  }
0x2c: {  	[spmem:s8] =	stream.linear.scatter [tilespmem:s13], [sflag:$0x1], $0x4000, $0x38;
	[tilespmem:$0x1CC00] =	vst v63  }
0x2d: {  	_ =	swait.ge [sflag:s14], $0x4000  }
0x2e: {  	[sflag:s14] =	ssyncset.done $0x0  }
0x2f: {  	[sflag:s14] =	ssyncadd.s32 $0xFFFFC000  }
0x30: {  	[spmem:s9] =	stream.linear.scatter [tilespmem:s13], [sflag:$0x1], $0x3C00, $0x38;
	[tilespmem:$0x1CC00] =	vst v63  }
0x31: {  	_ =	swait.ge [sflag:s14], $0x3C00  }
0x32: {  	[sflag:s14] =	ssyncset.done $0x0  }
0x33: {  	[sflag:s14] =	ssyncadd.s32 $0xFFFFC400  }
0x34: {  	s22 =	simm.s32 $0x0;
	[bflag:$0x0] =	sbarrier.arrive $0xFFFF  }
0x35: {  	[tilespmem:s22], [sflag:$0x1] =	stream.linear.gather [hbm4b:s10+s22], $0x2800, $0x38;
	[tilespmem:$0x1CC00] =	vst v63  }
0x36: {  	_ =	swait.ge [sflag:s14], $0x2800  }
0x37: {  	[sflag:s14] =	ssyncset.done $0x0  }
0x38: {  	[sflag:s14] =	ssyncadd.s32 $0xFFFFD800  }
0x39: {  	[tilespmem:s15], [sflag:$0x1] =	stream.linear.gather [hbm4b:s11+s22], $0x2800, $0x38;
	[tilespmem:$0x1CC00] =	vst v63  }
0x3a: {  	_ =	swait.ge [sflag:s14], $0x2800  }
0x3b: {  	[sflag:s14] =	ssyncset.done $0x0  }
0x3c: {  	s23 =	simm.s32 $0x0;
	[sflag:s14] =	ssyncadd.s32 $0xFFFFD800  }
0x3d: {  	[tilespmem:s13], [sflag:$0x1] =	stream.indirect.gather [hbm4b:s1+s16], $0x80, s23, s16, $0xb8;
	[tilespmem:$0x1CC00] =	vst v63  }
0x3e: {  	_ =	swait.ge [sflag:s14], $0x4000  }
0x3f: {  	[sflag:s14] =	ssyncset.done $0x0  }
0x40: {  	s24 =	simm.s32 $0x2800;
	[sflag:s14] =	ssyncadd.s32 $0xFFFFC000  }
0x41: {  	[spmem:s3] =	stream.indirect.scatter.add.f32 [tilespmem:s13], [sflag:$0x1], $0x80, s24, s16, $0xb8;
	[tilespmem:$0x1CC00] =	vst v63  }
0x42: {  	_ =	swait.ge [sflag:s14], $0x4000  }
0x43: {  	[sflag:s14] =	ssyncset.done $0x0  }
0x44: {  	s25 =	simm.s32 $0x80;
	[sflag:s14] =	ssyncadd.s32 $0xFFFFC000  }
0x45: {  	[tilespmem:s13], [sflag:$0x1] =	stream.indirect.gather [hbm4b:s1+s16], $0x80, s25, s16, $0xb8;
	[tilespmem:$0x1CC00] =	vst v63  }
0x46: {  	_ =	swait.ge [sflag:s14], $0x4000  }
0x47: {  	[sflag:s14] =	ssyncset.done $0x0  }
0x48: {  	s26 =	simm.s32 $0x2880;
	[sflag:s14] =	ssyncadd.s32 $0xFFFFC000  }
0x49: {  	[spmem:s3] =	stream.indirect.scatter.add.f32 [tilespmem:s13], [sflag:$0x1], $0x80, s26, s16, $0xb8;
	[tilespmem:$0x1CC00] =	vst v63  }
0x4a: {  	_ =	swait.ge [sflag:s14], $0x4000  }
0x4b: {  	[sflag:s14] =	ssyncset.done $0x0  }
0x4c: {  	s28 =	simm.s32 $0x100;
	[sflag:s14] =	ssyncadd.s32 $0xFFFFC000  }
0x4d: {  	[tilespmem:s13], [sflag:$0x1] =	stream.indirect.gather [hbm4b:s1+s16], $0x80, s28, s16, $0xb8;
	[tilespmem:$0x1CC00] =	vst v63  }
0x4e: {  	_ =	swait.ge [sflag:s14], $0x4000  }
0x4f: {  	[sflag:s14] =	ssyncset.done $0x0  }
0x50: {  	s29 =	simm.s32 $0x2900;
	[sflag:s14] =	ssyncadd.s32 $0xFFFFC000  }
0x51: {  	[spmem:s3] =	stream.indirect.scatter.add.f32 [tilespmem:s13], [sflag:$0x1], $0x80, s29, s16, $0xb8;
	[tilespmem:$0x1CC00] =	vst v63  }
0x52: {  	_ =	swait.ge [sflag:s14], $0x4000  }
0x53: {  	[sflag:s14] =	ssyncset.done $0x0  }
0x54: {  	s30 =	simm.s32 $0x180;
	[sflag:s14] =	ssyncadd.s32 $0xFFFFC000  }
0x55: {  	[tilespmem:s13], [sflag:$0x1] =	stream.indirect.gather [hbm4b:s1+s16], $0x80, s30, s16, $0xb8;
	[tilespmem:$0x1CC00] =	vst v63  }
0x56: {  	_ =	swait.ge [sflag:s14], $0x4000  }
0x57: {  	[sflag:s14] =	ssyncset.done $0x0  }
0x58: {  	s31 =	simm.s32 $0x2980;
	[sflag:s14] =	ssyncadd.s32 $0xFFFFC000  }
0x59: {  	[spmem:s3] =	stream.indirect.scatter.add.f32 [tilespmem:s13], [sflag:$0x1], $0x80, s31, s16, $0xb8;
	[tilespmem:$0x1CC00] =	vst v63  }
0x5a: {  	_ =	swait.ge [sflag:s14], $0x4000  }
0x5b: {  	s20 =	simm.s32 $0x800;
	s23 =	simm.s32 $0x1000;
	[sflag:s14] =	ssyncset.done $0x0  }
.LBB2_4:
0x5c: {  	s22 =	sshra.s32 s20, $0x2  }
0x5d: {  	[sflag:s14] =	ssyncadd.s32 $0xFFFFC000;
	s20 =	smov.u32 s23;
	s21 =	sadd.s32 $0x800, s23  }
0x5e: {  	[tilespmem:s13], [sflag:$0x1] =	stream.indirect.gather [hbm4b:s1+s16], $0x80, s22, s16, $0xb8;
	[tilespmem:$0x1CC00] =	vst v63  }
0x5f: {  	p0 =	sne.s32 s23, $0x9800;
	_ =	swait.ge [sflag:s14], $0x4000  }
0x60: {  	[sflag:s14] =	ssyncset.done $0x0  }
0x61: {  	s23 =	sadd.s32 $0x2800, s22;
	[sflag:s14] =	ssyncadd.s32 $0xFFFFC000  }
0x62: {  	[spmem:s3] =	stream.indirect.scatter.add.f32 [tilespmem:s13], [sflag:$0x1], $0x80, s23, s16, $0xb8;
	[tilespmem:$0x1CC00] =	vst v63  }
0x63: {  	_ =	swait.ge [sflag:s14], $0x4000  }
0x64: {  	[sflag:s14] =	ssyncset.done $0x0  }
0x65: {  	s23 =	sadd.s32 $0x80, s22;
	[sflag:s14] =	ssyncadd.s32 $0xFFFFC000  }
0x66: {  	[tilespmem:s13], [sflag:$0x1] =	stream.indirect.gather [hbm4b:s1+s16], $0x80, s23, s16, $0xb8;
	[tilespmem:$0x1CC00] =	vst v63  }
0x67: {  	_ =	swait.ge [sflag:s14], $0x4000  }
0x68: {  	[sflag:s14] =	ssyncset.done $0x0  }
0x69: {  	s23 =	sadd.s32 $0x2880, s22;
	[sflag:s14] =	ssyncadd.s32 $0xFFFFC000  }
0x6a: {  	[spmem:s3] =	stream.indirect.scatter.add.f32 [tilespmem:s13], [sflag:$0x1], $0x80, s23, s16, $0xb8;
	[tilespmem:$0x1CC00] =	vst v63  }
0x6b: {  	_ =	swait.ge [sflag:s14], $0x4000  }
0x6c: {  	[sflag:s14] =	ssyncset.done $0x0  }
0x6d: {  	s23 =	sadd.s32 $0x100, s22;
	[sflag:s14] =	ssyncadd.s32 $0xFFFFC000  }
0x6e: {  	[tilespmem:s13], [sflag:$0x1] =	stream.indirect.gather [hbm4b:s1+s16], $0x80, s23, s16, $0xb8;
	[tilespmem:$0x1CC00] =	vst v63  }
0x6f: {  	_ =	swait.ge [sflag:s14], $0x4000  }
0x70: {  	[sflag:s14] =	ssyncset.done $0x0  }
0x71: {  	s23 =	sadd.s32 $0x2900, s22;
	[sflag:s14] =	ssyncadd.s32 $0xFFFFC000  }
0x72: {  	[spmem:s3] =	stream.indirect.scatter.add.f32 [tilespmem:s13], [sflag:$0x1], $0x80, s23, s16, $0xb8;
	[tilespmem:$0x1CC00] =	vst v63  }
0x73: {  	_ =	swait.ge [sflag:s14], $0x4000  }
0x74: {  	[sflag:s14] =	ssyncset.done $0x0  }
0x75: {  	s23 =	sadd.s32 $0x180, s22;
	[sflag:s14] =	ssyncadd.s32 $0xFFFFC000  }
0x76: {  	[tilespmem:s13], [sflag:$0x1] =	stream.indirect.gather [hbm4b:s1+s16], $0x80, s23, s16, $0xb8;
	[tilespmem:$0x1CC00] =	vst v63  }
0x77: {  	_ =	swait.ge [sflag:s14], $0x4000  }
.Ltmp1:
0x78: {  	[sflag:s14] =	ssyncset.done $0x0;
	(pc) =	sbr.rel @p0 .LBB2_4-.Ltmp1, $4  }
0x79: {  	s22 =	sadd.s32 $0x2980, s22;
	[sflag:s14] =	ssyncadd.s32 $0xFFFFC000  }
0x7a: {  	[spmem:s3] =	stream.indirect.scatter.add.f32 [tilespmem:s13], [sflag:$0x1], $0x80, s22, s16, $0xb8;
	[tilespmem:$0x1CC00] =	vst v63  }
0x7b: {  	_ =	swait.ge [sflag:s14], $0x4000  }
0x7c: {  	s23 =	smov.u32 s21;
	[sflag:s14] =	ssyncset.done $0x0  }
0x7d: {  	s20 =	sshra.s32 s20, $0x2;
	[sflag:s14] =	ssyncadd.s32 $0xFFFFC000  }
0x7e: {  	[tilespmem:s13], [sflag:$0x1] =	stream.indirect.gather [hbm4b:s1+s16], $0x80, s20, s16, $0xb8;
	[tilespmem:$0x1CC00] =	vst v63  }
0x7f: {  	_ =	swait.ge [sflag:s14], $0x4000  }
0x80: {  	[sflag:s14] =	ssyncset.done $0x0  }
0x81: {  	s21 =	sadd.s32 $0x2800, s20;
	[sflag:s14] =	ssyncadd.s32 $0xFFFFC000  }
0x82: {  	[spmem:s3] =	stream.indirect.scatter.add.f32 [tilespmem:s13], [sflag:$0x1], $0x80, s21, s16, $0xb8;
	[tilespmem:$0x1CC00] =	vst v63  }
0x83: {  	_ =	swait.ge [sflag:s14], $0x4000  }
0x84: {  	[sflag:s14] =	ssyncset.done $0x0  }
0x85: {  	s26 =	sadd.s32 $0x80, s20;
	[sflag:s14] =	ssyncadd.s32 $0xFFFFC000  }
0x86: {  	[tilespmem:s13], [sflag:$0x1] =	stream.indirect.gather [hbm4b:s1+s16], $0x80, s26, s16, $0xb8;
	[tilespmem:$0x1CC00] =	vst v63  }
0x87: {  	_ =	swait.ge [sflag:s14], $0x4000  }
0x88: {  	[sflag:s14] =	ssyncset.done $0x0  }
0x89: {  	s28 =	sadd.s32 $0x2880, s20;
	[sflag:s14] =	ssyncadd.s32 $0xFFFFC000  }
0x8a: {  	[spmem:s3] =	stream.indirect.scatter.add.f32 [tilespmem:s13], [sflag:$0x1], $0x80, s28, s16, $0xb8;
	[tilespmem:$0x1CC00] =	vst v63  }
0x8b: {  	_ =	swait.ge [sflag:s14], $0x4000  }
0x8c: {  	[sflag:s14] =	ssyncset.done $0x0  }
0x8d: {  	s29 =	sadd.s32 $0x100, s20;
	[sflag:s14] =	ssyncadd.s32 $0xFFFFC000  }
0x8e: {  	[tilespmem:s13], [sflag:$0x1] =	stream.indirect.gather [hbm4b:s1+s16], $0x80, s29, s16, $0xb8;
	[tilespmem:$0x1CC00] =	vst v63  }
0x8f: {  	_ =	swait.ge [sflag:s14], $0x4000  }
0x90: {  	[sflag:s14] =	ssyncset.done $0x0  }
0x91: {  	s30 =	sadd.s32 $0x2900, s20;
	[sflag:s14] =	ssyncadd.s32 $0xFFFFC000  }
0x92: {  	[spmem:s3] =	stream.indirect.scatter.add.f32 [tilespmem:s13], [sflag:$0x1], $0x80, s30, s16, $0xb8;
	[tilespmem:$0x1CC00] =	vst v63  }
0x93: {  	_ =	swait.ge [sflag:s14], $0x4000  }
0x94: {  	[sflag:s14] =	ssyncset.done $0x0  }
0x95: {  	s31 =	sadd.s32 $0x180, s20;
	[sflag:s14] =	ssyncadd.s32 $0xFFFFC000  }
0x96: {  	[tilespmem:s13], [sflag:$0x1] =	stream.indirect.gather [hbm4b:s1+s16], $0x80, s31, s16, $0xb8;
	[tilespmem:$0x1CC00] =	vst v63  }
0x97: {  	_ =	swait.ge [sflag:s14], $0x4000  }
0x98: {  	[sflag:s14] =	ssyncset.done $0x0  }
0x99: {  	s20 =	sadd.s32 $0x2980, s20;
	[sflag:s14] =	ssyncadd.s32 $0xFFFFC000  }
0x9a: {  	[spmem:s3] =	stream.indirect.scatter.add.f32 [tilespmem:s13], [sflag:$0x1], $0x80, s20, s16, $0xb8;
	[tilespmem:$0x1CC00] =	vst v63  }
0x9b: {  	_ =	swait.ge [sflag:s14], $0x4000  }
0x9c: {  	s4 =	sadd.s32 $0x1, s4;
	[sflag:s14] =	ssyncset.done $0x0  }
0x9d: {  	p0 =	sne.s32 s4, s12;
	[sflag:s14] =	ssyncadd.s32 $0xFFFFC000  }
.Ltmp2:
0x9e: {  	[bflag:$0x0] =	sbarrier.arrive $0xFFFF;
	(pc) =	sbr.rel @p0 .LBB2_1-.Ltmp2, $4  }
0x9f: {  	[hbm:s17], [sflag:s18] =	dma.local [spmem:s19], $0x2780  }
0xa0: {  	_ =	swait.ge [sflag:s14], $0x2780  }
0xa1: {  	[sflag:s14] =	ssyncset.done $0x0  }
0xa2: {  	[sflag:s14] =	ssyncadd.s32 $0xFFFFD880  }
0xa3: {  	_ =	sfence.sel $0x180000  }
0xa4: {  	[bflag:$0x0] =	sbarrier.arrive $0xFFFF  }
0xa5: {  	p0 =	sne.s32 s0, $0x0;
	_ =	strace $0x9000004A  }
0xa6: {  	s0 =	sadd.s32 @!p0 $0x100000, s2;
	[bflag:$0x2] =	sbarrier.arrive $0xFFFF  }
0xa7: {  	[sflag:s0] =	ssyncadd.tile.s32 @!p0 $0x1;
	_ =	shalt  }
.Lfunc_end2:
_tile_overlayer_lowered:
.L_overlay_start_2:
0xa8: {  	(tag) =	ssettag $0x2  }
0xa9: {  	s0 =	rddreg [dreg:$0x0];
	s2 =	stileid.u32  }
0xaa: {  	s1 =	rddreg [dreg:$0x1];
	p0 =	sne.s32 s2, $0x0  }
0xab: {  	s3 =	rddreg [dreg:$0x2];
	[bflag:$0x3] =	sbarrier.arrive $0xFFFF;
	s2 =	simm.s32 @!p0 $0x1C01  }
0xac: {  	[timem:s3], [sflag:s2] =	dma.local @!p0 [hbm:s0], s1  }
0xad: {  	s0 =	simm.s32 @!p0 $0x1  }
0xae: {  	_ =	swait.ge @!p0 [sflag:s0], s1  }
0xaf: {  	s1 =	ssub.s32 @!p0 $0x0, s1;
	[sflag:s0] =	ssyncset.done @!p0 $0x0  }
0xb0: {  	[sflag:s0] =	ssyncadd.s32 @!p0 s1  }
0xb1: {  	[bflag:$0x3] =	sbarrier.arrive $0xFFFF  }
0xb2: {  	_ =	shalt  }

// kernel: kernel.14.cloned.1.call-start
scs
__scs_entry_jumppad:
0x0: {  	(pc) =	sbr.rel $0x88, $3  }
0x1: {  	(tag) =	ssettag $0x0;
	lr =	simm.s32 $0x1  }
0x2: {  	[smem:$0x3F9E] =	sst lr;
	_ =	strace $0xD0000000  }
0x3: {  	_ = 	snop  }
0x4: {  	_ = 	snop  }
0x5: {  	_ = 	snop  }
0x6: {  	_ = 	snop  }
0x7: {  	_ = 	snop  }
__scs_overlays_trampoline_lowered:
0x8: {  	[smem:$0x3FAD] =	sst s0  }
0x9: {  	[smem:$0x3FAE] =	sst s1  }
0xa: {  	[smem:$0x3FAF] =	sst s2  }
0xb: {  	[smem:$0x3FB0] =	sst s3  }
0xc: {  	[smem:$0x3FB1] =	sst s4  }
0xd: {  	[smem:$0x3FB2] =	sst s5  }
0xe: {  	[smem:$0x3FB3] =	sst s6  }
0xf: {  	[smem:$0x3FB4] =	sst s7  }
0x10: {  	[smem:$0x3FB5] =	sst s8  }
0x11: {  	[smem:$0x3FB6] =	sst s9;
	s0 =	simm.s32 @!p0 $0x0  }
0x12: {  	s1 =	sld [smem:$0x3F9C];
	s0 =	simm.s32 @p0 $0x1  }
0x13: {  	[smem:$0x3FB7] =	sst s0;
	s0 =	simm.s32 @!p1 $0x0  }
0x14: {  	s2 =	sld [smem:$0x3F9B];
	s0 =	simm.s32 @p1 $0x1  }
0x15: {  	[smem:$0x3FB8] =	sst s0;
	s0 =	simm.s32 @!p2 $0x0  }
0x16: {  	s3 =	sld [smem:$0x3FDB];
	s0 =	simm.s32 @p2 $0x1  }
0x17: {  	s4 =	simm.s32 $0x1BF5;
	[smem:$0x3FBA] =	sst s0  }
0x18: {  	s0 =	sld [smem:$0x3F9D];
	_ =	swait.ge [sflag:s4], $0x0  }
0x19: {  	s7 =	sld [smem:$0x3F9E]  }
0x1a: {  	s8 =	sadd.s32 $0xFFFFE003, lr  }
0x1b: {  	s9 =	sadd.s32 $0xFFFFFEF7, lr;
	s5 =	simm.s32 $0xFFFFFFFF;
	p2 =	slt.u32 s8, $0xFFFFF086  }
0x1c: {  	p1 =	slt.u32 s9, $0xF7A;
	s5 =	simm.s32 @!p2 $0x0  }
0x1d: {  	s5 =	simm.s32 @p1 $0x1;
	p0 =	seq.s32 s7, s2  }
0x1e: {  	s7 =	smul.u32 @!p0 $0xF7A, s2;
	p2 =	seq.s32 @!p0 s5, $0x0  }
0x1f: {  	s9 =	smul.u32 $0xF7A, s1;
	s8 =	simm.s32 @!p0 $0x1BF5;
	p2 =	por !p2, p0  }
0x20: {  	[sflag:s8] =	ssyncset.s32 @!p0 $0xFFFFF086;
	s6 =	sadd.s32 @!p0 s3, s7;
	s7 =	simm.s32 @!p0 $0x108  }
0x21: {  	s3 =	sadd.s32 s3, s9;
	s6 =	sadd.s32 @!p0 $0x88, s6;
	s7 =	simm.s32 @p2 $0x1082  }
0x22: {  	[simem:s7], [sflag:s8] =	dma.local @!p0 [hbm:s6], $0xF7A  }
0x23: {  	s9 =	sor.u32 $0xD0000000, s2;
	s6 =	simm.s32 $0x108;
	_ =	swait.ge @!p0 [sflag:s8], $0x0  }
0x24: {  	s3 =	sadd.s32 $0x88, s3;
	s6 =	simm.s32 @!p1 $0x1082;
	[sflag:s4] =	ssyncset.s32 $0xFFFFF086  }
0x25: {  	[simem:s6], [sflag:s4] =	dma.local [hbm:s3], $0xF7A  }
0x26: {  	[smem:$0x3F9E] =	sst s1;
	(tag) =	ssettag s2;
	_ =	strace s9  }
0x27: {  	s1 =	sld [smem:$0x3FAE]  }
0x28: {  	s2 =	sld [smem:$0x3FAF]  }
0x29: {  	s4 =	sld [smem:$0x3FB1]  }
0x2a: {  	p0 =	seq.s32 s5, $0x0;
	s5 =	sld [smem:$0x3FB2]  }
0x2b: {  	s6 =	sld [smem:$0x3FB3]  }
0x2c: {  	s7 =	sld [smem:$0x3FB4]  }
0x2d: {  	s3 =	simm.s32 $0x108;
	s8 =	sld [smem:$0x3FB5]  }
0x2e: {  	s3 =	simm.s32 @!p0 $0x1082;
	s9 =	sld [smem:$0x3FB6]  }
0x2f: {  	lr =	sadd.s32 s0, s3;
	s0 =	sld [smem:$0x3FAD]  }
0x30: {  	s3 =	sld [smem:$0x3FB0]  }
0x31: {  	[smem:$0x3FB9] =	sst s10  }
0x32: {  	s10 =	sld [smem:$0x3FB7];
	_ =	sdelay $0x3  }
0x33: {  	p0 =	seq.s32 s10, $0x1;
	s10 =	sld [smem:$0x3FB9];
	_ =	sdelay $0x3  }
0x34: {  	[smem:$0x3FB9] =	sst s10  }
0x35: {  	s10 =	sld [smem:$0x3FB8];
	_ =	sdelay $0x3  }
0x36: {  	p1 =	seq.s32 s10, $0x1;
	s10 =	sld [smem:$0x3FB9];
	_ =	sdelay $0x3  }
0x37: {  	[smem:$0x3FB9] =	sst s10  }
0x38: {  	s10 =	sld [smem:$0x3FBA]  }
0x39: {  	_ = 	snop;
	(pc) =	sbr.ind lr, $3  }
0x3a: {  	_ = 	snop  }
0x3b: {  	_ = 	snop  }
0x3c: {  	p2 =	seq.s32 s10, $0x1;
	s10 =	sld [smem:$0x3FB9]  }
0x3d: {  	_ =	shalt  }
0x3e: {  	_ =	shalt  }
0x3f: {  	_ =	shalt  }
0x40: {  	_ =	shalt  }
0x41: {  	_ =	shalt  }
0x42: {  	_ =	shalt  }
0x43: {  	_ =	shalt  }
0x44: {  	_ =	shalt  }
0x45: {  	_ =	shalt  }
0x46: {  	_ =	shalt  }
0x47: {  	_ =	shalt  }
0x48: {  	_ =	shalt  }
0x49: {  	_ =	shalt  }
0x4a: {  	_ =	shalt  }
0x4b: {  	_ =	shalt  }
0x4c: {  	_ =	shalt  }
0x4d: {  	_ =	shalt  }
0x4e: {  	_ =	shalt  }
0x4f: {  	_ =	shalt  }
0x50: {  	_ =	shalt  }
0x51: {  	_ =	shalt  }
0x52: {  	_ =	shalt  }
0x53: {  	_ =	shalt  }
0x54: {  	_ =	shalt  }
0x55: {  	_ =	shalt  }
0x56: {  	_ =	shalt  }
0x57: {  	_ =	shalt  }
0x58: {  	_ =	shalt  }
0x59: {  	_ =	shalt  }
0x5a: {  	_ =	shalt  }
0x5b: {  	_ =	shalt  }
0x5c: {  	_ =	shalt  }
0x5d: {  	_ =	shalt  }
0x5e: {  	_ =	shalt  }
0x5f: {  	_ =	shalt  }
0x60: {  	_ =	shalt  }
0x61: {  	_ =	shalt  }
0x62: {  	_ =	shalt  }
0x63: {  	_ =	shalt  }
0x64: {  	_ =	shalt  }
0x65: {  	_ =	shalt  }
0x66: {  	_ =	shalt  }
0x67: {  	_ =	shalt  }
0x68: {  	_ =	shalt  }
0x69: {  	_ =	shalt  }
0x6a: {  	_ =	shalt  }
0x6b: {  	_ =	shalt  }
0x6c: {  	_ =	shalt  }
0x6d: {  	_ =	shalt  }
0x6e: {  	_ =	shalt  }
0x6f: {  	_ =	shalt  }
0x70: {  	_ =	shalt  }
0x71: {  	_ =	shalt  }
0x72: {  	_ =	shalt  }
0x73: {  	_ =	shalt  }
0x74: {  	_ =	shalt  }
0x75: {  	_ =	shalt  }
0x76: {  	_ =	shalt  }
0x77: {  	_ =	shalt  }
0x78: {  	_ =	shalt  }
0x79: {  	_ =	shalt  }
0x7a: {  	_ =	shalt  }
0x7b: {  	_ =	shalt  }
0x7c: {  	_ =	shalt  }
0x7d: {  	_ =	shalt  }
0x7e: {  	_ =	shalt  }
0x7f: {  	_ =	shalt  }
0x80: {  	_ =	shalt  }
0x81: {  	_ =	shalt  }
0x82: {  	_ =	shalt  }
0x83: {  	_ =	shalt  }
0x84: {  	_ =	shalt  }
0x85: {  	_ =	shalt  }
0x86: {  	_ =	shalt  }
0x87: {  	_ =	shalt  }
.Lfunc_end0:
.L_simem_size_0:
called_computation.2_lowered:
.L_overlay_start_0:
0x88: {  	s2 =	sld [smem:$0x3FD9]  }
0x89: {  	s3 =	sld [smem:$0x3FFE];
	_ =	sdelay $0x1  }
0x8a: {  	s1 =	srdreg.scid  }
0x8b: {  	s0 =	sand.u32 $0x1, s1  }
0x8c: {  	s17 =	sshll.u32 s0, $0xA;
	s2 =	sadd.s32 s3, s2  }
0x8d: {  	s2 =	sadd.s32 s2, s17  }
0x8e: {  	[smem:$0x3FC5] =	sst s2  }
0x8f: {  	_ = 	snop  }
0x90: {  	s2 =	sld [smem:$0x3FD0];
	(tm) =	ssettm $0x1  }
0x91: {  	s18 =	sld [smem:$0x3FFB];
	_ =	sdelay $0x3  }
0x92: {  	_ =	strace s18  }
0x93: {  	s3 =	sld [smem:$0x3FFC];
	_ =	sdelay $0x3  }
0x94: {  	_ =	strace s3  }
0x95: {  	s3 =	sld [smem:$0x3FFD];
	_ =	sdelay $0x3  }
0x96: {  	_ =	strace s3  }
0x97: {  	_ =	strace $0x8FFFFFFF  }
0x98: {  	s19 =	sld [smem:$0x3FDB];
	_ =	sdelay $0x1  }
0x99: {  	s4 =	simm.s32 $_scs_section_size  }
0x9a: {  	s5 =	simm.s32 $_size__tile_overlayer_lowered;
	s6 =	simm.s32 $_tile_overlayer_lowered  }
0x9b: {  	s22 =	simm.s32 $0x1BFF;
	s21 =	sshll.u32 s6, $0x1;
	s3 =	sadd.s32 s4, s19  }
0x9c: {  	s7 =	simm.s32 $0x0;
	s20 =	sshll.u32 s5, $0x1;
	s5 =	sadd.s32 s21, s3  }
0x9d: {  	[timem:s7], [sflag:s22] =	dma.local [hbm:s5], s20  }
0x9e: {  	_ =	swait.ge [sflag:s22], s20  }
0x9f: {  	s4 =	ssub.s32 $0x0, s20;
	[sflag:s22] =	ssyncset.done $0x0  }
0xa0: {  	[sflag:s22] =	ssyncadd.s32 s4;
	_ =	sdelay $0x1  }
0xa1: {  	s23 =	simm.s32 $0x1B8B  }
0xa2: {  	_ =	swait.ge [sflag:s23], $0x1  }
0xa3: {  	[sflag:s23] =	ssyncset.done $0x0  }
0xa4: {  	s25 =	simm.s32 $0x1B8E;
	s24 =	sld [smem:$0x3FFE];
	[sflag:s23] =	ssyncadd.s32 $0xFFFFFFFF  }
0xa5: {  	s26 =	simm.s32 $execute0_lowered;
	[smem:$0x3FD2] =	sst s25  }
0xa6: {  	s5 =	sshll.u32 s26, $0x1;
	_ =	strace $0x8000004C;
	[dreg:$0x1] =	wrdreg $0xFFFFFFFF  }
0xa7: {  	s28 =	simm.s32 $_size_execute0_lowered;
	s3 =	sadd.s32 s3, s5;
	[dreg:$0x0] =	wrdreg $0x0  }
0xa8: {  	s5 =	sshll.u32 s28, $0x1;
	[dreg:$0x2] =	wrdreg s3  }
0xa9: {  	[dreg:$0x3] =	wrdreg s5  }
0xaa: {  	[dreg:$0x4] =	wrdreg $0xC0  }
0xab: {  	_ =	task [dreg:s7], $0x5FFFF  }
0xac: {  	[dreg:$0x1] =	wrdreg $0xFFFFFFFF  }
0xad: {  	[dreg:$0x0] =	wrdreg $0x60  }
0xae: {  	[dreg:$0x2] =	wrdreg s2  }
0xaf: {  	[dreg:$0x3] =	wrdreg s24  }
0xb0: {  	[dreg:$0x4] =	wrdreg $0x90000  }
0xb1: {  	[dreg:$0x5] =	wrdreg $0x9  }
0xb2: {  	_ =	task.clear_ibuf [dreg:s7], $0x6FFFF;
	_ =	strace $0x9000004C  }
0xb3: {  	s29 =	simm.s32 $0x9;
	_ =	strace $0x8000004E  }
0xb4: {  	_ =	swait.ge [sflag:s29], $0x1  }
0xb5: {  	[sflag:s29] =	ssyncadd.s32 $0xFFFFFFFF  }
0xb6: {  	_ =	strace $0x9000004E  }
0xb7: {  	_ =	sfence  }
0xb8: {  	s30 =	sld [smem:$0x0];
	_ =	sdelay $0x2  }
0xb9: {  	s31 =	sshll.u32 s1, $0xD;
	s1 =	sshrl.u32 s1, $0x2  }
0xba: {  	s3 =	sand.u32 $0x4000, s31;
	s1 =	sadd.s32 s1, s30  }
0xbb: {  	s0 =	sor.u32 s3, s0;
	s1 =	sshll.u32 s1, $0x11  }
0xbc: {  	s0 =	sor.u32 s1, s0  }
0xbd: {  	s0 =	sadd.s32 $0x8F2B, s0  }
0xbe: {  	[sflag:s0] =	ssyncadd.remote.s32 $0x1  }
0xbf: {  	_ =	sfence.sel $0xFFFF  }
0xc0: {  	[dreg:$0x0] =	wrdreg $0xFFFFFFFF;
	(pc) =	sbr.abs _section_cstart, $3  }
0xc1: {  	[dreg:$0x1] =	wrdreg $0xFFFFFFFF  }
0xc2: {  	_ =	task.clear_ibuf [dreg:s7], $0x2FFFF;
	_ =	strace $0x9FFFFFFF  }
0xc3: {  	(tm) =	ssettm $0x7FFFFFFF  }
tec
execute0_lowered:
.L_overlay_start_1:
0x0: {  	(tag) =	ssettag $0x1  }
0x1: {  	s1 =	rddreg [dreg:$0x0]  }
0x2: {  	s2 =	srdreg.scid;
	s5 =	rddreg [dreg:$0x1]  }
0x3: {  	s0 =	stileid.u32;
	s3 =	rddreg [dreg:$0x2];
	s4 =	simm.s32 $0x0  }
0x4: {  	s14 =	simm.s32 $0x1;
	s15 =	simm.s32 $0x2800;
	s16 =	simm.s32 $0x80  }
0x5: {  	s6 =	sand.u32 $0x1, s2;
	s2 =	rddreg [dreg:$0x3];
	s8 =	smul.u32 $0x4F000, s0  }
0x6: {  	s29 =	sshll.u32 s0, $0x1;
	[smem:$0x7FF] =	sst s4;
	s18 =	smul.u32 $0x2780, s0  }
0x7: {  	s19 =	sshll.u32 s0, $0x6;
	s7 =	sor.u32 s6, s29;
	s9 =	smul.u32 $0x27800, s6  }
0x8: {  	_ =	strace $0x8000004D;
	s6 =	ssub.s32 $0x2, s6;
	s7 =	smul.u32 $0x500, s7  }
0x9: {  	s30 =	sshrl.u32 s8, $0x2;
	s31 =	sshrl.u32 s6, $0x1;
	s12 =	sadd.s32 s9, s5  }
0xa: {  	s13 =	ssub.s32 s6, s31;
	s11 =	sadd.s32 s7, s5;
	s5 =	sadd.s32 s30, s3  }
0xb: {  	s17 =	sadd.s32 $0x65400, s12;
	s12 =	smax.u32 s13, $0x1;
	s13 =	simm.s32 $0x5000  }
0xc: {  	s6 =	sadd.s32 $0x4000, s5;
	s7 =	sadd.s32 $0x8000, s5;
	s8 =	sadd.s32 $0xC000, s5  }
0xd: {  	s9 =	sadd.s32 $0x10000, s5;
	s10 =	sadd.s32 $0xC400, s11;
	s11 =	sadd.s32 $0x2400, s11  }
0xe: {  	v0 =	vimm.f32 $0.0e+00;
	s17 =	sadd.s32 s18, s17;
	s18 =	sor.u32 $0x1C01, s19;
	s19 =	sshrl.u32 s5, $0x3  }
.LBB2_1:
0xf: {  	s20 =	simm.s32 $0x0;
	s21 =	simm.s32 $0x200  }
.LBB2_2:
0x10: {  	p0 =	sne.s32 s21, $0xFE00;
	[tilespmem:s20+$0x5070] =	vst v0  }
0x11: {  	[tilespmem:s20+$0x5000] =	vst v0  }
0x12: {  	[tilespmem:s20+$0x5010] =	vst v0  }
.Ltmp0:
0x13: {  	[tilespmem:s20+$0x5020] =	vst v0;
	(pc) =	sbr.rel @p0 .LBB2_2-.Ltmp0, $4  }
0x14: {  	[tilespmem:s20+$0x5030] =	vst v0  }
0x15: {  	[tilespmem:s20+$0x5040] =	vst v0  }
0x16: {  	[tilespmem:s20+$0x5050] =	vst v0  }
0x17: {  	[tilespmem:s20+$0x5060] =	vst v0;
	s20 =	sshra.s32 s21, $0x2;
	s21 =	sadd.s32 $0x200, s21  }
0x18: {  	[tilespmem:s20+$0x5070] =	vst v0  }
0x19: {  	[tilespmem:s20+$0x5000] =	vst v0  }
0x1a: {  	[tilespmem:s20+$0x5010] =	vst v0  }
0x1b: {  	[tilespmem:s20+$0x5020] =	vst v0  }
0x1c: {  	[tilespmem:s20+$0x5030] =	vst v0  }
0x1d: {  	[tilespmem:s20+$0x5040] =	vst v0  }
0x1e: {  	[tilespmem:s20+$0x5050] =	vst v0  }
0x1f: {  	[tilespmem:s20+$0x5060] =	vst v0  }
0x20: {  	[spmem:s5] =	stream.linear.scatter [tilespmem:s13], [sflag:$0x1], $0x4000, $0x38;
	[tilespmem:$0x1CC00] =	vst v63  }
0x21: {  	_ =	swait.ge [sflag:s14], $0x4000  }
0x22: {  	[sflag:s14] =	ssyncset.done $0x0  }
0x23: {  	[sflag:s14] =	ssyncadd.s32 $0xFFFFC000  }
0x24: {  	[spmem:s6] =	stream.linear.scatter [tilespmem:s13], [sflag:$0x1], $0x4000, $0x38;
	[tilespmem:$0x1CC00] =	vst v63  }
0x25: {  	_ =	swait.ge [sflag:s14], $0x4000  }
0x26: {  	[sflag:s14] =	ssyncset.done $0x0  }
0x27: {  	[sflag:s14] =	ssyncadd.s32 $0xFFFFC000  }
0x28: {  	[spmem:s7] =	stream.linear.scatter [tilespmem:s13], [sflag:$0x1], $0x4000, $0x38;
	[tilespmem:$0x1CC00] =	vst v63  }
0x29: {  	_ =	swait.ge [sflag:s14], $0x4000  }
0x2a: {  	[sflag:s14] =	ssyncset.done $0x0  }
0x2b: {  	[sflag:s14] =	ssyncadd.s32 $0xFFFFC000  }
0x2c: {  	[spmem:s8] =	stream.linear.scatter [tilespmem:s13], [sflag:$0x1], $0x4000, $0x38;
	[tilespmem:$0x1CC00] =	vst v63  }
0x2d: {  	_ =	swait.ge [sflag:s14], $0x4000  }
0x2e: {  	[sflag:s14] =	ssyncset.done $0x0  }
0x2f: {  	[sflag:s14] =	ssyncadd.s32 $0xFFFFC000  }
0x30: {  	[spmem:s9] =	stream.linear.scatter [tilespmem:s13], [sflag:$0x1], $0x3C00, $0x38;
	[tilespmem:$0x1CC00] =	vst v63  }
0x31: {  	_ =	swait.ge [sflag:s14], $0x3C00  }
0x32: {  	[sflag:s14] =	ssyncset.done $0x0  }
0x33: {  	[sflag:s14] =	ssyncadd.s32 $0xFFFFC400  }
0x34: {  	s22 =	simm.s32 $0x0;
	[bflag:$0x0] =	sbarrier.arrive $0xFFFF  }
0x35: {  	[tilespmem:s22], [sflag:$0x1] =	stream.linear.gather [hbm4b:s10+s22], $0x2800, $0x38;
	[tilespmem:$0x1CC00] =	vst v63  }
0x36: {  	_ =	swait.ge [sflag:s14], $0x2800  }
0x37: {  	[sflag:s14] =	ssyncset.done $0x0  }
0x38: {  	[sflag:s14] =	ssyncadd.s32 $0xFFFFD800  }
0x39: {  	[tilespmem:s15], [sflag:$0x1] =	stream.linear.gather [hbm4b:s11+s22], $0x2800, $0x38;
	[tilespmem:$0x1CC00] =	vst v63  }
0x3a: {  	_ =	swait.ge [sflag:s14], $0x2800  }
0x3b: {  	[sflag:s14] =	ssyncset.done $0x0  }
0x3c: {  	s23 =	simm.s32 $0x0;
	[sflag:s14] =	ssyncadd.s32 $0xFFFFD800  }
0x3d: {  	[tilespmem:s13], [sflag:$0x1] =	stream.indirect.gather [hbm4b:s1+s16], $0x80, s23, s16, $0xb8;
	[tilespmem:$0x1CC00] =	vst v63  }
0x3e: {  	_ =	swait.ge [sflag:s14], $0x4000  }
0x3f: {  	[sflag:s14] =	ssyncset.done $0x0  }
0x40: {  	s24 =	simm.s32 $0x2800;
	[sflag:s14] =	ssyncadd.s32 $0xFFFFC000  }
0x41: {  	[spmem:s3] =	stream.indirect.scatter.add.f32 [tilespmem:s13], [sflag:$0x1], $0x80, s24, s16, $0xb8;
	[tilespmem:$0x1CC00] =	vst v63  }
0x42: {  	_ =	swait.ge [sflag:s14], $0x4000  }
0x43: {  	[sflag:s14] =	ssyncset.done $0x0  }
0x44: {  	s25 =	simm.s32 $0x80;
	[sflag:s14] =	ssyncadd.s32 $0xFFFFC000  }
0x45: {  	[tilespmem:s13], [sflag:$0x1] =	stream.indirect.gather [hbm4b:s1+s16], $0x80, s25, s16, $0xb8;
	[tilespmem:$0x1CC00] =	vst v63  }
0x46: {  	_ =	swait.ge [sflag:s14], $0x4000  }
0x47: {  	[sflag:s14] =	ssyncset.done $0x0  }
0x48: {  	s26 =	simm.s32 $0x2880;
	[sflag:s14] =	ssyncadd.s32 $0xFFFFC000  }
0x49: {  	[spmem:s3] =	stream.indirect.scatter.add.f32 [tilespmem:s13], [sflag:$0x1], $0x80, s26, s16, $0xb8;
	[tilespmem:$0x1CC00] =	vst v63  }
0x4a: {  	_ =	swait.ge [sflag:s14], $0x4000  }
0x4b: {  	[sflag:s14] =	ssyncset.done $0x0  }
0x4c: {  	s28 =	simm.s32 $0x100;
	[sflag:s14] =	ssyncadd.s32 $0xFFFFC000  }
0x4d: {  	[tilespmem:s13], [sflag:$0x1] =	stream.indirect.gather [hbm4b:s1+s16], $0x80, s28, s16, $0xb8;
	[tilespmem:$0x1CC00] =	vst v63  }
0x4e: {  	_ =	swait.ge [sflag:s14], $0x4000  }
0x4f: {  	[sflag:s14] =	ssyncset.done $0x0  }
0x50: {  	s29 =	simm.s32 $0x2900;
	[sflag:s14] =	ssyncadd.s32 $0xFFFFC000  }
0x51: {  	[spmem:s3] =	stream.indirect.scatter.add.f32 [tilespmem:s13], [sflag:$0x1], $0x80, s29, s16, $0xb8;
	[tilespmem:$0x1CC00] =	vst v63  }
0x52: {  	_ =	swait.ge [sflag:s14], $0x4000  }
0x53: {  	[sflag:s14] =	ssyncset.done $0x0  }
0x54: {  	s30 =	simm.s32 $0x180;
	[sflag:s14] =	ssyncadd.s32 $0xFFFFC000  }
0x55: {  	[tilespmem:s13], [sflag:$0x1] =	stream.indirect.gather [hbm4b:s1+s16], $0x80, s30, s16, $0xb8;
	[tilespmem:$0x1CC00] =	vst v63  }
0x56: {  	_ =	swait.ge [sflag:s14], $0x4000  }
0x57: {  	[sflag:s14] =	ssyncset.done $0x0  }
0x58: {  	s31 =	simm.s32 $0x2980;
	[sflag:s14] =	ssyncadd.s32 $0xFFFFC000  }
0x59: {  	[spmem:s3] =	stream.indirect.scatter.add.f32 [tilespmem:s13], [sflag:$0x1], $0x80, s31, s16, $0xb8;
	[tilespmem:$0x1CC00] =	vst v63  }
0x5a: {  	_ =	swait.ge [sflag:s14], $0x4000  }
0x5b: {  	s20 =	simm.s32 $0x800;
	s23 =	simm.s32 $0x1000;
	[sflag:s14] =	ssyncset.done $0x0  }
.LBB2_4:
0x5c: {  	s22 =	sshra.s32 s20, $0x2  }
0x5d: {  	[sflag:s14] =	ssyncadd.s32 $0xFFFFC000;
	s20 =	smov.u32 s23;
	s21 =	sadd.s32 $0x800, s23  }
0x5e: {  	[tilespmem:s13], [sflag:$0x1] =	stream.indirect.gather [hbm4b:s1+s16], $0x80, s22, s16, $0xb8;
	[tilespmem:$0x1CC00] =	vst v63  }
0x5f: {  	p0 =	sne.s32 s23, $0x9800;
	_ =	swait.ge [sflag:s14], $0x4000  }
0x60: {  	[sflag:s14] =	ssyncset.done $0x0  }
0x61: {  	s23 =	sadd.s32 $0x2800, s22;
	[sflag:s14] =	ssyncadd.s32 $0xFFFFC000  }
0x62: {  	[spmem:s3] =	stream.indirect.scatter.add.f32 [tilespmem:s13], [sflag:$0x1], $0x80, s23, s16, $0xb8;
	[tilespmem:$0x1CC00] =	vst v63  }
0x63: {  	_ =	swait.ge [sflag:s14], $0x4000  }
0x64: {  	[sflag:s14] =	ssyncset.done $0x0  }
0x65: {  	s23 =	sadd.s32 $0x80, s22;
	[sflag:s14] =	ssyncadd.s32 $0xFFFFC000  }
0x66: {  	[tilespmem:s13], [sflag:$0x1] =	stream.indirect.gather [hbm4b:s1+s16], $0x80, s23, s16, $0xb8;
	[tilespmem:$0x1CC00] =	vst v63  }
0x67: {  	_ =	swait.ge [sflag:s14], $0x4000  }
0x68: {  	[sflag:s14] =	ssyncset.done $0x0  }
0x69: {  	s23 =	sadd.s32 $0x2880, s22;
	[sflag:s14] =	ssyncadd.s32 $0xFFFFC000  }
0x6a: {  	[spmem:s3] =	stream.indirect.scatter.add.f32 [tilespmem:s13], [sflag:$0x1], $0x80, s23, s16, $0xb8;
	[tilespmem:$0x1CC00] =	vst v63  }
0x6b: {  	_ =	swait.ge [sflag:s14], $0x4000  }
0x6c: {  	[sflag:s14] =	ssyncset.done $0x0  }
0x6d: {  	s23 =	sadd.s32 $0x100, s22;
	[sflag:s14] =	ssyncadd.s32 $0xFFFFC000  }
0x6e: {  	[tilespmem:s13], [sflag:$0x1] =	stream.indirect.gather [hbm4b:s1+s16], $0x80, s23, s16, $0xb8;
	[tilespmem:$0x1CC00] =	vst v63  }
0x6f: {  	_ =	swait.ge [sflag:s14], $0x4000  }
0x70: {  	[sflag:s14] =	ssyncset.done $0x0  }
0x71: {  	s23 =	sadd.s32 $0x2900, s22;
	[sflag:s14] =	ssyncadd.s32 $0xFFFFC000  }
0x72: {  	[spmem:s3] =	stream.indirect.scatter.add.f32 [tilespmem:s13], [sflag:$0x1], $0x80, s23, s16, $0xb8;
	[tilespmem:$0x1CC00] =	vst v63  }
0x73: {  	_ =	swait.ge [sflag:s14], $0x4000  }
0x74: {  	[sflag:s14] =	ssyncset.done $0x0  }
0x75: {  	s23 =	sadd.s32 $0x180, s22;
	[sflag:s14] =	ssyncadd.s32 $0xFFFFC000  }
0x76: {  	[tilespmem:s13], [sflag:$0x1] =	stream.indirect.gather [hbm4b:s1+s16], $0x80, s23, s16, $0xb8;
	[tilespmem:$0x1CC00] =	vst v63  }
0x77: {  	_ =	swait.ge [sflag:s14], $0x4000  }
.Ltmp1:
0x78: {  	[sflag:s14] =	ssyncset.done $0x0;
	(pc) =	sbr.rel @p0 .LBB2_4-.Ltmp1, $4  }
0x79: {  	s22 =	sadd.s32 $0x2980, s22;
	[sflag:s14] =	ssyncadd.s32 $0xFFFFC000  }
0x7a: {  	[spmem:s3] =	stream.indirect.scatter.add.f32 [tilespmem:s13], [sflag:$0x1], $0x80, s22, s16, $0xb8;
	[tilespmem:$0x1CC00] =	vst v63  }
0x7b: {  	_ =	swait.ge [sflag:s14], $0x4000  }
0x7c: {  	s23 =	smov.u32 s21;
	[sflag:s14] =	ssyncset.done $0x0  }
0x7d: {  	s20 =	sshra.s32 s20, $0x2;
	[sflag:s14] =	ssyncadd.s32 $0xFFFFC000  }
0x7e: {  	[tilespmem:s13], [sflag:$0x1] =	stream.indirect.gather [hbm4b:s1+s16], $0x80, s20, s16, $0xb8;
	[tilespmem:$0x1CC00] =	vst v63  }
0x7f: {  	_ =	swait.ge [sflag:s14], $0x4000  }
0x80: {  	[sflag:s14] =	ssyncset.done $0x0  }
0x81: {  	s21 =	sadd.s32 $0x2800, s20;
	[sflag:s14] =	ssyncadd.s32 $0xFFFFC000  }
0x82: {  	[spmem:s3] =	stream.indirect.scatter.add.f32 [tilespmem:s13], [sflag:$0x1], $0x80, s21, s16, $0xb8;
	[tilespmem:$0x1CC00] =	vst v63  }
0x83: {  	_ =	swait.ge [sflag:s14], $0x4000  }
0x84: {  	[sflag:s14] =	ssyncset.done $0x0  }
0x85: {  	s26 =	sadd.s32 $0x80, s20;
	[sflag:s14] =	ssyncadd.s32 $0xFFFFC000  }
0x86: {  	[tilespmem:s13], [sflag:$0x1] =	stream.indirect.gather [hbm4b:s1+s16], $0x80, s26, s16, $0xb8;
	[tilespmem:$0x1CC00] =	vst v63  }
0x87: {  	_ =	swait.ge [sflag:s14], $0x4000  }
0x88: {  	[sflag:s14] =	ssyncset.done $0x0  }
0x89: {  	s28 =	sadd.s32 $0x2880, s20;
	[sflag:s14] =	ssyncadd.s32 $0xFFFFC000  }
0x8a: {  	[spmem:s3] =	stream.indirect.scatter.add.f32 [tilespmem:s13], [sflag:$0x1], $0x80, s28, s16, $0xb8;
	[tilespmem:$0x1CC00] =	vst v63  }
0x8b: {  	_ =	swait.ge [sflag:s14], $0x4000  }
0x8c: {  	[sflag:s14] =	ssyncset.done $0x0  }
0x8d: {  	s29 =	sadd.s32 $0x100, s20;
	[sflag:s14] =	ssyncadd.s32 $0xFFFFC000  }
0x8e: {  	[tilespmem:s13], [sflag:$0x1] =	stream.indirect.gather [hbm4b:s1+s16], $0x80, s29, s16, $0xb8;
	[tilespmem:$0x1CC00] =	vst v63  }
0x8f: {  	_ =	swait.ge [sflag:s14], $0x4000  }
0x90: {  	[sflag:s14] =	ssyncset.done $0x0  }
0x91: {  	s30 =	sadd.s32 $0x2900, s20;
	[sflag:s14] =	ssyncadd.s32 $0xFFFFC000  }
0x92: {  	[spmem:s3] =	stream.indirect.scatter.add.f32 [tilespmem:s13], [sflag:$0x1], $0x80, s30, s16, $0xb8;
	[tilespmem:$0x1CC00] =	vst v63  }
0x93: {  	_ =	swait.ge [sflag:s14], $0x4000  }
0x94: {  	[sflag:s14] =	ssyncset.done $0x0  }
0x95: {  	s31 =	sadd.s32 $0x180, s20;
	[sflag:s14] =	ssyncadd.s32 $0xFFFFC000  }
0x96: {  	[tilespmem:s13], [sflag:$0x1] =	stream.indirect.gather [hbm4b:s1+s16], $0x80, s31, s16, $0xb8;
	[tilespmem:$0x1CC00] =	vst v63  }
0x97: {  	_ =	swait.ge [sflag:s14], $0x4000  }
0x98: {  	[sflag:s14] =	ssyncset.done $0x0  }
0x99: {  	s20 =	sadd.s32 $0x2980, s20;
	[sflag:s14] =	ssyncadd.s32 $0xFFFFC000  }
0x9a: {  	[spmem:s3] =	stream.indirect.scatter.add.f32 [tilespmem:s13], [sflag:$0x1], $0x80, s20, s16, $0xb8;
	[tilespmem:$0x1CC00] =	vst v63  }
0x9b: {  	_ =	swait.ge [sflag:s14], $0x4000  }
0x9c: {  	s4 =	sadd.s32 $0x1, s4;
	[sflag:s14] =	ssyncset.done $0x0  }
0x9d: {  	p0 =	sne.s32 s4, s12;
	[sflag:s14] =	ssyncadd.s32 $0xFFFFC000  }
.Ltmp2:
0x9e: {  	[bflag:$0x0] =	sbarrier.arrive $0xFFFF;
	(pc) =	sbr.rel @p0 .LBB2_1-.Ltmp2, $4  }
0x9f: {  	[hbm:s17], [sflag:s18] =	dma.local [spmem:s19], $0x2780  }
0xa0: {  	_ =	swait.ge [sflag:s14], $0x2780  }
0xa1: {  	[sflag:s14] =	ssyncset.done $0x0  }
0xa2: {  	[sflag:s14] =	ssyncadd.s32 $0xFFFFD880  }
0xa3: {  	_ =	sfence.sel $0x180000  }
0xa4: {  	[bflag:$0x0] =	sbarrier.arrive $0xFFFF  }
0xa5: {  	p0 =	sne.s32 s0, $0x0;
	_ =	strace $0x9000004D  }
0xa6: {  	s0 =	sadd.s32 @!p0 $0x100000, s2;
	[bflag:$0x2] =	sbarrier.arrive $0xFFFF  }
0xa7: {  	[sflag:s0] =	ssyncadd.tile.s32 @!p0 $0x1;
	_ =	shalt  }
.Lfunc_end2:
_tile_overlayer_lowered:
.L_overlay_start_2:
0xa8: {  	(tag) =	ssettag $0x2  }
0xa9: {  	s0 =	rddreg [dreg:$0x0];
	s2 =	stileid.u32  }
0xaa: {  	s1 =	rddreg [dreg:$0x1];
	p0 =	sne.s32 s2, $0x0  }
0xab: {  	s3 =	rddreg [dreg:$0x2];
	[bflag:$0x3] =	sbarrier.arrive $0xFFFF;
	s2 =	simm.s32 @!p0 $0x1C01  }
0xac: {  	[timem:s3], [sflag:s2] =	dma.local @!p0 [hbm:s0], s1  }
0xad: {  	s0 =	simm.s32 @!p0 $0x1  }
0xae: {  	_ =	swait.ge @!p0 [sflag:s0], s1  }
0xaf: {  	s1 =	ssub.s32 @!p0 $0x0, s1;
	[sflag:s0] =	ssyncset.done @!p0 $0x0  }
0xb0: {  	[sflag:s0] =	ssyncadd.s32 @!p0 s1  }
0xb1: {  	[bflag:$0x3] =	sbarrier.arrive $0xFFFF  }
0xb2: {  	_ =	shalt  }

// kernel: kernel.8.cloned.1.call-start
scs
__scs_entry_jumppad:
0x0: {  	(pc) =	sbr.rel $0x88, $3  }
0x1: {  	(tag) =	ssettag $0x0;
	lr =	simm.s32 $0x1  }
0x2: {  	[smem:$0x3F9E] =	sst lr;
	_ =	strace $0xD0000000  }
0x3: {  	_ = 	snop  }
0x4: {  	_ = 	snop  }
0x5: {  	_ = 	snop  }
0x6: {  	_ = 	snop  }
0x7: {  	_ = 	snop  }
__scs_overlays_trampoline_lowered:
0x8: {  	[smem:$0x3FAD] =	sst s0  }
0x9: {  	[smem:$0x3FAE] =	sst s1  }
0xa: {  	[smem:$0x3FAF] =	sst s2  }
0xb: {  	[smem:$0x3FB0] =	sst s3  }
0xc: {  	[smem:$0x3FB1] =	sst s4  }
0xd: {  	[smem:$0x3FB2] =	sst s5  }
0xe: {  	[smem:$0x3FB3] =	sst s6  }
0xf: {  	[smem:$0x3FB4] =	sst s7  }
0x10: {  	[smem:$0x3FB5] =	sst s8  }
0x11: {  	[smem:$0x3FB6] =	sst s9;
	s0 =	simm.s32 @!p0 $0x0  }
0x12: {  	s1 =	sld [smem:$0x3F9C];
	s0 =	simm.s32 @p0 $0x1  }
0x13: {  	[smem:$0x3FB7] =	sst s0;
	s0 =	simm.s32 @!p1 $0x0  }
0x14: {  	s2 =	sld [smem:$0x3F9B];
	s0 =	simm.s32 @p1 $0x1  }
0x15: {  	[smem:$0x3FB8] =	sst s0;
	s0 =	simm.s32 @!p2 $0x0  }
0x16: {  	s3 =	sld [smem:$0x3FDB];
	s0 =	simm.s32 @p2 $0x1  }
0x17: {  	s4 =	simm.s32 $0x1BF5;
	[smem:$0x3FBA] =	sst s0  }
0x18: {  	s0 =	sld [smem:$0x3F9D];
	_ =	swait.ge [sflag:s4], $0x0  }
0x19: {  	s7 =	sld [smem:$0x3F9E]  }
0x1a: {  	s8 =	sadd.s32 $0xFFFFE003, lr  }
0x1b: {  	s9 =	sadd.s32 $0xFFFFFEF7, lr;
	s5 =	simm.s32 $0xFFFFFFFF;
	p2 =	slt.u32 s8, $0xFFFFF086  }
0x1c: {  	p1 =	slt.u32 s9, $0xF7A;
	s5 =	simm.s32 @!p2 $0x0  }
0x1d: {  	s5 =	simm.s32 @p1 $0x1;
	p0 =	seq.s32 s7, s2  }
0x1e: {  	s7 =	smul.u32 @!p0 $0xF7A, s2;
	p2 =	seq.s32 @!p0 s5, $0x0  }
0x1f: {  	s9 =	smul.u32 $0xF7A, s1;
	s8 =	simm.s32 @!p0 $0x1BF5;
	p2 =	por !p2, p0  }
0x20: {  	[sflag:s8] =	ssyncset.s32 @!p0 $0xFFFFF086;
	s6 =	sadd.s32 @!p0 s3, s7;
	s7 =	simm.s32 @!p0 $0x108  }
0x21: {  	s3 =	sadd.s32 s3, s9;
	s6 =	sadd.s32 @!p0 $0x88, s6;
	s7 =	simm.s32 @p2 $0x1082  }
0x22: {  	[simem:s7], [sflag:s8] =	dma.local @!p0 [hbm:s6], $0xF7A  }
0x23: {  	s9 =	sor.u32 $0xD0000000, s2;
	s6 =	simm.s32 $0x108;
	_ =	swait.ge @!p0 [sflag:s8], $0x0  }
0x24: {  	s3 =	sadd.s32 $0x88, s3;
	s6 =	simm.s32 @!p1 $0x1082;
	[sflag:s4] =	ssyncset.s32 $0xFFFFF086  }
0x25: {  	[simem:s6], [sflag:s4] =	dma.local [hbm:s3], $0xF7A  }
0x26: {  	[smem:$0x3F9E] =	sst s1;
	(tag) =	ssettag s2;
	_ =	strace s9  }
0x27: {  	s1 =	sld [smem:$0x3FAE]  }
0x28: {  	s2 =	sld [smem:$0x3FAF]  }
0x29: {  	s4 =	sld [smem:$0x3FB1]  }
0x2a: {  	p0 =	seq.s32 s5, $0x0;
	s5 =	sld [smem:$0x3FB2]  }
0x2b: {  	s6 =	sld [smem:$0x3FB3]  }
0x2c: {  	s7 =	sld [smem:$0x3FB4]  }
0x2d: {  	s3 =	simm.s32 $0x108;
	s8 =	sld [smem:$0x3FB5]  }
0x2e: {  	s3 =	simm.s32 @!p0 $0x1082;
	s9 =	sld [smem:$0x3FB6]  }
0x2f: {  	lr =	sadd.s32 s0, s3;
	s0 =	sld [smem:$0x3FAD]  }
0x30: {  	s3 =	sld [smem:$0x3FB0]  }
0x31: {  	[smem:$0x3FB9] =	sst s10  }
0x32: {  	s10 =	sld [smem:$0x3FB7];
	_ =	sdelay $0x3  }
0x33: {  	p0 =	seq.s32 s10, $0x1;
	s10 =	sld [smem:$0x3FB9];
	_ =	sdelay $0x3  }
0x34: {  	[smem:$0x3FB9] =	sst s10  }
0x35: {  	s10 =	sld [smem:$0x3FB8];
	_ =	sdelay $0x3  }
0x36: {  	p1 =	seq.s32 s10, $0x1;
	s10 =	sld [smem:$0x3FB9];
	_ =	sdelay $0x3  }
0x37: {  	[smem:$0x3FB9] =	sst s10  }
0x38: {  	s10 =	sld [smem:$0x3FBA]  }
0x39: {  	_ = 	snop;
	(pc) =	sbr.ind lr, $3  }
0x3a: {  	_ = 	snop  }
0x3b: {  	_ = 	snop  }
0x3c: {  	p2 =	seq.s32 s10, $0x1;
	s10 =	sld [smem:$0x3FB9]  }
0x3d: {  	_ =	shalt  }
0x3e: {  	_ =	shalt  }
0x3f: {  	_ =	shalt  }
0x40: {  	_ =	shalt  }
0x41: {  	_ =	shalt  }
0x42: {  	_ =	shalt  }
0x43: {  	_ =	shalt  }
0x44: {  	_ =	shalt  }
0x45: {  	_ =	shalt  }
0x46: {  	_ =	shalt  }
0x47: {  	_ =	shalt  }
0x48: {  	_ =	shalt  }
0x49: {  	_ =	shalt  }
0x4a: {  	_ =	shalt  }
0x4b: {  	_ =	shalt  }
0x4c: {  	_ =	shalt  }
0x4d: {  	_ =	shalt  }
0x4e: {  	_ =	shalt  }
0x4f: {  	_ =	shalt  }
0x50: {  	_ =	shalt  }
0x51: {  	_ =	shalt  }
0x52: {  	_ =	shalt  }
0x53: {  	_ =	shalt  }
0x54: {  	_ =	shalt  }
0x55: {  	_ =	shalt  }
0x56: {  	_ =	shalt  }
0x57: {  	_ =	shalt  }
0x58: {  	_ =	shalt  }
0x59: {  	_ =	shalt  }
0x5a: {  	_ =	shalt  }
0x5b: {  	_ =	shalt  }
0x5c: {  	_ =	shalt  }
0x5d: {  	_ =	shalt  }
0x5e: {  	_ =	shalt  }
0x5f: {  	_ =	shalt  }
0x60: {  	_ =	shalt  }
0x61: {  	_ =	shalt  }
0x62: {  	_ =	shalt  }
0x63: {  	_ =	shalt  }
0x64: {  	_ =	shalt  }
0x65: {  	_ =	shalt  }
0x66: {  	_ =	shalt  }
0x67: {  	_ =	shalt  }
0x68: {  	_ =	shalt  }
0x69: {  	_ =	shalt  }
0x6a: {  	_ =	shalt  }
0x6b: {  	_ =	shalt  }
0x6c: {  	_ =	shalt  }
0x6d: {  	_ =	shalt  }
0x6e: {  	_ =	shalt  }
0x6f: {  	_ =	shalt  }
0x70: {  	_ =	shalt  }
0x71: {  	_ =	shalt  }
0x72: {  	_ =	shalt  }
0x73: {  	_ =	shalt  }
0x74: {  	_ =	shalt  }
0x75: {  	_ =	shalt  }
0x76: {  	_ =	shalt  }
0x77: {  	_ =	shalt  }
0x78: {  	_ =	shalt  }
0x79: {  	_ =	shalt  }
0x7a: {  	_ =	shalt  }
0x7b: {  	_ =	shalt  }
0x7c: {  	_ =	shalt  }
0x7d: {  	_ =	shalt  }
0x7e: {  	_ =	shalt  }
0x7f: {  	_ =	shalt  }
0x80: {  	_ =	shalt  }
0x81: {  	_ =	shalt  }
0x82: {  	_ =	shalt  }
0x83: {  	_ =	shalt  }
0x84: {  	_ =	shalt  }
0x85: {  	_ =	shalt  }
0x86: {  	_ =	shalt  }
0x87: {  	_ =	shalt  }
.Lfunc_end0:
.L_simem_size_0:
called_computation_lowered:
.L_overlay_start_0:
0x88: {  	s2 =	sld [smem:$0x3FD9]  }
0x89: {  	s3 =	sld [smem:$0x3FFE];
	_ =	sdelay $0x1  }
0x8a: {  	s1 =	srdreg.scid  }
0x8b: {  	s0 =	sand.u32 $0x1, s1  }
0x8c: {  	s17 =	sshll.u32 s0, $0xA;
	s2 =	sadd.s32 s3, s2  }
0x8d: {  	s2 =	sadd.s32 s2, s17  }
0x8e: {  	[smem:$0x3FC5] =	sst s2  }
0x8f: {  	_ = 	snop  }
0x90: {  	s2 =	sld [smem:$0x3FD0];
	(tm) =	ssettm $0x1  }
0x91: {  	s18 =	sld [smem:$0x3FFB];
	_ =	sdelay $0x3  }
0x92: {  	_ =	strace s18  }
0x93: {  	s3 =	sld [smem:$0x3FFC];
	_ =	sdelay $0x3  }
0x94: {  	_ =	strace s3  }
0x95: {  	s3 =	sld [smem:$0x3FFD];
	_ =	sdelay $0x3  }
0x96: {  	_ =	strace s3  }
0x97: {  	_ =	strace $0x8FFFFFFF  }
0x98: {  	s19 =	sld [smem:$0x3FDB];
	_ =	sdelay $0x1  }
0x99: {  	s4 =	simm.s32 $_scs_section_size  }
0x9a: {  	s5 =	simm.s32 $_size__tile_overlayer_lowered;
	s6 =	simm.s32 $_tile_overlayer_lowered  }
0x9b: {  	s22 =	simm.s32 $0x1BFF;
	s21 =	sshll.u32 s6, $0x1;
	s3 =	sadd.s32 s4, s19  }
0x9c: {  	s7 =	simm.s32 $0x0;
	s20 =	sshll.u32 s5, $0x1;
	s5 =	sadd.s32 s21, s3  }
0x9d: {  	[timem:s7], [sflag:s22] =	dma.local [hbm:s5], s20  }
0x9e: {  	_ =	swait.ge [sflag:s22], s20  }
0x9f: {  	s4 =	ssub.s32 $0x0, s20;
	[sflag:s22] =	ssyncset.done $0x0  }
0xa0: {  	[sflag:s22] =	ssyncadd.s32 s4;
	_ =	sdelay $0x1  }
0xa1: {  	s23 =	simm.s32 $0x1B8B  }
0xa2: {  	_ =	swait.ge [sflag:s23], $0x1  }
0xa3: {  	[sflag:s23] =	ssyncset.done $0x0  }
0xa4: {  	s25 =	simm.s32 $0x1B8E;
	s24 =	sld [smem:$0x3FFE];
	[sflag:s23] =	ssyncadd.s32 $0xFFFFFFFF  }
0xa5: {  	s26 =	simm.s32 $execute0_lowered;
	[smem:$0x3FD2] =	sst s25  }
0xa6: {  	s5 =	sshll.u32 s26, $0x1;
	_ =	strace $0x80000046;
	[dreg:$0x1] =	wrdreg $0xFFFFFFFF  }
0xa7: {  	s28 =	simm.s32 $_size_execute0_lowered;
	s3 =	sadd.s32 s3, s5;
	[dreg:$0x0] =	wrdreg $0x0  }
0xa8: {  	s5 =	sshll.u32 s28, $0x1;
	[dreg:$0x2] =	wrdreg s3  }
0xa9: {  	[dreg:$0x3] =	wrdreg s5  }
0xaa: {  	[dreg:$0x4] =	wrdreg $0xC0  }
0xab: {  	_ =	task [dreg:s7], $0x5FFFF  }
0xac: {  	[dreg:$0x1] =	wrdreg $0xFFFFFFFF  }
0xad: {  	[dreg:$0x0] =	wrdreg $0x60  }
0xae: {  	[dreg:$0x2] =	wrdreg s24  }
0xaf: {  	[dreg:$0x3] =	wrdreg s2  }
0xb0: {  	[dreg:$0x4] =	wrdreg $0x77800  }
0xb1: {  	[dreg:$0x5] =	wrdreg $0x9  }
0xb2: {  	_ =	task.clear_ibuf [dreg:s7], $0x6FFFF;
	_ =	strace $0x90000046  }
0xb3: {  	s29 =	simm.s32 $0x9;
	_ =	strace $0x80000048  }
0xb4: {  	_ =	swait.ge [sflag:s29], $0x1  }
0xb5: {  	[sflag:s29] =	ssyncadd.s32 $0xFFFFFFFF  }
0xb6: {  	_ =	strace $0x90000048  }
0xb7: {  	_ =	sfence  }
0xb8: {  	s30 =	sld [smem:$0x0];
	_ =	sdelay $0x2  }
0xb9: {  	s31 =	sshll.u32 s1, $0xD;
	s1 =	sshrl.u32 s1, $0x2  }
0xba: {  	s3 =	sand.u32 $0x4000, s31;
	s1 =	sadd.s32 s1, s30  }
0xbb: {  	s0 =	sor.u32 s3, s0;
	s1 =	sshll.u32 s1, $0x11  }
0xbc: {  	s0 =	sor.u32 s1, s0  }
0xbd: {  	s0 =	sadd.s32 $0x8F2B, s0  }
0xbe: {  	[sflag:s0] =	ssyncadd.remote.s32 $0x1  }
0xbf: {  	_ =	sfence.sel $0xFFFF  }
0xc0: {  	[dreg:$0x0] =	wrdreg $0xFFFFFFFF;
	(pc) =	sbr.abs _section_cstart, $3  }
0xc1: {  	[dreg:$0x1] =	wrdreg $0xFFFFFFFF  }
0xc2: {  	_ =	task.clear_ibuf [dreg:s7], $0x2FFFF;
	_ =	strace $0x9FFFFFFF  }
0xc3: {  	(tm) =	ssettm $0x7FFFFFFF  }
tec
execute0_lowered:
.L_overlay_start_1:
0x0: {  	(tag) =	ssettag $0x1  }
0x1: {  	s1 =	rddreg [dreg:$0x0]  }
0x2: {  	s6 =	rddreg [dreg:$0x1];
	s2 =	srdreg.scid  }
0x3: {  	s0 =	rddreg [dreg:$0x2];
	s5 =	sand.u32 $0x1, s2;
	s2 =	simm.s32 $0x0  }
0x4: {  	s22 =	sadd.s32 $0x12C00, s0;
	[smem:$0x7FF] =	sst s2  }
0x5: {  	s23 =	sadd.s32 $0x12C80, s0;
	_ =	strace $0x80000047;
	[dreg:$0x5] =	wrdreg s22  }
0x6: {  	s24 =	sadd.s32 $0x12D00, s0;
	[dreg:$0x6] =	wrdreg s23  }
0x7: {  	s25 =	sadd.s32 $0x12D80, s0;
	[dreg:$0x7] =	wrdreg s24  }
0x8: {  	s26 =	sadd.s32 $0x12E00, s0;
	[dreg:$0x8] =	wrdreg s25  }
0x9: {  	s30 =	sadd.s32 $0x12E80, s0;
	[dreg:$0x9] =	wrdreg s26  }
0xa: {  	s11 =	sadd.s32 $0x12F80, s0;
	[dreg:$0xa] =	wrdreg s30  }
0xb: {  	s10 =	stileid.u32;
	s12 =	sadd.s32 $0x26800, s0;
	[dreg:$0xc] =	wrdreg s11  }
0xc: {  	s18 =	sshll.u32 s10, $0x1;
	s13 =	sadd.s32 $0x26880, s0;
	[dreg:$0xd] =	wrdreg s12  }
0xd: {  	s20 =	sshll.u32 s10, $0x7;
	s14 =	sadd.s32 $0x26900, s0;
	[dreg:$0xe] =	wrdreg s13  }
0xe: {  	s9 =	smul.u32 $0x1400, s10;
	s15 =	sadd.s32 $0x26980, s0;
	[dreg:$0xf] =	wrdreg s14  }
0xf: {  	s16 =	sadd.s32 $0x26A00, s0;
	s17 =	sadd.s32 $0x26A80, s0;
	[dreg:$0x10] =	wrdreg s15  }
0x10: {  	s3 =	sor.u32 s5, s18;
	s7 =	ssub.s32 $0x2, s5;
	[dreg:$0x11] =	wrdreg s16  }
0x11: {  	s8 =	sand.u32 $0x380, s20;
	s18 =	sadd.s32 $0x26B00, s0;
	[dreg:$0x12] =	wrdreg s17  }
0x12: {  	s21 =	sshll.u32 s5, $0x4;
	s20 =	sadd.s32 $0x13000, s0;
	[dreg:$0x13] =	wrdreg s18  }
0x13: {  	s5 =	sadd.s32 s9, s0;
	s9 =	sadd.s32 $0x12F00, s0;
	[dreg:$0x15] =	wrdreg s20  }
0x14: {  	s6 =	sadd.s32 s6, s21;
	s21 =	sadd.s32 $0x13400, s0;
	[dreg:$0xb] =	wrdreg s9  }
0x15: {  	s22 =	sadd.s32 $0x13800, s0;
	[dreg:$0x16] =	wrdreg s21  }
0x16: {  	s24 =	sadd.s32 $0x13080, s0;
	[dreg:$0x17] =	wrdreg s22  }
0x17: {  	s25 =	sadd.s32 $0x13480, s0;
	[dreg:$0x18] =	wrdreg s24  }
0x18: {  	s26 =	sadd.s32 $0x13880, s0;
	[dreg:$0x19] =	wrdreg s25  }
0x19: {  	s30 =	sadd.s32 $0x13100, s0;
	[dreg:$0x1a] =	wrdreg s26  }
0x1a: {  	s11 =	sadd.s32 $0x13180, s0;
	[dreg:$0x1b] =	wrdreg s30  }
0x1b: {  	s12 =	sadd.s32 $0x13580, s0;
	[dreg:$0x1e] =	wrdreg s11  }
0x1c: {  	s13 =	sadd.s32 $0x13980, s0;
	[dreg:$0x1f] =	wrdreg s12  }
0x1d: {  	s14 =	sadd.s32 $0x13200, s0;
	[smem:$0x789] =	sst s13  }
0x1e: {  	s15 =	sadd.s32 $0x13600, s0;
	[smem:$0x78A] =	sst s14  }
0x1f: {  	s16 =	sadd.s32 $0x13A00, s0;
	[smem:$0x78B] =	sst s15  }
0x20: {  	s17 =	sadd.s32 $0x13280, s0;
	[smem:$0x78C] =	sst s16  }
0x21: {  	s18 =	sadd.s32 $0x13680, s0;
	[smem:$0x78D] =	sst s17  }
0x22: {  	s20 =	sadd.s32 $0x13300, s0;
	[smem:$0x78E] =	sst s18  }
0x23: {  	s19 =	sshrl.u32 s7, $0x1;
	[smem:$0x790] =	sst s20  }
0x24: {  	s7 =	ssub.s32 s7, s19;
	s19 =	sadd.s32 $0x26B80, s0;
	[dreg:$0x4] =	wrdreg s6  }
0x25: {  	s9 =	sadd.s32 $0x13900, s0;
	[dreg:$0x14] =	wrdreg s19  }
0x26: {  	s21 =	sadd.s32 $0x13700, s0;
	[dreg:$0x1d] =	wrdreg s9  }
0x27: {  	s22 =	sadd.s32 $0x13B00, s0;
	[smem:$0x791] =	sst s21  }
0x28: {  	s24 =	sadd.s32 $0x13380, s0;
	[smem:$0x792] =	sst s22  }
0x29: {  	s25 =	sadd.s32 $0x13780, s0;
	[smem:$0x793] =	sst s24  }
0x2a: {  	s26 =	sadd.s32 $0x13B80, s0;
	[smem:$0x794] =	sst s25  }
0x2b: {  	s30 =	sadd.s32 $0x26C00, s0;
	[smem:$0x795] =	sst s26  }
0x2c: {  	s11 =	sadd.s32 $0x26C80, s0;
	[smem:$0x796] =	sst s30  }
0x2d: {  	s12 =	sadd.s32 $0x27080, s0;
	[smem:$0x799] =	sst s11  }
0x2e: {  	s13 =	sadd.s32 $0x27480, s0;
	[smem:$0x79A] =	sst s12  }
0x2f: {  	s14 =	sadd.s32 $0x26D00, s0;
	[smem:$0x79B] =	sst s13  }
0x30: {  	s15 =	sadd.s32 $0x27100, s0;
	[smem:$0x79C] =	sst s14  }
0x31: {  	s16 =	sadd.s32 $0x27500, s0;
	[smem:$0x79D] =	sst s15  }
0x32: {  	s17 =	sadd.s32 $0x26D80, s0;
	[smem:$0x79E] =	sst s16  }
0x33: {  	s18 =	sadd.s32 $0x27180, s0;
	[smem:$0x79F] =	sst s17  }
0x34: {  	s20 =	sadd.s32 $0x26E00, s0;
	[smem:$0x7A0] =	sst s18  }
0x35: {  	s19 =	sadd.s32 $0x13A80, s0;
	[smem:$0x7A2] =	sst s20  }
0x36: {  	s9 =	sadd.s32 $0x27400, s0;
	[smem:$0x78F] =	sst s19  }
0x37: {  	s21 =	sadd.s32 $0x27200, s0;
	[smem:$0x798] =	sst s9  }
0x38: {  	s22 =	sadd.s32 $0x27600, s0;
	[smem:$0x7A3] =	sst s21  }
0x39: {  	s24 =	sadd.s32 $0x26E80, s0;
	[smem:$0x7A4] =	sst s22  }
0x3a: {  	s25 =	sadd.s32 $0x27280, s0;
	[smem:$0x7A5] =	sst s24  }
0x3b: {  	s26 =	sadd.s32 $0x27680, s0;
	[smem:$0x7A6] =	sst s25  }
0x3c: {  	s30 =	sadd.s32 $0x26F00, s0;
	[smem:$0x7A7] =	sst s26  }
0x3d: {  	s11 =	sadd.s32 $0x26F80, s0;
	[smem:$0x7A8] =	sst s30  }
0x3e: {  	s12 =	sadd.s32 $0x27380, s0;
	[smem:$0x7AB] =	sst s11  }
0x3f: {  	s14 =	sadd.s32 $0x80, s5;
	[smem:$0x7AC] =	sst s12  }
0x40: {  	s4 =	sshrl.u32 s10, $0x3;
	s15 =	sadd.s32 $0x100, s5;
	[smem:$0x7AF] =	sst s14  }
0x41: {  	s4 =	smul.u32 $0x4F000, s4;
	s16 =	sadd.s32 $0x180, s5;
	[smem:$0x7B0] =	sst s15  }
0x42: {  	s17 =	sadd.s32 $0x200, s5;
	[smem:$0x7B1] =	sst s16  }
0x43: {  	s4 =	sshrl.u32 s4, $0x2;
	s18 =	sadd.s32 $0x280, s5;
	[smem:$0x7B2] =	sst s17  }
0x44: {  	s4 =	sadd.s32 s4, s0;
	s20 =	sadd.s32 $0x380, s5;
	[smem:$0x7B3] =	sst s18  }
0x45: {  	s23 =	smax.u32 s7, $0x1;
	s7 =	sadd.s32 $0x400, s5;
	[smem:$0x7B5] =	sst s20  }
0x46: {  	s4 =	sadd.s32 s8, s4;
	s8 =	sadd.s32 $0x13500, s0;
	[smem:$0x7BE] =	sst s7  }
0x47: {  	s19 =	sadd.s32 $0x27580, s0;
	[dreg:$0x1c] =	wrdreg s8  }
0x48: {  	s9 =	sadd.s32 $0x27700, s0;
	[smem:$0x7A1] =	sst s19  }
0x49: {  	s21 =	sadd.s32 $0x13C00, s5;
	[smem:$0x7AA] =	sst s9  }
0x4a: {  	s22 =	sadd.s32 $0x13C80, s5;
	[smem:$0x7B6] =	sst s21  }
0x4b: {  	s3 =	smul.u32 $0x500, s3;
	s24 =	sadd.s32 $0x13D00, s5;
	[smem:$0x7B7] =	sst s22  }
0x4c: {  	p0 =	seq.s32 s10, $0xF;
	s25 =	sadd.s32 $0x13D80, s5;
	[smem:$0x7B8] =	sst s24  }
0x4d: {  	s1 =	sadd.s32 s3, s1;
	s26 =	sadd.s32 $0x13E00, s5;
	[smem:$0x7B9] =	sst s25  }
0x4e: {  	s3 =	sadd.s32 $0x2400, s1;
	s30 =	sadd.s32 $0x13E80, s5;
	[smem:$0x7BA] =	sst s26  }
0x4f: {  	s1 =	smul.u32 $0xA0, s10;
	s10 =	sadd.s32 $0x1000, s5;
	[smem:$0x7BB] =	sst s30  }
0x50: {  	s11 =	sadd.s32 $0x480, s5;
	[smem:$0x7C1] =	sst s10  }
0x51: {  	s12 =	sadd.s32 $0x880, s5;
	[smem:$0x7C2] =	sst s11  }
0x52: {  	s14 =	sadd.s32 $0x1080, s5;
	[smem:$0x7C3] =	sst s12  }
0x53: {  	s15 =	sadd.s32 $0x500, s5;
	[smem:$0x7C5] =	sst s14  }
0x54: {  	s16 =	sadd.s32 $0x900, s5;
	[smem:$0x7C6] =	sst s15  }
0x55: {  	s17 =	sadd.s32 $0xD00, s5;
	[smem:$0x7C7] =	sst s16  }
0x56: {  	s18 =	sadd.s32 $0x1100, s5;
	[smem:$0x7C8] =	sst s17  }
0x57: {  	s20 =	sadd.s32 $0x980, s5;
	[smem:$0x7C9] =	sst s18  }
0x58: {  	s7 =	sadd.s32 $0xE80, s5;
	[smem:$0x7CB] =	sst s20  }
0x59: {  	s8 =	sadd.s32 $0x27000, s0;
	[smem:$0x7D4] =	sst s7  }
0x5a: {  	s19 =	sadd.s32 $0x300, s5;
	[smem:$0x797] =	sst s8  }
0x5b: {  	s9 =	sadd.s32 $0xC00, s5;
	[smem:$0x7B4] =	sst s19  }
0x5c: {  	s21 =	sadd.s32 $0xD80, s5;
	[smem:$0x7C0] =	sst s9  }
0x5d: {  	s22 =	sadd.s32 $0x1180, s5;
	[smem:$0x7CC] =	sst s21  }
0x5e: {  	s24 =	sadd.s32 $0x600, s5;
	[smem:$0x7CD] =	sst s22  }
0x5f: {  	s25 =	sadd.s32 $0xA00, s5;
	[smem:$0x7CE] =	sst s24  }
0x60: {  	s26 =	sadd.s32 $0xE00, s5;
	[smem:$0x7CF] =	sst s25  }
0x61: {  	s30 =	sadd.s32 $0x1200, s5;
	[smem:$0x7D0] =	sst s26  }
0x62: {  	s10 =	sadd.s32 $0xB00, s5;
	[smem:$0x7D1] =	sst s30  }
0x63: {  	s11 =	sadd.s32 $0xF00, s5;
	[smem:$0x7D7] =	sst s10  }
0x64: {  	s12 =	sadd.s32 $0x1300, s5;
	[smem:$0x7D8] =	sst s11  }
0x65: {  	s14 =	sadd.s32 $0xB80, s5;
	[smem:$0x7D9] =	sst s12  }
0x66: {  	s15 =	sadd.s32 $0xF80, s5;
	[smem:$0x7DB] =	sst s14  }
0x67: {  	s16 =	sadd.s32 $0x1380, s5;
	[smem:$0x7DC] =	sst s15  }
0x68: {  	s17 =	sadd.s32 $0x14000, s5;
	[smem:$0x7DD] =	sst s16  }
0x69: {  	s18 =	sadd.s32 $0x14400, s5;
	[smem:$0x7DE] =	sst s17  }
0x6a: {  	s20 =	sadd.s32 $0x14C00, s5;
	[smem:$0x7DF] =	sst s18  }
0x6b: {  	s7 =	sadd.s32 $0x14180, s5;
	[smem:$0x7E1] =	sst s20  }
0x6c: {  	s8 =	sadd.s32 $0x27300, s0;
	[smem:$0x7EA] =	sst s7  }
0x6d: {  	s0 =	sadd.s32 $0x27780, s0;
	[smem:$0x7A9] =	sst s8  }
0x6e: {  	s13 =	sadd.s32 s1, s6;
	[smem:$0x7AD] =	sst s0  }
0x6f: {  	s1 =	sadd.s32 $0x13F00, s5;
	[smem:$0x7AE] =	sst s13  }
0x70: {  	s6 =	sadd.s32 $0x13F80, s5;
	[smem:$0x7BC] =	sst s1  }
0x71: {  	s19 =	sadd.s32 $0x580, s5;
	[smem:$0x7BD] =	sst s6  }
0x72: {  	s9 =	sadd.s32 $0x700, s5;
	[smem:$0x7CA] =	sst s19  }
0x73: {  	s21 =	sadd.s32 $0x14080, s5;
	[smem:$0x7D6] =	sst s9  }
0x74: {  	s22 =	sadd.s32 $0x14480, s5;
	[smem:$0x7E2] =	sst s21  }
0x75: {  	s24 =	sadd.s32 $0x14880, s5;
	[smem:$0x7E3] =	sst s22  }
0x76: {  	s25 =	sadd.s32 $0x14C80, s5;
	[smem:$0x7E4] =	sst s24  }
0x77: {  	s26 =	sadd.s32 $0x14100, s5;
	[smem:$0x7E5] =	sst s25  }
0x78: {  	s30 =	sadd.s32 $0x14500, s5;
	[smem:$0x7E6] =	sst s26  }
0x79: {  	s10 =	sadd.s32 $0x14D80, s5;
	[smem:$0x7E7] =	sst s30  }
0x7a: {  	s11 =	sadd.s32 $0x14200, s5;
	[smem:$0x7ED] =	sst s10  }
0x7b: {  	s12 =	sadd.s32 $0x14600, s5;
	[smem:$0x7EE] =	sst s11  }
0x7c: {  	s14 =	sadd.s32 $0x14E00, s5;
	[smem:$0x7EF] =	sst s12  }
0x7d: {  	s15 =	sadd.s32 $0x14280, s5;
	[smem:$0x7F1] =	sst s14  }
0x7e: {  	s16 =	sadd.s32 $0x14680, s5;
	[smem:$0x7F2] =	sst s15  }
0x7f: {  	s17 =	sadd.s32 $0x14A80, s5;
	[smem:$0x7F3] =	sst s16  }
0x80: {  	s18 =	sadd.s32 $0x14E80, s5;
	[smem:$0x7F4] =	sst s17  }
0x81: {  	s28 =	simm.s32 $0x6D80;
	s20 =	sadd.s32 $0x14700, s5;
	[smem:$0x7F5] =	sst s18  }
0x82: {  	s31 =	simm.s32 $0x6E00;
	s8 =	sadd.s32 $0x800, s5;
	[smem:$0x7F7] =	sst s20  }
0x83: {  	s29 =	simm.s32 $0x6E80;
	s13 =	sadd.s32 $0xC80, s5;
	[smem:$0x7BF] =	sst s8  }
0x84: {  	s7 =	simm.s32 $0x6580;
	s1 =	sadd.s32 $0x680, s5;
	[smem:$0x7C4] =	sst s13  }
0x85: {  	s6 =	sadd.s32 $0xA80, s5;
	s19 =	sadd.s32 $0x14800, s5;
	[smem:$0x7D2] =	sst s1  }
0x86: {  	s9 =	sadd.s32 $0x14980, s5;
	s21 =	sadd.s32 $0x14B00, s5;
	[smem:$0x7D3] =	sst s6  }
0x87: {  	s22 =	sadd.s32 $0x14F00, s5;
	s24 =	sadd.s32 $0x14380, s5;
	[smem:$0x7E0] =	sst s19  }
0x88: {  	s25 =	sadd.s32 $0x14780, s5;
	s26 =	sadd.s32 $0x14B80, s5;
	[smem:$0x7EC] =	sst s9  }
0x89: {  	s30 =	sadd.s32 $0x14F80, s5;
	s14 =	simm.s32 $0x7100;
	[smem:$0x7F8] =	sst s21  }
0x8a: {  	s15 =	simm.s32 $0x6980;
	s16 =	simm.s32 $0x7180;
	[smem:$0x7F9] =	sst s22  }
0x8b: {  	s17 =	simm.s32 $0x6A00;
	s18 =	simm.s32 $0x7200;
	[smem:$0x7FA] =	sst s24  }
0x8c: {  	s20 =	simm.s32 $0x7280;
	s10 =	simm.s32 $0x6700;
	[smem:$0x7FB] =	sst s25  }
0x8d: {  	s11 =	simm.s32 $0x100;
	s8 =	sadd.s32 $0x1280, s5;
	[smem:$0x7FC] =	sst s26  }
0x8e: {  	s13 =	sadd.s32 $0x780, s5;
	s1 =	sadd.s32 $0x14900, s5;
	[smem:$0x7FD] =	sst s30  }
0x8f: {  	s6 =	sadd.s32 $0x14D00, s5;
	s19 =	sadd.s32 $0x14300, s5;
	[smem:$0x7D5] =	sst s8  }
0x90: {  	s24 =	simm.s32 $0x1;
	s25 =	simm.s32 $0x2800;
	[smem:$0x7DA] =	sst s13  }
.Ltmp0:
0x91: {  	s26 =	simm.s32 $0x80;
	[smem:$0x7E8] =	sst s1;
	(pc) =	sbr.rel .LBB2_1-.Ltmp0, $4  }
0x92: {  	s9 =	simm.s32 $0x6680;
	s21 =	simm.s32 $0x6B00;
	[smem:$0x7E9] =	sst s6  }
0x93: {  	s22 =	simm.s32 $0x6F00;
	s8 =	sadd.s32 $0x14580, s5;
	[smem:$0x7F6] =	sst s19  }
0x94: {  	s13 =	sadd.s32 $0x14A00, s5;
	s19 =	simm.s32 $0x6A80;
	[smem:$0x7EB] =	sst s8  }
0x95: {  	v0 =	vimm.f32 $0.0e+00;
	v1 =	vimm.f32 $1.000000000e+00;
	s1 =	simm.s32 $0x7300;
	[smem:$0x7F0] =	sst s13;
	s8 =	simm.s32 $0x6600  }
.LBB2_8:
0x96: {  	s0 =	sor.u32 s13, s6;
	[tilespmem:s30+$0x0] =	vst v2  }
0x97: {  	v2 =	vld [tilespmem:s0+$0x4F80];
	_ =	sdelay $0x1  }
0x98: {  	v3 =	vld [tilespmem:s0+$0x5000];
	_ =	sdelay $0x1  }
0x99: {  	v4 =	vld [tilespmem:s0+$0x5080]  }
0x9a: {  	v2 =	vadd.f32 $0.0e+00, v2  }
0x9b: {  	v5 =	vld [tilespmem:s0+$0x5100]  }
0x9c: {  	v2 =	vadd.f32 v3, v2  }
0x9d: {  	v3 =	vld [tilespmem:s0+$0x5180]  }
0x9e: {  	v2 =	vadd.f32 v4, v2  }
0x9f: {  	v56 =	vld [tilespmem:s0+$0x5200]  }
0xa0: {  	v2 =	vadd.f32 v5, v2  }
0xa1: {  	v57 =	vld [tilespmem:s0+$0x5280]  }
0xa2: {  	v2 =	vadd.f32 v3, v2  }
0xa3: {  	v3 =	vld [tilespmem:s0+$0x5300]  }
0xa4: {  	v2 =	vadd.f32 v56, v2  }
0xa5: {  	v58 =	vld [tilespmem:s0+$0x6380]  }
0xa6: {  	v2 =	vadd.f32 v57, v2  }
0xa7: {  	v59 =	vld [tilespmem:s0+$0x6400]  }
0xa8: {  	v2 =	vadd.f32 v3, v2  }
0xa9: {  	v3 =	vld [tilespmem:s0+$0x6480]  }
0xaa: {  	v2 =	vadd.f32 v58, v2  }
0xab: {  	v60 =	vld [tilespmem:s0+$0x6500]  }
0xac: {  	v2 =	vadd.f32 v59, v2  }
0xad: {  	v61 =	vld [tilespmem:s0+$0x6580]  }
0xae: {  	v2 =	vadd.f32 v3, v2  }
0xaf: {  	v3 =	vld [tilespmem:s0+$0x6600]  }
0xb0: {  	v2 =	vadd.f32 v60, v2  }
0xb1: {  	v62 =	vld [tilespmem:s0+$0x6680]  }
0xb2: {  	v2 =	vadd.f32 v61, v2  }
0xb3: {  	v63 =	vld [tilespmem:s0+$0x6700]  }
0xb4: {  	v2 =	vadd.f32 v3, v2;
	_ =	sdelay $0x1  }
0xb5: {  	v2 =	vadd.f32 v62, v2;
	_ =	sdelay $0x1  }
0xb6: {  	s13 =	sadd.s32 $0x10, s30;
	s30 =	sld [smem:$0x7AE];
	v2 =	vadd.f32 v63, v2;
	_ =	sdelay $0x1  }
0xb7: {  	[tilespmem:s13+$0x0] =	vst v2  }
0xb8: {  	[hbm4b:s30+s26] =	stream.strided.scatter [tilespmem:s25], [sflag:$0x1], $0x280, s11, s26, $0x38;
	[tilespmem:$0x9F00] =	vst v63  }
0xb9: {  	_ =	swait.ge [sflag:s24], $0x280  }
0xba: {  	[sflag:s24] =	ssyncset.done $0x0  }
0xbb: {  	[sflag:s24] =	ssyncadd.s32 $0xFFFFFD80  }
.LBB2_12:
0xbc: {  	s2 =	sadd.s32 $0x1, s2  }
0xbd: {  	p1 =	sne.s32 s2, s23  }
.Ltmp1:
0xbe: {  	_ = 	snop;
	(pc) =	sbr.rel @!p1 .LBB2_13-.Ltmp1, $1  }
0xbf: {  	_ =	sdelay $0x3  }
.LBB2_1:
0xc0: {  	s0 =	simm.s32 $0x40;
	s6 =	simm.s32 $0x0  }
.LBB2_2:
0xc1: {  	p1 =	sne.s32 s0, $0x9DC0;
	[tilespmem:s6+$0x2800] =	vst v0;
	s6 =	smov.u32 s0;
	s0 =	sadd.s32 $0x40, s0  }
.Ltmp2:
0xc2: {  	(pc) =	sbr.rel @p1 .LBB2_2-.Ltmp2, $2  }
0xc3: {  	_ =	sdelay $0x2  }
0xc4: {  	s6 =	sshra.s32 s6, $0x2  }
0xc5: {  	[tilespmem:s6+$0x2800] =	vst v0;
	s0 =	simm.s32 $0x0  }
0xc6: {  	[tilespmem:s0], [sflag:$0x1] =	stream.linear.gather [hbm4b:s3+s0], $0x2800, $0x38;
	[tilespmem:$0x9F00] =	vst v63  }
0xc7: {  	_ =	swait.ge [sflag:s24], $0x2800  }
0xc8: {  	[sflag:s24] =	ssyncset.done $0x0  }
0xc9: {  	[sflag:s24] =	ssyncadd.s32 $0xFFFFD800  }
.LBB2_4:
0xca: {  	s6 =	sshra.s32 s0, $0x2  }
0xcb: {  	v2 =	vld [tilespmem:s6+$0x0];
	_ =	sdelay $0x7  }
0xcc: {  	[tilespmem:v2+s25+$0x0] =	vst.idx.add.f32.msk $0xffff, v1  }
0xcd: {  	v2 =	vld [tilespmem:s6+$0x10];
	_ =	sdelay $0x7  }
0xce: {  	[tilespmem:v2+s25+$0x0] =	vst.idx.add.f32.msk $0xffff, v1  }
0xcf: {  	v2 =	vld [tilespmem:s6+$0x20];
	_ =	sdelay $0x7  }
0xd0: {  	[tilespmem:v2+s25+$0x0] =	vst.idx.add.f32.msk $0xffff, v1  }
0xd1: {  	v2 =	vld [tilespmem:s6+$0x30];
	_ =	sdelay $0x7  }
0xd2: {  	[tilespmem:v2+s25+$0x0] =	vst.idx.add.f32.msk $0xffff, v1  }
0xd3: {  	v2 =	vld [tilespmem:s6+$0x40];
	_ =	sdelay $0x7  }
0xd4: {  	[tilespmem:v2+s25+$0x0] =	vst.idx.add.f32.msk $0xffff, v1  }
0xd5: {  	v2 =	vld [tilespmem:s6+$0x50];
	_ =	sdelay $0x7  }
0xd6: {  	[tilespmem:v2+s25+$0x0] =	vst.idx.add.f32.msk $0xffff, v1  }
0xd7: {  	v2 =	vld [tilespmem:s6+$0x60];
	_ =	sdelay $0x7  }
0xd8: {  	[tilespmem:v2+s25+$0x0] =	vst.idx.add.f32.msk $0xffff, v1  }
0xd9: {  	v2 =	vld [tilespmem:s6+$0x70];
	_ =	sdelay $0x2  }
0xda: {  	p1 =	sne.s32 s0, $0x9E00  }
.Ltmp3:
0xdb: {  	_ = 	snop;
	(pc) =	sbr.rel @p1 .LBB2_4-.Ltmp3, $2  }
0xdc: {  	_ =	sdelay $0x2  }
0xdd: {  	s0 =	sadd.s32 $0x200, s0;
	[tilespmem:v2+s25+$0x0] =	vst.idx.add.f32.msk $0xffff, v1  }
0xde: {  	s0 =	simm.s32 $0x400  }
0xdf: {  	[spmem:s4] =	stream.strided.scatter [tilespmem:s25], [sflag:$0x1], $0x2780, s0, s26, $0x38;
	[tilespmem:$0x9F00] =	vst v63  }
.Ltmp4:
0xe0: {  	_ =	swait.ge [sflag:s24], $0x2780;
	(pc) =	sbr.rel @!p0 .LBB2_6-.Ltmp4, $3  }
0xe1: {  	[sflag:s24] =	ssyncset.done $0x0  }
0xe2: {  	[sflag:s24] =	ssyncadd.s32 $0xFFFFD880  }
0xe3: {  	[bflag:$0x0] =	sbarrier.arrive $0xFFFF;
	_ =	sdelay $0x1  }
0xe4: {  	s0 =	rddreg [dreg:$0x5];
	s6 =	simm.s32 $0x4F80  }
0xe5: {  	[tilespmem:s6], [sflag:$0x1] =	stream.linear.gather [spmem:s0], $0x80, $0x38;
	[tilespmem:$0x9F00] =	vst v63  }
0xe6: {  	s12 =	rddreg [dreg:$0x15];
	s13 =	simm.s32 $0x5380  }
0xe7: {  	[tilespmem:s13], [sflag:$0x1] =	stream.linear.gather [spmem:s12], $0x80, $0x38;
	[tilespmem:$0x9F00] =	vst v63  }
0xe8: {  	s12 =	rddreg [dreg:$0x16];
	s13 =	simm.s32 $0x5780  }
0xe9: {  	[tilespmem:s13], [sflag:$0x1] =	stream.linear.gather [spmem:s12], $0x80, $0x38;
	[tilespmem:$0x9F00] =	vst v63  }
0xea: {  	s12 =	rddreg [dreg:$0x17];
	s13 =	simm.s32 $0x5B80  }
0xeb: {  	[tilespmem:s13], [sflag:$0x1] =	stream.linear.gather [spmem:s12], $0x80, $0x38;
	[tilespmem:$0x9F00] =	vst v63  }
0xec: {  	_ =	swait.ge [sflag:s24], $0x200  }
0xed: {  	[sflag:s24] =	ssyncset.done $0x0  }
0xee: {  	s13 =	simm.s32 $0x5000;
	s12 =	rddreg [dreg:$0x6];
	[sflag:s24] =	ssyncadd.s32 $0xFFFFFE00  }
0xef: {  	[tilespmem:s13], [sflag:$0x1] =	stream.linear.gather [spmem:s12], $0x80, $0x38;
	[tilespmem:$0x9F00] =	vst v63  }
0xf0: {  	s12 =	rddreg [dreg:$0x18];
	s13 =	simm.s32 $0x5400  }
0xf1: {  	[tilespmem:s13], [sflag:$0x1] =	stream.linear.gather [spmem:s12], $0x80, $0x38;
	[tilespmem:$0x9F00] =	vst v63  }
0xf2: {  	s12 =	rddreg [dreg:$0x19];
	s13 =	simm.s32 $0x5800  }
0xf3: {  	[tilespmem:s13], [sflag:$0x1] =	stream.linear.gather [spmem:s12], $0x80, $0x38;
	[tilespmem:$0x9F00] =	vst v63  }
0xf4: {  	s12 =	rddreg [dreg:$0x1a];
	s13 =	simm.s32 $0x5C00  }
0xf5: {  	[tilespmem:s13], [sflag:$0x1] =	stream.linear.gather [spmem:s12], $0x80, $0x38;
	[tilespmem:$0x9F00] =	vst v63  }
0xf6: {  	_ =	swait.ge [sflag:s24], $0x200  }
0xf7: {  	[sflag:s24] =	ssyncset.done $0x0  }
0xf8: {  	s13 =	simm.s32 $0x5080;
	s12 =	rddreg [dreg:$0x7];
	[sflag:s24] =	ssyncadd.s32 $0xFFFFFE00  }
0xf9: {  	[tilespmem:s13], [sflag:$0x1] =	stream.linear.gather [spmem:s12], $0x80, $0x38;
	[tilespmem:$0x9F00] =	vst v63  }
0xfa: {  	s12 =	rddreg [dreg:$0x1b];
	s13 =	simm.s32 $0x5480  }
0xfb: {  	[tilespmem:s13], [sflag:$0x1] =	stream.linear.gather [spmem:s12], $0x80, $0x38;
	[tilespmem:$0x9F00] =	vst v63  }
0xfc: {  	s12 =	rddreg [dreg:$0x1c];
	s13 =	simm.s32 $0x5880  }
0xfd: {  	[tilespmem:s13], [sflag:$0x1] =	stream.linear.gather [spmem:s12], $0x80, $0x38;
	[tilespmem:$0x9F00] =	vst v63  }
0xfe: {  	s12 =	rddreg [dreg:$0x1d];
	s13 =	simm.s32 $0x5C80  }
0xff: {  	[tilespmem:s13], [sflag:$0x1] =	stream.linear.gather [spmem:s12], $0x80, $0x38;
	[tilespmem:$0x9F00] =	vst v63  }
0x100: {  	_ =	swait.ge [sflag:s24], $0x200  }
0x101: {  	[sflag:s24] =	ssyncset.done $0x0  }
0x102: {  	s13 =	simm.s32 $0x5100;
	s12 =	rddreg [dreg:$0x8];
	[sflag:s24] =	ssyncadd.s32 $0xFFFFFE00  }
0x103: {  	[tilespmem:s13], [sflag:$0x1] =	stream.linear.gather [spmem:s12], $0x80, $0x38;
	[tilespmem:$0x9F00] =	vst v63  }
0x104: {  	s12 =	rddreg [dreg:$0x1e];
	s13 =	simm.s32 $0x5500  }
0x105: {  	[tilespmem:s13], [sflag:$0x1] =	stream.linear.gather [spmem:s12], $0x80, $0x38;
	[tilespmem:$0x9F00] =	vst v63  }
0x106: {  	s12 =	rddreg [dreg:$0x1f];
	s13 =	simm.s32 $0x5900  }
0x107: {  	[tilespmem:s13], [sflag:$0x1] =	stream.linear.gather [spmem:s12], $0x80, $0x38;
	[tilespmem:$0x9F00] =	vst v63  }
0x108: {  	s12 =	sld [smem:$0x789];
	_ =	sdelay $0x1  }
0x109: {  	s13 =	simm.s32 $0x5D00  }
0x10a: {  	[tilespmem:s13], [sflag:$0x1] =	stream.linear.gather [spmem:s12], $0x80, $0x38;
	[tilespmem:$0x9F00] =	vst v63  }
0x10b: {  	_ =	swait.ge [sflag:s24], $0x200  }
0x10c: {  	[sflag:s24] =	ssyncset.done $0x0  }
0x10d: {  	s13 =	simm.s32 $0x5180;
	s12 =	rddreg [dreg:$0x9];
	[sflag:s24] =	ssyncadd.s32 $0xFFFFFE00  }
0x10e: {  	[tilespmem:s13], [sflag:$0x1] =	stream.linear.gather [spmem:s12], $0x80, $0x38;
	[tilespmem:$0x9F00] =	vst v63  }
0x10f: {  	s12 =	sld [smem:$0x78A];
	_ =	sdelay $0x1  }
0x110: {  	s13 =	simm.s32 $0x5580  }
0x111: {  	[tilespmem:s13], [sflag:$0x1] =	stream.linear.gather [spmem:s12], $0x80, $0x38;
	[tilespmem:$0x9F00] =	vst v63  }
0x112: {  	s12 =	sld [smem:$0x78B];
	_ =	sdelay $0x1  }
0x113: {  	s13 =	simm.s32 $0x5980  }
0x114: {  	[tilespmem:s13], [sflag:$0x1] =	stream.linear.gather [spmem:s12], $0x80, $0x38;
	[tilespmem:$0x9F00] =	vst v63  }
0x115: {  	s12 =	sld [smem:$0x78C];
	_ =	sdelay $0x1  }
0x116: {  	s13 =	simm.s32 $0x5D80  }
0x117: {  	[tilespmem:s13], [sflag:$0x1] =	stream.linear.gather [spmem:s12], $0x80, $0x38;
	[tilespmem:$0x9F00] =	vst v63  }
0x118: {  	_ =	swait.ge [sflag:s24], $0x200  }
0x119: {  	[sflag:s24] =	ssyncset.done $0x0  }
0x11a: {  	s13 =	simm.s32 $0x5200;
	s12 =	rddreg [dreg:$0xa];
	[sflag:s24] =	ssyncadd.s32 $0xFFFFFE00  }
0x11b: {  	[tilespmem:s13], [sflag:$0x1] =	stream.linear.gather [spmem:s12], $0x80, $0x38;
	[tilespmem:$0x9F00] =	vst v63  }
0x11c: {  	s12 =	sld [smem:$0x78D];
	_ =	sdelay $0x1  }
0x11d: {  	s13 =	simm.s32 $0x5600  }
0x11e: {  	[tilespmem:s13], [sflag:$0x1] =	stream.linear.gather [spmem:s12], $0x80, $0x38;
	[tilespmem:$0x9F00] =	vst v63  }
0x11f: {  	s12 =	sld [smem:$0x78E];
	_ =	sdelay $0x1  }
0x120: {  	s13 =	simm.s32 $0x5A00  }
0x121: {  	[tilespmem:s13], [sflag:$0x1] =	stream.linear.gather [spmem:s12], $0x80, $0x38;
	[tilespmem:$0x9F00] =	vst v63  }
0x122: {  	s12 =	sld [smem:$0x78F];
	_ =	sdelay $0x1  }
0x123: {  	s13 =	simm.s32 $0x5E00  }
0x124: {  	[tilespmem:s13], [sflag:$0x1] =	stream.linear.gather [spmem:s12], $0x80, $0x38;
	[tilespmem:$0x9F00] =	vst v63  }
0x125: {  	_ =	swait.ge [sflag:s24], $0x200  }
0x126: {  	[sflag:s24] =	ssyncset.done $0x0  }
0x127: {  	s13 =	simm.s32 $0x5280;
	s12 =	rddreg [dreg:$0xb];
	[sflag:s24] =	ssyncadd.s32 $0xFFFFFE00  }
0x128: {  	[tilespmem:s13], [sflag:$0x1] =	stream.linear.gather [spmem:s12], $0x80, $0x38;
	[tilespmem:$0x9F00] =	vst v63  }
0x129: {  	s12 =	sld [smem:$0x790];
	_ =	sdelay $0x1  }
0x12a: {  	s13 =	simm.s32 $0x5680  }
0x12b: {  	[tilespmem:s13], [sflag:$0x1] =	stream.linear.gather [spmem:s12], $0x80, $0x38;
	[tilespmem:$0x9F00] =	vst v63  }
0x12c: {  	s12 =	sld [smem:$0x791];
	_ =	sdelay $0x1  }
0x12d: {  	s13 =	simm.s32 $0x5A80  }
0x12e: {  	[tilespmem:s13], [sflag:$0x1] =	stream.linear.gather [spmem:s12], $0x80, $0x38;
	[tilespmem:$0x9F00] =	vst v63  }
0x12f: {  	s12 =	sld [smem:$0x792];
	_ =	sdelay $0x1  }
0x130: {  	s13 =	simm.s32 $0x5E80  }
0x131: {  	[tilespmem:s13], [sflag:$0x1] =	stream.linear.gather [spmem:s12], $0x80, $0x38;
	[tilespmem:$0x9F00] =	vst v63  }
0x132: {  	_ =	swait.ge [sflag:s24], $0x200  }
0x133: {  	[sflag:s24] =	ssyncset.done $0x0  }
0x134: {  	s13 =	simm.s32 $0x5300;
	s12 =	rddreg [dreg:$0xc];
	[sflag:s24] =	ssyncadd.s32 $0xFFFFFE00  }
0x135: {  	[tilespmem:s13], [sflag:$0x1] =	stream.linear.gather [spmem:s12], $0x80, $0x38;
	[tilespmem:$0x9F00] =	vst v63  }
0x136: {  	s12 =	sld [smem:$0x793];
	_ =	sdelay $0x1  }
0x137: {  	s13 =	simm.s32 $0x5700  }
0x138: {  	[tilespmem:s13], [sflag:$0x1] =	stream.linear.gather [spmem:s12], $0x80, $0x38;
	[tilespmem:$0x9F00] =	vst v63  }
0x139: {  	s12 =	sld [smem:$0x794];
	_ =	sdelay $0x1  }
0x13a: {  	s13 =	simm.s32 $0x5B00  }
0x13b: {  	[tilespmem:s13], [sflag:$0x1] =	stream.linear.gather [spmem:s12], $0x80, $0x38;
	[tilespmem:$0x9F00] =	vst v63  }
0x13c: {  	s12 =	sld [smem:$0x795];
	_ =	sdelay $0x1  }
0x13d: {  	s13 =	simm.s32 $0x5F00  }
0x13e: {  	[tilespmem:s13], [sflag:$0x1] =	stream.linear.gather [spmem:s12], $0x80, $0x38;
	[tilespmem:$0x9F00] =	vst v63  }
0x13f: {  	_ =	swait.ge [sflag:s24], $0x200  }
0x140: {  	[sflag:s24] =	ssyncset.done $0x0  }
0x141: {  	s13 =	simm.s32 $0x6380;
	s12 =	rddreg [dreg:$0xd];
	[sflag:s24] =	ssyncadd.s32 $0xFFFFFE00  }
0x142: {  	[tilespmem:s13], [sflag:$0x1] =	stream.linear.gather [spmem:s12], $0x80, $0x38;
	[tilespmem:$0x9F00] =	vst v63  }
0x143: {  	s12 =	sld [smem:$0x796];
	_ =	sdelay $0x1  }
0x144: {  	s13 =	simm.s32 $0x6780  }
0x145: {  	[tilespmem:s13], [sflag:$0x1] =	stream.linear.gather [spmem:s12], $0x80, $0x38;
	[tilespmem:$0x9F00] =	vst v63  }
0x146: {  	s12 =	sld [smem:$0x797];
	_ =	sdelay $0x1  }
0x147: {  	s13 =	simm.s32 $0x6B80  }
0x148: {  	[tilespmem:s13], [sflag:$0x1] =	stream.linear.gather [spmem:s12], $0x80, $0x38;
	[tilespmem:$0x9F00] =	vst v63  }
0x149: {  	s12 =	sld [smem:$0x798];
	_ =	sdelay $0x1  }
0x14a: {  	s13 =	simm.s32 $0x6F80  }
0x14b: {  	[tilespmem:s13], [sflag:$0x1] =	stream.linear.gather [spmem:s12], $0x80, $0x38;
	[tilespmem:$0x9F00] =	vst v63  }
0x14c: {  	_ =	swait.ge [sflag:s24], $0x200  }
0x14d: {  	[sflag:s24] =	ssyncset.done $0x0  }
0x14e: {  	s13 =	simm.s32 $0x6400;
	s12 =	rddreg [dreg:$0xe];
	[sflag:s24] =	ssyncadd.s32 $0xFFFFFE00  }
0x14f: {  	[tilespmem:s13], [sflag:$0x1] =	stream.linear.gather [spmem:s12], $0x80, $0x38;
	[tilespmem:$0x9F00] =	vst v63  }
0x150: {  	s12 =	sld [smem:$0x799];
	_ =	sdelay $0x1  }
0x151: {  	s13 =	simm.s32 $0x6800  }
0x152: {  	[tilespmem:s13], [sflag:$0x1] =	stream.linear.gather [spmem:s12], $0x80, $0x38;
	[tilespmem:$0x9F00] =	vst v63  }
0x153: {  	s12 =	sld [smem:$0x79A];
	_ =	sdelay $0x1  }
0x154: {  	s13 =	simm.s32 $0x6C00  }
0x155: {  	[tilespmem:s13], [sflag:$0x1] =	stream.linear.gather [spmem:s12], $0x80, $0x38;
	[tilespmem:$0x9F00] =	vst v63  }
0x156: {  	s12 =	sld [smem:$0x79B];
	_ =	sdelay $0x1  }
0x157: {  	s13 =	simm.s32 $0x7000  }
0x158: {  	[tilespmem:s13], [sflag:$0x1] =	stream.linear.gather [spmem:s12], $0x80, $0x38;
	[tilespmem:$0x9F00] =	vst v63  }
0x159: {  	_ =	swait.ge [sflag:s24], $0x200  }
0x15a: {  	[sflag:s24] =	ssyncset.done $0x0  }
0x15b: {  	s13 =	simm.s32 $0x6480;
	s12 =	rddreg [dreg:$0xf];
	[sflag:s24] =	ssyncadd.s32 $0xFFFFFE00  }
0x15c: {  	[tilespmem:s13], [sflag:$0x1] =	stream.linear.gather [spmem:s12], $0x80, $0x38;
	[tilespmem:$0x9F00] =	vst v63  }
0x15d: {  	s12 =	sld [smem:$0x79C];
	_ =	sdelay $0x1  }
0x15e: {  	s13 =	simm.s32 $0x6880  }
0x15f: {  	[tilespmem:s13], [sflag:$0x1] =	stream.linear.gather [spmem:s12], $0x80, $0x38;
	[tilespmem:$0x9F00] =	vst v63  }
0x160: {  	s12 =	sld [smem:$0x79D];
	_ =	sdelay $0x1  }
0x161: {  	s13 =	simm.s32 $0x6C80  }
0x162: {  	[tilespmem:s13], [sflag:$0x1] =	stream.linear.gather [spmem:s12], $0x80, $0x38;
	[tilespmem:$0x9F00] =	vst v63  }
0x163: {  	s12 =	sld [smem:$0x79E];
	_ =	sdelay $0x1  }
0x164: {  	s13 =	simm.s32 $0x7080  }
0x165: {  	[tilespmem:s13], [sflag:$0x1] =	stream.linear.gather [spmem:s12], $0x80, $0x38;
	[tilespmem:$0x9F00] =	vst v63  }
0x166: {  	_ =	swait.ge [sflag:s24], $0x200  }
0x167: {  	[sflag:s24] =	ssyncset.done $0x0  }
0x168: {  	s13 =	simm.s32 $0x6500;
	s12 =	rddreg [dreg:$0x10];
	[sflag:s24] =	ssyncadd.s32 $0xFFFFFE00  }
0x169: {  	[tilespmem:s13], [sflag:$0x1] =	stream.linear.gather [spmem:s12], $0x80, $0x38;
	[tilespmem:$0x9F00] =	vst v63  }
0x16a: {  	s12 =	sld [smem:$0x79F];
	_ =	sdelay $0x1  }
0x16b: {  	s13 =	simm.s32 $0x6900  }
0x16c: {  	[tilespmem:s13], [sflag:$0x1] =	stream.linear.gather [spmem:s12], $0x80, $0x38;
	[tilespmem:$0x9F00] =	vst v63  }
0x16d: {  	s12 =	sld [smem:$0x7A0];
	_ =	sdelay $0x1  }
0x16e: {  	s13 =	simm.s32 $0x6D00  }
0x16f: {  	[tilespmem:s13], [sflag:$0x1] =	stream.linear.gather [spmem:s12], $0x80, $0x38;
	[tilespmem:$0x9F00] =	vst v63  }
0x170: {  	s12 =	sld [smem:$0x7A1];
	_ =	sdelay $0x2  }
0x171: {  	[tilespmem:s14], [sflag:$0x1] =	stream.linear.gather [spmem:s12], $0x80, $0x38;
	[tilespmem:$0x9F00] =	vst v63  }
0x172: {  	_ =	swait.ge [sflag:s24], $0x200  }
0x173: {  	[sflag:s24] =	ssyncset.done $0x0;
	s13 =	rddreg [dreg:$0x11]  }
0x174: {  	s6 =	sld [smem:$0x7A2];
	[sflag:s24] =	ssyncadd.s32 $0xFFFFFE00  }
0x175: {  	[tilespmem:s7], [sflag:$0x1] =	stream.linear.gather [spmem:s13], $0x80, $0x38;
	[tilespmem:$0x9F00] =	vst v63  }
0x176: {  	s12 =	sld [smem:$0x7A3]  }
0x177: {  	[tilespmem:s15], [sflag:$0x1] =	stream.linear.gather [spmem:s6], $0x80, $0x38;
	[tilespmem:$0x9F00] =	vst v63  }
0x178: {  	s13 =	sld [smem:$0x7A4]  }
0x179: {  	[tilespmem:s28], [sflag:$0x1] =	stream.linear.gather [spmem:s12], $0x80, $0x38;
	[tilespmem:$0x9F00] =	vst v63  }
0x17a: {  	_ = 	snop  }
0x17b: {  	[tilespmem:s16], [sflag:$0x1] =	stream.linear.gather [spmem:s13], $0x80, $0x38;
	[tilespmem:$0x9F00] =	vst v63  }
0x17c: {  	_ =	swait.ge [sflag:s24], $0x200  }
0x17d: {  	[sflag:s24] =	ssyncset.done $0x0;
	s6 =	rddreg [dreg:$0x12]  }
0x17e: {  	s12 =	sld [smem:$0x7A5];
	[sflag:s24] =	ssyncadd.s32 $0xFFFFFE00  }
0x17f: {  	[tilespmem:s8], [sflag:$0x1] =	stream.linear.gather [spmem:s6], $0x80, $0x38;
	[tilespmem:$0x9F00] =	vst v63  }
0x180: {  	s13 =	sld [smem:$0x7A6]  }
0x181: {  	[tilespmem:s17], [sflag:$0x1] =	stream.linear.gather [spmem:s12], $0x80, $0x38;
	[tilespmem:$0x9F00] =	vst v63  }
0x182: {  	s6 =	sld [smem:$0x7A7]  }
0x183: {  	[tilespmem:s31], [sflag:$0x1] =	stream.linear.gather [spmem:s13], $0x80, $0x38;
	[tilespmem:$0x9F00] =	vst v63  }
0x184: {  	_ = 	snop  }
0x185: {  	[tilespmem:s18], [sflag:$0x1] =	stream.linear.gather [spmem:s6], $0x80, $0x38;
	[tilespmem:$0x9F00] =	vst v63  }
0x186: {  	_ =	swait.ge [sflag:s24], $0x200  }
0x187: {  	[sflag:s24] =	ssyncset.done $0x0;
	s12 =	rddreg [dreg:$0x13]  }
0x188: {  	s13 =	sld [smem:$0x7A8];
	[sflag:s24] =	ssyncadd.s32 $0xFFFFFE00  }
0x189: {  	[tilespmem:s9], [sflag:$0x1] =	stream.linear.gather [spmem:s12], $0x80, $0x38;
	[tilespmem:$0x9F00] =	vst v63  }
0x18a: {  	s6 =	sld [smem:$0x7A9]  }
0x18b: {  	[tilespmem:s19], [sflag:$0x1] =	stream.linear.gather [spmem:s13], $0x80, $0x38;
	[tilespmem:$0x9F00] =	vst v63  }
0x18c: {  	s12 =	sld [smem:$0x7AA]  }
0x18d: {  	[tilespmem:s29], [sflag:$0x1] =	stream.linear.gather [spmem:s6], $0x80, $0x38;
	[tilespmem:$0x9F00] =	vst v63  }
0x18e: {  	_ = 	snop  }
0x18f: {  	[tilespmem:s20], [sflag:$0x1] =	stream.linear.gather [spmem:s12], $0x80, $0x38;
	[tilespmem:$0x9F00] =	vst v63  }
0x190: {  	_ =	swait.ge [sflag:s24], $0x200  }
0x191: {  	[sflag:s24] =	ssyncset.done $0x0;
	s13 =	rddreg [dreg:$0x14]  }
0x192: {  	s6 =	sld [smem:$0x7AB];
	[sflag:s24] =	ssyncadd.s32 $0xFFFFFE00  }
0x193: {  	[tilespmem:s10], [sflag:$0x1] =	stream.linear.gather [spmem:s13], $0x80, $0x38;
	[tilespmem:$0x9F00] =	vst v63  }
0x194: {  	s12 =	sld [smem:$0x7AC]  }
0x195: {  	[tilespmem:s21], [sflag:$0x1] =	stream.linear.gather [spmem:s6], $0x80, $0x38;
	[tilespmem:$0x9F00] =	vst v63  }
0x196: {  	s13 =	sld [smem:$0x7AD]  }
0x197: {  	[tilespmem:s22], [sflag:$0x1] =	stream.linear.gather [spmem:s12], $0x80, $0x38;
	[tilespmem:$0x9F00] =	vst v63  }
0x198: {  	_ = 	snop  }
0x199: {  	[tilespmem:s1], [sflag:$0x1] =	stream.linear.gather [spmem:s13], $0x80, $0x38;
	[tilespmem:$0x9F00] =	vst v63  }
0x19a: {  	s6 =	simm.s32 $0x0;
	_ =	swait.ge [sflag:s24], $0x200  }
0x19b: {  	s0 =	sand.u32 $0xC00, s6;
	s12 =	sand.u32 $0x70, s6;
	[sflag:s24] =	ssyncset.done $0x0  }
0x19c: {  	s0 =	sor.u32 s12, s0;
	[sflag:s24] =	ssyncadd.s32 $0xFFFFFE00  }
0x19d: {  	v2 =	vld [tilespmem:s0+$0x4F80];
	_ =	sdelay $0x1  }
0x19e: {  	v3 =	vld [tilespmem:s0+$0x5000];
	_ =	sdelay $0x1  }
0x19f: {  	v4 =	vld [tilespmem:s0+$0x5080]  }
0x1a0: {  	v2 =	vadd.f32 $0.0e+00, v2  }
0x1a1: {  	v5 =	vld [tilespmem:s0+$0x5100]  }
0x1a2: {  	v2 =	vadd.f32 v3, v2  }
0x1a3: {  	v3 =	vld [tilespmem:s0+$0x5180]  }
0x1a4: {  	v2 =	vadd.f32 v4, v2  }
0x1a5: {  	v56 =	vld [tilespmem:s0+$0x5200]  }
0x1a6: {  	v2 =	vadd.f32 v5, v2  }
0x1a7: {  	v57 =	vld [tilespmem:s0+$0x5280]  }
0x1a8: {  	v2 =	vadd.f32 v3, v2  }
0x1a9: {  	v3 =	vld [tilespmem:s0+$0x5300]  }
0x1aa: {  	v2 =	vadd.f32 v56, v2  }
0x1ab: {  	v58 =	vld [tilespmem:s0+$0x6380]  }
0x1ac: {  	v2 =	vadd.f32 v57, v2  }
0x1ad: {  	v59 =	vld [tilespmem:s0+$0x6400]  }
0x1ae: {  	v2 =	vadd.f32 v3, v2  }
0x1af: {  	v3 =	vld [tilespmem:s0+$0x6480]  }
0x1b0: {  	v2 =	vadd.f32 v58, v2  }
0x1b1: {  	v60 =	vld [tilespmem:s0+$0x6500]  }
0x1b2: {  	v2 =	vadd.f32 v59, v2  }
0x1b3: {  	v61 =	vld [tilespmem:s0+$0x6580]  }
0x1b4: {  	v2 =	vadd.f32 v3, v2  }
0x1b5: {  	v3 =	vld [tilespmem:s0+$0x6600]  }
0x1b6: {  	v2 =	vadd.f32 v60, v2  }
0x1b7: {  	v62 =	vld [tilespmem:s0+$0x6680]  }
0x1b8: {  	v2 =	vadd.f32 v61, v2  }
0x1b9: {  	v63 =	vld [tilespmem:s0+$0x6700]  }
0x1ba: {  	v2 =	vadd.f32 v3, v2;
	_ =	sdelay $0x1  }
0x1bb: {  	v2 =	vadd.f32 v62, v2;
	_ =	sdelay $0x1  }
0x1bc: {  	s30 =	simm.s32 $0x2800;
	s12 =	simm.s32 $0x80;
	s13 =	simm.s32 $0x10;
	v2 =	vadd.f32 v63, v2  }
0x1bd: {  	s6 =	sand.u32 $0xC00, s12;
	s13 =	sand.u32 $0x70, s13;
	s0 =	simm.s32 $0x20  }
.LBB2_10:
0x1be: {  	p1 =	sne.s32 s0, $0x1F0;
	s6 =	sor.u32 s13, s6;
	[tilespmem:s30+$0x0] =	vst v2  }
0x1bf: {  	v2 =	vld [tilespmem:s6+$0x4F80];
	_ =	sdelay $0x1  }
0x1c0: {  	v3 =	vld [tilespmem:s6+$0x5000];
	_ =	sdelay $0x1  }
0x1c1: {  	v4 =	vld [tilespmem:s6+$0x5080]  }
0x1c2: {  	v2 =	vadd.f32 $0.0e+00, v2  }
0x1c3: {  	v5 =	vld [tilespmem:s6+$0x5100]  }
0x1c4: {  	v2 =	vadd.f32 v3, v2  }
0x1c5: {  	v3 =	vld [tilespmem:s6+$0x5180]  }
0x1c6: {  	v2 =	vadd.f32 v4, v2  }
0x1c7: {  	v4 =	vld [tilespmem:s6+$0x5200]  }
0x1c8: {  	v2 =	vadd.f32 v5, v2  }
0x1c9: {  	v5 =	vld [tilespmem:s6+$0x5280]  }
0x1ca: {  	v2 =	vadd.f32 v3, v2  }
0x1cb: {  	v3 =	vld [tilespmem:s6+$0x5300]  }
0x1cc: {  	v2 =	vadd.f32 v4, v2  }
0x1cd: {  	v4 =	vld [tilespmem:s6+$0x6380]  }
0x1ce: {  	v2 =	vadd.f32 v5, v2  }
0x1cf: {  	v5 =	vld [tilespmem:s6+$0x6400]  }
0x1d0: {  	v2 =	vadd.f32 v3, v2  }
0x1d1: {  	v3 =	vld [tilespmem:s6+$0x6480]  }
0x1d2: {  	v2 =	vadd.f32 v4, v2  }
0x1d3: {  	v4 =	vld [tilespmem:s6+$0x6500]  }
0x1d4: {  	v2 =	vadd.f32 v5, v2  }
0x1d5: {  	v5 =	vld [tilespmem:s6+$0x6580]  }
0x1d6: {  	v2 =	vadd.f32 v3, v2  }
0x1d7: {  	v3 =	vld [tilespmem:s6+$0x6600]  }
0x1d8: {  	v2 =	vadd.f32 v4, v2  }
0x1d9: {  	v4 =	vld [tilespmem:s6+$0x6680]  }
0x1da: {  	v2 =	vadd.f32 v5, v2  }
0x1db: {  	v5 =	vld [tilespmem:s6+$0x6700]  }
0x1dc: {  	v2 =	vadd.f32 v3, v2  }
.Ltmp5:
0x1dd: {  	(pc) =	sbr.rel @p1 .LBB2_10-.Ltmp5, $3  }
0x1de: {  	v2 =	vadd.f32 v4, v2;
	_ =	sdelay $0x1  }
0x1df: {  	s12 =	sadd.s32 $0x80, s12;
	s30 =	sadd.s32 $0x10, s30;
	v2 =	vadd.f32 v5, v2  }
0x1e0: {  	s13 =	sand.u32 $0x70, s0;
	s0 =	sadd.s32 $0x10, s0;
	s6 =	sand.u32 $0xC00, s12  }
0x1e1: {  	s0 =	sor.u32 s13, s6;
	[tilespmem:s30+$0x0] =	vst v2  }
0x1e2: {  	v2 =	vld [tilespmem:s0+$0x4F80];
	_ =	sdelay $0x1  }
0x1e3: {  	v3 =	vld [tilespmem:s0+$0x5000];
	_ =	sdelay $0x1  }
0x1e4: {  	v4 =	vld [tilespmem:s0+$0x5080]  }
0x1e5: {  	v2 =	vadd.f32 $0.0e+00, v2  }
0x1e6: {  	v5 =	vld [tilespmem:s0+$0x5100]  }
0x1e7: {  	v2 =	vadd.f32 v3, v2  }
0x1e8: {  	v3 =	vld [tilespmem:s0+$0x5180]  }
0x1e9: {  	v2 =	vadd.f32 v4, v2  }
0x1ea: {  	v56 =	vld [tilespmem:s0+$0x5200]  }
0x1eb: {  	v2 =	vadd.f32 v5, v2  }
0x1ec: {  	v57 =	vld [tilespmem:s0+$0x5280]  }
0x1ed: {  	v2 =	vadd.f32 v3, v2  }
0x1ee: {  	v3 =	vld [tilespmem:s0+$0x5300]  }
0x1ef: {  	v2 =	vadd.f32 v56, v2  }
0x1f0: {  	v58 =	vld [tilespmem:s0+$0x6380]  }
0x1f1: {  	v2 =	vadd.f32 v57, v2  }
0x1f2: {  	v59 =	vld [tilespmem:s0+$0x6400]  }
0x1f3: {  	v2 =	vadd.f32 v3, v2  }
0x1f4: {  	v3 =	vld [tilespmem:s0+$0x6480]  }
0x1f5: {  	v2 =	vadd.f32 v58, v2  }
0x1f6: {  	v60 =	vld [tilespmem:s0+$0x6500]  }
0x1f7: {  	v2 =	vadd.f32 v59, v2  }
0x1f8: {  	v61 =	vld [tilespmem:s0+$0x6580]  }
0x1f9: {  	v2 =	vadd.f32 v3, v2  }
0x1fa: {  	v3 =	vld [tilespmem:s0+$0x6600]  }
0x1fb: {  	v2 =	vadd.f32 v60, v2  }
0x1fc: {  	v62 =	vld [tilespmem:s0+$0x6680]  }
0x1fd: {  	v2 =	vadd.f32 v61, v2  }
0x1fe: {  	v63 =	vld [tilespmem:s0+$0x6700]  }
0x1ff: {  	v2 =	vadd.f32 v3, v2;
	_ =	sdelay $0x1  }
0x200: {  	v2 =	vadd.f32 v62, v2;
	_ =	sdelay $0x1  }
0x201: {  	v2 =	vadd.f32 v63, v2  }
0x202: {  	s13 =	sadd.s32 $0x10, s30;
	s30 =	rddreg [dreg:$0x4]  }
.Ltmp6:
0x203: {  	s0 =	sadd.s32 $0x960, s30;
	[tilespmem:s13+$0x0] =	vst v2;
	(pc) =	sbr.rel .LBB2_12-.Ltmp6, $4  }
0x204: {  	[hbm4b:s0+s26] =	stream.strided.scatter [tilespmem:s25], [sflag:$0x1], $0x200, s11, s26, $0x38;
	[tilespmem:$0x9F00] =	vst v63  }
0x205: {  	_ =	swait.ge [sflag:s24], $0x200  }
0x206: {  	[sflag:s24] =	ssyncset.done $0x0  }
0x207: {  	[sflag:s24] =	ssyncadd.s32 $0xFFFFFE00  }
.LBB2_6:
0x208: {  	s0 =	simm.s32 $0x4F80;
	s13 =	sld [smem:$0x7BE]  }
0x209: {  	[tilespmem:s0], [sflag:$0x1] =	stream.linear.gather [spmem:s5], $0x80, $0x38;
	[tilespmem:$0x9F00] =	vst v63  }
0x20a: {  	s6 =	simm.s32 $0x5380;
	s12 =	sld [smem:$0x7BF]  }
0x20b: {  	[tilespmem:s6], [sflag:$0x1] =	stream.linear.gather [spmem:s13], $0x80, $0x38;
	[tilespmem:$0x9F00] =	vst v63  }
0x20c: {  	s13 =	simm.s32 $0x5780  }
0x20d: {  	[tilespmem:s13], [sflag:$0x1] =	stream.linear.gather [spmem:s12], $0x80, $0x38;
	[tilespmem:$0x9F00] =	vst v63  }
0x20e: {  	s12 =	sld [smem:$0x7C0];
	_ =	sdelay $0x1  }
0x20f: {  	s13 =	simm.s32 $0x5B80  }
0x210: {  	[tilespmem:s13], [sflag:$0x1] =	stream.linear.gather [spmem:s12], $0x80, $0x38;
	[tilespmem:$0x9F00] =	vst v63  }
0x211: {  	s12 =	sld [smem:$0x7C1];
	_ =	sdelay $0x1  }
0x212: {  	s13 =	simm.s32 $0x5F80  }
0x213: {  	[tilespmem:s13], [sflag:$0x1] =	stream.linear.gather [spmem:s12], $0x80, $0x38;
	[tilespmem:$0x9F00] =	vst v63  }
0x214: {  	_ =	swait.ge [sflag:s24], $0x280  }
0x215: {  	s12 =	sld [smem:$0x7AF]  }
0x216: {  	[sflag:s24] =	ssyncset.done $0x0  }
0x217: {  	s13 =	simm.s32 $0x5000;
	[sflag:s24] =	ssyncadd.s32 $0xFFFFFD80  }
0x218: {  	[tilespmem:s13], [sflag:$0x1] =	stream.linear.gather [spmem:s12], $0x80, $0x38;
	[tilespmem:$0x9F00] =	vst v63  }
0x219: {  	s12 =	sld [smem:$0x7C2];
	_ =	sdelay $0x1  }
0x21a: {  	s13 =	simm.s32 $0x5400  }
0x21b: {  	[tilespmem:s13], [sflag:$0x1] =	stream.linear.gather [spmem:s12], $0x80, $0x38;
	[tilespmem:$0x9F00] =	vst v63  }
0x21c: {  	s12 =	sld [smem:$0x7C3];
	_ =	sdelay $0x1  }
0x21d: {  	s13 =	simm.s32 $0x5800  }
0x21e: {  	[tilespmem:s13], [sflag:$0x1] =	stream.linear.gather [spmem:s12], $0x80, $0x38;
	[tilespmem:$0x9F00] =	vst v63  }
0x21f: {  	s12 =	sld [smem:$0x7C4];
	_ =	sdelay $0x1  }
0x220: {  	s13 =	simm.s32 $0x5C00  }
0x221: {  	[tilespmem:s13], [sflag:$0x1] =	stream.linear.gather [spmem:s12], $0x80, $0x38;
	[tilespmem:$0x9F00] =	vst v63  }
0x222: {  	s12 =	sld [smem:$0x7C5];
	_ =	sdelay $0x1  }
0x223: {  	s13 =	simm.s32 $0x6000  }
0x224: {  	[tilespmem:s13], [sflag:$0x1] =	stream.linear.gather [spmem:s12], $0x80, $0x38;
	[tilespmem:$0x9F00] =	vst v63  }
0x225: {  	_ =	swait.ge [sflag:s24], $0x280  }
0x226: {  	s12 =	sld [smem:$0x7B0]  }
0x227: {  	[sflag:s24] =	ssyncset.done $0x0  }
0x228: {  	s13 =	simm.s32 $0x5080;
	[sflag:s24] =	ssyncadd.s32 $0xFFFFFD80  }
0x229: {  	[tilespmem:s13], [sflag:$0x1] =	stream.linear.gather [spmem:s12], $0x80, $0x38;
	[tilespmem:$0x9F00] =	vst v63  }
0x22a: {  	s12 =	sld [smem:$0x7C6];
	_ =	sdelay $0x1  }
0x22b: {  	s13 =	simm.s32 $0x5480  }
0x22c: {  	[tilespmem:s13], [sflag:$0x1] =	stream.linear.gather [spmem:s12], $0x80, $0x38;
	[tilespmem:$0x9F00] =	vst v63  }
0x22d: {  	s12 =	sld [smem:$0x7C7];
	_ =	sdelay $0x1  }
0x22e: {  	s13 =	simm.s32 $0x5880  }
0x22f: {  	[tilespmem:s13], [sflag:$0x1] =	stream.linear.gather [spmem:s12], $0x80, $0x38;
	[tilespmem:$0x9F00] =	vst v63  }
0x230: {  	s12 =	sld [smem:$0x7C8];
	_ =	sdelay $0x1  }
0x231: {  	s13 =	simm.s32 $0x5C80  }
0x232: {  	[tilespmem:s13], [sflag:$0x1] =	stream.linear.gather [spmem:s12], $0x80, $0x38;
	[tilespmem:$0x9F00] =	vst v63  }
0x233: {  	s12 =	sld [smem:$0x7C9];
	_ =	sdelay $0x1  }
0x234: {  	s13 =	simm.s32 $0x6080  }
0x235: {  	[tilespmem:s13], [sflag:$0x1] =	stream.linear.gather [spmem:s12], $0x80, $0x38;
	[tilespmem:$0x9F00] =	vst v63  }
0x236: {  	_ =	swait.ge [sflag:s24], $0x280  }
0x237: {  	s12 =	sld [smem:$0x7B1]  }
0x238: {  	[sflag:s24] =	ssyncset.done $0x0  }
0x239: {  	s13 =	simm.s32 $0x5100;
	[sflag:s24] =	ssyncadd.s32 $0xFFFFFD80  }
0x23a: {  	[tilespmem:s13], [sflag:$0x1] =	stream.linear.gather [spmem:s12], $0x80, $0x38;
	[tilespmem:$0x9F00] =	vst v63  }
0x23b: {  	s12 =	sld [smem:$0x7CA];
	_ =	sdelay $0x1  }
0x23c: {  	s13 =	simm.s32 $0x5500  }
0x23d: {  	[tilespmem:s13], [sflag:$0x1] =	stream.linear.gather [spmem:s12], $0x80, $0x38;
	[tilespmem:$0x9F00] =	vst v63  }
0x23e: {  	s12 =	sld [smem:$0x7CB];
	_ =	sdelay $0x1  }
0x23f: {  	s13 =	simm.s32 $0x5900  }
0x240: {  	[tilespmem:s13], [sflag:$0x1] =	stream.linear.gather [spmem:s12], $0x80, $0x38;
	[tilespmem:$0x9F00] =	vst v63  }
0x241: {  	s12 =	sld [smem:$0x7CC];
	_ =	sdelay $0x1  }
0x242: {  	s13 =	simm.s32 $0x5D00  }
0x243: {  	[tilespmem:s13], [sflag:$0x1] =	stream.linear.gather [spmem:s12], $0x80, $0x38;
	[tilespmem:$0x9F00] =	vst v63  }
0x244: {  	s12 =	sld [smem:$0x7CD];
	_ =	sdelay $0x1  }
0x245: {  	s13 =	simm.s32 $0x6100  }
0x246: {  	[tilespmem:s13], [sflag:$0x1] =	stream.linear.gather [spmem:s12], $0x80, $0x38;
	[tilespmem:$0x9F00] =	vst v63  }
0x247: {  	_ =	swait.ge [sflag:s24], $0x280  }
0x248: {  	s12 =	sld [smem:$0x7B2]  }
0x249: {  	[sflag:s24] =	ssyncset.done $0x0  }
0x24a: {  	s13 =	simm.s32 $0x5180;
	[sflag:s24] =	ssyncadd.s32 $0xFFFFFD80  }
0x24b: {  	[tilespmem:s13], [sflag:$0x1] =	stream.linear.gather [spmem:s12], $0x80, $0x38;
	[tilespmem:$0x9F00] =	vst v63  }
0x24c: {  	s12 =	sld [smem:$0x7CE];
	_ =	sdelay $0x1  }
0x24d: {  	s13 =	simm.s32 $0x5580  }
0x24e: {  	[tilespmem:s13], [sflag:$0x1] =	stream.linear.gather [spmem:s12], $0x80, $0x38;
	[tilespmem:$0x9F00] =	vst v63  }
0x24f: {  	s12 =	sld [smem:$0x7CF];
	_ =	sdelay $0x1  }
0x250: {  	s13 =	simm.s32 $0x5980  }
0x251: {  	[tilespmem:s13], [sflag:$0x1] =	stream.linear.gather [spmem:s12], $0x80, $0x38;
	[tilespmem:$0x9F00] =	vst v63  }
0x252: {  	s12 =	sld [smem:$0x7D0];
	_ =	sdelay $0x1  }
0x253: {  	s13 =	simm.s32 $0x5D80  }
0x254: {  	[tilespmem:s13], [sflag:$0x1] =	stream.linear.gather [spmem:s12], $0x80, $0x38;
	[tilespmem:$0x9F00] =	vst v63  }
0x255: {  	s12 =	sld [smem:$0x7D1];
	_ =	sdelay $0x1  }
0x256: {  	s13 =	simm.s32 $0x6180  }
0x257: {  	[tilespmem:s13], [sflag:$0x1] =	stream.linear.gather [spmem:s12], $0x80, $0x38;
	[tilespmem:$0x9F00] =	vst v63  }
0x258: {  	_ =	swait.ge [sflag:s24], $0x280  }
0x259: {  	s12 =	sld [smem:$0x7B3]  }
0x25a: {  	[sflag:s24] =	ssyncset.done $0x0  }
0x25b: {  	s13 =	simm.s32 $0x5200;
	[sflag:s24] =	ssyncadd.s32 $0xFFFFFD80  }
0x25c: {  	[tilespmem:s13], [sflag:$0x1] =	stream.linear.gather [spmem:s12], $0x80, $0x38;
	[tilespmem:$0x9F00] =	vst v63  }
0x25d: {  	s12 =	sld [smem:$0x7D2];
	_ =	sdelay $0x1  }
0x25e: {  	s13 =	simm.s32 $0x5600  }
0x25f: {  	[tilespmem:s13], [sflag:$0x1] =	stream.linear.gather [spmem:s12], $0x80, $0x38;
	[tilespmem:$0x9F00] =	vst v63  }
0x260: {  	s12 =	sld [smem:$0x7D3];
	_ =	sdelay $0x1  }
0x261: {  	s13 =	simm.s32 $0x5A00  }
0x262: {  	[tilespmem:s13], [sflag:$0x1] =	stream.linear.gather [spmem:s12], $0x80, $0x38;
	[tilespmem:$0x9F00] =	vst v63  }
0x263: {  	s12 =	sld [smem:$0x7D4];
	_ =	sdelay $0x1  }
0x264: {  	s13 =	simm.s32 $0x5E00  }
0x265: {  	[tilespmem:s13], [sflag:$0x1] =	stream.linear.gather [spmem:s12], $0x80, $0x38;
	[tilespmem:$0x9F00] =	vst v63  }
0x266: {  	s12 =	sld [smem:$0x7D5];
	_ =	sdelay $0x1  }
0x267: {  	s13 =	simm.s32 $0x6200  }
0x268: {  	[tilespmem:s13], [sflag:$0x1] =	stream.linear.gather [spmem:s12], $0x80, $0x38;
	[tilespmem:$0x9F00] =	vst v63  }
0x269: {  	_ =	swait.ge [sflag:s24], $0x280  }
0x26a: {  	s12 =	sld [smem:$0x7B4]  }
0x26b: {  	[sflag:s24] =	ssyncset.done $0x0  }
0x26c: {  	s13 =	simm.s32 $0x5280;
	[sflag:s24] =	ssyncadd.s32 $0xFFFFFD80  }
0x26d: {  	[tilespmem:s13], [sflag:$0x1] =	stream.linear.gather [spmem:s12], $0x80, $0x38;
	[tilespmem:$0x9F00] =	vst v63  }
0x26e: {  	s12 =	sld [smem:$0x7D6];
	_ =	sdelay $0x1  }
0x26f: {  	s13 =	simm.s32 $0x5680  }
0x270: {  	[tilespmem:s13], [sflag:$0x1] =	stream.linear.gather [spmem:s12], $0x80, $0x38;
	[tilespmem:$0x9F00] =	vst v63  }
0x271: {  	s12 =	sld [smem:$0x7D7];
	_ =	sdelay $0x1  }
0x272: {  	s13 =	simm.s32 $0x5A80  }
0x273: {  	[tilespmem:s13], [sflag:$0x1] =	stream.linear.gather [spmem:s12], $0x80, $0x38;
	[tilespmem:$0x9F00] =	vst v63  }
0x274: {  	s12 =	sld [smem:$0x7D8];
	_ =	sdelay $0x1  }
0x275: {  	s13 =	simm.s32 $0x5E80  }
0x276: {  	[tilespmem:s13], [sflag:$0x1] =	stream.linear.gather [spmem:s12], $0x80, $0x38;
	[tilespmem:$0x9F00] =	vst v63  }
0x277: {  	s12 =	sld [smem:$0x7D9];
	_ =	sdelay $0x1  }
0x278: {  	s13 =	simm.s32 $0x6280  }
0x279: {  	[tilespmem:s13], [sflag:$0x1] =	stream.linear.gather [spmem:s12], $0x80, $0x38;
	[tilespmem:$0x9F00] =	vst v63  }
0x27a: {  	_ =	swait.ge [sflag:s24], $0x280  }
0x27b: {  	s12 =	sld [smem:$0x7B5]  }
0x27c: {  	[sflag:s24] =	ssyncset.done $0x0  }
0x27d: {  	s13 =	simm.s32 $0x5300;
	[sflag:s24] =	ssyncadd.s32 $0xFFFFFD80  }
0x27e: {  	[tilespmem:s13], [sflag:$0x1] =	stream.linear.gather [spmem:s12], $0x80, $0x38;
	[tilespmem:$0x9F00] =	vst v63  }
0x27f: {  	s12 =	sld [smem:$0x7DA];
	_ =	sdelay $0x1  }
0x280: {  	s13 =	simm.s32 $0x5700  }
0x281: {  	[tilespmem:s13], [sflag:$0x1] =	stream.linear.gather [spmem:s12], $0x80, $0x38;
	[tilespmem:$0x9F00] =	vst v63  }
0x282: {  	s12 =	sld [smem:$0x7DB];
	_ =	sdelay $0x1  }
0x283: {  	s13 =	simm.s32 $0x5B00  }
0x284: {  	[tilespmem:s13], [sflag:$0x1] =	stream.linear.gather [spmem:s12], $0x80, $0x38;
	[tilespmem:$0x9F00] =	vst v63  }
0x285: {  	s12 =	sld [smem:$0x7DC];
	_ =	sdelay $0x1  }
0x286: {  	s13 =	simm.s32 $0x5F00  }
0x287: {  	[tilespmem:s13], [sflag:$0x1] =	stream.linear.gather [spmem:s12], $0x80, $0x38;
	[tilespmem:$0x9F00] =	vst v63  }
0x288: {  	s12 =	sld [smem:$0x7DD];
	_ =	sdelay $0x1  }
0x289: {  	s13 =	simm.s32 $0x6300  }
0x28a: {  	[tilespmem:s13], [sflag:$0x1] =	stream.linear.gather [spmem:s12], $0x80, $0x38;
	[tilespmem:$0x9F00] =	vst v63  }
0x28b: {  	_ =	swait.ge [sflag:s24], $0x280  }
0x28c: {  	s12 =	sld [smem:$0x7B6]  }
0x28d: {  	[sflag:s24] =	ssyncset.done $0x0  }
0x28e: {  	s13 =	simm.s32 $0x6380;
	[sflag:s24] =	ssyncadd.s32 $0xFFFFFD80  }
0x28f: {  	[tilespmem:s13], [sflag:$0x1] =	stream.linear.gather [spmem:s12], $0x80, $0x38;
	[tilespmem:$0x9F00] =	vst v63  }
0x290: {  	s12 =	sld [smem:$0x7DE];
	_ =	sdelay $0x1  }
0x291: {  	s13 =	simm.s32 $0x6780  }
0x292: {  	[tilespmem:s13], [sflag:$0x1] =	stream.linear.gather [spmem:s12], $0x80, $0x38;
	[tilespmem:$0x9F00] =	vst v63  }
0x293: {  	s12 =	sld [smem:$0x7DF];
	_ =	sdelay $0x1  }
0x294: {  	s13 =	simm.s32 $0x6B80  }
0x295: {  	[tilespmem:s13], [sflag:$0x1] =	stream.linear.gather [spmem:s12], $0x80, $0x38;
	[tilespmem:$0x9F00] =	vst v63  }
0x296: {  	s12 =	sld [smem:$0x7E0];
	_ =	sdelay $0x1  }
0x297: {  	s13 =	simm.s32 $0x6F80  }
0x298: {  	[tilespmem:s13], [sflag:$0x1] =	stream.linear.gather [spmem:s12], $0x80, $0x38;
	[tilespmem:$0x9F00] =	vst v63  }
0x299: {  	s12 =	sld [smem:$0x7E1];
	_ =	sdelay $0x1  }
0x29a: {  	s13 =	simm.s32 $0x7380  }
0x29b: {  	[tilespmem:s13], [sflag:$0x1] =	stream.linear.gather [spmem:s12], $0x80, $0x38;
	[tilespmem:$0x9F00] =	vst v63  }
0x29c: {  	_ =	swait.ge [sflag:s24], $0x280  }
0x29d: {  	s12 =	sld [smem:$0x7B7]  }
0x29e: {  	[sflag:s24] =	ssyncset.done $0x0  }
0x29f: {  	s13 =	simm.s32 $0x6400;
	[sflag:s24] =	ssyncadd.s32 $0xFFFFFD80  }
0x2a0: {  	[tilespmem:s13], [sflag:$0x1] =	stream.linear.gather [spmem:s12], $0x80, $0x38;
	[tilespmem:$0x9F00] =	vst v63  }
0x2a1: {  	s12 =	sld [smem:$0x7E2];
	_ =	sdelay $0x1  }
0x2a2: {  	s13 =	simm.s32 $0x6800  }
0x2a3: {  	[tilespmem:s13], [sflag:$0x1] =	stream.linear.gather [spmem:s12], $0x80, $0x38;
	[tilespmem:$0x9F00] =	vst v63  }
0x2a4: {  	s12 =	sld [smem:$0x7E3];
	_ =	sdelay $0x1  }
0x2a5: {  	s13 =	simm.s32 $0x6C00  }
0x2a6: {  	[tilespmem:s13], [sflag:$0x1] =	stream.linear.gather [spmem:s12], $0x80, $0x38;
	[tilespmem:$0x9F00] =	vst v63  }
0x2a7: {  	s12 =	sld [smem:$0x7E4];
	_ =	sdelay $0x1  }
0x2a8: {  	s13 =	simm.s32 $0x7000  }
0x2a9: {  	[tilespmem:s13], [sflag:$0x1] =	stream.linear.gather [spmem:s12], $0x80, $0x38;
	[tilespmem:$0x9F00] =	vst v63  }
0x2aa: {  	s12 =	sld [smem:$0x7E5];
	_ =	sdelay $0x1  }
0x2ab: {  	s13 =	simm.s32 $0x7400  }
0x2ac: {  	[tilespmem:s13], [sflag:$0x1] =	stream.linear.gather [spmem:s12], $0x80, $0x38;
	[tilespmem:$0x9F00] =	vst v63  }
0x2ad: {  	_ =	swait.ge [sflag:s24], $0x280  }
0x2ae: {  	s12 =	sld [smem:$0x7B8]  }
0x2af: {  	[sflag:s24] =	ssyncset.done $0x0  }
0x2b0: {  	s13 =	simm.s32 $0x6480;
	[sflag:s24] =	ssyncadd.s32 $0xFFFFFD80  }
0x2b1: {  	[tilespmem:s13], [sflag:$0x1] =	stream.linear.gather [spmem:s12], $0x80, $0x38;
	[tilespmem:$0x9F00] =	vst v63  }
0x2b2: {  	s12 =	sld [smem:$0x7E6];
	_ =	sdelay $0x1  }
0x2b3: {  	s13 =	simm.s32 $0x6880  }
0x2b4: {  	[tilespmem:s13], [sflag:$0x1] =	stream.linear.gather [spmem:s12], $0x80, $0x38;
	[tilespmem:$0x9F00] =	vst v63  }
0x2b5: {  	s12 =	sld [smem:$0x7E7];
	_ =	sdelay $0x1  }
0x2b6: {  	s13 =	simm.s32 $0x6C80  }
0x2b7: {  	[tilespmem:s13], [sflag:$0x1] =	stream.linear.gather [spmem:s12], $0x80, $0x38;
	[tilespmem:$0x9F00] =	vst v63  }
0x2b8: {  	s12 =	sld [smem:$0x7E8];
	_ =	sdelay $0x1  }
0x2b9: {  	s13 =	simm.s32 $0x7080  }
0x2ba: {  	[tilespmem:s13], [sflag:$0x1] =	stream.linear.gather [spmem:s12], $0x80, $0x38;
	[tilespmem:$0x9F00] =	vst v63  }
0x2bb: {  	s12 =	sld [smem:$0x7E9];
	_ =	sdelay $0x1  }
0x2bc: {  	s13 =	simm.s32 $0x7480  }
0x2bd: {  	[tilespmem:s13], [sflag:$0x1] =	stream.linear.gather [spmem:s12], $0x80, $0x38;
	[tilespmem:$0x9F00] =	vst v63  }
0x2be: {  	_ =	swait.ge [sflag:s24], $0x280  }
0x2bf: {  	s12 =	sld [smem:$0x7B9]  }
0x2c0: {  	[sflag:s24] =	ssyncset.done $0x0  }
0x2c1: {  	s13 =	simm.s32 $0x6500;
	[sflag:s24] =	ssyncadd.s32 $0xFFFFFD80  }
0x2c2: {  	[tilespmem:s13], [sflag:$0x1] =	stream.linear.gather [spmem:s12], $0x80, $0x38;
	[tilespmem:$0x9F00] =	vst v63  }
0x2c3: {  	s12 =	sld [smem:$0x7EA];
	_ =	sdelay $0x1  }
0x2c4: {  	s13 =	simm.s32 $0x6900  }
0x2c5: {  	[tilespmem:s13], [sflag:$0x1] =	stream.linear.gather [spmem:s12], $0x80, $0x38;
	[tilespmem:$0x9F00] =	vst v63  }
0x2c6: {  	s12 =	sld [smem:$0x7EB];
	_ =	sdelay $0x1  }
0x2c7: {  	s6 =	sld [smem:$0x7EC];
	s13 =	simm.s32 $0x6D00  }
0x2c8: {  	[tilespmem:s13], [sflag:$0x1] =	stream.linear.gather [spmem:s12], $0x80, $0x38;
	[tilespmem:$0x9F00] =	vst v63  }
0x2c9: {  	s12 =	sld [smem:$0x7ED]  }
0x2ca: {  	[tilespmem:s14], [sflag:$0x1] =	stream.linear.gather [spmem:s6], $0x80, $0x38;
	[tilespmem:$0x9F00] =	vst v63  }
0x2cb: {  	s13 =	simm.s32 $0x7500  }
0x2cc: {  	[tilespmem:s13], [sflag:$0x1] =	stream.linear.gather [spmem:s12], $0x80, $0x38;
	[tilespmem:$0x9F00] =	vst v63  }
0x2cd: {  	_ =	swait.ge [sflag:s24], $0x280  }
0x2ce: {  	s6 =	sld [smem:$0x7BA]  }
0x2cf: {  	[sflag:s24] =	ssyncset.done $0x0  }
0x2d0: {  	s12 =	sld [smem:$0x7EE];
	[sflag:s24] =	ssyncadd.s32 $0xFFFFFD80  }
0x2d1: {  	[tilespmem:s7], [sflag:$0x1] =	stream.linear.gather [spmem:s6], $0x80, $0x38;
	[tilespmem:$0x9F00] =	vst v63  }
0x2d2: {  	s13 =	sld [smem:$0x7EF]  }
0x2d3: {  	[tilespmem:s15], [sflag:$0x1] =	stream.linear.gather [spmem:s12], $0x80, $0x38;
	[tilespmem:$0x9F00] =	vst v63  }
0x2d4: {  	s6 =	sld [smem:$0x7F0]  }
0x2d5: {  	[tilespmem:s28], [sflag:$0x1] =	stream.linear.gather [spmem:s13], $0x80, $0x38;
	[tilespmem:$0x9F00] =	vst v63  }
0x2d6: {  	s12 =	sld [smem:$0x7F1]  }
0x2d7: {  	[tilespmem:s16], [sflag:$0x1] =	stream.linear.gather [spmem:s6], $0x80, $0x38;
	[tilespmem:$0x9F00] =	vst v63  }
0x2d8: {  	s13 =	simm.s32 $0x7580  }
0x2d9: {  	[tilespmem:s13], [sflag:$0x1] =	stream.linear.gather [spmem:s12], $0x80, $0x38;
	[tilespmem:$0x9F00] =	vst v63  }
0x2da: {  	_ =	swait.ge [sflag:s24], $0x280  }
0x2db: {  	s6 =	sld [smem:$0x7BB]  }
0x2dc: {  	[sflag:s24] =	ssyncset.done $0x0  }
0x2dd: {  	s12 =	sld [smem:$0x7F2];
	[sflag:s24] =	ssyncadd.s32 $0xFFFFFD80  }
0x2de: {  	[tilespmem:s8], [sflag:$0x1] =	stream.linear.gather [spmem:s6], $0x80, $0x38;
	[tilespmem:$0x9F00] =	vst v63  }
0x2df: {  	s13 =	sld [smem:$0x7F3]  }
0x2e0: {  	[tilespmem:s17], [sflag:$0x1] =	stream.linear.gather [spmem:s12], $0x80, $0x38;
	[tilespmem:$0x9F00] =	vst v63  }
0x2e1: {  	s6 =	sld [smem:$0x7F4]  }
0x2e2: {  	[tilespmem:s31], [sflag:$0x1] =	stream.linear.gather [spmem:s13], $0x80, $0x38;
	[tilespmem:$0x9F00] =	vst v63  }
0x2e3: {  	s12 =	sld [smem:$0x7F5]  }
0x2e4: {  	[tilespmem:s18], [sflag:$0x1] =	stream.linear.gather [spmem:s6], $0x80, $0x38;
	[tilespmem:$0x9F00] =	vst v63  }
0x2e5: {  	s13 =	simm.s32 $0x7600  }
0x2e6: {  	[tilespmem:s13], [sflag:$0x1] =	stream.linear.gather [spmem:s12], $0x80, $0x38;
	[tilespmem:$0x9F00] =	vst v63  }
0x2e7: {  	_ =	swait.ge [sflag:s24], $0x280  }
0x2e8: {  	s6 =	sld [smem:$0x7BC]  }
0x2e9: {  	[sflag:s24] =	ssyncset.done $0x0  }
0x2ea: {  	s12 =	sld [smem:$0x7F6];
	[sflag:s24] =	ssyncadd.s32 $0xFFFFFD80  }
0x2eb: {  	[tilespmem:s9], [sflag:$0x1] =	stream.linear.gather [spmem:s6], $0x80, $0x38;
	[tilespmem:$0x9F00] =	vst v63  }
0x2ec: {  	s13 =	sld [smem:$0x7F7]  }
0x2ed: {  	[tilespmem:s19], [sflag:$0x1] =	stream.linear.gather [spmem:s12], $0x80, $0x38;
	[tilespmem:$0x9F00] =	vst v63  }
0x2ee: {  	s6 =	sld [smem:$0x7F8]  }
0x2ef: {  	[tilespmem:s29], [sflag:$0x1] =	stream.linear.gather [spmem:s13], $0x80, $0x38;
	[tilespmem:$0x9F00] =	vst v63  }
0x2f0: {  	s12 =	sld [smem:$0x7F9]  }
0x2f1: {  	[tilespmem:s20], [sflag:$0x1] =	stream.linear.gather [spmem:s6], $0x80, $0x38;
	[tilespmem:$0x9F00] =	vst v63  }
0x2f2: {  	s13 =	simm.s32 $0x7680  }
0x2f3: {  	[tilespmem:s13], [sflag:$0x1] =	stream.linear.gather [spmem:s12], $0x80, $0x38;
	[tilespmem:$0x9F00] =	vst v63  }
0x2f4: {  	_ =	swait.ge [sflag:s24], $0x280  }
0x2f5: {  	s6 =	sld [smem:$0x7BD]  }
0x2f6: {  	[sflag:s24] =	ssyncset.done $0x0  }
0x2f7: {  	s12 =	sld [smem:$0x7FA];
	[sflag:s24] =	ssyncadd.s32 $0xFFFFFD80  }
0x2f8: {  	[tilespmem:s10], [sflag:$0x1] =	stream.linear.gather [spmem:s6], $0x80, $0x38;
	[tilespmem:$0x9F00] =	vst v63  }
0x2f9: {  	s13 =	sld [smem:$0x7FB]  }
0x2fa: {  	[tilespmem:s21], [sflag:$0x1] =	stream.linear.gather [spmem:s12], $0x80, $0x38;
	[tilespmem:$0x9F00] =	vst v63  }
0x2fb: {  	s6 =	sld [smem:$0x7FC]  }
0x2fc: {  	[tilespmem:s22], [sflag:$0x1] =	stream.linear.gather [spmem:s13], $0x80, $0x38;
	[tilespmem:$0x9F00] =	vst v63  }
0x2fd: {  	s12 =	sld [smem:$0x7FD]  }
0x2fe: {  	[tilespmem:s1], [sflag:$0x1] =	stream.linear.gather [spmem:s6], $0x80, $0x38;
	[tilespmem:$0x9F00] =	vst v63  }
0x2ff: {  	s13 =	simm.s32 $0x7700  }
0x300: {  	[tilespmem:s13], [sflag:$0x1] =	stream.linear.gather [spmem:s12], $0x80, $0x38;
	[tilespmem:$0x9F00] =	vst v63  }
0x301: {  	s6 =	simm.s32 $0x0;
	_ =	swait.ge [sflag:s24], $0x280  }
0x302: {  	s0 =	sand.u32 $0x1C00, s6;
	s12 =	sand.u32 $0x70, s6;
	[sflag:s24] =	ssyncset.done $0x0  }
0x303: {  	s0 =	sor.u32 s12, s0;
	[sflag:s24] =	ssyncadd.s32 $0xFFFFFD80  }
0x304: {  	v2 =	vld [tilespmem:s0+$0x4F80];
	_ =	sdelay $0x1  }
0x305: {  	v3 =	vld [tilespmem:s0+$0x5000];
	_ =	sdelay $0x1  }
0x306: {  	v4 =	vld [tilespmem:s0+$0x5080]  }
0x307: {  	v2 =	vadd.f32 $0.0e+00, v2  }
0x308: {  	v5 =	vld [tilespmem:s0+$0x5100]  }
0x309: {  	v2 =	vadd.f32 v3, v2  }
0x30a: {  	v3 =	vld [tilespmem:s0+$0x5180]  }
0x30b: {  	v2 =	vadd.f32 v4, v2  }
0x30c: {  	v56 =	vld [tilespmem:s0+$0x5200]  }
0x30d: {  	v2 =	vadd.f32 v5, v2  }
0x30e: {  	v57 =	vld [tilespmem:s0+$0x5280]  }
0x30f: {  	v2 =	vadd.f32 v3, v2  }
0x310: {  	v3 =	vld [tilespmem:s0+$0x5300]  }
0x311: {  	v2 =	vadd.f32 v56, v2  }
0x312: {  	v58 =	vld [tilespmem:s0+$0x6380]  }
0x313: {  	v2 =	vadd.f32 v57, v2  }
0x314: {  	v59 =	vld [tilespmem:s0+$0x6400]  }
0x315: {  	v2 =	vadd.f32 v3, v2  }
0x316: {  	v3 =	vld [tilespmem:s0+$0x6480]  }
0x317: {  	v2 =	vadd.f32 v58, v2  }
0x318: {  	v60 =	vld [tilespmem:s0+$0x6500]  }
0x319: {  	v2 =	vadd.f32 v59, v2  }
0x31a: {  	v61 =	vld [tilespmem:s0+$0x6580]  }
0x31b: {  	v2 =	vadd.f32 v3, v2  }
0x31c: {  	v3 =	vld [tilespmem:s0+$0x6600]  }
0x31d: {  	v2 =	vadd.f32 v60, v2  }
0x31e: {  	v62 =	vld [tilespmem:s0+$0x6680]  }
0x31f: {  	v2 =	vadd.f32 v61, v2  }
0x320: {  	v63 =	vld [tilespmem:s0+$0x6700]  }
0x321: {  	v2 =	vadd.f32 v3, v2;
	_ =	sdelay $0x1  }
0x322: {  	v2 =	vadd.f32 v62, v2;
	_ =	sdelay $0x1  }
0x323: {  	s30 =	simm.s32 $0x2800;
	s13 =	simm.s32 $0x10;
	s12 =	simm.s32 $0x80;
	v2 =	vadd.f32 v63, v2  }
0x324: {  	s13 =	sand.u32 $0x70, s13;
	s6 =	sand.u32 $0x1C00, s12;
	s0 =	simm.s32 $0x20  }
.LBB2_7:
0x325: {  	p1 =	sne.s32 s0, $0x270;
	s6 =	sor.u32 s13, s6;
	[tilespmem:s30+$0x0] =	vst v2  }
0x326: {  	v2 =	vld [tilespmem:s6+$0x4F80];
	_ =	sdelay $0x1  }
0x327: {  	v3 =	vld [tilespmem:s6+$0x5000];
	_ =	sdelay $0x1  }
0x328: {  	v4 =	vld [tilespmem:s6+$0x5080]  }
0x329: {  	v2 =	vadd.f32 $0.0e+00, v2  }
0x32a: {  	v5 =	vld [tilespmem:s6+$0x5100]  }
0x32b: {  	v2 =	vadd.f32 v3, v2  }
0x32c: {  	v3 =	vld [tilespmem:s6+$0x5180]  }
0x32d: {  	v2 =	vadd.f32 v4, v2  }
0x32e: {  	v4 =	vld [tilespmem:s6+$0x5200]  }
0x32f: {  	v2 =	vadd.f32 v5, v2  }
0x330: {  	v5 =	vld [tilespmem:s6+$0x5280]  }
0x331: {  	v2 =	vadd.f32 v3, v2  }
0x332: {  	v3 =	vld [tilespmem:s6+$0x5300]  }
0x333: {  	v2 =	vadd.f32 v4, v2  }
0x334: {  	v4 =	vld [tilespmem:s6+$0x6380]  }
0x335: {  	v2 =	vadd.f32 v5, v2  }
0x336: {  	v5 =	vld [tilespmem:s6+$0x6400]  }
0x337: {  	v2 =	vadd.f32 v3, v2  }
0x338: {  	v3 =	vld [tilespmem:s6+$0x6480]  }
0x339: {  	v2 =	vadd.f32 v4, v2  }
0x33a: {  	v4 =	vld [tilespmem:s6+$0x6500]  }
0x33b: {  	v2 =	vadd.f32 v5, v2  }
0x33c: {  	v5 =	vld [tilespmem:s6+$0x6580]  }
0x33d: {  	v2 =	vadd.f32 v3, v2  }
0x33e: {  	v3 =	vld [tilespmem:s6+$0x6600]  }
0x33f: {  	v2 =	vadd.f32 v4, v2  }
0x340: {  	v4 =	vld [tilespmem:s6+$0x6680]  }
0x341: {  	v2 =	vadd.f32 v5, v2  }
0x342: {  	v5 =	vld [tilespmem:s6+$0x6700]  }
0x343: {  	v2 =	vadd.f32 v3, v2  }
.Ltmp7:
0x344: {  	(pc) =	sbr.rel @p1 .LBB2_7-.Ltmp7, $3  }
0x345: {  	v2 =	vadd.f32 v4, v2;
	_ =	sdelay $0x1  }
0x346: {  	s12 =	sadd.s32 $0x80, s12;
	s30 =	sadd.s32 $0x10, s30;
	v2 =	vadd.f32 v5, v2  }
0x347: {  	s13 =	sand.u32 $0x70, s0;
	s0 =	sadd.s32 $0x10, s0;
	s6 =	sand.u32 $0x1C00, s12  }
.Ltmp8:
0x348: {  	_ = 	snop;
	(pc) =	sbr.rel .LBB2_8-.Ltmp8, $1  }
0x349: {  	_ =	sdelay $0x3  }
.LBB2_13:
0x34a: {  	_ =	sfence.sel $0x180000  }
0x34b: {  	[bflag:$0x0] =	sbarrier.arrive $0xFFFF  }
0x34c: {  	_ =	strace $0x90000047  }
0x34d: {  	s0 =	stileid.u32;
	[bflag:$0x2] =	sbarrier.arrive $0xFFFF  }
0x34e: {  	p0 =	sne.s32 s0, $0x0;
	s0 =	rddreg [dreg:$0x3]  }
0x34f: {  	s0 =	sadd.s32 @!p0 $0x100000, s0  }
0x350: {  	[sflag:s0] =	ssyncadd.tile.s32 @!p0 $0x1;
	_ =	shalt  }
.Lfunc_end2:
_tile_overlayer_lowered:
.L_overlay_start_2:
0x351: {  	(tag) =	ssettag $0x2  }
0x352: {  	s0 =	rddreg [dreg:$0x0];
	s2 =	stileid.u32  }
0x353: {  	s1 =	rddreg [dreg:$0x1];
	p0 =	sne.s32 s2, $0x0  }
0x354: {  	s3 =	rddreg [dreg:$0x2];
	[bflag:$0x3] =	sbarrier.arrive $0xFFFF;
	s2 =	simm.s32 @!p0 $0x1C01  }
0x355: {  	[timem:s3], [sflag:s2] =	dma.local @!p0 [hbm:s0], s1  }
0x356: {  	s0 =	simm.s32 @!p0 $0x1  }
0x357: {  	_ =	swait.ge @!p0 [sflag:s0], s1  }
0x358: {  	s1 =	ssub.s32 @!p0 $0x0, s1;
	[sflag:s0] =	ssyncset.done @!p0 $0x0  }
0x359: {  	[sflag:s0] =	ssyncadd.s32 @!p0 s1  }
0x35a: {  	[bflag:$0x3] =	sbarrier.arrive $0xFFFF  }
0x35b: {  	_ =	shalt  }

</sc_bundles>
